<compile_context>
chip_gen: v7x
topology: tpu7x:2x2x1
jax: 0.10.2.dev20260603
libtpu: 0.0.44.dev20260713+nightly
codegen_flags: <defaults>
</compile_context>

<pallas_src>
import functools

import jax
import jax.numpy as jnp
from jax import lax
from jax.experimental import pallas as pl
from jax.experimental.pallas import tpu as pltpu
from jax.experimental.pallas import tpu_sc as plsc

N = 10000
NP = 10240
E = 160000
B = 128
DIN = 1280
D = 256

NC = 2
NS = 16
LANES = 16

NPT = NP // (NC * NS)
DEG_CHUNK = 16000


def _rsqrt_newton(d):
    i = plsc.bitcast(d, jnp.int32)
    i = jnp.int32(0x5F3759DF) - (i >> 1)
    y = plsc.bitcast(i, jnp.float32)
    for _ in range(3):
        y = y * (1.5 - 0.5 * d * y * y)
    return y


def _deg_body(dst_hbm, dinv_hbm, dstv, deg, dinvv):
    c = lax.axis_index("c")
    s = lax.axis_index("s")
    base = (c * NS + s) * NPT
    zero16 = jnp.zeros((LANES,), jnp.float32)
    ones16 = jnp.ones((LANES,), jnp.float32)
    for i in range(NPT // LANES):
        deg[pl.ds(i * LANES, LANES)] = zero16

    for ch in range(E // DEG_CHUNK):
        pltpu.sync_copy(dst_hbm.at[pl.ds(ch * DEG_CHUNK, DEG_CHUNK)], dstv)

        def body(j, carry):
            v = dstv[pl.ds(j * LANES, LANES)]
            dloc = v - base
            m = (dloc >= 0) & (dloc < NPT)
            dloc = jnp.where(m, dloc, 0)
            plsc.addupdate_scatter(deg, [dloc], ones16, mask=m)
            return carry

        lax.fori_loop(0, DEG_CHUNK // LANES, body, 0)

    iota = lax.broadcasted_iota(jnp.int32, (LANES,), 0)
    for i in range(NPT // LANES):
        dg = deg[pl.ds(i * LANES, LANES)] + 1.0
        y = _rsqrt_newton(dg)
        nid = base + i * LANES + iota
        dinvv[pl.ds(i * LANES, LANES)] = jnp.where(nid < N, y, 0.0)
    pltpu.sync_copy(dinvv, dinv_hbm.at[pl.ds(base, NPT)])


def _sc_degree(dst):
    mesh = plsc.VectorSubcoreMesh(core_axis_name="c", subcore_axis_name="s",
                                  num_cores=NC, num_subcores=NS)
    f = pl.kernel(
        _deg_body,
        out_type=jax.ShapeDtypeStruct((NP,), jnp.float32),
        mesh=mesh,
        compiler_params=pltpu.CompilerParams(needs_layout_passes=False),
        scratch_types=[
            pltpu.VMEM((DEG_CHUNK,), jnp.int32),
            pltpu.VMEM((NPT,), jnp.float32),
            pltpu.VMEM((NPT,), jnp.float32),
        ],
    )
    return f(dst)


TPW = NP // (NC * NS)
TRASH_L = TPW
ACC_R = 336
KB = 32
CH = 2000
NCH = E // CH
STG = CH + KB + LANES


def _scatter_body(hws_hbm, src_hbm, dst_hbm, zer_hbm, x2_hbm,
                  srcv, dstv, cidx, cdloc, rows, acc, sem):
    c = lax.axis_index("c")
    s = lax.axis_index("s")
    lo = (c * NS + s) * TPW
    pltpu.sync_copy(zer_hbm, acc)

    trash16 = jnp.full((LANES,), TRASH_L, jnp.int32)
    pad16 = jnp.zeros((LANES,), jnp.int32)
    iota16 = lax.broadcasted_iota(jnp.int32, (LANES,), 0)

    def chunk_body(ch, carry):
        with jax.named_scope("edges_dma"):
            pltpu.sync_copy(src_hbm.at[pl.ds(ch * CH, CH)], srcv)
            pltpu.sync_copy(dst_hbm.at[pl.ds(ch * CH, CH)], dstv)

        def comp(j, cnt):
            sv = srcv[pl.ds(j * LANES, LANES)]
            dv = dstv[pl.ds(j * LANES, LANES)]
            dl = dv - lo
            m = (dl >= 0) & (dl < TPW)
            plsc.store_compressed(cidx.at[pl.ds(cnt, LANES)], sv, mask=m)
            plsc.store_compressed(cdloc.at[pl.ds(cnt, LANES)],
                                  jnp.where(m, dl, 0), mask=m)
            pc = plsc.all_reduce_population_count(m)
            return cnt + jnp.squeeze(lax.slice(pc, (0,), (1,)))

        with jax.named_scope("compact"):
            cnt = lax.fori_loop(0, CH // LANES, comp, jnp.int32(0))
            for j in range(KB // LANES):
                cidx[pl.ds(cnt + j * LANES, LANES)] = pad16
                cdloc[pl.ds(cnt + j * LANES, LANES)] = trash16

        def bat(b, carry2):
            with jax.named_scope("gather"):
                pltpu.async_copy(hws_hbm.at[cidx.at[pl.ds(b * KB, KB)]],
                                 rows, sem).wait()
            with jax.named_scope("accum"):
                for g in range(KB // LANES):
                    dl16 = cdloc[pl.ds(b * KB + g * LANES, LANES)]
                    e16 = iota16 + g * LANES

                    def _feat(j):
                        for jj in range(LANES):
                            fv = jnp.full((LANES,), 0, jnp.int32) + (j + jj)
                            v = plsc.load_gather(rows, [e16, fv])
                            plsc.addupdate_scatter(acc, [dl16, fv], v)

                    plsc.parallel_loop(0, D, LANES, unroll=2)(_feat)

            return carry2

        lax.fori_loop(0, (cnt + KB - 1) // KB, bat, 0)
        return carry

    lax.fori_loop(0, NCH, chunk_body, 0)
    pltpu.sync_copy(acc.at[pl.ds(0, TPW)], x2_hbm.at[pl.ds(lo, TPW)])


def _sc_scatter(hws, src, dst, zer):
    mesh = plsc.VectorSubcoreMesh(core_axis_name="c", subcore_axis_name="s",
                                  num_cores=NC, num_subcores=NS)
    f = pl.kernel(
        _scatter_body,
        out_type=jax.ShapeDtypeStruct((NP, D), jnp.float32),
        mesh=mesh,
        compiler_params=pltpu.CompilerParams(needs_layout_passes=False,
                                             disable_bounds_checks=True),
        scratch_types=[
            pltpu.VMEM((CH,), jnp.int32),
            pltpu.VMEM((CH,), jnp.int32),
            pltpu.VMEM((STG,), jnp.int32),
            pltpu.VMEM((STG,), jnp.int32),
            pltpu.VMEM((KB, D), jnp.float32),
            pltpu.VMEM((ACC_R, D), jnp.float32),
            pltpu.SemaphoreType.DMA,
        ],
    )
    return f(hws, src, dst, zer)


BM = 512


def _mm_body(x_ref, wt_ref, bt_ref, wg_ref, dinv_ref, hw_ref, hws_ref):
    h = jnp.dot(x_ref[...], wt_ref[...], preferred_element_type=jnp.float32)
    h = jnp.maximum(h + bt_ref[...], 0.0)
    hw = jnp.dot(h, wg_ref[...], preferred_element_type=jnp.float32)
    hw_ref[...] = hw
    hws_ref[...] = hw * dinv_ref[...]


def _tc_matmul(xp, Wt, bt2, Wg, dinv2):
    return pl.pallas_call(
        _mm_body,
        grid=(NP // BM,),
        in_specs=[
            pl.BlockSpec((BM, DIN), lambda i: (i, 0)),
            pl.BlockSpec((DIN, D), lambda i: (0, 0)),
            pl.BlockSpec((1, D), lambda i: (0, 0)),
            pl.BlockSpec((D, D), lambda i: (0, 0)),
            pl.BlockSpec((BM, 1), lambda i: (i, 0)),
        ],
        out_specs=[
            pl.BlockSpec((BM, D), lambda i: (i, 0)),
            pl.BlockSpec((BM, D), lambda i: (i, 0)),
        ],
        out_shape=[
            jax.ShapeDtypeStruct((NP, D), jnp.float32),
            jax.ShapeDtypeStruct((NP, D), jnp.float32),
        ],
    )(xp, Wt, bt2, Wg, dinv2)


BN = 1024


def _final_body(x2r_ref, hw_ref, dinv_ref, batch_ref, root_ref, bg_ref,
                wv1_ref, bv1_ref, wo1_ref, bo1_ref,
                wv2_ref, bv2_ref, wo2_ref, bo2_ref,
                out_ref, sacc, racc, cacc):
    i = pl.program_id(0)

    @pl.when(i == 0)
    def _init():
        sacc[...] = jnp.zeros_like(sacc)
        racc[...] = jnp.zeros_like(racc)
        cacc[...] = jnp.zeros_like(cacc)

    dv = dinv_ref[...]
    x2 = x2r_ref[...] * dv + hw_ref[...] * (dv * dv) + bg_ref[...]
    xr = jnp.maximum(x2, 0.0)

    bt = batch_ref[...]
    gid = lax.broadcasted_iota(jnp.int32, (B, BN), 0)
    sel = (bt == gid).astype(jnp.float32)
    sacc[...] += jnp.dot(sel, xr, preferred_element_type=jnp.float32)
    cacc[...] += jnp.sum(sel, axis=1, keepdims=True)

    nid = lax.broadcasted_iota(jnp.int32, (B, BN), 1) + i * BN
    rsel = (root_ref[...] == nid).astype(jnp.float32)
    racc[...] += jnp.dot(rsel, x2, preferred_element_type=jnp.float32)

    @pl.when(i == NP // BN - 1)
    def _fin():
        cnt = cacc[...]
        mean = sacc[...] / jnp.maximum(cnt, 1.0)
        o1 = jnp.dot(mean, wv1_ref[...], preferred_element_type=jnp.float32)
        o1 = jnp.dot(o1 + bv1_ref[...], wo1_ref[...],
                     preferred_element_type=jnp.float32) + bo1_ref[...]
        o2 = jnp.dot(racc[...], wv2_ref[...], preferred_element_type=jnp.float32)
        o2 = jnp.dot(o2 + bv2_ref[...], wo2_ref[...],
                     preferred_element_type=jnp.float32) + bo2_ref[...]
        out_ref[...] = jnp.where(cnt > 0.0,
                                 jnp.concatenate([o1, o2], axis=1), 0.0)


def _tc_final(x2raw, hw, dinv2, batchT, root2, bg2,
              Wv1, bv12, Wo1, bo12, Wv2, bv22, Wo2, bo22):
    full = lambda shape: pl.BlockSpec(shape, lambda i: (0, 0))
    return pl.pallas_call(
        _final_body,
        grid=(NP // BN,),
        in_specs=[
            pl.BlockSpec((BN, D), lambda i: (i, 0)),
            pl.BlockSpec((BN, D), lambda i: (i, 0)),
            pl.BlockSpec((BN, 1), lambda i: (i, 0)),
            pl.BlockSpec((1, BN), lambda i: (0, i)),
            full((B, 1)), full((1, D)),
            full((D, D)), full((1, D)), full((D, D)), full((1, D)),
            full((D, D)), full((1, D)), full((D, D)), full((1, D)),
        ],
        out_specs=pl.BlockSpec((B, 2 * D), lambda i: (0, 0)),
        out_shape=jax.ShapeDtypeStruct((B, 2 * D), jnp.float32),
        scratch_shapes=[
            pltpu.VMEM((B, D), jnp.float32),
            pltpu.VMEM((B, D), jnp.float32),
            pltpu.VMEM((B, 1), jnp.float32),
        ],
    )(x2raw, hw, dinv2, batchT, root2, bg2,
      Wv1, bv12, Wo1, bo12, Wv2, bv22, Wo2, bo22)


def kernel(x, edge_index, rootindex, batch, W_text, b_text, W_gcn, b_gcn,
           Wq1, bq1, Wk1, bk1, Wv1, bv1, Wq2, bq2, Wk2, bk2, Wv2, bv2,
           Wo1, bo1, Wo2, bo2):
    xp = jnp.pad(x, ((0, NP - N), (0, 0)))
    src = edge_index[0]
    dst = edge_index[1]

    dinv = _sc_degree(dst)
    dinv2 = dinv.reshape(NP, 1)
    hw, hws = _tc_matmul(xp, W_text, b_text.reshape(1, D), W_gcn, dinv2)

    zer = jnp.zeros((ACC_R, D), jnp.float32)
    x2raw = _sc_scatter(hws, src, dst, zer)

    batchT = jnp.pad(batch, (0, NP - N), constant_values=B).reshape(1, NP)
    return _tc_final(x2raw, hw, dinv2, batchT,
                     rootindex.reshape(B, 1), b_gcn.reshape(1, D),
                     Wv1, bv1.reshape(1, D), Wo1, bo1.reshape(1, D),
                     Wv2, bv2.reshape(1, D), Wo2, bo2.reshape(1, D))

# --- scband reference (transcript-rebuilt; emitter-appended) ---
"""Pipeline reference for scband-fe-gcn-17025250361485 (READ-ONLY COPY).

The authoritative reference and input builder live on the scoring server;
editing this copy changes nothing except your own understanding.
"""

import jax, jax.numpy as jnp
import numpy as np

N = 10000
E = 160000
B = 128
D_IN = 1280
D = 256
H = 8


def _lin_params(key, fin, fout):
    kw, kb = jax.random.split(key)
    bound = 1.0 / np.sqrt(fin)
    W = jax.random.uniform(kw, (fin, fout), minval=-bound, maxval=bound, dtype=jnp.float32)
    b = jax.random.uniform(kb, (fout,), minval=-bound, maxval=bound, dtype=jnp.float32)
    return W, b


def setup_inputs(seed: int = 0) -> dict:
    key = jax.random.key(seed)
    ks = jax.random.split(key, 16)
    inp = {}
    inp["x"] = jax.random.normal(ks[0], (N, D_IN), dtype=jnp.float32)
    inp["edge_index"] = jax.random.randint(ks[1], (2, E), 0, N, dtype=jnp.int32)
    inp["rootindex"] = jax.random.randint(ks[2], (B,), 0, N, dtype=jnp.int32)
    inp["batch"] = jnp.sort(jax.random.randint(ks[3], (N,), 0, B, dtype=jnp.int32))
    inp["W_text"], inp["b_text"] = _lin_params(ks[4], D_IN, D)
    inp["W_gcn"], inp["b_gcn"] = _lin_params(ks[5], D, D)
    inp["Wq1"], inp["bq1"] = _lin_params(ks[6], D, D)
    inp["Wk1"], inp["bk1"] = _lin_params(ks[7], D, D)
    inp["Wv1"], inp["bv1"] = _lin_params(ks[8], D, D)
    inp["Wq2"], inp["bq2"] = _lin_params(ks[9], D, D)
    inp["Wk2"], inp["bk2"] = _lin_params(ks[10], D, D)
    inp["Wv2"], inp["bv2"] = _lin_params(ks[11], D, D)
    inp["Wo1"], inp["bo1"] = _lin_params(ks[12], D, D)
    inp["Wo2"], inp["bo2"] = _lin_params(ks[13], D, D)
    return inp


def reference(x, edge_index, rootindex, batch, W_text, b_text, W_gcn, b_gcn,
              Wq1, bq1, Wk1, bk1, Wv1, bv1, Wq2, bq2, Wk2, bk2, Wv2, bv2,
              Wo1, bo1, Wo2, bo2):
    # text_fc -> dropout(eval) -> relu
    h = jax.nn.relu(x @ W_text + b_text)

    # GCNConv with self-loops and symmetric normalization
    src = edge_index[0]
    dst = edge_index[1]
    loop = jnp.arange(N, dtype=src.dtype)
    src2 = jnp.concatenate([src, loop])
    dst2 = jnp.concatenate([dst, loop])
    deg = jax.ops.segment_sum(jnp.ones_like(src2, dtype=h.dtype), dst2, num_segments=N)
    dinv = jnp.where(deg > 0, deg ** -0.5, 0.0)
    norm = dinv[src2] * dinv[dst2]
    hw = h @ W_gcn
    msg = jnp.take(hw, src2, axis=0) * norm[:, None]
    x2 = jax.ops.segment_sum(msg, dst2, num_segments=N) + b_gcn

    xr = jax.nn.relu(x2)

    # root_extend[i] = x2[rootindex[batch[i]]]
    root_feats = jnp.take(x2, rootindex, axis=0)
    root_extend = jnp.take(root_feats, batch, axis=0)

    # CoSelfAttention (seq_len=1 per node)
    dh = D // H
    scale = 1.0 / np.sqrt(dh)

    def heads(t):
        return t.reshape(N, 1, H, dh).transpose(0, 2, 1, 3)

    q1 = heads(xr @ Wq1 + bq1)
    k1 = heads(xr @ Wk1 + bk1)
    v1 = heads(xr @ Wv1 + bv1)
    q2 = heads(root_extend @ Wq2 + bq2)
    k2 = heads(root_extend @ Wk2 + bk2)
    v2 = heads(root_extend @ Wv2 + bv2)

    s1 = jnp.einsum('nhqd,nhkd->nhqk', q2, k1) * scale
    p1 = jax.nn.softmax(s1, axis=-1)
    c1 = jnp.einsum('nhqk,nhkd->nhqd', p1, v1).transpose(0, 2, 1, 3).reshape(N, D)

    s2 = jnp.einsum('nhqd,nhkd->nhqk', q1, k2) * scale
    p2 = jax.nn.softmax(s2, axis=-1)
    c2 = jnp.einsum('nhqk,nhkd->nhqd', p2, v2).transpose(0, 2, 1, 3).reshape(N, D)

    c1 = c1 @ Wo1 + bo1
    c2 = c2 @ Wo2 + bo2

    xc = jnp.concatenate([c1, c2], axis=1)

    # scatter_mean over batch
    sums = jax.ops.segment_sum(xc, batch, num_segments=B)
    cnt = jax.ops.segment_sum(jnp.ones((N,), xc.dtype), batch, num_segments=B)
    return sums / jnp.clip(cnt, 1.0)[:, None]

if __name__ == "__main__":
    import jax
    _d = setup_inputs()
    print(jax.jit(kernel)(*tuple(_d.values())))

</pallas_src>

<mosaic_0001>
#map = affine_map<(d0, d1) -> (0)>
module attributes {stable_mosaic.version = 14 : i64} {
  func.func @_deg_body(%arg0: i32, %arg1: i32, %arg2: memref<160000xi32, #tpu.memory_space<hbm>>, %arg3: memref<10240xf32, #tpu.memory_space<hbm>>, %arg4: memref<16000xi32, #tpu.memory_space<vmem>>, %arg5: memref<320xf32, #tpu.memory_space<vmem>>, %arg6: memref<320xf32, #tpu.memory_space<vmem>>) attributes {dimension_semantics = [#tpu.dimension_semantics<core_parallel>, #tpu.dimension_semantics<subcore_parallel>], iteration_bounds = array<i64: 2, 16>, scalar_prefetch = 0 : i64, scratch_operands = 3 : i64, tpu.core_type = #tpu.core_type<sc_vector_subcore>, window_params = [{transform_indices = #map}, {transform_indices = #map}]} {
    %mul3A = arith.constant 16 : i32
    %mul3A_0 = arith.muli %arg0, %mul3A : i32
    %add3A = arith.addi %mul3A_0, %arg1 : i32
    %mul3A_1 = arith.constant 320 : i32
    %mul3A_2 = arith.muli %add3A, %mul3A_1 : i32
    %broadcast_in_dim3A = arith.constant 0.000000e+00 : f32
    %broadcast_in_dim3A_3 = vector.broadcast %broadcast_in_dim3A : f32 to vector<16xf32>
    %broadcast_in_dim3A_4 = arith.constant 1.000000e+00 : f32
    %broadcast_in_dim3A_5 = vector.broadcast %broadcast_in_dim3A_4 : f32 to vector<16xf32>
    %swap3A = arith.constant 0 : index
    %swap3A_6 = tpu.vector_load %arg5[%swap3A] {strides = array<i32>} : memref<320xf32, #tpu.memory_space<vmem>>, vector<16xf32>,
    tpu.vector_store %arg5[%swap3A], %broadcast_in_dim3A_3 {strides = array<i32>} : memref<320xf32, #tpu.memory_space<vmem>>, vector<16xf32>,
    %swap3A_7 = arith.constant 16 : index
    %swap3A_8 = tpu.vector_load %arg5[%swap3A_7] {strides = array<i32>} : memref<320xf32, #tpu.memory_space<vmem>>, vector<16xf32>,
    tpu.vector_store %arg5[%swap3A_7], %broadcast_in_dim3A_3 {strides = array<i32>} : memref<320xf32, #tpu.memory_space<vmem>>, vector<16xf32>,
    %swap3A_9 = arith.constant 32 : index
    %swap3A_10 = tpu.vector_load %arg5[%swap3A_9] {strides = array<i32>} : memref<320xf32, #tpu.memory_space<vmem>>, vector<16xf32>,
    tpu.vector_store %arg5[%swap3A_9], %broadcast_in_dim3A_3 {strides = array<i32>} : memref<320xf32, #tpu.memory_space<vmem>>, vector<16xf32>,
    %swap3A_11 = arith.constant 48 : index
    %swap3A_12 = tpu.vector_load %arg5[%swap3A_11] {strides = array<i32>} : memref<320xf32, #tpu.memory_space<vmem>>, vector<16xf32>,
    tpu.vector_store %arg5[%swap3A_11], %broadcast_in_dim3A_3 {strides = array<i32>} : memref<320xf32, #tpu.memory_space<vmem>>, vector<16xf32>,
    %swap3A_13 = arith.constant 64 : index
    %swap3A_14 = tpu.vector_load %arg5[%swap3A_13] {strides = array<i32>} : memref<320xf32, #tpu.memory_space<vmem>>, vector<16xf32>,
    tpu.vector_store %arg5[%swap3A_13], %broadcast_in_dim3A_3 {strides = array<i32>} : memref<320xf32, #tpu.memory_space<vmem>>, vector<16xf32>,
    %swap3A_15 = arith.constant 80 : index
    %swap3A_16 = tpu.vector_load %arg5[%swap3A_15] {strides = array<i32>} : memref<320xf32, #tpu.memory_space<vmem>>, vector<16xf32>,
    tpu.vector_store %arg5[%swap3A_15], %broadcast_in_dim3A_3 {strides = array<i32>} : memref<320xf32, #tpu.memory_space<vmem>>, vector<16xf32>,
    %swap3A_17 = arith.constant 96 : index
    %swap3A_18 = tpu.vector_load %arg5[%swap3A_17] {strides = array<i32>} : memref<320xf32, #tpu.memory_space<vmem>>, vector<16xf32>,
    tpu.vector_store %arg5[%swap3A_17], %broadcast_in_dim3A_3 {strides = array<i32>} : memref<320xf32, #tpu.memory_space<vmem>>, vector<16xf32>,
    %swap3A_19 = arith.constant 112 : index
    %swap3A_20 = tpu.vector_load %arg5[%swap3A_19] {strides = array<i32>} : memref<320xf32, #tpu.memory_space<vmem>>, vector<16xf32>,
    tpu.vector_store %arg5[%swap3A_19], %broadcast_in_dim3A_3 {strides = array<i32>} : memref<320xf32, #tpu.memory_space<vmem>>, vector<16xf32>,
    %swap3A_21 = arith.constant 128 : index
    %swap3A_22 = tpu.vector_load %arg5[%swap3A_21] {strides = array<i32>} : memref<320xf32, #tpu.memory_space<vmem>>, vector<16xf32>,
    tpu.vector_store %arg5[%swap3A_21], %broadcast_in_dim3A_3 {strides = array<i32>} : memref<320xf32, #tpu.memory_space<vmem>>, vector<16xf32>,
    %swap3A_23 = arith.constant 144 : index
    %swap3A_24 = tpu.vector_load %arg5[%swap3A_23] {strides = array<i32>} : memref<320xf32, #tpu.memory_space<vmem>>, vector<16xf32>,
    tpu.vector_store %arg5[%swap3A_23], %broadcast_in_dim3A_3 {strides = array<i32>} : memref<320xf32, #tpu.memory_space<vmem>>, vector<16xf32>,
    %swap3A_25 = arith.constant 160 : index
    %swap3A_26 = tpu.vector_load %arg5[%swap3A_25] {strides = array<i32>} : memref<320xf32, #tpu.memory_space<vmem>>, vector<16xf32>,
    tpu.vector_store %arg5[%swap3A_25], %broadcast_in_dim3A_3 {strides = array<i32>} : memref<320xf32, #tpu.memory_space<vmem>>, vector<16xf32>,
    %swap3A_27 = arith.constant 176 : index
    %swap3A_28 = tpu.vector_load %arg5[%swap3A_27] {strides = array<i32>} : memref<320xf32, #tpu.memory_space<vmem>>, vector<16xf32>,
    tpu.vector_store %arg5[%swap3A_27], %broadcast_in_dim3A_3 {strides = array<i32>} : memref<320xf32, #tpu.memory_space<vmem>>, vector<16xf32>,
    %swap3A_29 = arith.constant 192 : index
    %swap3A_30 = tpu.vector_load %arg5[%swap3A_29] {strides = array<i32>} : memref<320xf32, #tpu.memory_space<vmem>>, vector<16xf32>,
    tpu.vector_store %arg5[%swap3A_29], %broadcast_in_dim3A_3 {strides = array<i32>} : memref<320xf32, #tpu.memory_space<vmem>>, vector<16xf32>,
    %swap3A_31 = arith.constant 208 : index
    %swap3A_32 = tpu.vector_load %arg5[%swap3A_31] {strides = array<i32>} : memref<320xf32, #tpu.memory_space<vmem>>, vector<16xf32>,
    tpu.vector_store %arg5[%swap3A_31], %broadcast_in_dim3A_3 {strides = array<i32>} : memref<320xf32, #tpu.memory_space<vmem>>, vector<16xf32>,
    %swap3A_33 = arith.constant 224 : index
    %swap3A_34 = tpu.vector_load %arg5[%swap3A_33] {strides = array<i32>} : memref<320xf32, #tpu.memory_space<vmem>>, vector<16xf32>,
    tpu.vector_store %arg5[%swap3A_33], %broadcast_in_dim3A_3 {strides = array<i32>} : memref<320xf32, #tpu.memory_space<vmem>>, vector<16xf32>,
    %swap3A_35 = arith.constant 240 : index
    %swap3A_36 = tpu.vector_load %arg5[%swap3A_35] {strides = array<i32>} : memref<320xf32, #tpu.memory_space<vmem>>, vector<16xf32>,
    tpu.vector_store %arg5[%swap3A_35], %broadcast_in_dim3A_3 {strides = array<i32>} : memref<320xf32, #tpu.memory_space<vmem>>, vector<16xf32>,
    %swap3A_37 = arith.constant 256 : index
    %swap3A_38 = tpu.vector_load %arg5[%swap3A_37] {strides = array<i32>} : memref<320xf32, #tpu.memory_space<vmem>>, vector<16xf32>,
    tpu.vector_store %arg5[%swap3A_37], %broadcast_in_dim3A_3 {strides = array<i32>} : memref<320xf32, #tpu.memory_space<vmem>>, vector<16xf32>,
    %swap3A_39 = arith.constant 272 : index
    %swap3A_40 = tpu.vector_load %arg5[%swap3A_39] {strides = array<i32>} : memref<320xf32, #tpu.memory_space<vmem>>, vector<16xf32>,
    tpu.vector_store %arg5[%swap3A_39], %broadcast_in_dim3A_3 {strides = array<i32>} : memref<320xf32, #tpu.memory_space<vmem>>, vector<16xf32>,
    %swap3A_41 = arith.constant 288 : index
    %swap3A_42 = tpu.vector_load %arg5[%swap3A_41] {strides = array<i32>} : memref<320xf32, #tpu.memory_space<vmem>>, vector<16xf32>,
    tpu.vector_store %arg5[%swap3A_41], %broadcast_in_dim3A_3 {strides = array<i32>} : memref<320xf32, #tpu.memory_space<vmem>>, vector<16xf32>,
    %swap3A_43 = arith.constant 304 : index
    %swap3A_44 = tpu.vector_load %arg5[%swap3A_43] {strides = array<i32>} : memref<320xf32, #tpu.memory_space<vmem>>, vector<16xf32>,
    tpu.vector_store %arg5[%swap3A_43], %broadcast_in_dim3A_3 {strides = array<i32>} : memref<320xf32, #tpu.memory_space<vmem>>, vector<16xf32>,
    "tpu.region"() ({
      %run_scoped3A = tpu.sem_alloc : memref<!tpu.dma_semaphore, #tpu.memory_space<semaphore_mem>>
      %dma_start3A = arith.constant 0 : i32
      %dma_start3A_1137 = tpu.memref_slice %arg2[%dma_start3A] : memref<160000xi32, #tpu.memory_space<hbm>> -> memref<16000xi32, #tpu.memory_space<hbm>>
      %dma_start3A_1138 = arith.constant 0 : i32
      %dma_start3A_1139 = tpu.memref_slice %arg2[%dma_start3A_1138] : memref<160000xi32, #tpu.memory_space<hbm>> -> memref<16000xi32, #tpu.memory_space<hbm>>
      tpu.enqueue_dma source(%dma_start3A_1139 : memref<16000xi32, #tpu.memory_space<hbm>>) target(%arg4 : memref<16000xi32, #tpu.memory_space<vmem>>) target_semaphore(%run_scoped3A : memref<!tpu.dma_semaphore, #tpu.memory_space<semaphore_mem>>)
      %dma_wait3A = arith.constant 0 : i32
      %dma_wait3A_1140 = tpu.memref_slice %arg2[%dma_wait3A] : memref<160000xi32, #tpu.memory_space<hbm>> -> memref<16000xi32, #tpu.memory_space<hbm>>
      %dma_wait3A_1141 = arith.constant 0 : i32
      %dma_wait3A_1142 = tpu.memref_slice %arg2[%dma_wait3A_1141] : memref<160000xi32, #tpu.memory_space<hbm>> -> memref<16000xi32, #tpu.memory_space<hbm>>
      tpu.wait_dma2 semaphore(%run_scoped3A : memref<!tpu.dma_semaphore, #tpu.memory_space<semaphore_mem>>) src(%dma_wait3A_1142 : memref<16000xi32, #tpu.memory_space<hbm>>) dst(%arg4 : memref<16000xi32, #tpu.memory_space<vmem>>)
      tpu.yield
    }) : () -> ()
    %scan3A = arith.constant 0 : i32
    %scan3A_45 = arith.constant 0 : i32
    %scan3A_46 = arith.constant 1000 : i32
    %scan3A_47 = arith.addi %scan3A_45, %scan3A_46 : i32
    %scan3A_48 = arith.constant 1 : i32
    scf.for %scan3A_1137 = %scan3A_45 to %scan3A_47 step %scan3A_48  : i32 {
      %mul3A_1138 = arith.constant 16 : i32
      %mul3A_1139 = arith.muli %scan3A_1137, %mul3A_1138 : i32
      %get3A_1140 = arith.index_cast %mul3A_1139 : i32 to index
      %get3A_1141 = tpu.vector_load %arg4[%get3A_1140] {strides = array<i32>} : memref<16000xi32, #tpu.memory_space<vmem>>, vector<16xi32>,
      %sub3A_1142 = vector.broadcast %mul3A_2 : i32 to vector<16xi32>
      %sub3A_1143 = arith.subi %get3A_1141, %sub3A_1142 : vector<16xi32>
      %ge3A = arith.constant 0 : i32
      %ge3A_1144 = vector.broadcast %ge3A : i32 to vector<16xi32>
      %ge3A_1145 = arith.cmpi sge, %sub3A_1143, %ge3A_1144 : vector<16xi32>
      %lt3A_1146 = arith.constant 320 : i32
      %lt3A_1147 = vector.broadcast %lt3A_1146 : i32 to vector<16xi32>
      %lt3A_1148 = arith.cmpi slt, %sub3A_1143, %lt3A_1147 : vector<16xi32>
      %and3A = arith.andi %ge3A_1145, %lt3A_1148 : vector<16xi1>
      %jit3A_1149 = arith.constant 0 : i32
      %broadcast_in_dim3A_1150 = vector.broadcast %jit3A_1149 : i32 to vector<16xi32>
      %select_n3A_1151 = arith.select %and3A, %sub3A_1143, %broadcast_in_dim3A_1150 : vector<16xi1>, vector<16xi32>
      tpu.vector_store_idx %arg5[%select_n3A_1151], %broadcast_in_dim3A_5 masked %and3A {add = true} : memref<320xf32, #tpu.memory_space<vmem>>[vector<16xi32>], vector<16xf32>, vector<16xi1>
    }
    %scan3A_49 = arith.constant 1000 : i32
    "tpu.region"() ({
      %run_scoped3A = tpu.sem_alloc : memref<!tpu.dma_semaphore, #tpu.memory_space<semaphore_mem>>
      %dma_start3A = arith.constant 16000 : i32
      %dma_start3A_1137 = tpu.memref_slice %arg2[%dma_start3A] : memref<160000xi32, #tpu.memory_space<hbm>> -> memref<16000xi32, #tpu.memory_space<hbm>>
      %dma_start3A_1138 = arith.constant 16000 : i32
      %dma_start3A_1139 = tpu.memref_slice %arg2[%dma_start3A_1138] : memref<160000xi32, #tpu.memory_space<hbm>> -> memref<16000xi32, #tpu.memory_space<hbm>>
      tpu.enqueue_dma source(%dma_start3A_1139 : memref<16000xi32, #tpu.memory_space<hbm>>) target(%arg4 : memref<16000xi32, #tpu.memory_space<vmem>>) target_semaphore(%run_scoped3A : memref<!tpu.dma_semaphore, #tpu.memory_space<semaphore_mem>>)
      %dma_wait3A = arith.constant 16000 : i32
      %dma_wait3A_1140 = tpu.memref_slice %arg2[%dma_wait3A] : memref<160000xi32, #tpu.memory_space<hbm>> -> memref<16000xi32, #tpu.memory_space<hbm>>
      %dma_wait3A_1141 = arith.constant 16000 : i32
      %dma_wait3A_1142 = tpu.memref_slice %arg2[%dma_wait3A_1141] : memref<160000xi32, #tpu.memory_space<hbm>> -> memref<16000xi32, #tpu.memory_space<hbm>>
      tpu.wait_dma2 semaphore(%run_scoped3A : memref<!tpu.dma_semaphore, #tpu.memory_space<semaphore_mem>>) src(%dma_wait3A_1142 : memref<16000xi32, #tpu.memory_space<hbm>>) dst(%arg4 : memref<16000xi32, #tpu.memory_space<vmem>>)
      tpu.yield
    }) : () -> ()
    %scan3A_50 = arith.constant 0 : i32
    %scan3A_51 = arith.constant 0 : i32
    %scan3A_52 = arith.constant 1000 : i32
    %scan3A_53 = arith.addi %scan3A_51, %scan3A_52 : i32
    %scan3A_54 = arith.constant 1 : i32
    scf.for %scan3A_1137 = %scan3A_51 to %scan3A_53 step %scan3A_54  : i32 {
      %mul3A_1138 = arith.constant 16 : i32
      %mul3A_1139 = arith.muli %scan3A_1137, %mul3A_1138 : i32
      %get3A_1140 = arith.index_cast %mul3A_1139 : i32 to index
      %get3A_1141 = tpu.vector_load %arg4[%get3A_1140] {strides = array<i32>} : memref<16000xi32, #tpu.memory_space<vmem>>, vector<16xi32>,
      %sub3A_1142 = vector.broadcast %mul3A_2 : i32 to vector<16xi32>
      %sub3A_1143 = arith.subi %get3A_1141, %sub3A_1142 : vector<16xi32>
      %ge3A = arith.constant 0 : i32
      %ge3A_1144 = vector.broadcast %ge3A : i32 to vector<16xi32>
      %ge3A_1145 = arith.cmpi sge, %sub3A_1143, %ge3A_1144 : vector<16xi32>
      %lt3A_1146 = arith.constant 320 : i32
      %lt3A_1147 = vector.broadcast %lt3A_1146 : i32 to vector<16xi32>
      %lt3A_1148 = arith.cmpi slt, %sub3A_1143, %lt3A_1147 : vector<16xi32>
      %and3A = arith.andi %ge3A_1145, %lt3A_1148 : vector<16xi1>
      %jit3A_1149 = arith.constant 0 : i32
      %broadcast_in_dim3A_1150 = vector.broadcast %jit3A_1149 : i32 to vector<16xi32>
      %select_n3A_1151 = arith.select %and3A, %sub3A_1143, %broadcast_in_dim3A_1150 : vector<16xi1>, vector<16xi32>
      tpu.vector_store_idx %arg5[%select_n3A_1151], %broadcast_in_dim3A_5 masked %and3A {add = true} : memref<320xf32, #tpu.memory_space<vmem>>[vector<16xi32>], vector<16xf32>, vector<16xi1>
    }
    %scan3A_55 = arith.constant 1000 : i32
    "tpu.region"() ({
      %run_scoped3A = tpu.sem_alloc : memref<!tpu.dma_semaphore, #tpu.memory_space<semaphore_mem>>
      %dma_start3A = arith.constant 32000 : i32
      %dma_start3A_1137 = tpu.memref_slice %arg2[%dma_start3A] : memref<160000xi32, #tpu.memory_space<hbm>> -> memref<16000xi32, #tpu.memory_space<hbm>>
      %dma_start3A_1138 = arith.constant 32000 : i32
      %dma_start3A_1139 = tpu.memref_slice %arg2[%dma_start3A_1138] : memref<160000xi32, #tpu.memory_space<hbm>> -> memref<16000xi32, #tpu.memory_space<hbm>>
      tpu.enqueue_dma source(%dma_start3A_1139 : memref<16000xi32, #tpu.memory_space<hbm>>) target(%arg4 : memref<16000xi32, #tpu.memory_space<vmem>>) target_semaphore(%run_scoped3A : memref<!tpu.dma_semaphore, #tpu.memory_space<semaphore_mem>>)
      %dma_wait3A = arith.constant 32000 : i32
      %dma_wait3A_1140 = tpu.memref_slice %arg2[%dma_wait3A] : memref<160000xi32, #tpu.memory_space<hbm>> -> memref<16000xi32, #tpu.memory_space<hbm>>
      %dma_wait3A_1141 = arith.constant 32000 : i32
      %dma_wait3A_1142 = tpu.memref_slice %arg2[%dma_wait3A_1141] : memref<160000xi32, #tpu.memory_space<hbm>> -> memref<16000xi32, #tpu.memory_space<hbm>>
      tpu.wait_dma2 semaphore(%run_scoped3A : memref<!tpu.dma_semaphore, #tpu.memory_space<semaphore_mem>>) src(%dma_wait3A_1142 : memref<16000xi32, #tpu.memory_space<hbm>>) dst(%arg4 : memref<16000xi32, #tpu.memory_space<vmem>>)
      tpu.yield
    }) : () -> ()
    %scan3A_56 = arith.constant 0 : i32
    %scan3A_57 = arith.constant 0 : i32
    %scan3A_58 = arith.constant 1000 : i32
    %scan3A_59 = arith.addi %scan3A_57, %scan3A_58 : i32
    %scan3A_60 = arith.constant 1 : i32
    scf.for %scan3A_1137 = %scan3A_57 to %scan3A_59 step %scan3A_60  : i32 {
      %mul3A_1138 = arith.constant 16 : i32
      %mul3A_1139 = arith.muli %scan3A_1137, %mul3A_1138 : i32
      %get3A_1140 = arith.index_cast %mul3A_1139 : i32 to index
      %get3A_1141 = tpu.vector_load %arg4[%get3A_1140] {strides = array<i32>} : memref<16000xi32, #tpu.memory_space<vmem>>, vector<16xi32>,
      %sub3A_1142 = vector.broadcast %mul3A_2 : i32 to vector<16xi32>
      %sub3A_1143 = arith.subi %get3A_1141, %sub3A_1142 : vector<16xi32>
      %ge3A = arith.constant 0 : i32
      %ge3A_1144 = vector.broadcast %ge3A : i32 to vector<16xi32>
      %ge3A_1145 = arith.cmpi sge, %sub3A_1143, %ge3A_1144 : vector<16xi32>
      %lt3A_1146 = arith.constant 320 : i32
      %lt3A_1147 = vector.broadcast %lt3A_1146 : i32 to vector<16xi32>
      %lt3A_1148 = arith.cmpi slt, %sub3A_1143, %lt3A_1147 : vector<16xi32>
      %and3A = arith.andi %ge3A_1145, %lt3A_1148 : vector<16xi1>
      %jit3A_1149 = arith.constant 0 : i32
      %broadcast_in_dim3A_1150 = vector.broadcast %jit3A_1149 : i32 to vector<16xi32>
      %select_n3A_1151 = arith.select %and3A, %sub3A_1143, %broadcast_in_dim3A_1150 : vector<16xi1>, vector<16xi32>
      tpu.vector_store_idx %arg5[%select_n3A_1151], %broadcast_in_dim3A_5 masked %and3A {add = true} : memref<320xf32, #tpu.memory_space<vmem>>[vector<16xi32>], vector<16xf32>, vector<16xi1>
    }
    %scan3A_61 = arith.constant 1000 : i32
    "tpu.region"() ({
      %run_scoped3A = tpu.sem_alloc : memref<!tpu.dma_semaphore, #tpu.memory_space<semaphore_mem>>
      %dma_start3A = arith.constant 48000 : i32
      %dma_start3A_1137 = tpu.memref_slice %arg2[%dma_start3A] : memref<160000xi32, #tpu.memory_space<hbm>> -> memref<16000xi32, #tpu.memory_space<hbm>>
      %dma_start3A_1138 = arith.constant 48000 : i32
      %dma_start3A_1139 = tpu.memref_slice %arg2[%dma_start3A_1138] : memref<160000xi32, #tpu.memory_space<hbm>> -> memref<16000xi32, #tpu.memory_space<hbm>>
      tpu.enqueue_dma source(%dma_start3A_1139 : memref<16000xi32, #tpu.memory_space<hbm>>) target(%arg4 : memref<16000xi32, #tpu.memory_space<vmem>>) target_semaphore(%run_scoped3A : memref<!tpu.dma_semaphore, #tpu.memory_space<semaphore_mem>>)
      %dma_wait3A = arith.constant 48000 : i32
      %dma_wait3A_1140 = tpu.memref_slice %arg2[%dma_wait3A] : memref<160000xi32, #tpu.memory_space<hbm>> -> memref<16000xi32, #tpu.memory_space<hbm>>
      %dma_wait3A_1141 = arith.constant 48000 : i32
      %dma_wait3A_1142 = tpu.memref_slice %arg2[%dma_wait3A_1141] : memref<160000xi32, #tpu.memory_space<hbm>> -> memref<16000xi32, #tpu.memory_space<hbm>>
      tpu.wait_dma2 semaphore(%run_scoped3A : memref<!tpu.dma_semaphore, #tpu.memory_space<semaphore_mem>>) src(%dma_wait3A_1142 : memref<16000xi32, #tpu.memory_space<hbm>>) dst(%arg4 : memref<16000xi32, #tpu.memory_space<vmem>>)
      tpu.yield
    }) : () -> ()
    %scan3A_62 = arith.constant 0 : i32
    %scan3A_63 = arith.constant 0 : i32
    %scan3A_64 = arith.constant 1000 : i32
    %scan3A_65 = arith.addi %scan3A_63, %scan3A_64 : i32
    %scan3A_66 = arith.constant 1 : i32
    scf.for %scan3A_1137 = %scan3A_63 to %scan3A_65 step %scan3A_66  : i32 {
      %mul3A_1138 = arith.constant 16 : i32
      %mul3A_1139 = arith.muli %scan3A_1137, %mul3A_1138 : i32
      %get3A_1140 = arith.index_cast %mul3A_1139 : i32 to index
      %get3A_1141 = tpu.vector_load %arg4[%get3A_1140] {strides = array<i32>} : memref<16000xi32, #tpu.memory_space<vmem>>, vector<16xi32>,
      %sub3A_1142 = vector.broadcast %mul3A_2 : i32 to vector<16xi32>
      %sub3A_1143 = arith.subi %get3A_1141, %sub3A_1142 : vector<16xi32>
      %ge3A = arith.constant 0 : i32
      %ge3A_1144 = vector.broadcast %ge3A : i32 to vector<16xi32>
      %ge3A_1145 = arith.cmpi sge, %sub3A_1143, %ge3A_1144 : vector<16xi32>
      %lt3A_1146 = arith.constant 320 : i32
      %lt3A_1147 = vector.broadcast %lt3A_1146 : i32 to vector<16xi32>
      %lt3A_1148 = arith.cmpi slt, %sub3A_1143, %lt3A_1147 : vector<16xi32>
      %and3A = arith.andi %ge3A_1145, %lt3A_1148 : vector<16xi1>
      %jit3A_1149 = arith.constant 0 : i32
      %broadcast_in_dim3A_1150 = vector.broadcast %jit3A_1149 : i32 to vector<16xi32>
      %select_n3A_1151 = arith.select %and3A, %sub3A_1143, %broadcast_in_dim3A_1150 : vector<16xi1>, vector<16xi32>
      tpu.vector_store_idx %arg5[%select_n3A_1151], %broadcast_in_dim3A_5 masked %and3A {add = true} : memref<320xf32, #tpu.memory_space<vmem>>[vector<16xi32>], vector<16xf32>, vector<16xi1>
    }
    %scan3A_67 = arith.constant 1000 : i32
    "tpu.region"() ({
      %run_scoped3A = tpu.sem_alloc : memref<!tpu.dma_semaphore, #tpu.memory_space<semaphore_mem>>
      %dma_start3A = arith.constant 64000 : i32
      %dma_start3A_1137 = tpu.memref_slice %arg2[%dma_start3A] : memref<160000xi32, #tpu.memory_space<hbm>> -> memref<16000xi32, #tpu.memory_space<hbm>>
      %dma_start3A_1138 = arith.constant 64000 : i32
      %dma_start3A_1139 = tpu.memref_slice %arg2[%dma_start3A_1138] : memref<160000xi32, #tpu.memory_space<hbm>> -> memref<16000xi32, #tpu.memory_space<hbm>>
      tpu.enqueue_dma source(%dma_start3A_1139 : memref<16000xi32, #tpu.memory_space<hbm>>) target(%arg4 : memref<16000xi32, #tpu.memory_space<vmem>>) target_semaphore(%run_scoped3A : memref<!tpu.dma_semaphore, #tpu.memory_space<semaphore_mem>>)
      %dma_wait3A = arith.constant 64000 : i32
      %dma_wait3A_1140 = tpu.memref_slice %arg2[%dma_wait3A] : memref<160000xi32, #tpu.memory_space<hbm>> -> memref<16000xi32, #tpu.memory_space<hbm>>
      %dma_wait3A_1141 = arith.constant 64000 : i32
      %dma_wait3A_1142 = tpu.memref_slice %arg2[%dma_wait3A_1141] : memref<160000xi32, #tpu.memory_space<hbm>> -> memref<16000xi32, #tpu.memory_space<hbm>>
      tpu.wait_dma2 semaphore(%run_scoped3A : memref<!tpu.dma_semaphore, #tpu.memory_space<semaphore_mem>>) src(%dma_wait3A_1142 : memref<16000xi32, #tpu.memory_space<hbm>>) dst(%arg4 : memref<16000xi32, #tpu.memory_space<vmem>>)
      tpu.yield
    }) : () -> ()
    %scan3A_68 = arith.constant 0 : i32
    %scan3A_69 = arith.constant 0 : i32
    %scan3A_70 = arith.constant 1000 : i32
    %scan3A_71 = arith.addi %scan3A_69, %scan3A_70 : i32
    %scan3A_72 = arith.constant 1 : i32
    scf.for %scan3A_1137 = %scan3A_69 to %scan3A_71 step %scan3A_72  : i32 {
      %mul3A_1138 = arith.constant 16 : i32
      %mul3A_1139 = arith.muli %scan3A_1137, %mul3A_1138 : i32
      %get3A_1140 = arith.index_cast %mul3A_1139 : i32 to index
      %get3A_1141 = tpu.vector_load %arg4[%get3A_1140] {strides = array<i32>} : memref<16000xi32, #tpu.memory_space<vmem>>, vector<16xi32>,
      %sub3A_1142 = vector.broadcast %mul3A_2 : i32 to vector<16xi32>
      %sub3A_1143 = arith.subi %get3A_1141, %sub3A_1142 : vector<16xi32>
      %ge3A = arith.constant 0 : i32
      %ge3A_1144 = vector.broadcast %ge3A : i32 to vector<16xi32>
      %ge3A_1145 = arith.cmpi sge, %sub3A_1143, %ge3A_1144 : vector<16xi32>
      %lt3A_1146 = arith.constant 320 : i32
      %lt3A_1147 = vector.broadcast %lt3A_1146 : i32 to vector<16xi32>
      %lt3A_1148 = arith.cmpi slt, %sub3A_1143, %lt3A_1147 : vector<16xi32>
      %and3A = arith.andi %ge3A_1145, %lt3A_1148 : vector<16xi1>
      %jit3A_1149 = arith.constant 0 : i32
      %broadcast_in_dim3A_1150 = vector.broadcast %jit3A_1149 : i32 to vector<16xi32>
      %select_n3A_1151 = arith.select %and3A, %sub3A_1143, %broadcast_in_dim3A_1150 : vector<16xi1>, vector<16xi32>
      tpu.vector_store_idx %arg5[%select_n3A_1151], %broadcast_in_dim3A_5 masked %and3A {add = true} : memref<320xf32, #tpu.memory_space<vmem>>[vector<16xi32>], vector<16xf32>, vector<16xi1>
    }
    %scan3A_73 = arith.constant 1000 : i32
    "tpu.region"() ({
      %run_scoped3A = tpu.sem_alloc : memref<!tpu.dma_semaphore, #tpu.memory_space<semaphore_mem>>
      %dma_start3A = arith.constant 80000 : i32
      %dma_start3A_1137 = tpu.memref_slice %arg2[%dma_start3A] : memref<160000xi32, #tpu.memory_space<hbm>> -> memref<16000xi32, #tpu.memory_space<hbm>>
      %dma_start3A_1138 = arith.constant 80000 : i32
      %dma_start3A_1139 = tpu.memref_slice %arg2[%dma_start3A_1138] : memref<160000xi32, #tpu.memory_space<hbm>> -> memref<16000xi32, #tpu.memory_space<hbm>>
      tpu.enqueue_dma source(%dma_start3A_1139 : memref<16000xi32, #tpu.memory_space<hbm>>) target(%arg4 : memref<16000xi32, #tpu.memory_space<vmem>>) target_semaphore(%run_scoped3A : memref<!tpu.dma_semaphore, #tpu.memory_space<semaphore_mem>>)
      %dma_wait3A = arith.constant 80000 : i32
      %dma_wait3A_1140 = tpu.memref_slice %arg2[%dma_wait3A] : memref<160000xi32, #tpu.memory_space<hbm>> -> memref<16000xi32, #tpu.memory_space<hbm>>
      %dma_wait3A_1141 = arith.constant 80000 : i32
      %dma_wait3A_1142 = tpu.memref_slice %arg2[%dma_wait3A_1141] : memref<160000xi32, #tpu.memory_space<hbm>> -> memref<16000xi32, #tpu.memory_space<hbm>>
      tpu.wait_dma2 semaphore(%run_scoped3A : memref<!tpu.dma_semaphore, #tpu.memory_space<semaphore_mem>>) src(%dma_wait3A_1142 : memref<16000xi32, #tpu.memory_space<hbm>>) dst(%arg4 : memref<16000xi32, #tpu.memory_space<vmem>>)
      tpu.yield
    }) : () -> ()
    %scan3A_74 = arith.constant 0 : i32
    %scan3A_75 = arith.constant 0 : i32
    %scan3A_76 = arith.constant 1000 : i32
    %scan3A_77 = arith.addi %scan3A_75, %scan3A_76 : i32
    %scan3A_78 = arith.constant 1 : i32
    scf.for %scan3A_1137 = %scan3A_75 to %scan3A_77 step %scan3A_78  : i32 {
      %mul3A_1138 = arith.constant 16 : i32
      %mul3A_1139 = arith.muli %scan3A_1137, %mul3A_1138 : i32
      %get3A_1140 = arith.index_cast %mul3A_1139 : i32 to index
      %get3A_1141 = tpu.vector_load %arg4[%get3A_1140] {strides = array<i32>} : memref<16000xi32, #tpu.memory_space<vmem>>, vector<16xi32>,
      %sub3A_1142 = vector.broadcast %mul3A_2 : i32 to vector<16xi32>
      %sub3A_1143 = arith.subi %get3A_1141, %sub3A_1142 : vector<16xi32>
      %ge3A = arith.constant 0 : i32
      %ge3A_1144 = vector.broadcast %ge3A : i32 to vector<16xi32>
      %ge3A_1145 = arith.cmpi sge, %sub3A_1143, %ge3A_1144 : vector<16xi32>
      %lt3A_1146 = arith.constant 320 : i32
      %lt3A_1147 = vector.broadcast %lt3A_1146 : i32 to vector<16xi32>
      %lt3A_1148 = arith.cmpi slt, %sub3A_1143, %lt3A_1147 : vector<16xi32>
      %and3A = arith.andi %ge3A_1145, %lt3A_1148 : vector<16xi1>
      %jit3A_1149 = arith.constant 0 : i32
      %broadcast_in_dim3A_1150 = vector.broadcast %jit3A_1149 : i32 to vector<16xi32>
      %select_n3A_1151 = arith.select %and3A, %sub3A_1143, %broadcast_in_dim3A_1150 : vector<16xi1>, vector<16xi32>
      tpu.vector_store_idx %arg5[%select_n3A_1151], %broadcast_in_dim3A_5 masked %and3A {add = true} : memref<320xf32, #tpu.memory_space<vmem>>[vector<16xi32>], vector<16xf32>, vector<16xi1>
    }
    %scan3A_79 = arith.constant 1000 : i32
    "tpu.region"() ({
      %run_scoped3A = tpu.sem_alloc : memref<!tpu.dma_semaphore, #tpu.memory_space<semaphore_mem>>
      %dma_start3A = arith.constant 96000 : i32
      %dma_start3A_1137 = tpu.memref_slice %arg2[%dma_start3A] : memref<160000xi32, #tpu.memory_space<hbm>> -> memref<16000xi32, #tpu.memory_space<hbm>>
      %dma_start3A_1138 = arith.constant 96000 : i32
      %dma_start3A_1139 = tpu.memref_slice %arg2[%dma_start3A_1138] : memref<160000xi32, #tpu.memory_space<hbm>> -> memref<16000xi32, #tpu.memory_space<hbm>>
      tpu.enqueue_dma source(%dma_start3A_1139 : memref<16000xi32, #tpu.memory_space<hbm>>) target(%arg4 : memref<16000xi32, #tpu.memory_space<vmem>>) target_semaphore(%run_scoped3A : memref<!tpu.dma_semaphore, #tpu.memory_space<semaphore_mem>>)
      %dma_wait3A = arith.constant 96000 : i32
      %dma_wait3A_1140 = tpu.memref_slice %arg2[%dma_wait3A] : memref<160000xi32, #tpu.memory_space<hbm>> -> memref<16000xi32, #tpu.memory_space<hbm>>
      %dma_wait3A_1141 = arith.constant 96000 : i32
      %dma_wait3A_1142 = tpu.memref_slice %arg2[%dma_wait3A_1141] : memref<160000xi32, #tpu.memory_space<hbm>> -> memref<16000xi32, #tpu.memory_space<hbm>>
      tpu.wait_dma2 semaphore(%run_scoped3A : memref<!tpu.dma_semaphore, #tpu.memory_space<semaphore_mem>>) src(%dma_wait3A_1142 : memref<16000xi32, #tpu.memory_space<hbm>>) dst(%arg4 : memref<16000xi32, #tpu.memory_space<vmem>>)
      tpu.yield
    }) : () -> ()
    %scan3A_80 = arith.constant 0 : i32
    %scan3A_81 = arith.constant 0 : i32
    %scan3A_82 = arith.constant 1000 : i32
    %scan3A_83 = arith.addi %scan3A_81, %scan3A_82 : i32
    %scan3A_84 = arith.constant 1 : i32
    scf.for %scan3A_1137 = %scan3A_81 to %scan3A_83 step %scan3A_84  : i32 {
      %mul3A_1138 = arith.constant 16 : i32
      %mul3A_1139 = arith.muli %scan3A_1137, %mul3A_1138 : i32
      %get3A_1140 = arith.index_cast %mul3A_1139 : i32 to index
      %get3A_1141 = tpu.vector_load %arg4[%get3A_1140] {strides = array<i32>} : memref<16000xi32, #tpu.memory_space<vmem>>, vector<16xi32>,
      %sub3A_1142 = vector.broadcast %mul3A_2 : i32 to vector<16xi32>
      %sub3A_1143 = arith.subi %get3A_1141, %sub3A_1142 : vector<16xi32>
      %ge3A = arith.constant 0 : i32
      %ge3A_1144 = vector.broadcast %ge3A : i32 to vector<16xi32>
      %ge3A_1145 = arith.cmpi sge, %sub3A_1143, %ge3A_1144 : vector<16xi32>
      %lt3A_1146 = arith.constant 320 : i32
      %lt3A_1147 = vector.broadcast %lt3A_1146 : i32 to vector<16xi32>
      %lt3A_1148 = arith.cmpi slt, %sub3A_1143, %lt3A_1147 : vector<16xi32>
      %and3A = arith.andi %ge3A_1145, %lt3A_1148 : vector<16xi1>
      %jit3A_1149 = arith.constant 0 : i32
      %broadcast_in_dim3A_1150 = vector.broadcast %jit3A_1149 : i32 to vector<16xi32>
      %select_n3A_1151 = arith.select %and3A, %sub3A_1143, %broadcast_in_dim3A_1150 : vector<16xi1>, vector<16xi32>
      tpu.vector_store_idx %arg5[%select_n3A_1151], %broadcast_in_dim3A_5 masked %and3A {add = true} : memref<320xf32, #tpu.memory_space<vmem>>[vector<16xi32>], vector<16xf32>, vector<16xi1>
    }
    %scan3A_85 = arith.constant 1000 : i32
    "tpu.region"() ({
      %run_scoped3A = tpu.sem_alloc : memref<!tpu.dma_semaphore, #tpu.memory_space<semaphore_mem>>
      %dma_start3A = arith.constant 112000 : i32
      %dma_start3A_1137 = tpu.memref_slice %arg2[%dma_start3A] : memref<160000xi32, #tpu.memory_space<hbm>> -> memref<16000xi32, #tpu.memory_space<hbm>>
      %dma_start3A_1138 = arith.constant 112000 : i32
      %dma_start3A_1139 = tpu.memref_slice %arg2[%dma_start3A_1138] : memref<160000xi32, #tpu.memory_space<hbm>> -> memref<16000xi32, #tpu.memory_space<hbm>>
      tpu.enqueue_dma source(%dma_start3A_1139 : memref<16000xi32, #tpu.memory_space<hbm>>) target(%arg4 : memref<16000xi32, #tpu.memory_space<vmem>>) target_semaphore(%run_scoped3A : memref<!tpu.dma_semaphore, #tpu.memory_space<semaphore_mem>>)
      %dma_wait3A = arith.constant 112000 : i32
      %dma_wait3A_1140 = tpu.memref_slice %arg2[%dma_wait3A] : memref<160000xi32, #tpu.memory_space<hbm>> -> memref<16000xi32, #tpu.memory_space<hbm>>
      %dma_wait3A_1141 = arith.constant 112000 : i32
      %dma_wait3A_1142 = tpu.memref_slice %arg2[%dma_wait3A_1141] : memref<160000xi32, #tpu.memory_space<hbm>> -> memref<16000xi32, #tpu.memory_space<hbm>>
      tpu.wait_dma2 semaphore(%run_scoped3A : memref<!tpu.dma_semaphore, #tpu.memory_space<semaphore_mem>>) src(%dma_wait3A_1142 : memref<16000xi32, #tpu.memory_space<hbm>>) dst(%arg4 : memref<16000xi32, #tpu.memory_space<vmem>>)
      tpu.yield
    }) : () -> ()
    %scan3A_86 = arith.constant 0 : i32
    %scan3A_87 = arith.constant 0 : i32
    %scan3A_88 = arith.constant 1000 : i32
    %scan3A_89 = arith.addi %scan3A_87, %scan3A_88 : i32
    %scan3A_90 = arith.constant 1 : i32
    scf.for %scan3A_1137 = %scan3A_87 to %scan3A_89 step %scan3A_90  : i32 {
      %mul3A_1138 = arith.constant 16 : i32
      %mul3A_1139 = arith.muli %scan3A_1137, %mul3A_1138 : i32
      %get3A_1140 = arith.index_cast %mul3A_1139 : i32 to index
      %get3A_1141 = tpu.vector_load %arg4[%get3A_1140] {strides = array<i32>} : memref<16000xi32, #tpu.memory_space<vmem>>, vector<16xi32>,
      %sub3A_1142 = vector.broadcast %mul3A_2 : i32 to vector<16xi32>
      %sub3A_1143 = arith.subi %get3A_1141, %sub3A_1142 : vector<16xi32>
      %ge3A = arith.constant 0 : i32
      %ge3A_1144 = vector.broadcast %ge3A : i32 to vector<16xi32>
      %ge3A_1145 = arith.cmpi sge, %sub3A_1143, %ge3A_1144 : vector<16xi32>
      %lt3A_1146 = arith.constant 320 : i32
      %lt3A_1147 = vector.broadcast %lt3A_1146 : i32 to vector<16xi32>
      %lt3A_1148 = arith.cmpi slt, %sub3A_1143, %lt3A_1147 : vector<16xi32>
      %and3A = arith.andi %ge3A_1145, %lt3A_1148 : vector<16xi1>
      %jit3A_1149 = arith.constant 0 : i32
      %broadcast_in_dim3A_1150 = vector.broadcast %jit3A_1149 : i32 to vector<16xi32>
      %select_n3A_1151 = arith.select %and3A, %sub3A_1143, %broadcast_in_dim3A_1150 : vector<16xi1>, vector<16xi32>
      tpu.vector_store_idx %arg5[%select_n3A_1151], %broadcast_in_dim3A_5 masked %and3A {add = true} : memref<320xf32, #tpu.memory_space<vmem>>[vector<16xi32>], vector<16xf32>, vector<16xi1>
    }
    %scan3A_91 = arith.constant 1000 : i32
    "tpu.region"() ({
      %run_scoped3A = tpu.sem_alloc : memref<!tpu.dma_semaphore, #tpu.memory_space<semaphore_mem>>
      %dma_start3A = arith.constant 128000 : i32
      %dma_start3A_1137 = tpu.memref_slice %arg2[%dma_start3A] : memref<160000xi32, #tpu.memory_space<hbm>> -> memref<16000xi32, #tpu.memory_space<hbm>>
      %dma_start3A_1138 = arith.constant 128000 : i32
      %dma_start3A_1139 = tpu.memref_slice %arg2[%dma_start3A_1138] : memref<160000xi32, #tpu.memory_space<hbm>> -> memref<16000xi32, #tpu.memory_space<hbm>>
      tpu.enqueue_dma source(%dma_start3A_1139 : memref<16000xi32, #tpu.memory_space<hbm>>) target(%arg4 : memref<16000xi32, #tpu.memory_space<vmem>>) target_semaphore(%run_scoped3A : memref<!tpu.dma_semaphore, #tpu.memory_space<semaphore_mem>>)
      %dma_wait3A = arith.constant 128000 : i32
      %dma_wait3A_1140 = tpu.memref_slice %arg2[%dma_wait3A] : memref<160000xi32, #tpu.memory_space<hbm>> -> memref<16000xi32, #tpu.memory_space<hbm>>
      %dma_wait3A_1141 = arith.constant 128000 : i32
      %dma_wait3A_1142 = tpu.memref_slice %arg2[%dma_wait3A_1141] : memref<160000xi32, #tpu.memory_space<hbm>> -> memref<16000xi32, #tpu.memory_space<hbm>>
      tpu.wait_dma2 semaphore(%run_scoped3A : memref<!tpu.dma_semaphore, #tpu.memory_space<semaphore_mem>>) src(%dma_wait3A_1142 : memref<16000xi32, #tpu.memory_space<hbm>>) dst(%arg4 : memref<16000xi32, #tpu.memory_space<vmem>>)
      tpu.yield
    }) : () -> ()
    %scan3A_92 = arith.constant 0 : i32
    %scan3A_93 = arith.constant 0 : i32
    %scan3A_94 = arith.constant 1000 : i32
    %scan3A_95 = arith.addi %scan3A_93, %scan3A_94 : i32
    %scan3A_96 = arith.constant 1 : i32
    scf.for %scan3A_1137 = %scan3A_93 to %scan3A_95 step %scan3A_96  : i32 {
      %mul3A_1138 = arith.constant 16 : i32
      %mul3A_1139 = arith.muli %scan3A_1137, %mul3A_1138 : i32
      %get3A_1140 = arith.index_cast %mul3A_1139 : i32 to index
      %get3A_1141 = tpu.vector_load %arg4[%get3A_1140] {strides = array<i32>} : memref<16000xi32, #tpu.memory_space<vmem>>, vector<16xi32>,
      %sub3A_1142 = vector.broadcast %mul3A_2 : i32 to vector<16xi32>
      %sub3A_1143 = arith.subi %get3A_1141, %sub3A_1142 : vector<16xi32>
      %ge3A = arith.constant 0 : i32
      %ge3A_1144 = vector.broadcast %ge3A : i32 to vector<16xi32>
      %ge3A_1145 = arith.cmpi sge, %sub3A_1143, %ge3A_1144 : vector<16xi32>
      %lt3A_1146 = arith.constant 320 : i32
      %lt3A_1147 = vector.broadcast %lt3A_1146 : i32 to vector<16xi32>
      %lt3A_1148 = arith.cmpi slt, %sub3A_1143, %lt3A_1147 : vector<16xi32>
      %and3A = arith.andi %ge3A_1145, %lt3A_1148 : vector<16xi1>
      %jit3A_1149 = arith.constant 0 : i32
      %broadcast_in_dim3A_1150 = vector.broadcast %jit3A_1149 : i32 to vector<16xi32>
      %select_n3A_1151 = arith.select %and3A, %sub3A_1143, %broadcast_in_dim3A_1150 : vector<16xi1>, vector<16xi32>
      tpu.vector_store_idx %arg5[%select_n3A_1151], %broadcast_in_dim3A_5 masked %and3A {add = true} : memref<320xf32, #tpu.memory_space<vmem>>[vector<16xi32>], vector<16xf32>, vector<16xi1>
    }
    %scan3A_97 = arith.constant 1000 : i32
    "tpu.region"() ({
      %run_scoped3A = tpu.sem_alloc : memref<!tpu.dma_semaphore, #tpu.memory_space<semaphore_mem>>
      %dma_start3A = arith.constant 144000 : i32
      %dma_start3A_1137 = tpu.memref_slice %arg2[%dma_start3A] : memref<160000xi32, #tpu.memory_space<hbm>> -> memref<16000xi32, #tpu.memory_space<hbm>>
      %dma_start3A_1138 = arith.constant 144000 : i32
      %dma_start3A_1139 = tpu.memref_slice %arg2[%dma_start3A_1138] : memref<160000xi32, #tpu.memory_space<hbm>> -> memref<16000xi32, #tpu.memory_space<hbm>>
      tpu.enqueue_dma source(%dma_start3A_1139 : memref<16000xi32, #tpu.memory_space<hbm>>) target(%arg4 : memref<16000xi32, #tpu.memory_space<vmem>>) target_semaphore(%run_scoped3A : memref<!tpu.dma_semaphore, #tpu.memory_space<semaphore_mem>>)
      %dma_wait3A = arith.constant 144000 : i32
      %dma_wait3A_1140 = tpu.memref_slice %arg2[%dma_wait3A] : memref<160000xi32, #tpu.memory_space<hbm>> -> memref<16000xi32, #tpu.memory_space<hbm>>
      %dma_wait3A_1141 = arith.constant 144000 : i32
      %dma_wait3A_1142 = tpu.memref_slice %arg2[%dma_wait3A_1141] : memref<160000xi32, #tpu.memory_space<hbm>> -> memref<16000xi32, #tpu.memory_space<hbm>>
      tpu.wait_dma2 semaphore(%run_scoped3A : memref<!tpu.dma_semaphore, #tpu.memory_space<semaphore_mem>>) src(%dma_wait3A_1142 : memref<16000xi32, #tpu.memory_space<hbm>>) dst(%arg4 : memref<16000xi32, #tpu.memory_space<vmem>>)
      tpu.yield
    }) : () -> ()
    %scan3A_98 = arith.constant 0 : i32
    %scan3A_99 = arith.constant 0 : i32
    %scan3A_100 = arith.constant 1000 : i32
    %scan3A_101 = arith.addi %scan3A_99, %scan3A_100 : i32
    %scan3A_102 = arith.constant 1 : i32
    scf.for %scan3A_1137 = %scan3A_99 to %scan3A_101 step %scan3A_102  : i32 {
      %mul3A_1138 = arith.constant 16 : i32
      %mul3A_1139 = arith.muli %scan3A_1137, %mul3A_1138 : i32
      %get3A_1140 = arith.index_cast %mul3A_1139 : i32 to index
      %get3A_1141 = tpu.vector_load %arg4[%get3A_1140] {strides = array<i32>} : memref<16000xi32, #tpu.memory_space<vmem>>, vector<16xi32>,
      %sub3A_1142 = vector.broadcast %mul3A_2 : i32 to vector<16xi32>
      %sub3A_1143 = arith.subi %get3A_1141, %sub3A_1142 : vector<16xi32>
      %ge3A = arith.constant 0 : i32
      %ge3A_1144 = vector.broadcast %ge3A : i32 to vector<16xi32>
      %ge3A_1145 = arith.cmpi sge, %sub3A_1143, %ge3A_1144 : vector<16xi32>
      %lt3A_1146 = arith.constant 320 : i32
      %lt3A_1147 = vector.broadcast %lt3A_1146 : i32 to vector<16xi32>
      %lt3A_1148 = arith.cmpi slt, %sub3A_1143, %lt3A_1147 : vector<16xi32>
      %and3A = arith.andi %ge3A_1145, %lt3A_1148 : vector<16xi1>
      %jit3A_1149 = arith.constant 0 : i32
      %broadcast_in_dim3A_1150 = vector.broadcast %jit3A_1149 : i32 to vector<16xi32>
      %select_n3A_1151 = arith.select %and3A, %sub3A_1143, %broadcast_in_dim3A_1150 : vector<16xi1>, vector<16xi32>
      tpu.vector_store_idx %arg5[%select_n3A_1151], %broadcast_in_dim3A_5 masked %and3A {add = true} : memref<320xf32, #tpu.memory_space<vmem>>[vector<16xi32>], vector<16xf32>, vector<16xi1>
    }
    %scan3A_103 = arith.constant 1000 : i32
    %iota3A = tpu.iota {dimensions = array<i32: 0>} : vector<16xi32>
    %get3A = arith.constant 0 : index
    %get3A_104 = tpu.vector_load %arg5[%get3A] {strides = array<i32>} : memref<320xf32, #tpu.memory_space<vmem>>, vector<16xf32>,
    %add3A_105 = arith.constant 1.000000e+00 : f32
    %add3A_106 = vector.broadcast %add3A_105 : f32 to vector<16xf32>
    %add3A_107 = arith.addf %get3A_104, %add3A_106 : vector<16xf32>
    %bitcast3A = vector.bitcast %add3A_107 : vector<16xf32> to vector<16xi32>
    %shift_right_arithmetic3A = arith.constant 1 : i32
    %shift_right_arithmetic3A_108 = vector.broadcast %shift_right_arithmetic3A : i32 to vector<16xi32>
    %shift_right_arithmetic3A_109 = arith.shrsi %bitcast3A, %shift_right_arithmetic3A_108 : vector<16xi32>
    %sub3A = arith.constant 1597463007 : i32
    %sub3A_110 = vector.broadcast %sub3A : i32 to vector<16xi32>
    %sub3A_111 = arith.subi %sub3A_110, %shift_right_arithmetic3A_109 : vector<16xi32>
    %bitcast3A_112 = vector.bitcast %sub3A_111 : vector<16xi32> to vector<16xf32>
    %mul3A_113 = arith.constant 5.000000e-01 : f32
    %mul3A_114 = vector.broadcast %mul3A_113 : f32 to vector<16xf32>
    %mul3A_115 = arith.mulf %mul3A_114, %add3A_107 : vector<16xf32>
    %mul3A_116 = arith.mulf %mul3A_115, %bitcast3A_112 : vector<16xf32>
    %mul3A_117 = arith.mulf %mul3A_116, %bitcast3A_112 : vector<16xf32>
    %sub3A_118 = arith.constant 1.500000e+00 : f32
    %sub3A_119 = vector.broadcast %sub3A_118 : f32 to vector<16xf32>
    %sub3A_120 = arith.subf %sub3A_119, %mul3A_117 : vector<16xf32>
    %mul3A_121 = arith.mulf %bitcast3A_112, %sub3A_120 : vector<16xf32>
    %mul3A_122 = arith.constant 5.000000e-01 : f32
    %mul3A_123 = vector.broadcast %mul3A_122 : f32 to vector<16xf32>
    %mul3A_124 = arith.mulf %mul3A_123, %add3A_107 : vector<16xf32>
    %mul3A_125 = arith.mulf %mul3A_124, %mul3A_121 : vector<16xf32>
    %mul3A_126 = arith.mulf %mul3A_125, %mul3A_121 : vector<16xf32>
    %sub3A_127 = arith.constant 1.500000e+00 : f32
    %sub3A_128 = vector.broadcast %sub3A_127 : f32 to vector<16xf32>
    %sub3A_129 = arith.subf %sub3A_128, %mul3A_126 : vector<16xf32>
    %mul3A_130 = arith.mulf %mul3A_121, %sub3A_129 : vector<16xf32>
    %mul3A_131 = arith.constant 5.000000e-01 : f32
    %mul3A_132 = vector.broadcast %mul3A_131 : f32 to vector<16xf32>
    %mul3A_133 = arith.mulf %mul3A_132, %add3A_107 : vector<16xf32>
    %mul3A_134 = arith.mulf %mul3A_133, %mul3A_130 : vector<16xf32>
    %mul3A_135 = arith.mulf %mul3A_134, %mul3A_130 : vector<16xf32>
    %sub3A_136 = arith.constant 1.500000e+00 : f32
    %sub3A_137 = vector.broadcast %sub3A_136 : f32 to vector<16xf32>
    %sub3A_138 = arith.subf %sub3A_137, %mul3A_135 : vector<16xf32>
    %mul3A_139 = arith.mulf %mul3A_130, %sub3A_138 : vector<16xf32>
    %add3A_140 = arith.constant 0 : i32
    %add3A_141 = arith.addi %mul3A_2, %add3A_140 : i32
    %add3A_142 = vector.broadcast %add3A_141 : i32 to vector<16xi32>
    %add3A_143 = arith.addi %add3A_142, %iota3A : vector<16xi32>
    %lt3A = arith.constant 10000 : i32
    %lt3A_144 = vector.broadcast %lt3A : i32 to vector<16xi32>
    %lt3A_145 = arith.cmpi slt, %add3A_143, %lt3A_144 : vector<16xi32>
    %jit3A = arith.constant 0.000000e+00 : f32
    %broadcast_in_dim3A_146 = vector.broadcast %jit3A : f32 to vector<16xf32>
    %select_n3A = arith.select %lt3A_145, %mul3A_139, %broadcast_in_dim3A_146 : vector<16xi1>, vector<16xf32>
    %swap3A_147 = arith.constant 0 : index
    %swap3A_148 = tpu.vector_load %arg6[%swap3A_147] {strides = array<i32>} : memref<320xf32, #tpu.memory_space<vmem>>, vector<16xf32>,
    tpu.vector_store %arg6[%swap3A_147], %select_n3A {strides = array<i32>} : memref<320xf32, #tpu.memory_space<vmem>>, vector<16xf32>,
    %get3A_149 = arith.constant 16 : index
    %get3A_150 = tpu.vector_load %arg5[%get3A_149] {strides = array<i32>} : memref<320xf32, #tpu.memory_space<vmem>>, vector<16xf32>,
    %add3A_151 = arith.constant 1.000000e+00 : f32
    %add3A_152 = vector.broadcast %add3A_151 : f32 to vector<16xf32>
    %add3A_153 = arith.addf %get3A_150, %add3A_152 : vector<16xf32>
    %bitcast3A_154 = vector.bitcast %add3A_153 : vector<16xf32> to vector<16xi32>
    %shift_right_arithmetic3A_155 = arith.constant 1 : i32
    %shift_right_arithmetic3A_156 = vector.broadcast %shift_right_arithmetic3A_155 : i32 to vector<16xi32>
    %shift_right_arithmetic3A_157 = arith.shrsi %bitcast3A_154, %shift_right_arithmetic3A_156 : vector<16xi32>
    %sub3A_158 = arith.constant 1597463007 : i32
    %sub3A_159 = vector.broadcast %sub3A_158 : i32 to vector<16xi32>
    %sub3A_160 = arith.subi %sub3A_159, %shift_right_arithmetic3A_157 : vector<16xi32>
    %bitcast3A_161 = vector.bitcast %sub3A_160 : vector<16xi32> to vector<16xf32>
    %mul3A_162 = arith.constant 5.000000e-01 : f32
    %mul3A_163 = vector.broadcast %mul3A_162 : f32 to vector<16xf32>
    %mul3A_164 = arith.mulf %mul3A_163, %add3A_153 : vector<16xf32>
    %mul3A_165 = arith.mulf %mul3A_164, %bitcast3A_161 : vector<16xf32>
    %mul3A_166 = arith.mulf %mul3A_165, %bitcast3A_161 : vector<16xf32>
    %sub3A_167 = arith.constant 1.500000e+00 : f32
    %sub3A_168 = vector.broadcast %sub3A_167 : f32 to vector<16xf32>
    %sub3A_169 = arith.subf %sub3A_168, %mul3A_166 : vector<16xf32>
    %mul3A_170 = arith.mulf %bitcast3A_161, %sub3A_169 : vector<16xf32>
    %mul3A_171 = arith.constant 5.000000e-01 : f32
    %mul3A_172 = vector.broadcast %mul3A_171 : f32 to vector<16xf32>
    %mul3A_173 = arith.mulf %mul3A_172, %add3A_153 : vector<16xf32>
    %mul3A_174 = arith.mulf %mul3A_173, %mul3A_170 : vector<16xf32>
    %mul3A_175 = arith.mulf %mul3A_174, %mul3A_170 : vector<16xf32>
    %sub3A_176 = arith.constant 1.500000e+00 : f32
    %sub3A_177 = vector.broadcast %sub3A_176 : f32 to vector<16xf32>
    %sub3A_178 = arith.subf %sub3A_177, %mul3A_175 : vector<16xf32>
    %mul3A_179 = arith.mulf %mul3A_170, %sub3A_178 : vector<16xf32>
    %mul3A_180 = arith.constant 5.000000e-01 : f32
    %mul3A_181 = vector.broadcast %mul3A_180 : f32 to vector<16xf32>
    %mul3A_182 = arith.mulf %mul3A_181, %add3A_153 : vector<16xf32>
    %mul3A_183 = arith.mulf %mul3A_182, %mul3A_179 : vector<16xf32>
    %mul3A_184 = arith.mulf %mul3A_183, %mul3A_179 : vector<16xf32>
    %sub3A_185 = arith.constant 1.500000e+00 : f32
    %sub3A_186 = vector.broadcast %sub3A_185 : f32 to vector<16xf32>
    %sub3A_187 = arith.subf %sub3A_186, %mul3A_184 : vector<16xf32>
    %mul3A_188 = arith.mulf %mul3A_179, %sub3A_187 : vector<16xf32>
    %add3A_189 = arith.constant 16 : i32
    %add3A_190 = arith.addi %mul3A_2, %add3A_189 : i32
    %add3A_191 = vector.broadcast %add3A_190 : i32 to vector<16xi32>
    %add3A_192 = arith.addi %add3A_191, %iota3A : vector<16xi32>
    %lt3A_193 = arith.constant 10000 : i32
    %lt3A_194 = vector.broadcast %lt3A_193 : i32 to vector<16xi32>
    %lt3A_195 = arith.cmpi slt, %add3A_192, %lt3A_194 : vector<16xi32>
    %jit3A_196 = arith.constant 0.000000e+00 : f32
    %broadcast_in_dim3A_197 = vector.broadcast %jit3A_196 : f32 to vector<16xf32>
    %select_n3A_198 = arith.select %lt3A_195, %mul3A_188, %broadcast_in_dim3A_197 : vector<16xi1>, vector<16xf32>
    %swap3A_199 = arith.constant 16 : index
    %swap3A_200 = tpu.vector_load %arg6[%swap3A_199] {strides = array<i32>} : memref<320xf32, #tpu.memory_space<vmem>>, vector<16xf32>,
    tpu.vector_store %arg6[%swap3A_199], %select_n3A_198 {strides = array<i32>} : memref<320xf32, #tpu.memory_space<vmem>>, vector<16xf32>,
    %get3A_201 = arith.constant 32 : index
    %get3A_202 = tpu.vector_load %arg5[%get3A_201] {strides = array<i32>} : memref<320xf32, #tpu.memory_space<vmem>>, vector<16xf32>,
    %add3A_203 = arith.constant 1.000000e+00 : f32
    %add3A_204 = vector.broadcast %add3A_203 : f32 to vector<16xf32>
    %add3A_205 = arith.addf %get3A_202, %add3A_204 : vector<16xf32>
    %bitcast3A_206 = vector.bitcast %add3A_205 : vector<16xf32> to vector<16xi32>
    %shift_right_arithmetic3A_207 = arith.constant 1 : i32
    %shift_right_arithmetic3A_208 = vector.broadcast %shift_right_arithmetic3A_207 : i32 to vector<16xi32>
    %shift_right_arithmetic3A_209 = arith.shrsi %bitcast3A_206, %shift_right_arithmetic3A_208 : vector<16xi32>
    %sub3A_210 = arith.constant 1597463007 : i32
    %sub3A_211 = vector.broadcast %sub3A_210 : i32 to vector<16xi32>
    %sub3A_212 = arith.subi %sub3A_211, %shift_right_arithmetic3A_209 : vector<16xi32>
    %bitcast3A_213 = vector.bitcast %sub3A_212 : vector<16xi32> to vector<16xf32>
    %mul3A_214 = arith.constant 5.000000e-01 : f32
    %mul3A_215 = vector.broadcast %mul3A_214 : f32 to vector<16xf32>
    %mul3A_216 = arith.mulf %mul3A_215, %add3A_205 : vector<16xf32>
    %mul3A_217 = arith.mulf %mul3A_216, %bitcast3A_213 : vector<16xf32>
    %mul3A_218 = arith.mulf %mul3A_217, %bitcast3A_213 : vector<16xf32>
    %sub3A_219 = arith.constant 1.500000e+00 : f32
    %sub3A_220 = vector.broadcast %sub3A_219 : f32 to vector<16xf32>
    %sub3A_221 = arith.subf %sub3A_220, %mul3A_218 : vector<16xf32>
    %mul3A_222 = arith.mulf %bitcast3A_213, %sub3A_221 : vector<16xf32>
    %mul3A_223 = arith.constant 5.000000e-01 : f32
    %mul3A_224 = vector.broadcast %mul3A_223 : f32 to vector<16xf32>
    %mul3A_225 = arith.mulf %mul3A_224, %add3A_205 : vector<16xf32>
    %mul3A_226 = arith.mulf %mul3A_225, %mul3A_222 : vector<16xf32>
    %mul3A_227 = arith.mulf %mul3A_226, %mul3A_222 : vector<16xf32>
    %sub3A_228 = arith.constant 1.500000e+00 : f32
    %sub3A_229 = vector.broadcast %sub3A_228 : f32 to vector<16xf32>
    %sub3A_230 = arith.subf %sub3A_229, %mul3A_227 : vector<16xf32>
    %mul3A_231 = arith.mulf %mul3A_222, %sub3A_230 : vector<16xf32>
    %mul3A_232 = arith.constant 5.000000e-01 : f32
    %mul3A_233 = vector.broadcast %mul3A_232 : f32 to vector<16xf32>
    %mul3A_234 = arith.mulf %mul3A_233, %add3A_205 : vector<16xf32>
    %mul3A_235 = arith.mulf %mul3A_234, %mul3A_231 : vector<16xf32>
    %mul3A_236 = arith.mulf %mul3A_235, %mul3A_231 : vector<16xf32>
    %sub3A_237 = arith.constant 1.500000e+00 : f32
    %sub3A_238 = vector.broadcast %sub3A_237 : f32 to vector<16xf32>
    %sub3A_239 = arith.subf %sub3A_238, %mul3A_236 : vector<16xf32>
    %mul3A_240 = arith.mulf %mul3A_231, %sub3A_239 : vector<16xf32>
    %add3A_241 = arith.constant 32 : i32
    %add3A_242 = arith.addi %mul3A_2, %add3A_241 : i32
    %add3A_243 = vector.broadcast %add3A_242 : i32 to vector<16xi32>
    %add3A_244 = arith.addi %add3A_243, %iota3A : vector<16xi32>
    %lt3A_245 = arith.constant 10000 : i32
    %lt3A_246 = vector.broadcast %lt3A_245 : i32 to vector<16xi32>
    %lt3A_247 = arith.cmpi slt, %add3A_244, %lt3A_246 : vector<16xi32>
    %jit3A_248 = arith.constant 0.000000e+00 : f32
    %broadcast_in_dim3A_249 = vector.broadcast %jit3A_248 : f32 to vector<16xf32>
    %select_n3A_250 = arith.select %lt3A_247, %mul3A_240, %broadcast_in_dim3A_249 : vector<16xi1>, vector<16xf32>
    %swap3A_251 = arith.constant 32 : index
    %swap3A_252 = tpu.vector_load %arg6[%swap3A_251] {strides = array<i32>} : memref<320xf32, #tpu.memory_space<vmem>>, vector<16xf32>,
    tpu.vector_store %arg6[%swap3A_251], %select_n3A_250 {strides = array<i32>} : memref<320xf32, #tpu.memory_space<vmem>>, vector<16xf32>,
    %get3A_253 = arith.constant 48 : index
    %get3A_254 = tpu.vector_load %arg5[%get3A_253] {strides = array<i32>} : memref<320xf32, #tpu.memory_space<vmem>>, vector<16xf32>,
    %add3A_255 = arith.constant 1.000000e+00 : f32
    %add3A_256 = vector.broadcast %add3A_255 : f32 to vector<16xf32>
    %add3A_257 = arith.addf %get3A_254, %add3A_256 : vector<16xf32>
    %bitcast3A_258 = vector.bitcast %add3A_257 : vector<16xf32> to vector<16xi32>
    %shift_right_arithmetic3A_259 = arith.constant 1 : i32
    %shift_right_arithmetic3A_260 = vector.broadcast %shift_right_arithmetic3A_259 : i32 to vector<16xi32>
    %shift_right_arithmetic3A_261 = arith.shrsi %bitcast3A_258, %shift_right_arithmetic3A_260 : vector<16xi32>
    %sub3A_262 = arith.constant 1597463007 : i32
    %sub3A_263 = vector.broadcast %sub3A_262 : i32 to vector<16xi32>
    %sub3A_264 = arith.subi %sub3A_263, %shift_right_arithmetic3A_261 : vector<16xi32>
    %bitcast3A_265 = vector.bitcast %sub3A_264 : vector<16xi32> to vector<16xf32>
    %mul3A_266 = arith.constant 5.000000e-01 : f32
    %mul3A_267 = vector.broadcast %mul3A_266 : f32 to vector<16xf32>
    %mul3A_268 = arith.mulf %mul3A_267, %add3A_257 : vector<16xf32>
    %mul3A_269 = arith.mulf %mul3A_268, %bitcast3A_265 : vector<16xf32>
    %mul3A_270 = arith.mulf %mul3A_269, %bitcast3A_265 : vector<16xf32>
    %sub3A_271 = arith.constant 1.500000e+00 : f32
    %sub3A_272 = vector.broadcast %sub3A_271 : f32 to vector<16xf32>
    %sub3A_273 = arith.subf %sub3A_272, %mul3A_270 : vector<16xf32>
    %mul3A_274 = arith.mulf %bitcast3A_265, %sub3A_273 : vector<16xf32>
    %mul3A_275 = arith.constant 5.000000e-01 : f32
    %mul3A_276 = vector.broadcast %mul3A_275 : f32 to vector<16xf32>
    %mul3A_277 = arith.mulf %mul3A_276, %add3A_257 : vector<16xf32>
    %mul3A_278 = arith.mulf %mul3A_277, %mul3A_274 : vector<16xf32>
    %mul3A_279 = arith.mulf %mul3A_278, %mul3A_274 : vector<16xf32>
    %sub3A_280 = arith.constant 1.500000e+00 : f32
    %sub3A_281 = vector.broadcast %sub3A_280 : f32 to vector<16xf32>
    %sub3A_282 = arith.subf %sub3A_281, %mul3A_279 : vector<16xf32>
    %mul3A_283 = arith.mulf %mul3A_274, %sub3A_282 : vector<16xf32>
    %mul3A_284 = arith.constant 5.000000e-01 : f32
    %mul3A_285 = vector.broadcast %mul3A_284 : f32 to vector<16xf32>
    %mul3A_286 = arith.mulf %mul3A_285, %add3A_257 : vector<16xf32>
    %mul3A_287 = arith.mulf %mul3A_286, %mul3A_283 : vector<16xf32>
    %mul3A_288 = arith.mulf %mul3A_287, %mul3A_283 : vector<16xf32>
    %sub3A_289 = arith.constant 1.500000e+00 : f32
    %sub3A_290 = vector.broadcast %sub3A_289 : f32 to vector<16xf32>
    %sub3A_291 = arith.subf %sub3A_290, %mul3A_288 : vector<16xf32>
    %mul3A_292 = arith.mulf %mul3A_283, %sub3A_291 : vector<16xf32>
    %add3A_293 = arith.constant 48 : i32
    %add3A_294 = arith.addi %mul3A_2, %add3A_293 : i32
    %add3A_295 = vector.broadcast %add3A_294 : i32 to vector<16xi32>
    %add3A_296 = arith.addi %add3A_295, %iota3A : vector<16xi32>
    %lt3A_297 = arith.constant 10000 : i32
    %lt3A_298 = vector.broadcast %lt3A_297 : i32 to vector<16xi32>
    %lt3A_299 = arith.cmpi slt, %add3A_296, %lt3A_298 : vector<16xi32>
    %jit3A_300 = arith.constant 0.000000e+00 : f32
    %broadcast_in_dim3A_301 = vector.broadcast %jit3A_300 : f32 to vector<16xf32>
    %select_n3A_302 = arith.select %lt3A_299, %mul3A_292, %broadcast_in_dim3A_301 : vector<16xi1>, vector<16xf32>
    %swap3A_303 = arith.constant 48 : index
    %swap3A_304 = tpu.vector_load %arg6[%swap3A_303] {strides = array<i32>} : memref<320xf32, #tpu.memory_space<vmem>>, vector<16xf32>,
    tpu.vector_store %arg6[%swap3A_303], %select_n3A_302 {strides = array<i32>} : memref<320xf32, #tpu.memory_space<vmem>>, vector<16xf32>,
    %get3A_305 = arith.constant 64 : index
    %get3A_306 = tpu.vector_load %arg5[%get3A_305] {strides = array<i32>} : memref<320xf32, #tpu.memory_space<vmem>>, vector<16xf32>,
    %add3A_307 = arith.constant 1.000000e+00 : f32
    %add3A_308 = vector.broadcast %add3A_307 : f32 to vector<16xf32>
    %add3A_309 = arith.addf %get3A_306, %add3A_308 : vector<16xf32>
    %bitcast3A_310 = vector.bitcast %add3A_309 : vector<16xf32> to vector<16xi32>
    %shift_right_arithmetic3A_311 = arith.constant 1 : i32
    %shift_right_arithmetic3A_312 = vector.broadcast %shift_right_arithmetic3A_311 : i32 to vector<16xi32>
    %shift_right_arithmetic3A_313 = arith.shrsi %bitcast3A_310, %shift_right_arithmetic3A_312 : vector<16xi32>
    %sub3A_314 = arith.constant 1597463007 : i32
    %sub3A_315 = vector.broadcast %sub3A_314 : i32 to vector<16xi32>
    %sub3A_316 = arith.subi %sub3A_315, %shift_right_arithmetic3A_313 : vector<16xi32>
    %bitcast3A_317 = vector.bitcast %sub3A_316 : vector<16xi32> to vector<16xf32>
    %mul3A_318 = arith.constant 5.000000e-01 : f32
    %mul3A_319 = vector.broadcast %mul3A_318 : f32 to vector<16xf32>
    %mul3A_320 = arith.mulf %mul3A_319, %add3A_309 : vector<16xf32>
    %mul3A_321 = arith.mulf %mul3A_320, %bitcast3A_317 : vector<16xf32>
    %mul3A_322 = arith.mulf %mul3A_321, %bitcast3A_317 : vector<16xf32>
    %sub3A_323 = arith.constant 1.500000e+00 : f32
    %sub3A_324 = vector.broadcast %sub3A_323 : f32 to vector<16xf32>
    %sub3A_325 = arith.subf %sub3A_324, %mul3A_322 : vector<16xf32>
    %mul3A_326 = arith.mulf %bitcast3A_317, %sub3A_325 : vector<16xf32>
    %mul3A_327 = arith.constant 5.000000e-01 : f32
    %mul3A_328 = vector.broadcast %mul3A_327 : f32 to vector<16xf32>
    %mul3A_329 = arith.mulf %mul3A_328, %add3A_309 : vector<16xf32>
    %mul3A_330 = arith.mulf %mul3A_329, %mul3A_326 : vector<16xf32>
    %mul3A_331 = arith.mulf %mul3A_330, %mul3A_326 : vector<16xf32>
    %sub3A_332 = arith.constant 1.500000e+00 : f32
    %sub3A_333 = vector.broadcast %sub3A_332 : f32 to vector<16xf32>
    %sub3A_334 = arith.subf %sub3A_333, %mul3A_331 : vector<16xf32>
    %mul3A_335 = arith.mulf %mul3A_326, %sub3A_334 : vector<16xf32>
    %mul3A_336 = arith.constant 5.000000e-01 : f32
    %mul3A_337 = vector.broadcast %mul3A_336 : f32 to vector<16xf32>
    %mul3A_338 = arith.mulf %mul3A_337, %add3A_309 : vector<16xf32>
    %mul3A_339 = arith.mulf %mul3A_338, %mul3A_335 : vector<16xf32>
    %mul3A_340 = arith.mulf %mul3A_339, %mul3A_335 : vector<16xf32>
    %sub3A_341 = arith.constant 1.500000e+00 : f32
    %sub3A_342 = vector.broadcast %sub3A_341 : f32 to vector<16xf32>
    %sub3A_343 = arith.subf %sub3A_342, %mul3A_340 : vector<16xf32>
    %mul3A_344 = arith.mulf %mul3A_335, %sub3A_343 : vector<16xf32>
    %add3A_345 = arith.constant 64 : i32
    %add3A_346 = arith.addi %mul3A_2, %add3A_345 : i32
    %add3A_347 = vector.broadcast %add3A_346 : i32 to vector<16xi32>
    %add3A_348 = arith.addi %add3A_347, %iota3A : vector<16xi32>
    %lt3A_349 = arith.constant 10000 : i32
    %lt3A_350 = vector.broadcast %lt3A_349 : i32 to vector<16xi32>
    %lt3A_351 = arith.cmpi slt, %add3A_348, %lt3A_350 : vector<16xi32>
    %jit3A_352 = arith.constant 0.000000e+00 : f32
    %broadcast_in_dim3A_353 = vector.broadcast %jit3A_352 : f32 to vector<16xf32>
    %select_n3A_354 = arith.select %lt3A_351, %mul3A_344, %broadcast_in_dim3A_353 : vector<16xi1>, vector<16xf32>
    %swap3A_355 = arith.constant 64 : index
    %swap3A_356 = tpu.vector_load %arg6[%swap3A_355] {strides = array<i32>} : memref<320xf32, #tpu.memory_space<vmem>>, vector<16xf32>,
    tpu.vector_store %arg6[%swap3A_355], %select_n3A_354 {strides = array<i32>} : memref<320xf32, #tpu.memory_space<vmem>>, vector<16xf32>,
    %get3A_357 = arith.constant 80 : index
    %get3A_358 = tpu.vector_load %arg5[%get3A_357] {strides = array<i32>} : memref<320xf32, #tpu.memory_space<vmem>>, vector<16xf32>,
    %add3A_359 = arith.constant 1.000000e+00 : f32
    %add3A_360 = vector.broadcast %add3A_359 : f32 to vector<16xf32>
    %add3A_361 = arith.addf %get3A_358, %add3A_360 : vector<16xf32>
    %bitcast3A_362 = vector.bitcast %add3A_361 : vector<16xf32> to vector<16xi32>
    %shift_right_arithmetic3A_363 = arith.constant 1 : i32
    %shift_right_arithmetic3A_364 = vector.broadcast %shift_right_arithmetic3A_363 : i32 to vector<16xi32>
    %shift_right_arithmetic3A_365 = arith.shrsi %bitcast3A_362, %shift_right_arithmetic3A_364 : vector<16xi32>
    %sub3A_366 = arith.constant 1597463007 : i32
    %sub3A_367 = vector.broadcast %sub3A_366 : i32 to vector<16xi32>
    %sub3A_368 = arith.subi %sub3A_367, %shift_right_arithmetic3A_365 : vector<16xi32>
    %bitcast3A_369 = vector.bitcast %sub3A_368 : vector<16xi32> to vector<16xf32>
    %mul3A_370 = arith.constant 5.000000e-01 : f32
    %mul3A_371 = vector.broadcast %mul3A_370 : f32 to vector<16xf32>
    %mul3A_372 = arith.mulf %mul3A_371, %add3A_361 : vector<16xf32>
    %mul3A_373 = arith.mulf %mul3A_372, %bitcast3A_369 : vector<16xf32>
    %mul3A_374 = arith.mulf %mul3A_373, %bitcast3A_369 : vector<16xf32>
    %sub3A_375 = arith.constant 1.500000e+00 : f32
    %sub3A_376 = vector.broadcast %sub3A_375 : f32 to vector<16xf32>
    %sub3A_377 = arith.subf %sub3A_376, %mul3A_374 : vector<16xf32>
    %mul3A_378 = arith.mulf %bitcast3A_369, %sub3A_377 : vector<16xf32>
    %mul3A_379 = arith.constant 5.000000e-01 : f32
    %mul3A_380 = vector.broadcast %mul3A_379 : f32 to vector<16xf32>
    %mul3A_381 = arith.mulf %mul3A_380, %add3A_361 : vector<16xf32>
    %mul3A_382 = arith.mulf %mul3A_381, %mul3A_378 : vector<16xf32>
    %mul3A_383 = arith.mulf %mul3A_382, %mul3A_378 : vector<16xf32>
    %sub3A_384 = arith.constant 1.500000e+00 : f32
    %sub3A_385 = vector.broadcast %sub3A_384 : f32 to vector<16xf32>
    %sub3A_386 = arith.subf %sub3A_385, %mul3A_383 : vector<16xf32>
    %mul3A_387 = arith.mulf %mul3A_378, %sub3A_386 : vector<16xf32>
    %mul3A_388 = arith.constant 5.000000e-01 : f32
    %mul3A_389 = vector.broadcast %mul3A_388 : f32 to vector<16xf32>
    %mul3A_390 = arith.mulf %mul3A_389, %add3A_361 : vector<16xf32>
    %mul3A_391 = arith.mulf %mul3A_390, %mul3A_387 : vector<16xf32>
    %mul3A_392 = arith.mulf %mul3A_391, %mul3A_387 : vector<16xf32>
    %sub3A_393 = arith.constant 1.500000e+00 : f32
    %sub3A_394 = vector.broadcast %sub3A_393 : f32 to vector<16xf32>
    %sub3A_395 = arith.subf %sub3A_394, %mul3A_392 : vector<16xf32>
    %mul3A_396 = arith.mulf %mul3A_387, %sub3A_395 : vector<16xf32>
    %add3A_397 = arith.constant 80 : i32
    %add3A_398 = arith.addi %mul3A_2, %add3A_397 : i32
    %add3A_399 = vector.broadcast %add3A_398 : i32 to vector<16xi32>
    %add3A_400 = arith.addi %add3A_399, %iota3A : vector<16xi32>
    %lt3A_401 = arith.constant 10000 : i32
    %lt3A_402 = vector.broadcast %lt3A_401 : i32 to vector<16xi32>
    %lt3A_403 = arith.cmpi slt, %add3A_400, %lt3A_402 : vector<16xi32>
    %jit3A_404 = arith.constant 0.000000e+00 : f32
    %broadcast_in_dim3A_405 = vector.broadcast %jit3A_404 : f32 to vector<16xf32>
    %select_n3A_406 = arith.select %lt3A_403, %mul3A_396, %broadcast_in_dim3A_405 : vector<16xi1>, vector<16xf32>
    %swap3A_407 = arith.constant 80 : index
    %swap3A_408 = tpu.vector_load %arg6[%swap3A_407] {strides = array<i32>} : memref<320xf32, #tpu.memory_space<vmem>>, vector<16xf32>,
    tpu.vector_store %arg6[%swap3A_407], %select_n3A_406 {strides = array<i32>} : memref<320xf32, #tpu.memory_space<vmem>>, vector<16xf32>,
    %get3A_409 = arith.constant 96 : index
    %get3A_410 = tpu.vector_load %arg5[%get3A_409] {strides = array<i32>} : memref<320xf32, #tpu.memory_space<vmem>>, vector<16xf32>,
    %add3A_411 = arith.constant 1.000000e+00 : f32
    %add3A_412 = vector.broadcast %add3A_411 : f32 to vector<16xf32>
    %add3A_413 = arith.addf %get3A_410, %add3A_412 : vector<16xf32>
    %bitcast3A_414 = vector.bitcast %add3A_413 : vector<16xf32> to vector<16xi32>
    %shift_right_arithmetic3A_415 = arith.constant 1 : i32
    %shift_right_arithmetic3A_416 = vector.broadcast %shift_right_arithmetic3A_415 : i32 to vector<16xi32>
    %shift_right_arithmetic3A_417 = arith.shrsi %bitcast3A_414, %shift_right_arithmetic3A_416 : vector<16xi32>
    %sub3A_418 = arith.constant 1597463007 : i32
    %sub3A_419 = vector.broadcast %sub3A_418 : i32 to vector<16xi32>
    %sub3A_420 = arith.subi %sub3A_419, %shift_right_arithmetic3A_417 : vector<16xi32>
    %bitcast3A_421 = vector.bitcast %sub3A_420 : vector<16xi32> to vector<16xf32>
    %mul3A_422 = arith.constant 5.000000e-01 : f32
    %mul3A_423 = vector.broadcast %mul3A_422 : f32 to vector<16xf32>
    %mul3A_424 = arith.mulf %mul3A_423, %add3A_413 : vector<16xf32>
    %mul3A_425 = arith.mulf %mul3A_424, %bitcast3A_421 : vector<16xf32>
    %mul3A_426 = arith.mulf %mul3A_425, %bitcast3A_421 : vector<16xf32>
    %sub3A_427 = arith.constant 1.500000e+00 : f32
    %sub3A_428 = vector.broadcast %sub3A_427 : f32 to vector<16xf32>
    %sub3A_429 = arith.subf %sub3A_428, %mul3A_426 : vector<16xf32>
    %mul3A_430 = arith.mulf %bitcast3A_421, %sub3A_429 : vector<16xf32>
    %mul3A_431 = arith.constant 5.000000e-01 : f32
    %mul3A_432 = vector.broadcast %mul3A_431 : f32 to vector<16xf32>
    %mul3A_433 = arith.mulf %mul3A_432, %add3A_413 : vector<16xf32>
    %mul3A_434 = arith.mulf %mul3A_433, %mul3A_430 : vector<16xf32>
    %mul3A_435 = arith.mulf %mul3A_434, %mul3A_430 : vector<16xf32>
    %sub3A_436 = arith.constant 1.500000e+00 : f32
    %sub3A_437 = vector.broadcast %sub3A_436 : f32 to vector<16xf32>
    %sub3A_438 = arith.subf %sub3A_437, %mul3A_435 : vector<16xf32>
    %mul3A_439 = arith.mulf %mul3A_430, %sub3A_438 : vector<16xf32>
    %mul3A_440 = arith.constant 5.000000e-01 : f32
    %mul3A_441 = vector.broadcast %mul3A_440 : f32 to vector<16xf32>
    %mul3A_442 = arith.mulf %mul3A_441, %add3A_413 : vector<16xf32>
    %mul3A_443 = arith.mulf %mul3A_442, %mul3A_439 : vector<16xf32>
    %mul3A_444 = arith.mulf %mul3A_443, %mul3A_439 : vector<16xf32>
    %sub3A_445 = arith.constant 1.500000e+00 : f32
    %sub3A_446 = vector.broadcast %sub3A_445 : f32 to vector<16xf32>
    %sub3A_447 = arith.subf %sub3A_446, %mul3A_444 : vector<16xf32>
    %mul3A_448 = arith.mulf %mul3A_439, %sub3A_447 : vector<16xf32>
    %add3A_449 = arith.constant 96 : i32
    %add3A_450 = arith.addi %mul3A_2, %add3A_449 : i32
    %add3A_451 = vector.broadcast %add3A_450 : i32 to vector<16xi32>
    %add3A_452 = arith.addi %add3A_451, %iota3A : vector<16xi32>
    %lt3A_453 = arith.constant 10000 : i32
    %lt3A_454 = vector.broadcast %lt3A_453 : i32 to vector<16xi32>
    %lt3A_455 = arith.cmpi slt, %add3A_452, %lt3A_454 : vector<16xi32>
    %jit3A_456 = arith.constant 0.000000e+00 : f32
    %broadcast_in_dim3A_457 = vector.broadcast %jit3A_456 : f32 to vector<16xf32>
    %select_n3A_458 = arith.select %lt3A_455, %mul3A_448, %broadcast_in_dim3A_457 : vector<16xi1>, vector<16xf32>
    %swap3A_459 = arith.constant 96 : index
    %swap3A_460 = tpu.vector_load %arg6[%swap3A_459] {strides = array<i32>} : memref<320xf32, #tpu.memory_space<vmem>>, vector<16xf32>,
    tpu.vector_store %arg6[%swap3A_459], %select_n3A_458 {strides = array<i32>} : memref<320xf32, #tpu.memory_space<vmem>>, vector<16xf32>,
    %get3A_461 = arith.constant 112 : index
    %get3A_462 = tpu.vector_load %arg5[%get3A_461] {strides = array<i32>} : memref<320xf32, #tpu.memory_space<vmem>>, vector<16xf32>,
    %add3A_463 = arith.constant 1.000000e+00 : f32
    %add3A_464 = vector.broadcast %add3A_463 : f32 to vector<16xf32>
    %add3A_465 = arith.addf %get3A_462, %add3A_464 : vector<16xf32>
    %bitcast3A_466 = vector.bitcast %add3A_465 : vector<16xf32> to vector<16xi32>
    %shift_right_arithmetic3A_467 = arith.constant 1 : i32
    %shift_right_arithmetic3A_468 = vector.broadcast %shift_right_arithmetic3A_467 : i32 to vector<16xi32>
    %shift_right_arithmetic3A_469 = arith.shrsi %bitcast3A_466, %shift_right_arithmetic3A_468 : vector<16xi32>
    %sub3A_470 = arith.constant 1597463007 : i32
    %sub3A_471 = vector.broadcast %sub3A_470 : i32 to vector<16xi32>
    %sub3A_472 = arith.subi %sub3A_471, %shift_right_arithmetic3A_469 : vector<16xi32>
    %bitcast3A_473 = vector.bitcast %sub3A_472 : vector<16xi32> to vector<16xf32>
    %mul3A_474 = arith.constant 5.000000e-01 : f32
    %mul3A_475 = vector.broadcast %mul3A_474 : f32 to vector<16xf32>
    %mul3A_476 = arith.mulf %mul3A_475, %add3A_465 : vector<16xf32>
    %mul3A_477 = arith.mulf %mul3A_476, %bitcast3A_473 : vector<16xf32>
    %mul3A_478 = arith.mulf %mul3A_477, %bitcast3A_473 : vector<16xf32>
    %sub3A_479 = arith.constant 1.500000e+00 : f32
    %sub3A_480 = vector.broadcast %sub3A_479 : f32 to vector<16xf32>
    %sub3A_481 = arith.subf %sub3A_480, %mul3A_478 : vector<16xf32>
    %mul3A_482 = arith.mulf %bitcast3A_473, %sub3A_481 : vector<16xf32>
    %mul3A_483 = arith.constant 5.000000e-01 : f32
    %mul3A_484 = vector.broadcast %mul3A_483 : f32 to vector<16xf32>
    %mul3A_485 = arith.mulf %mul3A_484, %add3A_465 : vector<16xf32>
    %mul3A_486 = arith.mulf %mul3A_485, %mul3A_482 : vector<16xf32>
    %mul3A_487 = arith.mulf %mul3A_486, %mul3A_482 : vector<16xf32>
    %sub3A_488 = arith.constant 1.500000e+00 : f32
    %sub3A_489 = vector.broadcast %sub3A_488 : f32 to vector<16xf32>
    %sub3A_490 = arith.subf %sub3A_489, %mul3A_487 : vector<16xf32>
    %mul3A_491 = arith.mulf %mul3A_482, %sub3A_490 : vector<16xf32>
    %mul3A_492 = arith.constant 5.000000e-01 : f32
    %mul3A_493 = vector.broadcast %mul3A_492 : f32 to vector<16xf32>
    %mul3A_494 = arith.mulf %mul3A_493, %add3A_465 : vector<16xf32>
    %mul3A_495 = arith.mulf %mul3A_494, %mul3A_491 : vector<16xf32>
    %mul3A_496 = arith.mulf %mul3A_495, %mul3A_491 : vector<16xf32>
    %sub3A_497 = arith.constant 1.500000e+00 : f32
    %sub3A_498 = vector.broadcast %sub3A_497 : f32 to vector<16xf32>
    %sub3A_499 = arith.subf %sub3A_498, %mul3A_496 : vector<16xf32>
    %mul3A_500 = arith.mulf %mul3A_491, %sub3A_499 : vector<16xf32>
    %add3A_501 = arith.constant 112 : i32
    %add3A_502 = arith.addi %mul3A_2, %add3A_501 : i32
    %add3A_503 = vector.broadcast %add3A_502 : i32 to vector<16xi32>
    %add3A_504 = arith.addi %add3A_503, %iota3A : vector<16xi32>
    %lt3A_505 = arith.constant 10000 : i32
    %lt3A_506 = vector.broadcast %lt3A_505 : i32 to vector<16xi32>
    %lt3A_507 = arith.cmpi slt, %add3A_504, %lt3A_506 : vector<16xi32>
    %jit3A_508 = arith.constant 0.000000e+00 : f32
    %broadcast_in_dim3A_509 = vector.broadcast %jit3A_508 : f32 to vector<16xf32>
    %select_n3A_510 = arith.select %lt3A_507, %mul3A_500, %broadcast_in_dim3A_509 : vector<16xi1>, vector<16xf32>
    %swap3A_511 = arith.constant 112 : index
    %swap3A_512 = tpu.vector_load %arg6[%swap3A_511] {strides = array<i32>} : memref<320xf32, #tpu.memory_space<vmem>>, vector<16xf32>,
    tpu.vector_store %arg6[%swap3A_511], %select_n3A_510 {strides = array<i32>} : memref<320xf32, #tpu.memory_space<vmem>>, vector<16xf32>,
    %get3A_513 = arith.constant 128 : index
    %get3A_514 = tpu.vector_load %arg5[%get3A_513] {strides = array<i32>} : memref<320xf32, #tpu.memory_space<vmem>>, vector<16xf32>,
    %add3A_515 = arith.constant 1.000000e+00 : f32
    %add3A_516 = vector.broadcast %add3A_515 : f32 to vector<16xf32>
    %add3A_517 = arith.addf %get3A_514, %add3A_516 : vector<16xf32>
    %bitcast3A_518 = vector.bitcast %add3A_517 : vector<16xf32> to vector<16xi32>
    %shift_right_arithmetic3A_519 = arith.constant 1 : i32
    %shift_right_arithmetic3A_520 = vector.broadcast %shift_right_arithmetic3A_519 : i32 to vector<16xi32>
    %shift_right_arithmetic3A_521 = arith.shrsi %bitcast3A_518, %shift_right_arithmetic3A_520 : vector<16xi32>
    %sub3A_522 = arith.constant 1597463007 : i32
    %sub3A_523 = vector.broadcast %sub3A_522 : i32 to vector<16xi32>
    %sub3A_524 = arith.subi %sub3A_523, %shift_right_arithmetic3A_521 : vector<16xi32>
    %bitcast3A_525 = vector.bitcast %sub3A_524 : vector<16xi32> to vector<16xf32>
    %mul3A_526 = arith.constant 5.000000e-01 : f32
    %mul3A_527 = vector.broadcast %mul3A_526 : f32 to vector<16xf32>
    %mul3A_528 = arith.mulf %mul3A_527, %add3A_517 : vector<16xf32>
    %mul3A_529 = arith.mulf %mul3A_528, %bitcast3A_525 : vector<16xf32>
    %mul3A_530 = arith.mulf %mul3A_529, %bitcast3A_525 : vector<16xf32>
    %sub3A_531 = arith.constant 1.500000e+00 : f32
    %sub3A_532 = vector.broadcast %sub3A_531 : f32 to vector<16xf32>
    %sub3A_533 = arith.subf %sub3A_532, %mul3A_530 : vector<16xf32>
    %mul3A_534 = arith.mulf %bitcast3A_525, %sub3A_533 : vector<16xf32>
    %mul3A_535 = arith.constant 5.000000e-01 : f32
    %mul3A_536 = vector.broadcast %mul3A_535 : f32 to vector<16xf32>
    %mul3A_537 = arith.mulf %mul3A_536, %add3A_517 : vector<16xf32>
    %mul3A_538 = arith.mulf %mul3A_537, %mul3A_534 : vector<16xf32>
    %mul3A_539 = arith.mulf %mul3A_538, %mul3A_534 : vector<16xf32>
    %sub3A_540 = arith.constant 1.500000e+00 : f32
    %sub3A_541 = vector.broadcast %sub3A_540 : f32 to vector<16xf32>
    %sub3A_542 = arith.subf %sub3A_541, %mul3A_539 : vector<16xf32>
    %mul3A_543 = arith.mulf %mul3A_534, %sub3A_542 : vector<16xf32>
    %mul3A_544 = arith.constant 5.000000e-01 : f32
    %mul3A_545 = vector.broadcast %mul3A_544 : f32 to vector<16xf32>
    %mul3A_546 = arith.mulf %mul3A_545, %add3A_517 : vector<16xf32>
    %mul3A_547 = arith.mulf %mul3A_546, %mul3A_543 : vector<16xf32>
    %mul3A_548 = arith.mulf %mul3A_547, %mul3A_543 : vector<16xf32>
    %sub3A_549 = arith.constant 1.500000e+00 : f32
    %sub3A_550 = vector.broadcast %sub3A_549 : f32 to vector<16xf32>
    %sub3A_551 = arith.subf %sub3A_550, %mul3A_548 : vector<16xf32>
    %mul3A_552 = arith.mulf %mul3A_543, %sub3A_551 : vector<16xf32>
    %add3A_553 = arith.constant 128 : i32
    %add3A_554 = arith.addi %mul3A_2, %add3A_553 : i32
    %add3A_555 = vector.broadcast %add3A_554 : i32 to vector<16xi32>
    %add3A_556 = arith.addi %add3A_555, %iota3A : vector<16xi32>
    %lt3A_557 = arith.constant 10000 : i32
    %lt3A_558 = vector.broadcast %lt3A_557 : i32 to vector<16xi32>
    %lt3A_559 = arith.cmpi slt, %add3A_556, %lt3A_558 : vector<16xi32>
    %jit3A_560 = arith.constant 0.000000e+00 : f32
    %broadcast_in_dim3A_561 = vector.broadcast %jit3A_560 : f32 to vector<16xf32>
    %select_n3A_562 = arith.select %lt3A_559, %mul3A_552, %broadcast_in_dim3A_561 : vector<16xi1>, vector<16xf32>
    %swap3A_563 = arith.constant 128 : index
    %swap3A_564 = tpu.vector_load %arg6[%swap3A_563] {strides = array<i32>} : memref<320xf32, #tpu.memory_space<vmem>>, vector<16xf32>,
    tpu.vector_store %arg6[%swap3A_563], %select_n3A_562 {strides = array<i32>} : memref<320xf32, #tpu.memory_space<vmem>>, vector<16xf32>,
    %get3A_565 = arith.constant 144 : index
    %get3A_566 = tpu.vector_load %arg5[%get3A_565] {strides = array<i32>} : memref<320xf32, #tpu.memory_space<vmem>>, vector<16xf32>,
    %add3A_567 = arith.constant 1.000000e+00 : f32
    %add3A_568 = vector.broadcast %add3A_567 : f32 to vector<16xf32>
    %add3A_569 = arith.addf %get3A_566, %add3A_568 : vector<16xf32>
    %bitcast3A_570 = vector.bitcast %add3A_569 : vector<16xf32> to vector<16xi32>
    %shift_right_arithmetic3A_571 = arith.constant 1 : i32
    %shift_right_arithmetic3A_572 = vector.broadcast %shift_right_arithmetic3A_571 : i32 to vector<16xi32>
    %shift_right_arithmetic3A_573 = arith.shrsi %bitcast3A_570, %shift_right_arithmetic3A_572 : vector<16xi32>
    %sub3A_574 = arith.constant 1597463007 : i32
    %sub3A_575 = vector.broadcast %sub3A_574 : i32 to vector<16xi32>
    %sub3A_576 = arith.subi %sub3A_575, %shift_right_arithmetic3A_573 : vector<16xi32>
    %bitcast3A_577 = vector.bitcast %sub3A_576 : vector<16xi32> to vector<16xf32>
    %mul3A_578 = arith.constant 5.000000e-01 : f32
    %mul3A_579 = vector.broadcast %mul3A_578 : f32 to vector<16xf32>
    %mul3A_580 = arith.mulf %mul3A_579, %add3A_569 : vector<16xf32>
    %mul3A_581 = arith.mulf %mul3A_580, %bitcast3A_577 : vector<16xf32>
    %mul3A_582 = arith.mulf %mul3A_581, %bitcast3A_577 : vector<16xf32>
    %sub3A_583 = arith.constant 1.500000e+00 : f32
    %sub3A_584 = vector.broadcast %sub3A_583 : f32 to vector<16xf32>
    %sub3A_585 = arith.subf %sub3A_584, %mul3A_582 : vector<16xf32>
    %mul3A_586 = arith.mulf %bitcast3A_577, %sub3A_585 : vector<16xf32>
    %mul3A_587 = arith.constant 5.000000e-01 : f32
    %mul3A_588 = vector.broadcast %mul3A_587 : f32 to vector<16xf32>
    %mul3A_589 = arith.mulf %mul3A_588, %add3A_569 : vector<16xf32>
    %mul3A_590 = arith.mulf %mul3A_589, %mul3A_586 : vector<16xf32>
    %mul3A_591 = arith.mulf %mul3A_590, %mul3A_586 : vector<16xf32>
    %sub3A_592 = arith.constant 1.500000e+00 : f32
    %sub3A_593 = vector.broadcast %sub3A_592 : f32 to vector<16xf32>
    %sub3A_594 = arith.subf %sub3A_593, %mul3A_591 : vector<16xf32>
    %mul3A_595 = arith.mulf %mul3A_586, %sub3A_594 : vector<16xf32>
    %mul3A_596 = arith.constant 5.000000e-01 : f32
    %mul3A_597 = vector.broadcast %mul3A_596 : f32 to vector<16xf32>
    %mul3A_598 = arith.mulf %mul3A_597, %add3A_569 : vector<16xf32>
    %mul3A_599 = arith.mulf %mul3A_598, %mul3A_595 : vector<16xf32>
    %mul3A_600 = arith.mulf %mul3A_599, %mul3A_595 : vector<16xf32>
    %sub3A_601 = arith.constant 1.500000e+00 : f32
    %sub3A_602 = vector.broadcast %sub3A_601 : f32 to vector<16xf32>
    %sub3A_603 = arith.subf %sub3A_602, %mul3A_600 : vector<16xf32>
    %mul3A_604 = arith.mulf %mul3A_595, %sub3A_603 : vector<16xf32>
    %add3A_605 = arith.constant 144 : i32
    %add3A_606 = arith.addi %mul3A_2, %add3A_605 : i32
    %add3A_607 = vector.broadcast %add3A_606 : i32 to vector<16xi32>
    %add3A_608 = arith.addi %add3A_607, %iota3A : vector<16xi32>
    %lt3A_609 = arith.constant 10000 : i32
    %lt3A_610 = vector.broadcast %lt3A_609 : i32 to vector<16xi32>
    %lt3A_611 = arith.cmpi slt, %add3A_608, %lt3A_610 : vector<16xi32>
    %jit3A_612 = arith.constant 0.000000e+00 : f32
    %broadcast_in_dim3A_613 = vector.broadcast %jit3A_612 : f32 to vector<16xf32>
    %select_n3A_614 = arith.select %lt3A_611, %mul3A_604, %broadcast_in_dim3A_613 : vector<16xi1>, vector<16xf32>
    %swap3A_615 = arith.constant 144 : index
    %swap3A_616 = tpu.vector_load %arg6[%swap3A_615] {strides = array<i32>} : memref<320xf32, #tpu.memory_space<vmem>>, vector<16xf32>,
    tpu.vector_store %arg6[%swap3A_615], %select_n3A_614 {strides = array<i32>} : memref<320xf32, #tpu.memory_space<vmem>>, vector<16xf32>,
    %get3A_617 = arith.constant 160 : index
    %get3A_618 = tpu.vector_load %arg5[%get3A_617] {strides = array<i32>} : memref<320xf32, #tpu.memory_space<vmem>>, vector<16xf32>,
    %add3A_619 = arith.constant 1.000000e+00 : f32
    %add3A_620 = vector.broadcast %add3A_619 : f32 to vector<16xf32>
    %add3A_621 = arith.addf %get3A_618, %add3A_620 : vector<16xf32>
    %bitcast3A_622 = vector.bitcast %add3A_621 : vector<16xf32> to vector<16xi32>
    %shift_right_arithmetic3A_623 = arith.constant 1 : i32
    %shift_right_arithmetic3A_624 = vector.broadcast %shift_right_arithmetic3A_623 : i32 to vector<16xi32>
    %shift_right_arithmetic3A_625 = arith.shrsi %bitcast3A_622, %shift_right_arithmetic3A_624 : vector<16xi32>
    %sub3A_626 = arith.constant 1597463007 : i32
    %sub3A_627 = vector.broadcast %sub3A_626 : i32 to vector<16xi32>
    %sub3A_628 = arith.subi %sub3A_627, %shift_right_arithmetic3A_625 : vector<16xi32>
    %bitcast3A_629 = vector.bitcast %sub3A_628 : vector<16xi32> to vector<16xf32>
    %mul3A_630 = arith.constant 5.000000e-01 : f32
    %mul3A_631 = vector.broadcast %mul3A_630 : f32 to vector<16xf32>
    %mul3A_632 = arith.mulf %mul3A_631, %add3A_621 : vector<16xf32>
    %mul3A_633 = arith.mulf %mul3A_632, %bitcast3A_629 : vector<16xf32>
    %mul3A_634 = arith.mulf %mul3A_633, %bitcast3A_629 : vector<16xf32>
    %sub3A_635 = arith.constant 1.500000e+00 : f32
    %sub3A_636 = vector.broadcast %sub3A_635 : f32 to vector<16xf32>
    %sub3A_637 = arith.subf %sub3A_636, %mul3A_634 : vector<16xf32>
    %mul3A_638 = arith.mulf %bitcast3A_629, %sub3A_637 : vector<16xf32>
    %mul3A_639 = arith.constant 5.000000e-01 : f32
    %mul3A_640 = vector.broadcast %mul3A_639 : f32 to vector<16xf32>
    %mul3A_641 = arith.mulf %mul3A_640, %add3A_621 : vector<16xf32>
    %mul3A_642 = arith.mulf %mul3A_641, %mul3A_638 : vector<16xf32>
    %mul3A_643 = arith.mulf %mul3A_642, %mul3A_638 : vector<16xf32>
    %sub3A_644 = arith.constant 1.500000e+00 : f32
    %sub3A_645 = vector.broadcast %sub3A_644 : f32 to vector<16xf32>
    %sub3A_646 = arith.subf %sub3A_645, %mul3A_643 : vector<16xf32>
    %mul3A_647 = arith.mulf %mul3A_638, %sub3A_646 : vector<16xf32>
    %mul3A_648 = arith.constant 5.000000e-01 : f32
    %mul3A_649 = vector.broadcast %mul3A_648 : f32 to vector<16xf32>
    %mul3A_650 = arith.mulf %mul3A_649, %add3A_621 : vector<16xf32>
    %mul3A_651 = arith.mulf %mul3A_650, %mul3A_647 : vector<16xf32>
    %mul3A_652 = arith.mulf %mul3A_651, %mul3A_647 : vector<16xf32>
    %sub3A_653 = arith.constant 1.500000e+00 : f32
    %sub3A_654 = vector.broadcast %sub3A_653 : f32 to vector<16xf32>
    %sub3A_655 = arith.subf %sub3A_654, %mul3A_652 : vector<16xf32>
    %mul3A_656 = arith.mulf %mul3A_647, %sub3A_655 : vector<16xf32>
    %add3A_657 = arith.constant 160 : i32
    %add3A_658 = arith.addi %mul3A_2, %add3A_657 : i32
    %add3A_659 = vector.broadcast %add3A_658 : i32 to vector<16xi32>
    %add3A_660 = arith.addi %add3A_659, %iota3A : vector<16xi32>
    %lt3A_661 = arith.constant 10000 : i32
    %lt3A_662 = vector.broadcast %lt3A_661 : i32 to vector<16xi32>
    %lt3A_663 = arith.cmpi slt, %add3A_660, %lt3A_662 : vector<16xi32>
    %jit3A_664 = arith.constant 0.000000e+00 : f32
    %broadcast_in_dim3A_665 = vector.broadcast %jit3A_664 : f32 to vector<16xf32>
    %select_n3A_666 = arith.select %lt3A_663, %mul3A_656, %broadcast_in_dim3A_665 : vector<16xi1>, vector<16xf32>
    %swap3A_667 = arith.constant 160 : index
    %swap3A_668 = tpu.vector_load %arg6[%swap3A_667] {strides = array<i32>} : memref<320xf32, #tpu.memory_space<vmem>>, vector<16xf32>,
    tpu.vector_store %arg6[%swap3A_667], %select_n3A_666 {strides = array<i32>} : memref<320xf32, #tpu.memory_space<vmem>>, vector<16xf32>,
    %get3A_669 = arith.constant 176 : index
    %get3A_670 = tpu.vector_load %arg5[%get3A_669] {strides = array<i32>} : memref<320xf32, #tpu.memory_space<vmem>>, vector<16xf32>,
    %add3A_671 = arith.constant 1.000000e+00 : f32
    %add3A_672 = vector.broadcast %add3A_671 : f32 to vector<16xf32>
    %add3A_673 = arith.addf %get3A_670, %add3A_672 : vector<16xf32>
    %bitcast3A_674 = vector.bitcast %add3A_673 : vector<16xf32> to vector<16xi32>
    %shift_right_arithmetic3A_675 = arith.constant 1 : i32
    %shift_right_arithmetic3A_676 = vector.broadcast %shift_right_arithmetic3A_675 : i32 to vector<16xi32>
    %shift_right_arithmetic3A_677 = arith.shrsi %bitcast3A_674, %shift_right_arithmetic3A_676 : vector<16xi32>
    %sub3A_678 = arith.constant 1597463007 : i32
    %sub3A_679 = vector.broadcast %sub3A_678 : i32 to vector<16xi32>
    %sub3A_680 = arith.subi %sub3A_679, %shift_right_arithmetic3A_677 : vector<16xi32>
    %bitcast3A_681 = vector.bitcast %sub3A_680 : vector<16xi32> to vector<16xf32>
    %mul3A_682 = arith.constant 5.000000e-01 : f32
    %mul3A_683 = vector.broadcast %mul3A_682 : f32 to vector<16xf32>
    %mul3A_684 = arith.mulf %mul3A_683, %add3A_673 : vector<16xf32>
    %mul3A_685 = arith.mulf %mul3A_684, %bitcast3A_681 : vector<16xf32>
    %mul3A_686 = arith.mulf %mul3A_685, %bitcast3A_681 : vector<16xf32>
    %sub3A_687 = arith.constant 1.500000e+00 : f32
    %sub3A_688 = vector.broadcast %sub3A_687 : f32 to vector<16xf32>
    %sub3A_689 = arith.subf %sub3A_688, %mul3A_686 : vector<16xf32>
    %mul3A_690 = arith.mulf %bitcast3A_681, %sub3A_689 : vector<16xf32>
    %mul3A_691 = arith.constant 5.000000e-01 : f32
    %mul3A_692 = vector.broadcast %mul3A_691 : f32 to vector<16xf32>
    %mul3A_693 = arith.mulf %mul3A_692, %add3A_673 : vector<16xf32>
    %mul3A_694 = arith.mulf %mul3A_693, %mul3A_690 : vector<16xf32>
    %mul3A_695 = arith.mulf %mul3A_694, %mul3A_690 : vector<16xf32>
    %sub3A_696 = arith.constant 1.500000e+00 : f32
    %sub3A_697 = vector.broadcast %sub3A_696 : f32 to vector<16xf32>
    %sub3A_698 = arith.subf %sub3A_697, %mul3A_695 : vector<16xf32>
    %mul3A_699 = arith.mulf %mul3A_690, %sub3A_698 : vector<16xf32>
    %mul3A_700 = arith.constant 5.000000e-01 : f32
    %mul3A_701 = vector.broadcast %mul3A_700 : f32 to vector<16xf32>
    %mul3A_702 = arith.mulf %mul3A_701, %add3A_673 : vector<16xf32>
    %mul3A_703 = arith.mulf %mul3A_702, %mul3A_699 : vector<16xf32>
    %mul3A_704 = arith.mulf %mul3A_703, %mul3A_699 : vector<16xf32>
    %sub3A_705 = arith.constant 1.500000e+00 : f32
    %sub3A_706 = vector.broadcast %sub3A_705 : f32 to vector<16xf32>
    %sub3A_707 = arith.subf %sub3A_706, %mul3A_704 : vector<16xf32>
    %mul3A_708 = arith.mulf %mul3A_699, %sub3A_707 : vector<16xf32>
    %add3A_709 = arith.constant 176 : i32
    %add3A_710 = arith.addi %mul3A_2, %add3A_709 : i32
    %add3A_711 = vector.broadcast %add3A_710 : i32 to vector<16xi32>
    %add3A_712 = arith.addi %add3A_711, %iota3A : vector<16xi32>
    %lt3A_713 = arith.constant 10000 : i32
    %lt3A_714 = vector.broadcast %lt3A_713 : i32 to vector<16xi32>
    %lt3A_715 = arith.cmpi slt, %add3A_712, %lt3A_714 : vector<16xi32>
    %jit3A_716 = arith.constant 0.000000e+00 : f32
    %broadcast_in_dim3A_717 = vector.broadcast %jit3A_716 : f32 to vector<16xf32>
    %select_n3A_718 = arith.select %lt3A_715, %mul3A_708, %broadcast_in_dim3A_717 : vector<16xi1>, vector<16xf32>
    %swap3A_719 = arith.constant 176 : index
    %swap3A_720 = tpu.vector_load %arg6[%swap3A_719] {strides = array<i32>} : memref<320xf32, #tpu.memory_space<vmem>>, vector<16xf32>,
    tpu.vector_store %arg6[%swap3A_719], %select_n3A_718 {strides = array<i32>} : memref<320xf32, #tpu.memory_space<vmem>>, vector<16xf32>,
    %get3A_721 = arith.constant 192 : index
    %get3A_722 = tpu.vector_load %arg5[%get3A_721] {strides = array<i32>} : memref<320xf32, #tpu.memory_space<vmem>>, vector<16xf32>,
    %add3A_723 = arith.constant 1.000000e+00 : f32
    %add3A_724 = vector.broadcast %add3A_723 : f32 to vector<16xf32>
    %add3A_725 = arith.addf %get3A_722, %add3A_724 : vector<16xf32>
    %bitcast3A_726 = vector.bitcast %add3A_725 : vector<16xf32> to vector<16xi32>
    %shift_right_arithmetic3A_727 = arith.constant 1 : i32
    %shift_right_arithmetic3A_728 = vector.broadcast %shift_right_arithmetic3A_727 : i32 to vector<16xi32>
    %shift_right_arithmetic3A_729 = arith.shrsi %bitcast3A_726, %shift_right_arithmetic3A_728 : vector<16xi32>
    %sub3A_730 = arith.constant 1597463007 : i32
    %sub3A_731 = vector.broadcast %sub3A_730 : i32 to vector<16xi32>
    %sub3A_732 = arith.subi %sub3A_731, %shift_right_arithmetic3A_729 : vector<16xi32>
    %bitcast3A_733 = vector.bitcast %sub3A_732 : vector<16xi32> to vector<16xf32>
    %mul3A_734 = arith.constant 5.000000e-01 : f32
    %mul3A_735 = vector.broadcast %mul3A_734 : f32 to vector<16xf32>
    %mul3A_736 = arith.mulf %mul3A_735, %add3A_725 : vector<16xf32>
    %mul3A_737 = arith.mulf %mul3A_736, %bitcast3A_733 : vector<16xf32>
    %mul3A_738 = arith.mulf %mul3A_737, %bitcast3A_733 : vector<16xf32>
    %sub3A_739 = arith.constant 1.500000e+00 : f32
    %sub3A_740 = vector.broadcast %sub3A_739 : f32 to vector<16xf32>
    %sub3A_741 = arith.subf %sub3A_740, %mul3A_738 : vector<16xf32>
    %mul3A_742 = arith.mulf %bitcast3A_733, %sub3A_741 : vector<16xf32>
    %mul3A_743 = arith.constant 5.000000e-01 : f32
    %mul3A_744 = vector.broadcast %mul3A_743 : f32 to vector<16xf32>
    %mul3A_745 = arith.mulf %mul3A_744, %add3A_725 : vector<16xf32>
    %mul3A_746 = arith.mulf %mul3A_745, %mul3A_742 : vector<16xf32>
    %mul3A_747 = arith.mulf %mul3A_746, %mul3A_742 : vector<16xf32>
    %sub3A_748 = arith.constant 1.500000e+00 : f32
    %sub3A_749 = vector.broadcast %sub3A_748 : f32 to vector<16xf32>
    %sub3A_750 = arith.subf %sub3A_749, %mul3A_747 : vector<16xf32>
    %mul3A_751 = arith.mulf %mul3A_742, %sub3A_750 : vector<16xf32>
    %mul3A_752 = arith.constant 5.000000e-01 : f32
    %mul3A_753 = vector.broadcast %mul3A_752 : f32 to vector<16xf32>
    %mul3A_754 = arith.mulf %mul3A_753, %add3A_725 : vector<16xf32>
    %mul3A_755 = arith.mulf %mul3A_754, %mul3A_751 : vector<16xf32>
    %mul3A_756 = arith.mulf %mul3A_755, %mul3A_751 : vector<16xf32>
    %sub3A_757 = arith.constant 1.500000e+00 : f32
    %sub3A_758 = vector.broadcast %sub3A_757 : f32 to vector<16xf32>
    %sub3A_759 = arith.subf %sub3A_758, %mul3A_756 : vector<16xf32>
    %mul3A_760 = arith.mulf %mul3A_751, %sub3A_759 : vector<16xf32>
    %add3A_761 = arith.constant 192 : i32
    %add3A_762 = arith.addi %mul3A_2, %add3A_761 : i32
    %add3A_763 = vector.broadcast %add3A_762 : i32 to vector<16xi32>
    %add3A_764 = arith.addi %add3A_763, %iota3A : vector<16xi32>
    %lt3A_765 = arith.constant 10000 : i32
    %lt3A_766 = vector.broadcast %lt3A_765 : i32 to vector<16xi32>
    %lt3A_767 = arith.cmpi slt, %add3A_764, %lt3A_766 : vector<16xi32>
    %jit3A_768 = arith.constant 0.000000e+00 : f32
    %broadcast_in_dim3A_769 = vector.broadcast %jit3A_768 : f32 to vector<16xf32>
    %select_n3A_770 = arith.select %lt3A_767, %mul3A_760, %broadcast_in_dim3A_769 : vector<16xi1>, vector<16xf32>
    %swap3A_771 = arith.constant 192 : index
    %swap3A_772 = tpu.vector_load %arg6[%swap3A_771] {strides = array<i32>} : memref<320xf32, #tpu.memory_space<vmem>>, vector<16xf32>,
    tpu.vector_store %arg6[%swap3A_771], %select_n3A_770 {strides = array<i32>} : memref<320xf32, #tpu.memory_space<vmem>>, vector<16xf32>,
    %get3A_773 = arith.constant 208 : index
    %get3A_774 = tpu.vector_load %arg5[%get3A_773] {strides = array<i32>} : memref<320xf32, #tpu.memory_space<vmem>>, vector<16xf32>,
    %add3A_775 = arith.constant 1.000000e+00 : f32
    %add3A_776 = vector.broadcast %add3A_775 : f32 to vector<16xf32>
    %add3A_777 = arith.addf %get3A_774, %add3A_776 : vector<16xf32>
    %bitcast3A_778 = vector.bitcast %add3A_777 : vector<16xf32> to vector<16xi32>
    %shift_right_arithmetic3A_779 = arith.constant 1 : i32
    %shift_right_arithmetic3A_780 = vector.broadcast %shift_right_arithmetic3A_779 : i32 to vector<16xi32>
    %shift_right_arithmetic3A_781 = arith.shrsi %bitcast3A_778, %shift_right_arithmetic3A_780 : vector<16xi32>
    %sub3A_782 = arith.constant 1597463007 : i32
    %sub3A_783 = vector.broadcast %sub3A_782 : i32 to vector<16xi32>
    %sub3A_784 = arith.subi %sub3A_783, %shift_right_arithmetic3A_781 : vector<16xi32>
    %bitcast3A_785 = vector.bitcast %sub3A_784 : vector<16xi32> to vector<16xf32>
    %mul3A_786 = arith.constant 5.000000e-01 : f32
    %mul3A_787 = vector.broadcast %mul3A_786 : f32 to vector<16xf32>
    %mul3A_788 = arith.mulf %mul3A_787, %add3A_777 : vector<16xf32>
    %mul3A_789 = arith.mulf %mul3A_788, %bitcast3A_785 : vector<16xf32>
    %mul3A_790 = arith.mulf %mul3A_789, %bitcast3A_785 : vector<16xf32>
    %sub3A_791 = arith.constant 1.500000e+00 : f32
    %sub3A_792 = vector.broadcast %sub3A_791 : f32 to vector<16xf32>
    %sub3A_793 = arith.subf %sub3A_792, %mul3A_790 : vector<16xf32>
    %mul3A_794 = arith.mulf %bitcast3A_785, %sub3A_793 : vector<16xf32>
    %mul3A_795 = arith.constant 5.000000e-01 : f32
    %mul3A_796 = vector.broadcast %mul3A_795 : f32 to vector<16xf32>
    %mul3A_797 = arith.mulf %mul3A_796, %add3A_777 : vector<16xf32>
    %mul3A_798 = arith.mulf %mul3A_797, %mul3A_794 : vector<16xf32>
    %mul3A_799 = arith.mulf %mul3A_798, %mul3A_794 : vector<16xf32>
    %sub3A_800 = arith.constant 1.500000e+00 : f32
    %sub3A_801 = vector.broadcast %sub3A_800 : f32 to vector<16xf32>
    %sub3A_802 = arith.subf %sub3A_801, %mul3A_799 : vector<16xf32>
    %mul3A_803 = arith.mulf %mul3A_794, %sub3A_802 : vector<16xf32>
    %mul3A_804 = arith.constant 5.000000e-01 : f32
    %mul3A_805 = vector.broadcast %mul3A_804 : f32 to vector<16xf32>
    %mul3A_806 = arith.mulf %mul3A_805, %add3A_777 : vector<16xf32>
    %mul3A_807 = arith.mulf %mul3A_806, %mul3A_803 : vector<16xf32>
    %mul3A_808 = arith.mulf %mul3A_807, %mul3A_803 : vector<16xf32>
    %sub3A_809 = arith.constant 1.500000e+00 : f32
    %sub3A_810 = vector.broadcast %sub3A_809 : f32 to vector<16xf32>
    %sub3A_811 = arith.subf %sub3A_810, %mul3A_808 : vector<16xf32>
    %mul3A_812 = arith.mulf %mul3A_803, %sub3A_811 : vector<16xf32>
    %add3A_813 = arith.constant 208 : i32
    %add3A_814 = arith.addi %mul3A_2, %add3A_813 : i32
    %add3A_815 = vector.broadcast %add3A_814 : i32 to vector<16xi32>
    %add3A_816 = arith.addi %add3A_815, %iota3A : vector<16xi32>
    %lt3A_817 = arith.constant 10000 : i32
    %lt3A_818 = vector.broadcast %lt3A_817 : i32 to vector<16xi32>
    %lt3A_819 = arith.cmpi slt, %add3A_816, %lt3A_818 : vector<16xi32>
    %jit3A_820 = arith.constant 0.000000e+00 : f32
    %broadcast_in_dim3A_821 = vector.broadcast %jit3A_820 : f32 to vector<16xf32>
    %select_n3A_822 = arith.select %lt3A_819, %mul3A_812, %broadcast_in_dim3A_821 : vector<16xi1>, vector<16xf32>
    %swap3A_823 = arith.constant 208 : index
    %swap3A_824 = tpu.vector_load %arg6[%swap3A_823] {strides = array<i32>} : memref<320xf32, #tpu.memory_space<vmem>>, vector<16xf32>,
    tpu.vector_store %arg6[%swap3A_823], %select_n3A_822 {strides = array<i32>} : memref<320xf32, #tpu.memory_space<vmem>>, vector<16xf32>,
    %get3A_825 = arith.constant 224 : index
    %get3A_826 = tpu.vector_load %arg5[%get3A_825] {strides = array<i32>} : memref<320xf32, #tpu.memory_space<vmem>>, vector<16xf32>,
    %add3A_827 = arith.constant 1.000000e+00 : f32
    %add3A_828 = vector.broadcast %add3A_827 : f32 to vector<16xf32>
    %add3A_829 = arith.addf %get3A_826, %add3A_828 : vector<16xf32>
    %bitcast3A_830 = vector.bitcast %add3A_829 : vector<16xf32> to vector<16xi32>
    %shift_right_arithmetic3A_831 = arith.constant 1 : i32
    %shift_right_arithmetic3A_832 = vector.broadcast %shift_right_arithmetic3A_831 : i32 to vector<16xi32>
    %shift_right_arithmetic3A_833 = arith.shrsi %bitcast3A_830, %shift_right_arithmetic3A_832 : vector<16xi32>
    %sub3A_834 = arith.constant 1597463007 : i32
    %sub3A_835 = vector.broadcast %sub3A_834 : i32 to vector<16xi32>
    %sub3A_836 = arith.subi %sub3A_835, %shift_right_arithmetic3A_833 : vector<16xi32>
    %bitcast3A_837 = vector.bitcast %sub3A_836 : vector<16xi32> to vector<16xf32>
    %mul3A_838 = arith.constant 5.000000e-01 : f32
    %mul3A_839 = vector.broadcast %mul3A_838 : f32 to vector<16xf32>
    %mul3A_840 = arith.mulf %mul3A_839, %add3A_829 : vector<16xf32>
    %mul3A_841 = arith.mulf %mul3A_840, %bitcast3A_837 : vector<16xf32>
    %mul3A_842 = arith.mulf %mul3A_841, %bitcast3A_837 : vector<16xf32>
    %sub3A_843 = arith.constant 1.500000e+00 : f32
    %sub3A_844 = vector.broadcast %sub3A_843 : f32 to vector<16xf32>
    %sub3A_845 = arith.subf %sub3A_844, %mul3A_842 : vector<16xf32>
    %mul3A_846 = arith.mulf %bitcast3A_837, %sub3A_845 : vector<16xf32>
    %mul3A_847 = arith.constant 5.000000e-01 : f32
    %mul3A_848 = vector.broadcast %mul3A_847 : f32 to vector<16xf32>
    %mul3A_849 = arith.mulf %mul3A_848, %add3A_829 : vector<16xf32>
    %mul3A_850 = arith.mulf %mul3A_849, %mul3A_846 : vector<16xf32>
    %mul3A_851 = arith.mulf %mul3A_850, %mul3A_846 : vector<16xf32>
    %sub3A_852 = arith.constant 1.500000e+00 : f32
    %sub3A_853 = vector.broadcast %sub3A_852 : f32 to vector<16xf32>
    %sub3A_854 = arith.subf %sub3A_853, %mul3A_851 : vector<16xf32>
    %mul3A_855 = arith.mulf %mul3A_846, %sub3A_854 : vector<16xf32>
    %mul3A_856 = arith.constant 5.000000e-01 : f32
    %mul3A_857 = vector.broadcast %mul3A_856 : f32 to vector<16xf32>
    %mul3A_858 = arith.mulf %mul3A_857, %add3A_829 : vector<16xf32>
    %mul3A_859 = arith.mulf %mul3A_858, %mul3A_855 : vector<16xf32>
    %mul3A_860 = arith.mulf %mul3A_859, %mul3A_855 : vector<16xf32>
    %sub3A_861 = arith.constant 1.500000e+00 : f32
    %sub3A_862 = vector.broadcast %sub3A_861 : f32 to vector<16xf32>
    %sub3A_863 = arith.subf %sub3A_862, %mul3A_860 : vector<16xf32>
    %mul3A_864 = arith.mulf %mul3A_855, %sub3A_863 : vector<16xf32>
    %add3A_865 = arith.constant 224 : i32
    %add3A_866 = arith.addi %mul3A_2, %add3A_865 : i32
    %add3A_867 = vector.broadcast %add3A_866 : i32 to vector<16xi32>
    %add3A_868 = arith.addi %add3A_867, %iota3A : vector<16xi32>
    %lt3A_869 = arith.constant 10000 : i32
    %lt3A_870 = vector.broadcast %lt3A_869 : i32 to vector<16xi32>
    %lt3A_871 = arith.cmpi slt, %add3A_868, %lt3A_870 : vector<16xi32>
    %jit3A_872 = arith.constant 0.000000e+00 : f32
    %broadcast_in_dim3A_873 = vector.broadcast %jit3A_872 : f32 to vector<16xf32>
    %select_n3A_874 = arith.select %lt3A_871, %mul3A_864, %broadcast_in_dim3A_873 : vector<16xi1>, vector<16xf32>
    %swap3A_875 = arith.constant 224 : index
    %swap3A_876 = tpu.vector_load %arg6[%swap3A_875] {strides = array<i32>} : memref<320xf32, #tpu.memory_space<vmem>>, vector<16xf32>,
    tpu.vector_store %arg6[%swap3A_875], %select_n3A_874 {strides = array<i32>} : memref<320xf32, #tpu.memory_space<vmem>>, vector<16xf32>,
    %get3A_877 = arith.constant 240 : index
    %get3A_878 = tpu.vector_load %arg5[%get3A_877] {strides = array<i32>} : memref<320xf32, #tpu.memory_space<vmem>>, vector<16xf32>,
    %add3A_879 = arith.constant 1.000000e+00 : f32
    %add3A_880 = vector.broadcast %add3A_879 : f32 to vector<16xf32>
    %add3A_881 = arith.addf %get3A_878, %add3A_880 : vector<16xf32>
    %bitcast3A_882 = vector.bitcast %add3A_881 : vector<16xf32> to vector<16xi32>
    %shift_right_arithmetic3A_883 = arith.constant 1 : i32
    %shift_right_arithmetic3A_884 = vector.broadcast %shift_right_arithmetic3A_883 : i32 to vector<16xi32>
    %shift_right_arithmetic3A_885 = arith.shrsi %bitcast3A_882, %shift_right_arithmetic3A_884 : vector<16xi32>
    %sub3A_886 = arith.constant 1597463007 : i32
    %sub3A_887 = vector.broadcast %sub3A_886 : i32 to vector<16xi32>
    %sub3A_888 = arith.subi %sub3A_887, %shift_right_arithmetic3A_885 : vector<16xi32>
    %bitcast3A_889 = vector.bitcast %sub3A_888 : vector<16xi32> to vector<16xf32>
    %mul3A_890 = arith.constant 5.000000e-01 : f32
    %mul3A_891 = vector.broadcast %mul3A_890 : f32 to vector<16xf32>
    %mul3A_892 = arith.mulf %mul3A_891, %add3A_881 : vector<16xf32>
    %mul3A_893 = arith.mulf %mul3A_892, %bitcast3A_889 : vector<16xf32>
    %mul3A_894 = arith.mulf %mul3A_893, %bitcast3A_889 : vector<16xf32>
    %sub3A_895 = arith.constant 1.500000e+00 : f32
    %sub3A_896 = vector.broadcast %sub3A_895 : f32 to vector<16xf32>
    %sub3A_897 = arith.subf %sub3A_896, %mul3A_894 : vector<16xf32>
    %mul3A_898 = arith.mulf %bitcast3A_889, %sub3A_897 : vector<16xf32>
    %mul3A_899 = arith.constant 5.000000e-01 : f32
    %mul3A_900 = vector.broadcast %mul3A_899 : f32 to vector<16xf32>
    %mul3A_901 = arith.mulf %mul3A_900, %add3A_881 : vector<16xf32>
    %mul3A_902 = arith.mulf %mul3A_901, %mul3A_898 : vector<16xf32>
    %mul3A_903 = arith.mulf %mul3A_902, %mul3A_898 : vector<16xf32>
    %sub3A_904 = arith.constant 1.500000e+00 : f32
    %sub3A_905 = vector.broadcast %sub3A_904 : f32 to vector<16xf32>
    %sub3A_906 = arith.subf %sub3A_905, %mul3A_903 : vector<16xf32>
    %mul3A_907 = arith.mulf %mul3A_898, %sub3A_906 : vector<16xf32>
    %mul3A_908 = arith.constant 5.000000e-01 : f32
    %mul3A_909 = vector.broadcast %mul3A_908 : f32 to vector<16xf32>
    %mul3A_910 = arith.mulf %mul3A_909, %add3A_881 : vector<16xf32>
    %mul3A_911 = arith.mulf %mul3A_910, %mul3A_907 : vector<16xf32>
    %mul3A_912 = arith.mulf %mul3A_911, %mul3A_907 : vector<16xf32>
    %sub3A_913 = arith.constant 1.500000e+00 : f32
    %sub3A_914 = vector.broadcast %sub3A_913 : f32 to vector<16xf32>
    %sub3A_915 = arith.subf %sub3A_914, %mul3A_912 : vector<16xf32>
    %mul3A_916 = arith.mulf %mul3A_907, %sub3A_915 : vector<16xf32>
    %add3A_917 = arith.constant 240 : i32
    %add3A_918 = arith.addi %mul3A_2, %add3A_917 : i32
    %add3A_919 = vector.broadcast %add3A_918 : i32 to vector<16xi32>
    %add3A_920 = arith.addi %add3A_919, %iota3A : vector<16xi32>
    %lt3A_921 = arith.constant 10000 : i32
    %lt3A_922 = vector.broadcast %lt3A_921 : i32 to vector<16xi32>
    %lt3A_923 = arith.cmpi slt, %add3A_920, %lt3A_922 : vector<16xi32>
    %jit3A_924 = arith.constant 0.000000e+00 : f32
    %broadcast_in_dim3A_925 = vector.broadcast %jit3A_924 : f32 to vector<16xf32>
    %select_n3A_926 = arith.select %lt3A_923, %mul3A_916, %broadcast_in_dim3A_925 : vector<16xi1>, vector<16xf32>
    %swap3A_927 = arith.constant 240 : index
    %swap3A_928 = tpu.vector_load %arg6[%swap3A_927] {strides = array<i32>} : memref<320xf32, #tpu.memory_space<vmem>>, vector<16xf32>,
    tpu.vector_store %arg6[%swap3A_927], %select_n3A_926 {strides = array<i32>} : memref<320xf32, #tpu.memory_space<vmem>>, vector<16xf32>,
    %get3A_929 = arith.constant 256 : index
    %get3A_930 = tpu.vector_load %arg5[%get3A_929] {strides = array<i32>} : memref<320xf32, #tpu.memory_space<vmem>>, vector<16xf32>,
    %add3A_931 = arith.constant 1.000000e+00 : f32
    %add3A_932 = vector.broadcast %add3A_931 : f32 to vector<16xf32>
    %add3A_933 = arith.addf %get3A_930, %add3A_932 : vector<16xf32>
    %bitcast3A_934 = vector.bitcast %add3A_933 : vector<16xf32> to vector<16xi32>
    %shift_right_arithmetic3A_935 = arith.constant 1 : i32
    %shift_right_arithmetic3A_936 = vector.broadcast %shift_right_arithmetic3A_935 : i32 to vector<16xi32>
    %shift_right_arithmetic3A_937 = arith.shrsi %bitcast3A_934, %shift_right_arithmetic3A_936 : vector<16xi32>
    %sub3A_938 = arith.constant 1597463007 : i32
    %sub3A_939 = vector.broadcast %sub3A_938 : i32 to vector<16xi32>
    %sub3A_940 = arith.subi %sub3A_939, %shift_right_arithmetic3A_937 : vector<16xi32>
    %bitcast3A_941 = vector.bitcast %sub3A_940 : vector<16xi32> to vector<16xf32>
    %mul3A_942 = arith.constant 5.000000e-01 : f32
    %mul3A_943 = vector.broadcast %mul3A_942 : f32 to vector<16xf32>
    %mul3A_944 = arith.mulf %mul3A_943, %add3A_933 : vector<16xf32>
    %mul3A_945 = arith.mulf %mul3A_944, %bitcast3A_941 : vector<16xf32>
    %mul3A_946 = arith.mulf %mul3A_945, %bitcast3A_941 : vector<16xf32>
    %sub3A_947 = arith.constant 1.500000e+00 : f32
    %sub3A_948 = vector.broadcast %sub3A_947 : f32 to vector<16xf32>
    %sub3A_949 = arith.subf %sub3A_948, %mul3A_946 : vector<16xf32>
    %mul3A_950 = arith.mulf %bitcast3A_941, %sub3A_949 : vector<16xf32>
    %mul3A_951 = arith.constant 5.000000e-01 : f32
    %mul3A_952 = vector.broadcast %mul3A_951 : f32 to vector<16xf32>
    %mul3A_953 = arith.mulf %mul3A_952, %add3A_933 : vector<16xf32>
    %mul3A_954 = arith.mulf %mul3A_953, %mul3A_950 : vector<16xf32>
    %mul3A_955 = arith.mulf %mul3A_954, %mul3A_950 : vector<16xf32>
    %sub3A_956 = arith.constant 1.500000e+00 : f32
    %sub3A_957 = vector.broadcast %sub3A_956 : f32 to vector<16xf32>
    %sub3A_958 = arith.subf %sub3A_957, %mul3A_955 : vector<16xf32>
    %mul3A_959 = arith.mulf %mul3A_950, %sub3A_958 : vector<16xf32>
    %mul3A_960 = arith.constant 5.000000e-01 : f32
    %mul3A_961 = vector.broadcast %mul3A_960 : f32 to vector<16xf32>
    %mul3A_962 = arith.mulf %mul3A_961, %add3A_933 : vector<16xf32>
    %mul3A_963 = arith.mulf %mul3A_962, %mul3A_959 : vector<16xf32>
    %mul3A_964 = arith.mulf %mul3A_963, %mul3A_959 : vector<16xf32>
    %sub3A_965 = arith.constant 1.500000e+00 : f32
    %sub3A_966 = vector.broadcast %sub3A_965 : f32 to vector<16xf32>
    %sub3A_967 = arith.subf %sub3A_966, %mul3A_964 : vector<16xf32>
    %mul3A_968 = arith.mulf %mul3A_959, %sub3A_967 : vector<16xf32>
    %add3A_969 = arith.constant 256 : i32
    %add3A_970 = arith.addi %mul3A_2, %add3A_969 : i32
    %add3A_971 = vector.broadcast %add3A_970 : i32 to vector<16xi32>
    %add3A_972 = arith.addi %add3A_971, %iota3A : vector<16xi32>
    %lt3A_973 = arith.constant 10000 : i32
    %lt3A_974 = vector.broadcast %lt3A_973 : i32 to vector<16xi32>
    %lt3A_975 = arith.cmpi slt, %add3A_972, %lt3A_974 : vector<16xi32>
    %jit3A_976 = arith.constant 0.000000e+00 : f32
    %broadcast_in_dim3A_977 = vector.broadcast %jit3A_976 : f32 to vector<16xf32>
    %select_n3A_978 = arith.select %lt3A_975, %mul3A_968, %broadcast_in_dim3A_977 : vector<16xi1>, vector<16xf32>
    %swap3A_979 = arith.constant 256 : index
    %swap3A_980 = tpu.vector_load %arg6[%swap3A_979] {strides = array<i32>} : memref<320xf32, #tpu.memory_space<vmem>>, vector<16xf32>,
    tpu.vector_store %arg6[%swap3A_979], %select_n3A_978 {strides = array<i32>} : memref<320xf32, #tpu.memory_space<vmem>>, vector<16xf32>,
    %get3A_981 = arith.constant 272 : index
    %get3A_982 = tpu.vector_load %arg5[%get3A_981] {strides = array<i32>} : memref<320xf32, #tpu.memory_space<vmem>>, vector<16xf32>,
    %add3A_983 = arith.constant 1.000000e+00 : f32
    %add3A_984 = vector.broadcast %add3A_983 : f32 to vector<16xf32>
    %add3A_985 = arith.addf %get3A_982, %add3A_984 : vector<16xf32>
    %bitcast3A_986 = vector.bitcast %add3A_985 : vector<16xf32> to vector<16xi32>
    %shift_right_arithmetic3A_987 = arith.constant 1 : i32
    %shift_right_arithmetic3A_988 = vector.broadcast %shift_right_arithmetic3A_987 : i32 to vector<16xi32>
    %shift_right_arithmetic3A_989 = arith.shrsi %bitcast3A_986, %shift_right_arithmetic3A_988 : vector<16xi32>
    %sub3A_990 = arith.constant 1597463007 : i32
    %sub3A_991 = vector.broadcast %sub3A_990 : i32 to vector<16xi32>
    %sub3A_992 = arith.subi %sub3A_991, %shift_right_arithmetic3A_989 : vector<16xi32>
    %bitcast3A_993 = vector.bitcast %sub3A_992 : vector<16xi32> to vector<16xf32>
    %mul3A_994 = arith.constant 5.000000e-01 : f32
    %mul3A_995 = vector.broadcast %mul3A_994 : f32 to vector<16xf32>
    %mul3A_996 = arith.mulf %mul3A_995, %add3A_985 : vector<16xf32>
    %mul3A_997 = arith.mulf %mul3A_996, %bitcast3A_993 : vector<16xf32>
    %mul3A_998 = arith.mulf %mul3A_997, %bitcast3A_993 : vector<16xf32>
    %sub3A_999 = arith.constant 1.500000e+00 : f32
    %sub3A_1000 = vector.broadcast %sub3A_999 : f32 to vector<16xf32>
    %sub3A_1001 = arith.subf %sub3A_1000, %mul3A_998 : vector<16xf32>
    %mul3A_1002 = arith.mulf %bitcast3A_993, %sub3A_1001 : vector<16xf32>
    %mul3A_1003 = arith.constant 5.000000e-01 : f32
    %mul3A_1004 = vector.broadcast %mul3A_1003 : f32 to vector<16xf32>
    %mul3A_1005 = arith.mulf %mul3A_1004, %add3A_985 : vector<16xf32>
    %mul3A_1006 = arith.mulf %mul3A_1005, %mul3A_1002 : vector<16xf32>
    %mul3A_1007 = arith.mulf %mul3A_1006, %mul3A_1002 : vector<16xf32>
    %sub3A_1008 = arith.constant 1.500000e+00 : f32
    %sub3A_1009 = vector.broadcast %sub3A_1008 : f32 to vector<16xf32>
    %sub3A_1010 = arith.subf %sub3A_1009, %mul3A_1007 : vector<16xf32>
    %mul3A_1011 = arith.mulf %mul3A_1002, %sub3A_1010 : vector<16xf32>
    %mul3A_1012 = arith.constant 5.000000e-01 : f32
    %mul3A_1013 = vector.broadcast %mul3A_1012 : f32 to vector<16xf32>
    %mul3A_1014 = arith.mulf %mul3A_1013, %add3A_985 : vector<16xf32>
    %mul3A_1015 = arith.mulf %mul3A_1014, %mul3A_1011 : vector<16xf32>
    %mul3A_1016 = arith.mulf %mul3A_1015, %mul3A_1011 : vector<16xf32>
    %sub3A_1017 = arith.constant 1.500000e+00 : f32
    %sub3A_1018 = vector.broadcast %sub3A_1017 : f32 to vector<16xf32>
    %sub3A_1019 = arith.subf %sub3A_1018, %mul3A_1016 : vector<16xf32>
    %mul3A_1020 = arith.mulf %mul3A_1011, %sub3A_1019 : vector<16xf32>
    %add3A_1021 = arith.constant 272 : i32
    %add3A_1022 = arith.addi %mul3A_2, %add3A_1021 : i32
    %add3A_1023 = vector.broadcast %add3A_1022 : i32 to vector<16xi32>
    %add3A_1024 = arith.addi %add3A_1023, %iota3A : vector<16xi32>
    %lt3A_1025 = arith.constant 10000 : i32
    %lt3A_1026 = vector.broadcast %lt3A_1025 : i32 to vector<16xi32>
    %lt3A_1027 = arith.cmpi slt, %add3A_1024, %lt3A_1026 : vector<16xi32>
    %jit3A_1028 = arith.constant 0.000000e+00 : f32
    %broadcast_in_dim3A_1029 = vector.broadcast %jit3A_1028 : f32 to vector<16xf32>
    %select_n3A_1030 = arith.select %lt3A_1027, %mul3A_1020, %broadcast_in_dim3A_1029 : vector<16xi1>, vector<16xf32>
    %swap3A_1031 = arith.constant 272 : index
    %swap3A_1032 = tpu.vector_load %arg6[%swap3A_1031] {strides = array<i32>} : memref<320xf32, #tpu.memory_space<vmem>>, vector<16xf32>,
    tpu.vector_store %arg6[%swap3A_1031], %select_n3A_1030 {strides = array<i32>} : memref<320xf32, #tpu.memory_space<vmem>>, vector<16xf32>,
    %get3A_1033 = arith.constant 288 : index
    %get3A_1034 = tpu.vector_load %arg5[%get3A_1033] {strides = array<i32>} : memref<320xf32, #tpu.memory_space<vmem>>, vector<16xf32>,
    %add3A_1035 = arith.constant 1.000000e+00 : f32
    %add3A_1036 = vector.broadcast %add3A_1035 : f32 to vector<16xf32>
    %add3A_1037 = arith.addf %get3A_1034, %add3A_1036 : vector<16xf32>
    %bitcast3A_1038 = vector.bitcast %add3A_1037 : vector<16xf32> to vector<16xi32>
    %shift_right_arithmetic3A_1039 = arith.constant 1 : i32
    %shift_right_arithmetic3A_1040 = vector.broadcast %shift_right_arithmetic3A_1039 : i32 to vector<16xi32>
    %shift_right_arithmetic3A_1041 = arith.shrsi %bitcast3A_1038, %shift_right_arithmetic3A_1040 : vector<16xi32>
    %sub3A_1042 = arith.constant 1597463007 : i32
    %sub3A_1043 = vector.broadcast %sub3A_1042 : i32 to vector<16xi32>
    %sub3A_1044 = arith.subi %sub3A_1043, %shift_right_arithmetic3A_1041 : vector<16xi32>
    %bitcast3A_1045 = vector.bitcast %sub3A_1044 : vector<16xi32> to vector<16xf32>
    %mul3A_1046 = arith.constant 5.000000e-01 : f32
    %mul3A_1047 = vector.broadcast %mul3A_1046 : f32 to vector<16xf32>
    %mul3A_1048 = arith.mulf %mul3A_1047, %add3A_1037 : vector<16xf32>
    %mul3A_1049 = arith.mulf %mul3A_1048, %bitcast3A_1045 : vector<16xf32>
    %mul3A_1050 = arith.mulf %mul3A_1049, %bitcast3A_1045 : vector<16xf32>
    %sub3A_1051 = arith.constant 1.500000e+00 : f32
    %sub3A_1052 = vector.broadcast %sub3A_1051 : f32 to vector<16xf32>
    %sub3A_1053 = arith.subf %sub3A_1052, %mul3A_1050 : vector<16xf32>
    %mul3A_1054 = arith.mulf %bitcast3A_1045, %sub3A_1053 : vector<16xf32>
    %mul3A_1055 = arith.constant 5.000000e-01 : f32
    %mul3A_1056 = vector.broadcast %mul3A_1055 : f32 to vector<16xf32>
    %mul3A_1057 = arith.mulf %mul3A_1056, %add3A_1037 : vector<16xf32>
    %mul3A_1058 = arith.mulf %mul3A_1057, %mul3A_1054 : vector<16xf32>
    %mul3A_1059 = arith.mulf %mul3A_1058, %mul3A_1054 : vector<16xf32>
    %sub3A_1060 = arith.constant 1.500000e+00 : f32
    %sub3A_1061 = vector.broadcast %sub3A_1060 : f32 to vector<16xf32>
    %sub3A_1062 = arith.subf %sub3A_1061, %mul3A_1059 : vector<16xf32>
    %mul3A_1063 = arith.mulf %mul3A_1054, %sub3A_1062 : vector<16xf32>
    %mul3A_1064 = arith.constant 5.000000e-01 : f32
    %mul3A_1065 = vector.broadcast %mul3A_1064 : f32 to vector<16xf32>
    %mul3A_1066 = arith.mulf %mul3A_1065, %add3A_1037 : vector<16xf32>
    %mul3A_1067 = arith.mulf %mul3A_1066, %mul3A_1063 : vector<16xf32>
    %mul3A_1068 = arith.mulf %mul3A_1067, %mul3A_1063 : vector<16xf32>
    %sub3A_1069 = arith.constant 1.500000e+00 : f32
    %sub3A_1070 = vector.broadcast %sub3A_1069 : f32 to vector<16xf32>
    %sub3A_1071 = arith.subf %sub3A_1070, %mul3A_1068 : vector<16xf32>
    %mul3A_1072 = arith.mulf %mul3A_1063, %sub3A_1071 : vector<16xf32>
    %add3A_1073 = arith.constant 288 : i32
    %add3A_1074 = arith.addi %mul3A_2, %add3A_1073 : i32
    %add3A_1075 = vector.broadcast %add3A_1074 : i32 to vector<16xi32>
    %add3A_1076 = arith.addi %add3A_1075, %iota3A : vector<16xi32>
    %lt3A_1077 = arith.constant 10000 : i32
    %lt3A_1078 = vector.broadcast %lt3A_1077 : i32 to vector<16xi32>
    %lt3A_1079 = arith.cmpi slt, %add3A_1076, %lt3A_1078 : vector<16xi32>
    %jit3A_1080 = arith.constant 0.000000e+00 : f32
    %broadcast_in_dim3A_1081 = vector.broadcast %jit3A_1080 : f32 to vector<16xf32>
    %select_n3A_1082 = arith.select %lt3A_1079, %mul3A_1072, %broadcast_in_dim3A_1081 : vector<16xi1>, vector<16xf32>
    %swap3A_1083 = arith.constant 288 : index
    %swap3A_1084 = tpu.vector_load %arg6[%swap3A_1083] {strides = array<i32>} : memref<320xf32, #tpu.memory_space<vmem>>, vector<16xf32>,
    tpu.vector_store %arg6[%swap3A_1083], %select_n3A_1082 {strides = array<i32>} : memref<320xf32, #tpu.memory_space<vmem>>, vector<16xf32>,
    %get3A_1085 = arith.constant 304 : index
    %get3A_1086 = tpu.vector_load %arg5[%get3A_1085] {strides = array<i32>} : memref<320xf32, #tpu.memory_space<vmem>>, vector<16xf32>,
    %add3A_1087 = arith.constant 1.000000e+00 : f32
    %add3A_1088 = vector.broadcast %add3A_1087 : f32 to vector<16xf32>
    %add3A_1089 = arith.addf %get3A_1086, %add3A_1088 : vector<16xf32>
    %bitcast3A_1090 = vector.bitcast %add3A_1089 : vector<16xf32> to vector<16xi32>
    %shift_right_arithmetic3A_1091 = arith.constant 1 : i32
    %shift_right_arithmetic3A_1092 = vector.broadcast %shift_right_arithmetic3A_1091 : i32 to vector<16xi32>
    %shift_right_arithmetic3A_1093 = arith.shrsi %bitcast3A_1090, %shift_right_arithmetic3A_1092 : vector<16xi32>
    %sub3A_1094 = arith.constant 1597463007 : i32
    %sub3A_1095 = vector.broadcast %sub3A_1094 : i32 to vector<16xi32>
    %sub3A_1096 = arith.subi %sub3A_1095, %shift_right_arithmetic3A_1093 : vector<16xi32>
    %bitcast3A_1097 = vector.bitcast %sub3A_1096 : vector<16xi32> to vector<16xf32>
    %mul3A_1098 = arith.constant 5.000000e-01 : f32
    %mul3A_1099 = vector.broadcast %mul3A_1098 : f32 to vector<16xf32>
    %mul3A_1100 = arith.mulf %mul3A_1099, %add3A_1089 : vector<16xf32>
    %mul3A_1101 = arith.mulf %mul3A_1100, %bitcast3A_1097 : vector<16xf32>
    %mul3A_1102 = arith.mulf %mul3A_1101, %bitcast3A_1097 : vector<16xf32>
    %sub3A_1103 = arith.constant 1.500000e+00 : f32
    %sub3A_1104 = vector.broadcast %sub3A_1103 : f32 to vector<16xf32>
    %sub3A_1105 = arith.subf %sub3A_1104, %mul3A_1102 : vector<16xf32>
    %mul3A_1106 = arith.mulf %bitcast3A_1097, %sub3A_1105 : vector<16xf32>
    %mul3A_1107 = arith.constant 5.000000e-01 : f32
    %mul3A_1108 = vector.broadcast %mul3A_1107 : f32 to vector<16xf32>
    %mul3A_1109 = arith.mulf %mul3A_1108, %add3A_1089 : vector<16xf32>
    %mul3A_1110 = arith.mulf %mul3A_1109, %mul3A_1106 : vector<16xf32>
    %mul3A_1111 = arith.mulf %mul3A_1110, %mul3A_1106 : vector<16xf32>
    %sub3A_1112 = arith.constant 1.500000e+00 : f32
    %sub3A_1113 = vector.broadcast %sub3A_1112 : f32 to vector<16xf32>
    %sub3A_1114 = arith.subf %sub3A_1113, %mul3A_1111 : vector<16xf32>
    %mul3A_1115 = arith.mulf %mul3A_1106, %sub3A_1114 : vector<16xf32>
    %mul3A_1116 = arith.constant 5.000000e-01 : f32
    %mul3A_1117 = vector.broadcast %mul3A_1116 : f32 to vector<16xf32>
    %mul3A_1118 = arith.mulf %mul3A_1117, %add3A_1089 : vector<16xf32>
    %mul3A_1119 = arith.mulf %mul3A_1118, %mul3A_1115 : vector<16xf32>
    %mul3A_1120 = arith.mulf %mul3A_1119, %mul3A_1115 : vector<16xf32>
    %sub3A_1121 = arith.constant 1.500000e+00 : f32
    %sub3A_1122 = vector.broadcast %sub3A_1121 : f32 to vector<16xf32>
    %sub3A_1123 = arith.subf %sub3A_1122, %mul3A_1120 : vector<16xf32>
    %mul3A_1124 = arith.mulf %mul3A_1115, %sub3A_1123 : vector<16xf32>
    %add3A_1125 = arith.constant 304 : i32
    %add3A_1126 = arith.addi %mul3A_2, %add3A_1125 : i32
    %add3A_1127 = vector.broadcast %add3A_1126 : i32 to vector<16xi32>
    %add3A_1128 = arith.addi %add3A_1127, %iota3A : vector<16xi32>
    %lt3A_1129 = arith.constant 10000 : i32
    %lt3A_1130 = vector.broadcast %lt3A_1129 : i32 to vector<16xi32>
    %lt3A_1131 = arith.cmpi slt, %add3A_1128, %lt3A_1130 : vector<16xi32>
    %jit3A_1132 = arith.constant 0.000000e+00 : f32
    %broadcast_in_dim3A_1133 = vector.broadcast %jit3A_1132 : f32 to vector<16xf32>
    %select_n3A_1134 = arith.select %lt3A_1131, %mul3A_1124, %broadcast_in_dim3A_1133 : vector<16xi1>, vector<16xf32>
    %swap3A_1135 = arith.constant 304 : index
    %swap3A_1136 = tpu.vector_load %arg6[%swap3A_1135] {strides = array<i32>} : memref<320xf32, #tpu.memory_space<vmem>>, vector<16xf32>,
    tpu.vector_store %arg6[%swap3A_1135], %select_n3A_1134 {strides = array<i32>} : memref<320xf32, #tpu.memory_space<vmem>>, vector<16xf32>,
    "tpu.region"() ({
      %run_scoped3A = tpu.sem_alloc : memref<!tpu.dma_semaphore, #tpu.memory_space<semaphore_mem>>
      %dma_start3A = tpu.memref_slice %arg3[%mul3A_2] : memref<10240xf32, #tpu.memory_space<hbm>> -> memref<320xf32, #tpu.memory_space<hbm>>
      %dma_start3A_1137 = tpu.memref_slice %arg3[%mul3A_2] : memref<10240xf32, #tpu.memory_space<hbm>> -> memref<320xf32, #tpu.memory_space<hbm>>
      tpu.enqueue_dma source(%arg6 : memref<320xf32, #tpu.memory_space<vmem>>) target(%dma_start3A_1137 : memref<320xf32, #tpu.memory_space<hbm>>) target_semaphore(%run_scoped3A : memref<!tpu.dma_semaphore, #tpu.memory_space<semaphore_mem>>)
      %dma_wait3A = tpu.memref_slice %arg3[%mul3A_2] : memref<10240xf32, #tpu.memory_space<hbm>> -> memref<320xf32, #tpu.memory_space<hbm>>
      %dma_wait3A_1138 = tpu.memref_slice %arg3[%mul3A_2] : memref<10240xf32, #tpu.memory_space<hbm>> -> memref<320xf32, #tpu.memory_space<hbm>>
      tpu.wait_dma2 semaphore(%run_scoped3A : memref<!tpu.dma_semaphore, #tpu.memory_space<semaphore_mem>>) src(%arg6 : memref<320xf32, #tpu.memory_space<vmem>>) dst(%dma_wait3A_1138 : memref<320xf32, #tpu.memory_space<hbm>>)
      tpu.yield
    }) : () -> ()
    return
  }
}

#map = affine_map<(d0, d1) -> (0, 0)>
#map1 = affine_map<(d0, d1) -> (0)>
module attributes {stable_mosaic.version = 14 : i64} {
  func.func @_scatter_body(%arg0: i32, %arg1: i32, %arg2: memref<10240x256xf32, #tpu.memory_space<hbm>>, %arg3: memref<160000xi32, #tpu.memory_space<hbm>>, %arg4: memref<160000xi32, #tpu.memory_space<hbm>>, %arg5: memref<336x256xf32, #tpu.memory_space<hbm>>, %arg6: memref<10240x256xf32, #tpu.memory_space<hbm>>, %arg7: memref<2000xi32, #tpu.memory_space<vmem>>, %arg8: memref<2000xi32, #tpu.memory_space<vmem>>, %arg9: memref<2048xi32, #tpu.memory_space<vmem>>, %arg10: memref<2048xi32, #tpu.memory_space<vmem>>, %arg11: memref<32x256xf32, #tpu.memory_space<vmem>>, %arg12: memref<336x256xf32, #tpu.memory_space<vmem>>, %arg13: memref<!tpu.dma_semaphore, #tpu.memory_space<semaphore_mem>>) attributes {dimension_semantics = [#tpu.dimension_semantics<core_parallel>, #tpu.dimension_semantics<subcore_parallel>], iteration_bounds = array<i64: 2, 16>, scalar_prefetch = 0 : i64, scratch_operands = 7 : i64, tpu.core_type = #tpu.core_type<sc_vector_subcore>, window_params = [{transform_indices = #map}, {transform_indices = #map1}, {transform_indices = #map1}, {transform_indices = #map}, {transform_indices = #map}]} {
    %mul3A = arith.constant 16 : i32
    %mul3A_0 = arith.muli %arg0, %mul3A : i32
    %add3A = arith.addi %mul3A_0, %arg1 : i32
    %mul3A_1 = arith.constant 320 : i32
    %mul3A_2 = arith.muli %add3A, %mul3A_1 : i32
    "tpu.region"() ({
      %run_scoped3A = tpu.sem_alloc : memref<!tpu.dma_semaphore, #tpu.memory_space<semaphore_mem>>
      tpu.enqueue_dma source(%arg5 : memref<336x256xf32, #tpu.memory_space<hbm>>) target(%arg12 : memref<336x256xf32, #tpu.memory_space<vmem>>) target_semaphore(%run_scoped3A : memref<!tpu.dma_semaphore, #tpu.memory_space<semaphore_mem>>)
      tpu.wait_dma2 semaphore(%run_scoped3A : memref<!tpu.dma_semaphore, #tpu.memory_space<semaphore_mem>>) src(%arg5 : memref<336x256xf32, #tpu.memory_space<hbm>>) dst(%arg12 : memref<336x256xf32, #tpu.memory_space<vmem>>)
      tpu.yield
    }) : () -> ()
    %broadcast_in_dim3A = arith.constant 320 : i32
    %broadcast_in_dim3A_3 = vector.broadcast %broadcast_in_dim3A : i32 to vector<16xi32>
    %broadcast_in_dim3A_4 = arith.constant 0 : i32
    %broadcast_in_dim3A_5 = vector.broadcast %broadcast_in_dim3A_4 : i32 to vector<16xi32>
    %iota3A = tpu.iota {dimensions = array<i32: 0>} : vector<16xi32>
    %scan3A = arith.constant 0 : i32
    %scan3A_6 = arith.constant 0 : i32
    %scan3A_7 = arith.constant 80 : i32
    %scan3A_8 = arith.addi %scan3A_6, %scan3A_7 : i32
    %scan3A_9 = arith.constant 1 : i32
    scf.for %scan3A_11 = %scan3A_6 to %scan3A_8 step %scan3A_9  : i32 {
      "tpu.trace_start"() <{level = 10 : i32, message = "edges_dma"}> : () -> ()
      %mul3A_12 = arith.constant 2000 : i32
      %mul3A_13 = arith.muli %scan3A_11, %mul3A_12 : i32
      "tpu.region"() ({
        %run_scoped3A = tpu.sem_alloc : memref<!tpu.dma_semaphore, #tpu.memory_space<semaphore_mem>>
        %dma_start3A = tpu.memref_slice %arg3[%mul3A_13] : memref<160000xi32, #tpu.memory_space<hbm>> -> memref<2000xi32, #tpu.memory_space<hbm>>
        %dma_start3A_67 = tpu.memref_slice %arg3[%mul3A_13] : memref<160000xi32, #tpu.memory_space<hbm>> -> memref<2000xi32, #tpu.memory_space<hbm>>
        tpu.enqueue_dma source(%dma_start3A_67 : memref<2000xi32, #tpu.memory_space<hbm>>) target(%arg7 : memref<2000xi32, #tpu.memory_space<vmem>>) target_semaphore(%run_scoped3A : memref<!tpu.dma_semaphore, #tpu.memory_space<semaphore_mem>>)
        %dma_wait3A = tpu.memref_slice %arg3[%mul3A_13] : memref<160000xi32, #tpu.memory_space<hbm>> -> memref<2000xi32, #tpu.memory_space<hbm>>
        %dma_wait3A_68 = tpu.memref_slice %arg3[%mul3A_13] : memref<160000xi32, #tpu.memory_space<hbm>> -> memref<2000xi32, #tpu.memory_space<hbm>>
        tpu.wait_dma2 semaphore(%run_scoped3A : memref<!tpu.dma_semaphore, #tpu.memory_space<semaphore_mem>>) src(%dma_wait3A_68 : memref<2000xi32, #tpu.memory_space<hbm>>) dst(%arg7 : memref<2000xi32, #tpu.memory_space<vmem>>)
        tpu.yield
      }) : () -> ()
      %mul3A_14 = arith.constant 2000 : i32
      %mul3A_15 = arith.muli %scan3A_11, %mul3A_14 : i32
      "tpu.region"() ({
        %run_scoped3A = tpu.sem_alloc : memref<!tpu.dma_semaphore, #tpu.memory_space<semaphore_mem>>
        %dma_start3A = tpu.memref_slice %arg4[%mul3A_15] : memref<160000xi32, #tpu.memory_space<hbm>> -> memref<2000xi32, #tpu.memory_space<hbm>>
        %dma_start3A_67 = tpu.memref_slice %arg4[%mul3A_15] : memref<160000xi32, #tpu.memory_space<hbm>> -> memref<2000xi32, #tpu.memory_space<hbm>>
        tpu.enqueue_dma source(%dma_start3A_67 : memref<2000xi32, #tpu.memory_space<hbm>>) target(%arg8 : memref<2000xi32, #tpu.memory_space<vmem>>) target_semaphore(%run_scoped3A : memref<!tpu.dma_semaphore, #tpu.memory_space<semaphore_mem>>)
        %dma_wait3A = tpu.memref_slice %arg4[%mul3A_15] : memref<160000xi32, #tpu.memory_space<hbm>> -> memref<2000xi32, #tpu.memory_space<hbm>>
        %dma_wait3A_68 = tpu.memref_slice %arg4[%mul3A_15] : memref<160000xi32, #tpu.memory_space<hbm>> -> memref<2000xi32, #tpu.memory_space<hbm>>
        tpu.wait_dma2 semaphore(%run_scoped3A : memref<!tpu.dma_semaphore, #tpu.memory_space<semaphore_mem>>) src(%dma_wait3A_68 : memref<2000xi32, #tpu.memory_space<hbm>>) dst(%arg8 : memref<2000xi32, #tpu.memory_space<vmem>>)
        tpu.yield
      }) : () -> ()
      "tpu.trace_stop"() : () -> ()
      "tpu.trace_start"() <{level = 10 : i32, message = "compact"}> : () -> ()
      %scan3A_16 = arith.constant 0 : i32
      %scan3A_17 = arith.constant 0 : i32
      %scan3A_18 = arith.constant 125 : i32
      %scan3A_19 = arith.addi %scan3A_17, %scan3A_18 : i32
      %scan3A_20 = arith.constant 1 : i32
      %scan3A_21 = scf.for %scan3A_67 = %scan3A_17 to %scan3A_19 step %scan3A_20 iter_args(%scan3A_68 = %scan3A_16) -> (i32)  : i32 {
        %mul3A_69 = arith.constant 16 : i32
        %mul3A_70 = arith.muli %scan3A_67, %mul3A_69 : i32
        %get3A = arith.index_cast %mul3A_70 : i32 to index
        %get3A_71 = tpu.vector_load %arg7[%get3A] {strides = array<i32>} : memref<2000xi32, #tpu.memory_space<vmem>>, vector<16xi32>,
        %mul3A_72 = arith.constant 16 : i32
        %mul3A_73 = arith.muli %scan3A_67, %mul3A_72 : i32
        %get3A_74 = arith.index_cast %mul3A_73 : i32 to index
        %get3A_75 = tpu.vector_load %arg8[%get3A_74] {strides = array<i32>} : memref<2000xi32, #tpu.memory_space<vmem>>, vector<16xi32>,
        %sub3A_76 = vector.broadcast %mul3A_2 : i32 to vector<16xi32>
        %sub3A_77 = arith.subi %get3A_75, %sub3A_76 : vector<16xi32>
        %ge3A = arith.constant 0 : i32
        %ge3A_78 = vector.broadcast %ge3A : i32 to vector<16xi32>
        %ge3A_79 = arith.cmpi sge, %sub3A_77, %ge3A_78 : vector<16xi32>
        %lt3A = arith.constant 320 : i32
        %lt3A_80 = vector.broadcast %lt3A : i32 to vector<16xi32>
        %lt3A_81 = arith.cmpi slt, %sub3A_77, %lt3A_80 : vector<16xi32>
        %and3A_82 = arith.andi %ge3A_79, %lt3A_81 : vector<16xi1>
        %swap3A_83 = arith.index_cast %scan3A_68 : i32 to index
        %swap3A_84 = tpu.vector_load %arg9[%swap3A_83] masked %and3A_82 {strides = array<i32>} : memref<2048xi32, #tpu.memory_space<vmem>>, vector<16xi32>, vector<16xi1>
        tpu.vector_store %arg9[%swap3A_83], %get3A_71 masked %and3A_82 {strides = array<i32>} : memref<2048xi32, #tpu.memory_space<vmem>>, vector<16xi32>, vector<16xi1>
        %jit3A_85 = arith.constant 0 : i32
        %broadcast_in_dim3A_86 = vector.broadcast %jit3A_85 : i32 to vector<16xi32>
        %select_n3A_87 = arith.select %and3A_82, %sub3A_77, %broadcast_in_dim3A_86 : vector<16xi1>, vector<16xi32>
        %swap3A_88 = arith.index_cast %scan3A_68 : i32 to index
        %swap3A_89 = tpu.vector_load %arg10[%swap3A_88] masked %and3A_82 {strides = array<i32>} : memref<2048xi32, #tpu.memory_space<vmem>>, vector<16xi32>, vector<16xi1>
        tpu.vector_store %arg10[%swap3A_88], %select_n3A_87 masked %and3A_82 {strides = array<i32>} : memref<2048xi32, #tpu.memory_space<vmem>>, vector<16xi32>, vector<16xi1>
        %all_reduce_population_count3A = tpu.all_reduce %and3A_82 {dim = 0 : i64, kind = #tpu.reduction_kind<sum>} : vector<16xi1> -> vector<16xi32>
        %slice3A = vector.extract_strided_slice %all_reduce_population_count3A {offsets = [0], sizes = [1], strides = [1]} : vector<16xi32> to vector<1xi32>
        %squeeze3A = vector.extract %slice3A[0] : i32 from vector<1xi32>
        %add3A_90 = arith.addi %scan3A_68, %squeeze3A : i32
        scf.yield %add3A_90 : i32
      }
      %scan3A_22 = arith.constant 125 : i32
      %add3A_23 = arith.constant 0 : i32
      %add3A_24 = arith.addi %scan3A_21, %add3A_23 : i32
      %swap3A = arith.index_cast %add3A_24 : i32 to index
      %swap3A_25 = tpu.vector_load %arg9[%swap3A] {strides = array<i32>} : memref<2048xi32, #tpu.memory_space<vmem>>, vector<16xi32>,
      tpu.vector_store %arg9[%swap3A], %broadcast_in_dim3A_5 {strides = array<i32>} : memref<2048xi32, #tpu.memory_space<vmem>>, vector<16xi32>,
      %add3A_26 = arith.constant 0 : i32
      %add3A_27 = arith.addi %scan3A_21, %add3A_26 : i32
      %swap3A_28 = arith.index_cast %add3A_27 : i32 to index
      %swap3A_29 = tpu.vector_load %arg10[%swap3A_28] {strides = array<i32>} : memref<2048xi32, #tpu.memory_space<vmem>>, vector<16xi32>,
      tpu.vector_store %arg10[%swap3A_28], %broadcast_in_dim3A_3 {strides = array<i32>} : memref<2048xi32, #tpu.memory_space<vmem>>, vector<16xi32>,
      %add3A_30 = arith.constant 16 : i32
      %add3A_31 = arith.addi %scan3A_21, %add3A_30 : i32
      %swap3A_32 = arith.index_cast %add3A_31 : i32 to index
      %swap3A_33 = tpu.vector_load %arg9[%swap3A_32] {strides = array<i32>} : memref<2048xi32, #tpu.memory_space<vmem>>, vector<16xi32>,
      tpu.vector_store %arg9[%swap3A_32], %broadcast_in_dim3A_5 {strides = array<i32>} : memref<2048xi32, #tpu.memory_space<vmem>>, vector<16xi32>,
      %add3A_34 = arith.constant 16 : i32
      %add3A_35 = arith.addi %scan3A_21, %add3A_34 : i32
      %swap3A_36 = arith.index_cast %add3A_35 : i32 to index
      %swap3A_37 = tpu.vector_load %arg10[%swap3A_36] {strides = array<i32>} : memref<2048xi32, #tpu.memory_space<vmem>>, vector<16xi32>,
      tpu.vector_store %arg10[%swap3A_36], %broadcast_in_dim3A_3 {strides = array<i32>} : memref<2048xi32, #tpu.memory_space<vmem>>, vector<16xi32>,
      "tpu.trace_stop"() : () -> ()
      %add3A_38 = arith.constant 32 : i32
      %add3A_39 = arith.addi %scan3A_21, %add3A_38 : i32
      %sub3A = arith.constant 1 : i32
      %sub3A_40 = arith.subi %add3A_39, %sub3A : i32
      %jit3A = arith.constant 32 : i32
      %div3A = arith.divsi %sub3A_40, %jit3A : i32
      %sign3A = arith.constant 0 : i32
      %sign3A_41 = arith.cmpi sgt, %sub3A_40, %sign3A : i32
      %sign3A_42 = arith.extui %sign3A_41 : i1 to i32
      %sign3A_43 = arith.constant 0 : i32
      %sign3A_44 = arith.cmpi slt, %sub3A_40, %sign3A_43 : i32
      %sign3A_45 = arith.extui %sign3A_44 : i1 to i32
      %sign3A_46 = arith.subi %sign3A_42, %sign3A_45 : i32
      %sign3A_47 = arith.constant 0 : i32
      %sign3A_48 = arith.cmpi sgt, %jit3A, %sign3A_47 : i32
      %sign3A_49 = arith.extui %sign3A_48 : i1 to i32
      %sign3A_50 = arith.constant 0 : i32
      %sign3A_51 = arith.cmpi slt, %jit3A, %sign3A_50 : i32
      %sign3A_52 = arith.extui %sign3A_51 : i1 to i32
      %sign3A_53 = arith.subi %sign3A_49, %sign3A_52 : i32
      %ne3A = arith.cmpi ne, %sign3A_46, %sign3A_53 : i32
      %rem3A = arith.remsi %sub3A_40, %jit3A : i32
      %ne3A_54 = arith.constant 0 : i32
      %ne3A_55 = arith.cmpi ne, %rem3A, %ne3A_54 : i32
      %and3A = arith.andi %ne3A, %ne3A_55 : i1
      %sub3A_56 = arith.constant 1 : i32
      %sub3A_57 = arith.subi %div3A, %sub3A_56 : i32
      %select_n3A = arith.select %and3A, %sub3A_57, %div3A : i32
      %while3A = arith.constant 0 : i32
      %while3A_58 = arith.constant 0 : i32
      %while3A_59 = arith.subi %select_n3A, %while3A_58 : i32
      %while3A_60 = arith.addi %while3A_58, %while3A_59 : i32
      %while3A_61 = arith.constant 1 : i32
      %while3A_62 = arith.divsi %while3A_59, %while3A_61 : i32
      %while3A_63 = arith.muli %while3A_62, %while3A_61 : i32
      %while3A_64 = arith.addi %while3A_58, %while3A_63 : i32
      %while3A_65 = arith.constant 1 : i32
      scf.for %while3A_67 = %while3A_58 to %while3A_64 step %while3A_65  : i32 {
        "tpu.trace_start"() <{level = 10 : i32, message = "gather"}> : () -> ()
        %mul3A_68 = arith.constant 32 : i32
        %mul3A_69 = arith.muli %while3A_67, %mul3A_68 : i32
        %dma_start3A = tpu.memref_slice %arg9[%mul3A_69] : memref<2048xi32, #tpu.memory_space<vmem>> -> memref<32xi32, #tpu.memory_space<vmem>>
        %dma_start3A_70 = arith.constant 0 : i32
        %dma_start3A_71 = arith.constant 0 : i32
        %dma_start3A_72 = tpu.memref_slice %arg2[%dma_start3A_70, %dma_start3A_71] : memref<10240x256xf32, #tpu.memory_space<hbm>> -> memref<10240x256xf32, #tpu.memory_space<hbm>>
        tpu.enqueue_indirect_dma source(%dma_start3A_72 : memref<10240x256xf32, #tpu.memory_space<hbm>>) target(%arg11 : memref<32x256xf32, #tpu.memory_space<vmem>>) offsets(%dma_start3A : memref<32xi32, #tpu.memory_space<vmem>>) semaphore(%arg13 : memref<!tpu.dma_semaphore, #tpu.memory_space<semaphore_mem>>)
        %dma_wait3A = tpu.memref_slice %arg9[%mul3A_69] : memref<2048xi32, #tpu.memory_space<vmem>> -> memref<32xi32, #tpu.memory_space<vmem>>
        %dma_wait3A_73 = arith.constant 0 : i32
        %dma_wait3A_74 = arith.constant 0 : i32
        %dma_wait3A_75 = tpu.memref_slice %arg2[%dma_wait3A_73, %dma_wait3A_74] : memref<10240x256xf32, #tpu.memory_space<hbm>> -> memref<10240x256xf32, #tpu.memory_space<hbm>>
        tpu.wait_indirect_dma semaphore(%arg13 : memref<!tpu.dma_semaphore, #tpu.memory_space<semaphore_mem>>) src(%dma_wait3A_75 : memref<10240x256xf32, #tpu.memory_space<hbm>>) dst(%arg11 : memref<32x256xf32, #tpu.memory_space<vmem>>)
        "tpu.trace_stop"() : () -> ()
        "tpu.trace_start"() <{level = 10 : i32, message = "accum"}> : () -> ()
        %mul3A_76 = arith.constant 32 : i32
        %mul3A_77 = arith.muli %while3A_67, %mul3A_76 : i32
        %add3A_78 = arith.constant 0 : i32
        %add3A_79 = arith.addi %mul3A_77, %add3A_78 : i32
        %get3A = arith.index_cast %add3A_79 : i32 to index
        %get3A_80 = tpu.vector_load %arg10[%get3A] {strides = array<i32>} : memref<2048xi32, #tpu.memory_space<vmem>>, vector<16xi32>,
        %add3A_81 = arith.constant 0 : i32
        %add3A_82 = vector.broadcast %add3A_81 : i32 to vector<16xi32>
        %add3A_83 = arith.addi %iota3A, %add3A_82 : vector<16xi32>
        %parallel_loop3A = arith.constant 0 : i32
        %parallel_loop3A_84 = arith.constant 256 : i32
        %parallel_loop3A_85 = arith.constant 16 : i32
        scf.for %parallel_loop3A_98 = %parallel_loop3A to %parallel_loop3A_84 step %parallel_loop3A_85  : i32 {
          %parallel_loop3A_99 = arith.constant 0 : i32
          %parallel_loop3A_100 = vector.broadcast %parallel_loop3A_99 : i32 to vector<16xi32>
          %parallel_loop3A_101 = arith.constant 0 : i32
          %parallel_loop3A_102 = arith.addi %parallel_loop3A_98, %parallel_loop3A_101 : i32
          %parallel_loop3A_103 = vector.broadcast %parallel_loop3A_102 : i32 to vector<16xi32>
          %parallel_loop3A_104 = arith.addi %parallel_loop3A_100, %parallel_loop3A_103 : vector<16xi32>
          %parallel_loop3A_105 = tpu.vector_load_idx %arg11[%add3A_83, %parallel_loop3A_104] : memref<32x256xf32, #tpu.memory_space<vmem>>[vector<16xi32>, vector<16xi32>], vector<16xf32>,
          tpu.vector_store_idx %arg12[%get3A_80, %parallel_loop3A_104], %parallel_loop3A_105 {add = true} : memref<336x256xf32, #tpu.memory_space<vmem>>[vector<16xi32>, vector<16xi32>], vector<16xf32>,
          %parallel_loop3A_106 = arith.constant 0 : i32
          %parallel_loop3A_107 = vector.broadcast %parallel_loop3A_106 : i32 to vector<16xi32>
          %parallel_loop3A_108 = arith.constant 1 : i32
          %parallel_loop3A_109 = arith.addi %parallel_loop3A_98, %parallel_loop3A_108 : i32
          %parallel_loop3A_110 = vector.broadcast %parallel_loop3A_109 : i32 to vector<16xi32>
          %parallel_loop3A_111 = arith.addi %parallel_loop3A_107, %parallel_loop3A_110 : vector<16xi32>
          %parallel_loop3A_112 = tpu.vector_load_idx %arg11[%add3A_83, %parallel_loop3A_111] : memref<32x256xf32, #tpu.memory_space<vmem>>[vector<16xi32>, vector<16xi32>], vector<16xf32>,
          tpu.vector_store_idx %arg12[%get3A_80, %parallel_loop3A_111], %parallel_loop3A_112 {add = true} : memref<336x256xf32, #tpu.memory_space<vmem>>[vector<16xi32>, vector<16xi32>], vector<16xf32>,
          %parallel_loop3A_113 = arith.constant 0 : i32
          %parallel_loop3A_114 = vector.broadcast %parallel_loop3A_113 : i32 to vector<16xi32>
          %parallel_loop3A_115 = arith.constant 2 : i32
          %parallel_loop3A_116 = arith.addi %parallel_loop3A_98, %parallel_loop3A_115 : i32
          %parallel_loop3A_117 = vector.broadcast %parallel_loop3A_116 : i32 to vector<16xi32>
          %parallel_loop3A_118 = arith.addi %parallel_loop3A_114, %parallel_loop3A_117 : vector<16xi32>
          %parallel_loop3A_119 = tpu.vector_load_idx %arg11[%add3A_83, %parallel_loop3A_118] : memref<32x256xf32, #tpu.memory_space<vmem>>[vector<16xi32>, vector<16xi32>], vector<16xf32>,
          tpu.vector_store_idx %arg12[%get3A_80, %parallel_loop3A_118], %parallel_loop3A_119 {add = true} : memref<336x256xf32, #tpu.memory_space<vmem>>[vector<16xi32>, vector<16xi32>], vector<16xf32>,
          %parallel_loop3A_120 = arith.constant 0 : i32
          %parallel_loop3A_121 = vector.broadcast %parallel_loop3A_120 : i32 to vector<16xi32>
          %parallel_loop3A_122 = arith.constant 3 : i32
          %parallel_loop3A_123 = arith.addi %parallel_loop3A_98, %parallel_loop3A_122 : i32
          %parallel_loop3A_124 = vector.broadcast %parallel_loop3A_123 : i32 to vector<16xi32>
          %parallel_loop3A_125 = arith.addi %parallel_loop3A_121, %parallel_loop3A_124 : vector<16xi32>
          %parallel_loop3A_126 = tpu.vector_load_idx %arg11[%add3A_83, %parallel_loop3A_125] : memref<32x256xf32, #tpu.memory_space<vmem>>[vector<16xi32>, vector<16xi32>], vector<16xf32>,
          tpu.vector_store_idx %arg12[%get3A_80, %parallel_loop3A_125], %parallel_loop3A_126 {add = true} : memref<336x256xf32, #tpu.memory_space<vmem>>[vector<16xi32>, vector<16xi32>], vector<16xf32>,
          %parallel_loop3A_127 = arith.constant 0 : i32
          %parallel_loop3A_128 = vector.broadcast %parallel_loop3A_127 : i32 to vector<16xi32>
          %parallel_loop3A_129 = arith.constant 4 : i32
          %parallel_loop3A_130 = arith.addi %parallel_loop3A_98, %parallel_loop3A_129 : i32
          %parallel_loop3A_131 = vector.broadcast %parallel_loop3A_130 : i32 to vector<16xi32>
          %parallel_loop3A_132 = arith.addi %parallel_loop3A_128, %parallel_loop3A_131 : vector<16xi32>
          %parallel_loop3A_133 = tpu.vector_load_idx %arg11[%add3A_83, %parallel_loop3A_132] : memref<32x256xf32, #tpu.memory_space<vmem>>[vector<16xi32>, vector<16xi32>], vector<16xf32>,
          tpu.vector_store_idx %arg12[%get3A_80, %parallel_loop3A_132], %parallel_loop3A_133 {add = true} : memref<336x256xf32, #tpu.memory_space<vmem>>[vector<16xi32>, vector<16xi32>], vector<16xf32>,
          %parallel_loop3A_134 = arith.constant 0 : i32
          %parallel_loop3A_135 = vector.broadcast %parallel_loop3A_134 : i32 to vector<16xi32>
          %parallel_loop3A_136 = arith.constant 5 : i32
          %parallel_loop3A_137 = arith.addi %parallel_loop3A_98, %parallel_loop3A_136 : i32
          %parallel_loop3A_138 = vector.broadcast %parallel_loop3A_137 : i32 to vector<16xi32>
          %parallel_loop3A_139 = arith.addi %parallel_loop3A_135, %parallel_loop3A_138 : vector<16xi32>
          %parallel_loop3A_140 = tpu.vector_load_idx %arg11[%add3A_83, %parallel_loop3A_139] : memref<32x256xf32, #tpu.memory_space<vmem>>[vector<16xi32>, vector<16xi32>], vector<16xf32>,
          tpu.vector_store_idx %arg12[%get3A_80, %parallel_loop3A_139], %parallel_loop3A_140 {add = true} : memref<336x256xf32, #tpu.memory_space<vmem>>[vector<16xi32>, vector<16xi32>], vector<16xf32>,
          %parallel_loop3A_141 = arith.constant 0 : i32
          %parallel_loop3A_142 = vector.broadcast %parallel_loop3A_141 : i32 to vector<16xi32>
          %parallel_loop3A_143 = arith.constant 6 : i32
          %parallel_loop3A_144 = arith.addi %parallel_loop3A_98, %parallel_loop3A_143 : i32
          %parallel_loop3A_145 = vector.broadcast %parallel_loop3A_144 : i32 to vector<16xi32>
          %parallel_loop3A_146 = arith.addi %parallel_loop3A_142, %parallel_loop3A_145 : vector<16xi32>
          %parallel_loop3A_147 = tpu.vector_load_idx %arg11[%add3A_83, %parallel_loop3A_146] : memref<32x256xf32, #tpu.memory_space<vmem>>[vector<16xi32>, vector<16xi32>], vector<16xf32>,
          tpu.vector_store_idx %arg12[%get3A_80, %parallel_loop3A_146], %parallel_loop3A_147 {add = true} : memref<336x256xf32, #tpu.memory_space<vmem>>[vector<16xi32>, vector<16xi32>], vector<16xf32>,
          %parallel_loop3A_148 = arith.constant 0 : i32
          %parallel_loop3A_149 = vector.broadcast %parallel_loop3A_148 : i32 to vector<16xi32>
          %parallel_loop3A_150 = arith.constant 7 : i32
          %parallel_loop3A_151 = arith.addi %parallel_loop3A_98, %parallel_loop3A_150 : i32
          %parallel_loop3A_152 = vector.broadcast %parallel_loop3A_151 : i32 to vector<16xi32>
          %parallel_loop3A_153 = arith.addi %parallel_loop3A_149, %parallel_loop3A_152 : vector<16xi32>
          %parallel_loop3A_154 = tpu.vector_load_idx %arg11[%add3A_83, %parallel_loop3A_153] : memref<32x256xf32, #tpu.memory_space<vmem>>[vector<16xi32>, vector<16xi32>], vector<16xf32>,
          tpu.vector_store_idx %arg12[%get3A_80, %parallel_loop3A_153], %parallel_loop3A_154 {add = true} : memref<336x256xf32, #tpu.memory_space<vmem>>[vector<16xi32>, vector<16xi32>], vector<16xf32>,
          %parallel_loop3A_155 = arith.constant 0 : i32
          %parallel_loop3A_156 = vector.broadcast %parallel_loop3A_155 : i32 to vector<16xi32>
          %parallel_loop3A_157 = arith.constant 8 : i32
          %parallel_loop3A_158 = arith.addi %parallel_loop3A_98, %parallel_loop3A_157 : i32
          %parallel_loop3A_159 = vector.broadcast %parallel_loop3A_158 : i32 to vector<16xi32>
          %parallel_loop3A_160 = arith.addi %parallel_loop3A_156, %parallel_loop3A_159 : vector<16xi32>
          %parallel_loop3A_161 = tpu.vector_load_idx %arg11[%add3A_83, %parallel_loop3A_160] : memref<32x256xf32, #tpu.memory_space<vmem>>[vector<16xi32>, vector<16xi32>], vector<16xf32>,
          tpu.vector_store_idx %arg12[%get3A_80, %parallel_loop3A_160], %parallel_loop3A_161 {add = true} : memref<336x256xf32, #tpu.memory_space<vmem>>[vector<16xi32>, vector<16xi32>], vector<16xf32>,
          %parallel_loop3A_162 = arith.constant 0 : i32
          %parallel_loop3A_163 = vector.broadcast %parallel_loop3A_162 : i32 to vector<16xi32>
          %parallel_loop3A_164 = arith.constant 9 : i32
          %parallel_loop3A_165 = arith.addi %parallel_loop3A_98, %parallel_loop3A_164 : i32
          %parallel_loop3A_166 = vector.broadcast %parallel_loop3A_165 : i32 to vector<16xi32>
          %parallel_loop3A_167 = arith.addi %parallel_loop3A_163, %parallel_loop3A_166 : vector<16xi32>
          %parallel_loop3A_168 = tpu.vector_load_idx %arg11[%add3A_83, %parallel_loop3A_167] : memref<32x256xf32, #tpu.memory_space<vmem>>[vector<16xi32>, vector<16xi32>], vector<16xf32>,
          tpu.vector_store_idx %arg12[%get3A_80, %parallel_loop3A_167], %parallel_loop3A_168 {add = true} : memref<336x256xf32, #tpu.memory_space<vmem>>[vector<16xi32>, vector<16xi32>], vector<16xf32>,
          %parallel_loop3A_169 = arith.constant 0 : i32
          %parallel_loop3A_170 = vector.broadcast %parallel_loop3A_169 : i32 to vector<16xi32>
          %parallel_loop3A_171 = arith.constant 10 : i32
          %parallel_loop3A_172 = arith.addi %parallel_loop3A_98, %parallel_loop3A_171 : i32
          %parallel_loop3A_173 = vector.broadcast %parallel_loop3A_172 : i32 to vector<16xi32>
          %parallel_loop3A_174 = arith.addi %parallel_loop3A_170, %parallel_loop3A_173 : vector<16xi32>
          %parallel_loop3A_175 = tpu.vector_load_idx %arg11[%add3A_83, %parallel_loop3A_174] : memref<32x256xf32, #tpu.memory_space<vmem>>[vector<16xi32>, vector<16xi32>], vector<16xf32>,
          tpu.vector_store_idx %arg12[%get3A_80, %parallel_loop3A_174], %parallel_loop3A_175 {add = true} : memref<336x256xf32, #tpu.memory_space<vmem>>[vector<16xi32>, vector<16xi32>], vector<16xf32>,
          %parallel_loop3A_176 = arith.constant 0 : i32
          %parallel_loop3A_177 = vector.broadcast %parallel_loop3A_176 : i32 to vector<16xi32>
          %parallel_loop3A_178 = arith.constant 11 : i32
          %parallel_loop3A_179 = arith.addi %parallel_loop3A_98, %parallel_loop3A_178 : i32
          %parallel_loop3A_180 = vector.broadcast %parallel_loop3A_179 : i32 to vector<16xi32>
          %parallel_loop3A_181 = arith.addi %parallel_loop3A_177, %parallel_loop3A_180 : vector<16xi32>
          %parallel_loop3A_182 = tpu.vector_load_idx %arg11[%add3A_83, %parallel_loop3A_181] : memref<32x256xf32, #tpu.memory_space<vmem>>[vector<16xi32>, vector<16xi32>], vector<16xf32>,
          tpu.vector_store_idx %arg12[%get3A_80, %parallel_loop3A_181], %parallel_loop3A_182 {add = true} : memref<336x256xf32, #tpu.memory_space<vmem>>[vector<16xi32>, vector<16xi32>], vector<16xf32>,
          %parallel_loop3A_183 = arith.constant 0 : i32
          %parallel_loop3A_184 = vector.broadcast %parallel_loop3A_183 : i32 to vector<16xi32>
          %parallel_loop3A_185 = arith.constant 12 : i32
          %parallel_loop3A_186 = arith.addi %parallel_loop3A_98, %parallel_loop3A_185 : i32
          %parallel_loop3A_187 = vector.broadcast %parallel_loop3A_186 : i32 to vector<16xi32>
          %parallel_loop3A_188 = arith.addi %parallel_loop3A_184, %parallel_loop3A_187 : vector<16xi32>
          %parallel_loop3A_189 = tpu.vector_load_idx %arg11[%add3A_83, %parallel_loop3A_188] : memref<32x256xf32, #tpu.memory_space<vmem>>[vector<16xi32>, vector<16xi32>], vector<16xf32>,
          tpu.vector_store_idx %arg12[%get3A_80, %parallel_loop3A_188], %parallel_loop3A_189 {add = true} : memref<336x256xf32, #tpu.memory_space<vmem>>[vector<16xi32>, vector<16xi32>], vector<16xf32>,
          %parallel_loop3A_190 = arith.constant 0 : i32
          %parallel_loop3A_191 = vector.broadcast %parallel_loop3A_190 : i32 to vector<16xi32>
          %parallel_loop3A_192 = arith.constant 13 : i32
          %parallel_loop3A_193 = arith.addi %parallel_loop3A_98, %parallel_loop3A_192 : i32
          %parallel_loop3A_194 = vector.broadcast %parallel_loop3A_193 : i32 to vector<16xi32>
          %parallel_loop3A_195 = arith.addi %parallel_loop3A_191, %parallel_loop3A_194 : vector<16xi32>
          %parallel_loop3A_196 = tpu.vector_load_idx %arg11[%add3A_83, %parallel_loop3A_195] : memref<32x256xf32, #tpu.memory_space<vmem>>[vector<16xi32>, vector<16xi32>], vector<16xf32>,
          tpu.vector_store_idx %arg12[%get3A_80, %parallel_loop3A_195], %parallel_loop3A_196 {add = true} : memref<336x256xf32, #tpu.memory_space<vmem>>[vector<16xi32>, vector<16xi32>], vector<16xf32>,
          %parallel_loop3A_197 = arith.constant 0 : i32
          %parallel_loop3A_198 = vector.broadcast %parallel_loop3A_197 : i32 to vector<16xi32>
          %parallel_loop3A_199 = arith.constant 14 : i32
          %parallel_loop3A_200 = arith.addi %parallel_loop3A_98, %parallel_loop3A_199 : i32
          %parallel_loop3A_201 = vector.broadcast %parallel_loop3A_200 : i32 to vector<16xi32>
          %parallel_loop3A_202 = arith.addi %parallel_loop3A_198, %parallel_loop3A_201 : vector<16xi32>
          %parallel_loop3A_203 = tpu.vector_load_idx %arg11[%add3A_83, %parallel_loop3A_202] : memref<32x256xf32, #tpu.memory_space<vmem>>[vector<16xi32>, vector<16xi32>], vector<16xf32>,
          tpu.vector_store_idx %arg12[%get3A_80, %parallel_loop3A_202], %parallel_loop3A_203 {add = true} : memref<336x256xf32, #tpu.memory_space<vmem>>[vector<16xi32>, vector<16xi32>], vector<16xf32>,
          %parallel_loop3A_204 = arith.constant 0 : i32
          %parallel_loop3A_205 = vector.broadcast %parallel_loop3A_204 : i32 to vector<16xi32>
          %parallel_loop3A_206 = arith.constant 15 : i32
          %parallel_loop3A_207 = arith.addi %parallel_loop3A_98, %parallel_loop3A_206 : i32
          %parallel_loop3A_208 = vector.broadcast %parallel_loop3A_207 : i32 to vector<16xi32>
          %parallel_loop3A_209 = arith.addi %parallel_loop3A_205, %parallel_loop3A_208 : vector<16xi32>
          %parallel_loop3A_210 = tpu.vector_load_idx %arg11[%add3A_83, %parallel_loop3A_209] : memref<32x256xf32, #tpu.memory_space<vmem>>[vector<16xi32>, vector<16xi32>], vector<16xf32>,
          tpu.vector_store_idx %arg12[%get3A_80, %parallel_loop3A_209], %parallel_loop3A_210 {add = true} : memref<336x256xf32, #tpu.memory_space<vmem>>[vector<16xi32>, vector<16xi32>], vector<16xf32>,
        } {sc.loop_unroll_factor = 2 : i64, sc.parallel_access}
        %mul3A_86 = arith.constant 32 : i32
        %mul3A_87 = arith.muli %while3A_67, %mul3A_86 : i32
        %add3A_88 = arith.constant 16 : i32
        %add3A_89 = arith.addi %mul3A_87, %add3A_88 : i32
        %get3A_90 = arith.index_cast %add3A_89 : i32 to index
        %get3A_91 = tpu.vector_load %arg10[%get3A_90] {strides = array<i32>} : memref<2048xi32, #tpu.memory_space<vmem>>, vector<16xi32>,
        %add3A_92 = arith.constant 16 : i32
        %add3A_93 = vector.broadcast %add3A_92 : i32 to vector<16xi32>
        %add3A_94 = arith.addi %iota3A, %add3A_93 : vector<16xi32>
        %parallel_loop3A_95 = arith.constant 0 : i32
        %parallel_loop3A_96 = arith.constant 256 : i32
        %parallel_loop3A_97 = arith.constant 16 : i32
        scf.for %parallel_loop3A_98 = %parallel_loop3A_95 to %parallel_loop3A_96 step %parallel_loop3A_97  : i32 {
          %parallel_loop3A_99 = arith.constant 0 : i32
          %parallel_loop3A_100 = vector.broadcast %parallel_loop3A_99 : i32 to vector<16xi32>
          %parallel_loop3A_101 = arith.constant 0 : i32
          %parallel_loop3A_102 = arith.addi %parallel_loop3A_98, %parallel_loop3A_101 : i32
          %parallel_loop3A_103 = vector.broadcast %parallel_loop3A_102 : i32 to vector<16xi32>
          %parallel_loop3A_104 = arith.addi %parallel_loop3A_100, %parallel_loop3A_103 : vector<16xi32>
          %parallel_loop3A_105 = tpu.vector_load_idx %arg11[%add3A_94, %parallel_loop3A_104] : memref<32x256xf32, #tpu.memory_space<vmem>>[vector<16xi32>, vector<16xi32>], vector<16xf32>,
          tpu.vector_store_idx %arg12[%get3A_91, %parallel_loop3A_104], %parallel_loop3A_105 {add = true} : memref<336x256xf32, #tpu.memory_space<vmem>>[vector<16xi32>, vector<16xi32>], vector<16xf32>,
          %parallel_loop3A_106 = arith.constant 0 : i32
          %parallel_loop3A_107 = vector.broadcast %parallel_loop3A_106 : i32 to vector<16xi32>
          %parallel_loop3A_108 = arith.constant 1 : i32
          %parallel_loop3A_109 = arith.addi %parallel_loop3A_98, %parallel_loop3A_108 : i32
          %parallel_loop3A_110 = vector.broadcast %parallel_loop3A_109 : i32 to vector<16xi32>
          %parallel_loop3A_111 = arith.addi %parallel_loop3A_107, %parallel_loop3A_110 : vector<16xi32>
          %parallel_loop3A_112 = tpu.vector_load_idx %arg11[%add3A_94, %parallel_loop3A_111] : memref<32x256xf32, #tpu.memory_space<vmem>>[vector<16xi32>, vector<16xi32>], vector<16xf32>,
          tpu.vector_store_idx %arg12[%get3A_91, %parallel_loop3A_111], %parallel_loop3A_112 {add = true} : memref<336x256xf32, #tpu.memory_space<vmem>>[vector<16xi32>, vector<16xi32>], vector<16xf32>,
          %parallel_loop3A_113 = arith.constant 0 : i32
          %parallel_loop3A_114 = vector.broadcast %parallel_loop3A_113 : i32 to vector<16xi32>
          %parallel_loop3A_115 = arith.constant 2 : i32
          %parallel_loop3A_116 = arith.addi %parallel_loop3A_98, %parallel_loop3A_115 : i32
          %parallel_loop3A_117 = vector.broadcast %parallel_loop3A_116 : i32 to vector<16xi32>
          %parallel_loop3A_118 = arith.addi %parallel_loop3A_114, %parallel_loop3A_117 : vector<16xi32>
          %parallel_loop3A_119 = tpu.vector_load_idx %arg11[%add3A_94, %parallel_loop3A_118] : memref<32x256xf32, #tpu.memory_space<vmem>>[vector<16xi32>, vector<16xi32>], vector<16xf32>,
          tpu.vector_store_idx %arg12[%get3A_91, %parallel_loop3A_118], %parallel_loop3A_119 {add = true} : memref<336x256xf32, #tpu.memory_space<vmem>>[vector<16xi32>, vector<16xi32>], vector<16xf32>,
          %parallel_loop3A_120 = arith.constant 0 : i32
          %parallel_loop3A_121 = vector.broadcast %parallel_loop3A_120 : i32 to vector<16xi32>
          %parallel_loop3A_122 = arith.constant 3 : i32
          %parallel_loop3A_123 = arith.addi %parallel_loop3A_98, %parallel_loop3A_122 : i32
          %parallel_loop3A_124 = vector.broadcast %parallel_loop3A_123 : i32 to vector<16xi32>
          %parallel_loop3A_125 = arith.addi %parallel_loop3A_121, %parallel_loop3A_124 : vector<16xi32>
          %parallel_loop3A_126 = tpu.vector_load_idx %arg11[%add3A_94, %parallel_loop3A_125] : memref<32x256xf32, #tpu.memory_space<vmem>>[vector<16xi32>, vector<16xi32>], vector<16xf32>,
          tpu.vector_store_idx %arg12[%get3A_91, %parallel_loop3A_125], %parallel_loop3A_126 {add = true} : memref<336x256xf32, #tpu.memory_space<vmem>>[vector<16xi32>, vector<16xi32>], vector<16xf32>,
          %parallel_loop3A_127 = arith.constant 0 : i32
          %parallel_loop3A_128 = vector.broadcast %parallel_loop3A_127 : i32 to vector<16xi32>
          %parallel_loop3A_129 = arith.constant 4 : i32
          %parallel_loop3A_130 = arith.addi %parallel_loop3A_98, %parallel_loop3A_129 : i32
          %parallel_loop3A_131 = vector.broadcast %parallel_loop3A_130 : i32 to vector<16xi32>
          %parallel_loop3A_132 = arith.addi %parallel_loop3A_128, %parallel_loop3A_131 : vector<16xi32>
          %parallel_loop3A_133 = tpu.vector_load_idx %arg11[%add3A_94, %parallel_loop3A_132] : memref<32x256xf32, #tpu.memory_space<vmem>>[vector<16xi32>, vector<16xi32>], vector<16xf32>,
          tpu.vector_store_idx %arg12[%get3A_91, %parallel_loop3A_132], %parallel_loop3A_133 {add = true} : memref<336x256xf32, #tpu.memory_space<vmem>>[vector<16xi32>, vector<16xi32>], vector<16xf32>,
          %parallel_loop3A_134 = arith.constant 0 : i32
          %parallel_loop3A_135 = vector.broadcast %parallel_loop3A_134 : i32 to vector<16xi32>
          %parallel_loop3A_136 = arith.constant 5 : i32
          %parallel_loop3A_137 = arith.addi %parallel_loop3A_98, %parallel_loop3A_136 : i32
          %parallel_loop3A_138 = vector.broadcast %parallel_loop3A_137 : i32 to vector<16xi32>
          %parallel_loop3A_139 = arith.addi %parallel_loop3A_135, %parallel_loop3A_138 : vector<16xi32>
          %parallel_loop3A_140 = tpu.vector_load_idx %arg11[%add3A_94, %parallel_loop3A_139] : memref<32x256xf32, #tpu.memory_space<vmem>>[vector<16xi32>, vector<16xi32>], vector<16xf32>,
          tpu.vector_store_idx %arg12[%get3A_91, %parallel_loop3A_139], %parallel_loop3A_140 {add = true} : memref<336x256xf32, #tpu.memory_space<vmem>>[vector<16xi32>, vector<16xi32>], vector<16xf32>,
          %parallel_loop3A_141 = arith.constant 0 : i32
          %parallel_loop3A_142 = vector.broadcast %parallel_loop3A_141 : i32 to vector<16xi32>
          %parallel_loop3A_143 = arith.constant 6 : i32
          %parallel_loop3A_144 = arith.addi %parallel_loop3A_98, %parallel_loop3A_143 : i32
          %parallel_loop3A_145 = vector.broadcast %parallel_loop3A_144 : i32 to vector<16xi32>
          %parallel_loop3A_146 = arith.addi %parallel_loop3A_142, %parallel_loop3A_145 : vector<16xi32>
          %parallel_loop3A_147 = tpu.vector_load_idx %arg11[%add3A_94, %parallel_loop3A_146] : memref<32x256xf32, #tpu.memory_space<vmem>>[vector<16xi32>, vector<16xi32>], vector<16xf32>,
          tpu.vector_store_idx %arg12[%get3A_91, %parallel_loop3A_146], %parallel_loop3A_147 {add = true} : memref<336x256xf32, #tpu.memory_space<vmem>>[vector<16xi32>, vector<16xi32>], vector<16xf32>,
          %parallel_loop3A_148 = arith.constant 0 : i32
          %parallel_loop3A_149 = vector.broadcast %parallel_loop3A_148 : i32 to vector<16xi32>
          %parallel_loop3A_150 = arith.constant 7 : i32
          %parallel_loop3A_151 = arith.addi %parallel_loop3A_98, %parallel_loop3A_150 : i32
          %parallel_loop3A_152 = vector.broadcast %parallel_loop3A_151 : i32 to vector<16xi32>
          %parallel_loop3A_153 = arith.addi %parallel_loop3A_149, %parallel_loop3A_152 : vector<16xi32>
          %parallel_loop3A_154 = tpu.vector_load_idx %arg11[%add3A_94, %parallel_loop3A_153] : memref<32x256xf32, #tpu.memory_space<vmem>>[vector<16xi32>, vector<16xi32>], vector<16xf32>,
          tpu.vector_store_idx %arg12[%get3A_91, %parallel_loop3A_153], %parallel_loop3A_154 {add = true} : memref<336x256xf32, #tpu.memory_space<vmem>>[vector<16xi32>, vector<16xi32>], vector<16xf32>,
          %parallel_loop3A_155 = arith.constant 0 : i32
          %parallel_loop3A_156 = vector.broadcast %parallel_loop3A_155 : i32 to vector<16xi32>
          %parallel_loop3A_157 = arith.constant 8 : i32
          %parallel_loop3A_158 = arith.addi %parallel_loop3A_98, %parallel_loop3A_157 : i32
          %parallel_loop3A_159 = vector.broadcast %parallel_loop3A_158 : i32 to vector<16xi32>
          %parallel_loop3A_160 = arith.addi %parallel_loop3A_156, %parallel_loop3A_159 : vector<16xi32>
          %parallel_loop3A_161 = tpu.vector_load_idx %arg11[%add3A_94, %parallel_loop3A_160] : memref<32x256xf32, #tpu.memory_space<vmem>>[vector<16xi32>, vector<16xi32>], vector<16xf32>,
          tpu.vector_store_idx %arg12[%get3A_91, %parallel_loop3A_160], %parallel_loop3A_161 {add = true} : memref<336x256xf32, #tpu.memory_space<vmem>>[vector<16xi32>, vector<16xi32>], vector<16xf32>,
          %parallel_loop3A_162 = arith.constant 0 : i32
          %parallel_loop3A_163 = vector.broadcast %parallel_loop3A_162 : i32 to vector<16xi32>
          %parallel_loop3A_164 = arith.constant 9 : i32
          %parallel_loop3A_165 = arith.addi %parallel_loop3A_98, %parallel_loop3A_164 : i32
          %parallel_loop3A_166 = vector.broadcast %parallel_loop3A_165 : i32 to vector<16xi32>
          %parallel_loop3A_167 = arith.addi %parallel_loop3A_163, %parallel_loop3A_166 : vector<16xi32>
          %parallel_loop3A_168 = tpu.vector_load_idx %arg11[%add3A_94, %parallel_loop3A_167] : memref<32x256xf32, #tpu.memory_space<vmem>>[vector<16xi32>, vector<16xi32>], vector<16xf32>,
          tpu.vector_store_idx %arg12[%get3A_91, %parallel_loop3A_167], %parallel_loop3A_168 {add = true} : memref<336x256xf32, #tpu.memory_space<vmem>>[vector<16xi32>, vector<16xi32>], vector<16xf32>,
          %parallel_loop3A_169 = arith.constant 0 : i32
          %parallel_loop3A_170 = vector.broadcast %parallel_loop3A_169 : i32 to vector<16xi32>
          %parallel_loop3A_171 = arith.constant 10 : i32
          %parallel_loop3A_172 = arith.addi %parallel_loop3A_98, %parallel_loop3A_171 : i32
          %parallel_loop3A_173 = vector.broadcast %parallel_loop3A_172 : i32 to vector<16xi32>
          %parallel_loop3A_174 = arith.addi %parallel_loop3A_170, %parallel_loop3A_173 : vector<16xi32>
          %parallel_loop3A_175 = tpu.vector_load_idx %arg11[%add3A_94, %parallel_loop3A_174] : memref<32x256xf32, #tpu.memory_space<vmem>>[vector<16xi32>, vector<16xi32>], vector<16xf32>,
          tpu.vector_store_idx %arg12[%get3A_91, %parallel_loop3A_174], %parallel_loop3A_175 {add = true} : memref<336x256xf32, #tpu.memory_space<vmem>>[vector<16xi32>, vector<16xi32>], vector<16xf32>,
          %parallel_loop3A_176 = arith.constant 0 : i32
          %parallel_loop3A_177 = vector.broadcast %parallel_loop3A_176 : i32 to vector<16xi32>
          %parallel_loop3A_178 = arith.constant 11 : i32
          %parallel_loop3A_179 = arith.addi %parallel_loop3A_98, %parallel_loop3A_178 : i32
          %parallel_loop3A_180 = vector.broadcast %parallel_loop3A_179 : i32 to vector<16xi32>
          %parallel_loop3A_181 = arith.addi %parallel_loop3A_177, %parallel_loop3A_180 : vector<16xi32>
          %parallel_loop3A_182 = tpu.vector_load_idx %arg11[%add3A_94, %parallel_loop3A_181] : memref<32x256xf32, #tpu.memory_space<vmem>>[vector<16xi32>, vector<16xi32>], vector<16xf32>,
          tpu.vector_store_idx %arg12[%get3A_91, %parallel_loop3A_181], %parallel_loop3A_182 {add = true} : memref<336x256xf32, #tpu.memory_space<vmem>>[vector<16xi32>, vector<16xi32>], vector<16xf32>,
          %parallel_loop3A_183 = arith.constant 0 : i32
          %parallel_loop3A_184 = vector.broadcast %parallel_loop3A_183 : i32 to vector<16xi32>
          %parallel_loop3A_185 = arith.constant 12 : i32
          %parallel_loop3A_186 = arith.addi %parallel_loop3A_98, %parallel_loop3A_185 : i32
          %parallel_loop3A_187 = vector.broadcast %parallel_loop3A_186 : i32 to vector<16xi32>
          %parallel_loop3A_188 = arith.addi %parallel_loop3A_184, %parallel_loop3A_187 : vector<16xi32>
          %parallel_loop3A_189 = tpu.vector_load_idx %arg11[%add3A_94, %parallel_loop3A_188] : memref<32x256xf32, #tpu.memory_space<vmem>>[vector<16xi32>, vector<16xi32>], vector<16xf32>,
          tpu.vector_store_idx %arg12[%get3A_91, %parallel_loop3A_188], %parallel_loop3A_189 {add = true} : memref<336x256xf32, #tpu.memory_space<vmem>>[vector<16xi32>, vector<16xi32>], vector<16xf32>,
          %parallel_loop3A_190 = arith.constant 0 : i32
          %parallel_loop3A_191 = vector.broadcast %parallel_loop3A_190 : i32 to vector<16xi32>
          %parallel_loop3A_192 = arith.constant 13 : i32
          %parallel_loop3A_193 = arith.addi %parallel_loop3A_98, %parallel_loop3A_192 : i32
          %parallel_loop3A_194 = vector.broadcast %parallel_loop3A_193 : i32 to vector<16xi32>
          %parallel_loop3A_195 = arith.addi %parallel_loop3A_191, %parallel_loop3A_194 : vector<16xi32>
          %parallel_loop3A_196 = tpu.vector_load_idx %arg11[%add3A_94, %parallel_loop3A_195] : memref<32x256xf32, #tpu.memory_space<vmem>>[vector<16xi32>, vector<16xi32>], vector<16xf32>,
          tpu.vector_store_idx %arg12[%get3A_91, %parallel_loop3A_195], %parallel_loop3A_196 {add = true} : memref<336x256xf32, #tpu.memory_space<vmem>>[vector<16xi32>, vector<16xi32>], vector<16xf32>,
          %parallel_loop3A_197 = arith.constant 0 : i32
          %parallel_loop3A_198 = vector.broadcast %parallel_loop3A_197 : i32 to vector<16xi32>
          %parallel_loop3A_199 = arith.constant 14 : i32
          %parallel_loop3A_200 = arith.addi %parallel_loop3A_98, %parallel_loop3A_199 : i32
          %parallel_loop3A_201 = vector.broadcast %parallel_loop3A_200 : i32 to vector<16xi32>
          %parallel_loop3A_202 = arith.addi %parallel_loop3A_198, %parallel_loop3A_201 : vector<16xi32>
          %parallel_loop3A_203 = tpu.vector_load_idx %arg11[%add3A_94, %parallel_loop3A_202] : memref<32x256xf32, #tpu.memory_space<vmem>>[vector<16xi32>, vector<16xi32>], vector<16xf32>,
          tpu.vector_store_idx %arg12[%get3A_91, %parallel_loop3A_202], %parallel_loop3A_203 {add = true} : memref<336x256xf32, #tpu.memory_space<vmem>>[vector<16xi32>, vector<16xi32>], vector<16xf32>,
          %parallel_loop3A_204 = arith.constant 0 : i32
          %parallel_loop3A_205 = vector.broadcast %parallel_loop3A_204 : i32 to vector<16xi32>
          %parallel_loop3A_206 = arith.constant 15 : i32
          %parallel_loop3A_207 = arith.addi %parallel_loop3A_98, %parallel_loop3A_206 : i32
          %parallel_loop3A_208 = vector.broadcast %parallel_loop3A_207 : i32 to vector<16xi32>
          %parallel_loop3A_209 = arith.addi %parallel_loop3A_205, %parallel_loop3A_208 : vector<16xi32>
          %parallel_loop3A_210 = tpu.vector_load_idx %arg11[%add3A_94, %parallel_loop3A_209] : memref<32x256xf32, #tpu.memory_space<vmem>>[vector<16xi32>, vector<16xi32>], vector<16xf32>,
          tpu.vector_store_idx %arg12[%get3A_91, %parallel_loop3A_209], %parallel_loop3A_210 {add = true} : memref<336x256xf32, #tpu.memory_space<vmem>>[vector<16xi32>, vector<16xi32>], vector<16xf32>,
        } {sc.loop_unroll_factor = 2 : i64, sc.parallel_access}
        "tpu.trace_stop"() : () -> ()
      }
      %while3A_66 = arith.constant 1 : i32
      scf.for %while3A_67 = %while3A_64 to %while3A_60 step %while3A_66  : i32 {
        "tpu.trace_start"() <{level = 10 : i32, message = "gather"}> : () -> ()
        %mul3A_68 = arith.constant 32 : i32
        %mul3A_69 = arith.muli %while3A_67, %mul3A_68 : i32
        %dma_start3A = tpu.memref_slice %arg9[%mul3A_69] : memref<2048xi32, #tpu.memory_space<vmem>> -> memref<32xi32, #tpu.memory_space<vmem>>
        %dma_start3A_70 = arith.constant 0 : i32
        %dma_start3A_71 = arith.constant 0 : i32
        %dma_start3A_72 = tpu.memref_slice %arg2[%dma_start3A_70, %dma_start3A_71] : memref<10240x256xf32, #tpu.memory_space<hbm>> -> memref<10240x256xf32, #tpu.memory_space<hbm>>
        tpu.enqueue_indirect_dma source(%dma_start3A_72 : memref<10240x256xf32, #tpu.memory_space<hbm>>) target(%arg11 : memref<32x256xf32, #tpu.memory_space<vmem>>) offsets(%dma_start3A : memref<32xi32, #tpu.memory_space<vmem>>) semaphore(%arg13 : memref<!tpu.dma_semaphore, #tpu.memory_space<semaphore_mem>>)
        %dma_wait3A = tpu.memref_slice %arg9[%mul3A_69] : memref<2048xi32, #tpu.memory_space<vmem>> -> memref<32xi32, #tpu.memory_space<vmem>>
        %dma_wait3A_73 = arith.constant 0 : i32
        %dma_wait3A_74 = arith.constant 0 : i32
        %dma_wait3A_75 = tpu.memref_slice %arg2[%dma_wait3A_73, %dma_wait3A_74] : memref<10240x256xf32, #tpu.memory_space<hbm>> -> memref<10240x256xf32, #tpu.memory_space<hbm>>
        tpu.wait_indirect_dma semaphore(%arg13 : memref<!tpu.dma_semaphore, #tpu.memory_space<semaphore_mem>>) src(%dma_wait3A_75 : memref<10240x256xf32, #tpu.memory_space<hbm>>) dst(%arg11 : memref<32x256xf32, #tpu.memory_space<vmem>>)
        "tpu.trace_stop"() : () -> ()
        "tpu.trace_start"() <{level = 10 : i32, message = "accum"}> : () -> ()
        %mul3A_76 = arith.constant 32 : i32
        %mul3A_77 = arith.muli %while3A_67, %mul3A_76 : i32
        %add3A_78 = arith.constant 0 : i32
        %add3A_79 = arith.addi %mul3A_77, %add3A_78 : i32
        %get3A = arith.index_cast %add3A_79 : i32 to index
        %get3A_80 = tpu.vector_load %arg10[%get3A] {strides = array<i32>} : memref<2048xi32, #tpu.memory_space<vmem>>, vector<16xi32>,
        %add3A_81 = arith.constant 0 : i32
        %add3A_82 = vector.broadcast %add3A_81 : i32 to vector<16xi32>
        %add3A_83 = arith.addi %iota3A, %add3A_82 : vector<16xi32>
        %parallel_loop3A = arith.constant 0 : i32
        %parallel_loop3A_84 = arith.constant 256 : i32
        %parallel_loop3A_85 = arith.constant 16 : i32
        scf.for %parallel_loop3A_98 = %parallel_loop3A to %parallel_loop3A_84 step %parallel_loop3A_85  : i32 {
          %parallel_loop3A_99 = arith.constant 0 : i32
          %parallel_loop3A_100 = vector.broadcast %parallel_loop3A_99 : i32 to vector<16xi32>
          %parallel_loop3A_101 = arith.constant 0 : i32
          %parallel_loop3A_102 = arith.addi %parallel_loop3A_98, %parallel_loop3A_101 : i32
          %parallel_loop3A_103 = vector.broadcast %parallel_loop3A_102 : i32 to vector<16xi32>
          %parallel_loop3A_104 = arith.addi %parallel_loop3A_100, %parallel_loop3A_103 : vector<16xi32>
          %parallel_loop3A_105 = tpu.vector_load_idx %arg11[%add3A_83, %parallel_loop3A_104] : memref<32x256xf32, #tpu.memory_space<vmem>>[vector<16xi32>, vector<16xi32>], vector<16xf32>,
          tpu.vector_store_idx %arg12[%get3A_80, %parallel_loop3A_104], %parallel_loop3A_105 {add = true} : memref<336x256xf32, #tpu.memory_space<vmem>>[vector<16xi32>, vector<16xi32>], vector<16xf32>,
          %parallel_loop3A_106 = arith.constant 0 : i32
          %parallel_loop3A_107 = vector.broadcast %parallel_loop3A_106 : i32 to vector<16xi32>
          %parallel_loop3A_108 = arith.constant 1 : i32
          %parallel_loop3A_109 = arith.addi %parallel_loop3A_98, %parallel_loop3A_108 : i32
          %parallel_loop3A_110 = vector.broadcast %parallel_loop3A_109 : i32 to vector<16xi32>
          %parallel_loop3A_111 = arith.addi %parallel_loop3A_107, %parallel_loop3A_110 : vector<16xi32>
          %parallel_loop3A_112 = tpu.vector_load_idx %arg11[%add3A_83, %parallel_loop3A_111] : memref<32x256xf32, #tpu.memory_space<vmem>>[vector<16xi32>, vector<16xi32>], vector<16xf32>,
          tpu.vector_store_idx %arg12[%get3A_80, %parallel_loop3A_111], %parallel_loop3A_112 {add = true} : memref<336x256xf32, #tpu.memory_space<vmem>>[vector<16xi32>, vector<16xi32>], vector<16xf32>,
          %parallel_loop3A_113 = arith.constant 0 : i32
          %parallel_loop3A_114 = vector.broadcast %parallel_loop3A_113 : i32 to vector<16xi32>
          %parallel_loop3A_115 = arith.constant 2 : i32
          %parallel_loop3A_116 = arith.addi %parallel_loop3A_98, %parallel_loop3A_115 : i32
          %parallel_loop3A_117 = vector.broadcast %parallel_loop3A_116 : i32 to vector<16xi32>
          %parallel_loop3A_118 = arith.addi %parallel_loop3A_114, %parallel_loop3A_117 : vector<16xi32>
          %parallel_loop3A_119 = tpu.vector_load_idx %arg11[%add3A_83, %parallel_loop3A_118] : memref<32x256xf32, #tpu.memory_space<vmem>>[vector<16xi32>, vector<16xi32>], vector<16xf32>,
          tpu.vector_store_idx %arg12[%get3A_80, %parallel_loop3A_118], %parallel_loop3A_119 {add = true} : memref<336x256xf32, #tpu.memory_space<vmem>>[vector<16xi32>, vector<16xi32>], vector<16xf32>,
          %parallel_loop3A_120 = arith.constant 0 : i32
          %parallel_loop3A_121 = vector.broadcast %parallel_loop3A_120 : i32 to vector<16xi32>
          %parallel_loop3A_122 = arith.constant 3 : i32
          %parallel_loop3A_123 = arith.addi %parallel_loop3A_98, %parallel_loop3A_122 : i32
          %parallel_loop3A_124 = vector.broadcast %parallel_loop3A_123 : i32 to vector<16xi32>
          %parallel_loop3A_125 = arith.addi %parallel_loop3A_121, %parallel_loop3A_124 : vector<16xi32>
          %parallel_loop3A_126 = tpu.vector_load_idx %arg11[%add3A_83, %parallel_loop3A_125] : memref<32x256xf32, #tpu.memory_space<vmem>>[vector<16xi32>, vector<16xi32>], vector<16xf32>,
          tpu.vector_store_idx %arg12[%get3A_80, %parallel_loop3A_125], %parallel_loop3A_126 {add = true} : memref<336x256xf32, #tpu.memory_space<vmem>>[vector<16xi32>, vector<16xi32>], vector<16xf32>,
          %parallel_loop3A_127 = arith.constant 0 : i32
          %parallel_loop3A_128 = vector.broadcast %parallel_loop3A_127 : i32 to vector<16xi32>
          %parallel_loop3A_129 = arith.constant 4 : i32
          %parallel_loop3A_130 = arith.addi %parallel_loop3A_98, %parallel_loop3A_129 : i32
          %parallel_loop3A_131 = vector.broadcast %parallel_loop3A_130 : i32 to vector<16xi32>
          %parallel_loop3A_132 = arith.addi %parallel_loop3A_128, %parallel_loop3A_131 : vector<16xi32>
          %parallel_loop3A_133 = tpu.vector_load_idx %arg11[%add3A_83, %parallel_loop3A_132] : memref<32x256xf32, #tpu.memory_space<vmem>>[vector<16xi32>, vector<16xi32>], vector<16xf32>,
          tpu.vector_store_idx %arg12[%get3A_80, %parallel_loop3A_132], %parallel_loop3A_133 {add = true} : memref<336x256xf32, #tpu.memory_space<vmem>>[vector<16xi32>, vector<16xi32>], vector<16xf32>,
          %parallel_loop3A_134 = arith.constant 0 : i32
          %parallel_loop3A_135 = vector.broadcast %parallel_loop3A_134 : i32 to vector<16xi32>
          %parallel_loop3A_136 = arith.constant 5 : i32
          %parallel_loop3A_137 = arith.addi %parallel_loop3A_98, %parallel_loop3A_136 : i32
          %parallel_loop3A_138 = vector.broadcast %parallel_loop3A_137 : i32 to vector<16xi32>
          %parallel_loop3A_139 = arith.addi %parallel_loop3A_135, %parallel_loop3A_138 : vector<16xi32>
          %parallel_loop3A_140 = tpu.vector_load_idx %arg11[%add3A_83, %parallel_loop3A_139] : memref<32x256xf32, #tpu.memory_space<vmem>>[vector<16xi32>, vector<16xi32>], vector<16xf32>,
          tpu.vector_store_idx %arg12[%get3A_80, %parallel_loop3A_139], %parallel_loop3A_140 {add = true} : memref<336x256xf32, #tpu.memory_space<vmem>>[vector<16xi32>, vector<16xi32>], vector<16xf32>,
          %parallel_loop3A_141 = arith.constant 0 : i32
          %parallel_loop3A_142 = vector.broadcast %parallel_loop3A_141 : i32 to vector<16xi32>
          %parallel_loop3A_143 = arith.constant 6 : i32
          %parallel_loop3A_144 = arith.addi %parallel_loop3A_98, %parallel_loop3A_143 : i32
          %parallel_loop3A_145 = vector.broadcast %parallel_loop3A_144 : i32 to vector<16xi32>
          %parallel_loop3A_146 = arith.addi %parallel_loop3A_142, %parallel_loop3A_145 : vector<16xi32>
          %parallel_loop3A_147 = tpu.vector_load_idx %arg11[%add3A_83, %parallel_loop3A_146] : memref<32x256xf32, #tpu.memory_space<vmem>>[vector<16xi32>, vector<16xi32>], vector<16xf32>,
          tpu.vector_store_idx %arg12[%get3A_80, %parallel_loop3A_146], %parallel_loop3A_147 {add = true} : memref<336x256xf32, #tpu.memory_space<vmem>>[vector<16xi32>, vector<16xi32>], vector<16xf32>,
          %parallel_loop3A_148 = arith.constant 0 : i32
          %parallel_loop3A_149 = vector.broadcast %parallel_loop3A_148 : i32 to vector<16xi32>
          %parallel_loop3A_150 = arith.constant 7 : i32
          %parallel_loop3A_151 = arith.addi %parallel_loop3A_98, %parallel_loop3A_150 : i32
          %parallel_loop3A_152 = vector.broadcast %parallel_loop3A_151 : i32 to vector<16xi32>
          %parallel_loop3A_153 = arith.addi %parallel_loop3A_149, %parallel_loop3A_152 : vector<16xi32>
          %parallel_loop3A_154 = tpu.vector_load_idx %arg11[%add3A_83, %parallel_loop3A_153] : memref<32x256xf32, #tpu.memory_space<vmem>>[vector<16xi32>, vector<16xi32>], vector<16xf32>,
          tpu.vector_store_idx %arg12[%get3A_80, %parallel_loop3A_153], %parallel_loop3A_154 {add = true} : memref<336x256xf32, #tpu.memory_space<vmem>>[vector<16xi32>, vector<16xi32>], vector<16xf32>,
          %parallel_loop3A_155 = arith.constant 0 : i32
          %parallel_loop3A_156 = vector.broadcast %parallel_loop3A_155 : i32 to vector<16xi32>
          %parallel_loop3A_157 = arith.constant 8 : i32
          %parallel_loop3A_158 = arith.addi %parallel_loop3A_98, %parallel_loop3A_157 : i32
          %parallel_loop3A_159 = vector.broadcast %parallel_loop3A_158 : i32 to vector<16xi32>
          %parallel_loop3A_160 = arith.addi %parallel_loop3A_156, %parallel_loop3A_159 : vector<16xi32>
          %parallel_loop3A_161 = tpu.vector_load_idx %arg11[%add3A_83, %parallel_loop3A_160] : memref<32x256xf32, #tpu.memory_space<vmem>>[vector<16xi32>, vector<16xi32>], vector<16xf32>,
          tpu.vector_store_idx %arg12[%get3A_80, %parallel_loop3A_160], %parallel_loop3A_161 {add = true} : memref<336x256xf32, #tpu.memory_space<vmem>>[vector<16xi32>, vector<16xi32>], vector<16xf32>,
          %parallel_loop3A_162 = arith.constant 0 : i32
          %parallel_loop3A_163 = vector.broadcast %parallel_loop3A_162 : i32 to vector<16xi32>
          %parallel_loop3A_164 = arith.constant 9 : i32
          %parallel_loop3A_165 = arith.addi %parallel_loop3A_98, %parallel_loop3A_164 : i32
          %parallel_loop3A_166 = vector.broadcast %parallel_loop3A_165 : i32 to vector<16xi32>
          %parallel_loop3A_167 = arith.addi %parallel_loop3A_163, %parallel_loop3A_166 : vector<16xi32>
          %parallel_loop3A_168 = tpu.vector_load_idx %arg11[%add3A_83, %parallel_loop3A_167] : memref<32x256xf32, #tpu.memory_space<vmem>>[vector<16xi32>, vector<16xi32>], vector<16xf32>,
          tpu.vector_store_idx %arg12[%get3A_80, %parallel_loop3A_167], %parallel_loop3A_168 {add = true} : memref<336x256xf32, #tpu.memory_space<vmem>>[vector<16xi32>, vector<16xi32>], vector<16xf32>,
          %parallel_loop3A_169 = arith.constant 0 : i32
          %parallel_loop3A_170 = vector.broadcast %parallel_loop3A_169 : i32 to vector<16xi32>
          %parallel_loop3A_171 = arith.constant 10 : i32
          %parallel_loop3A_172 = arith.addi %parallel_loop3A_98, %parallel_loop3A_171 : i32
          %parallel_loop3A_173 = vector.broadcast %parallel_loop3A_172 : i32 to vector<16xi32>
          %parallel_loop3A_174 = arith.addi %parallel_loop3A_170, %parallel_loop3A_173 : vector<16xi32>
          %parallel_loop3A_175 = tpu.vector_load_idx %arg11[%add3A_83, %parallel_loop3A_174] : memref<32x256xf32, #tpu.memory_space<vmem>>[vector<16xi32>, vector<16xi32>], vector<16xf32>,
          tpu.vector_store_idx %arg12[%get3A_80, %parallel_loop3A_174], %parallel_loop3A_175 {add = true} : memref<336x256xf32, #tpu.memory_space<vmem>>[vector<16xi32>, vector<16xi32>], vector<16xf32>,
          %parallel_loop3A_176 = arith.constant 0 : i32
          %parallel_loop3A_177 = vector.broadcast %parallel_loop3A_176 : i32 to vector<16xi32>
          %parallel_loop3A_178 = arith.constant 11 : i32
          %parallel_loop3A_179 = arith.addi %parallel_loop3A_98, %parallel_loop3A_178 : i32
          %parallel_loop3A_180 = vector.broadcast %parallel_loop3A_179 : i32 to vector<16xi32>
          %parallel_loop3A_181 = arith.addi %parallel_loop3A_177, %parallel_loop3A_180 : vector<16xi32>
          %parallel_loop3A_182 = tpu.vector_load_idx %arg11[%add3A_83, %parallel_loop3A_181] : memref<32x256xf32, #tpu.memory_space<vmem>>[vector<16xi32>, vector<16xi32>], vector<16xf32>,
          tpu.vector_store_idx %arg12[%get3A_80, %parallel_loop3A_181], %parallel_loop3A_182 {add = true} : memref<336x256xf32, #tpu.memory_space<vmem>>[vector<16xi32>, vector<16xi32>], vector<16xf32>,
          %parallel_loop3A_183 = arith.constant 0 : i32
          %parallel_loop3A_184 = vector.broadcast %parallel_loop3A_183 : i32 to vector<16xi32>
          %parallel_loop3A_185 = arith.constant 12 : i32
          %parallel_loop3A_186 = arith.addi %parallel_loop3A_98, %parallel_loop3A_185 : i32
          %parallel_loop3A_187 = vector.broadcast %parallel_loop3A_186 : i32 to vector<16xi32>
          %parallel_loop3A_188 = arith.addi %parallel_loop3A_184, %parallel_loop3A_187 : vector<16xi32>
          %parallel_loop3A_189 = tpu.vector_load_idx %arg11[%add3A_83, %parallel_loop3A_188] : memref<32x256xf32, #tpu.memory_space<vmem>>[vector<16xi32>, vector<16xi32>], vector<16xf32>,
          tpu.vector_store_idx %arg12[%get3A_80, %parallel_loop3A_188], %parallel_loop3A_189 {add = true} : memref<336x256xf32, #tpu.memory_space<vmem>>[vector<16xi32>, vector<16xi32>], vector<16xf32>,
          %parallel_loop3A_190 = arith.constant 0 : i32
          %parallel_loop3A_191 = vector.broadcast %parallel_loop3A_190 : i32 to vector<16xi32>
          %parallel_loop3A_192 = arith.constant 13 : i32
          %parallel_loop3A_193 = arith.addi %parallel_loop3A_98, %parallel_loop3A_192 : i32
          %parallel_loop3A_194 = vector.broadcast %parallel_loop3A_193 : i32 to vector<16xi32>
          %parallel_loop3A_195 = arith.addi %parallel_loop3A_191, %parallel_loop3A_194 : vector<16xi32>
          %parallel_loop3A_196 = tpu.vector_load_idx %arg11[%add3A_83, %parallel_loop3A_195] : memref<32x256xf32, #tpu.memory_space<vmem>>[vector<16xi32>, vector<16xi32>], vector<16xf32>,
          tpu.vector_store_idx %arg12[%get3A_80, %parallel_loop3A_195], %parallel_loop3A_196 {add = true} : memref<336x256xf32, #tpu.memory_space<vmem>>[vector<16xi32>, vector<16xi32>], vector<16xf32>,
          %parallel_loop3A_197 = arith.constant 0 : i32
          %parallel_loop3A_198 = vector.broadcast %parallel_loop3A_197 : i32 to vector<16xi32>
          %parallel_loop3A_199 = arith.constant 14 : i32
          %parallel_loop3A_200 = arith.addi %parallel_loop3A_98, %parallel_loop3A_199 : i32
          %parallel_loop3A_201 = vector.broadcast %parallel_loop3A_200 : i32 to vector<16xi32>
          %parallel_loop3A_202 = arith.addi %parallel_loop3A_198, %parallel_loop3A_201 : vector<16xi32>
          %parallel_loop3A_203 = tpu.vector_load_idx %arg11[%add3A_83, %parallel_loop3A_202] : memref<32x256xf32, #tpu.memory_space<vmem>>[vector<16xi32>, vector<16xi32>], vector<16xf32>,
          tpu.vector_store_idx %arg12[%get3A_80, %parallel_loop3A_202], %parallel_loop3A_203 {add = true} : memref<336x256xf32, #tpu.memory_space<vmem>>[vector<16xi32>, vector<16xi32>], vector<16xf32>,
          %parallel_loop3A_204 = arith.constant 0 : i32
          %parallel_loop3A_205 = vector.broadcast %parallel_loop3A_204 : i32 to vector<16xi32>
          %parallel_loop3A_206 = arith.constant 15 : i32
          %parallel_loop3A_207 = arith.addi %parallel_loop3A_98, %parallel_loop3A_206 : i32
          %parallel_loop3A_208 = vector.broadcast %parallel_loop3A_207 : i32 to vector<16xi32>
          %parallel_loop3A_209 = arith.addi %parallel_loop3A_205, %parallel_loop3A_208 : vector<16xi32>
          %parallel_loop3A_210 = tpu.vector_load_idx %arg11[%add3A_83, %parallel_loop3A_209] : memref<32x256xf32, #tpu.memory_space<vmem>>[vector<16xi32>, vector<16xi32>], vector<16xf32>,
          tpu.vector_store_idx %arg12[%get3A_80, %parallel_loop3A_209], %parallel_loop3A_210 {add = true} : memref<336x256xf32, #tpu.memory_space<vmem>>[vector<16xi32>, vector<16xi32>], vector<16xf32>,
        } {sc.loop_unroll_factor = 2 : i64, sc.parallel_access}
        %mul3A_86 = arith.constant 32 : i32
        %mul3A_87 = arith.muli %while3A_67, %mul3A_86 : i32
        %add3A_88 = arith.constant 16 : i32
        %add3A_89 = arith.addi %mul3A_87, %add3A_88 : i32
        %get3A_90 = arith.index_cast %add3A_89 : i32 to index
        %get3A_91 = tpu.vector_load %arg10[%get3A_90] {strides = array<i32>} : memref<2048xi32, #tpu.memory_space<vmem>>, vector<16xi32>,
        %add3A_92 = arith.constant 16 : i32
        %add3A_93 = vector.broadcast %add3A_92 : i32 to vector<16xi32>
        %add3A_94 = arith.addi %iota3A, %add3A_93 : vector<16xi32>
        %parallel_loop3A_95 = arith.constant 0 : i32
        %parallel_loop3A_96 = arith.constant 256 : i32
        %parallel_loop3A_97 = arith.constant 16 : i32
        scf.for %parallel_loop3A_98 = %parallel_loop3A_95 to %parallel_loop3A_96 step %parallel_loop3A_97  : i32 {
          %parallel_loop3A_99 = arith.constant 0 : i32
          %parallel_loop3A_100 = vector.broadcast %parallel_loop3A_99 : i32 to vector<16xi32>
          %parallel_loop3A_101 = arith.constant 0 : i32
          %parallel_loop3A_102 = arith.addi %parallel_loop3A_98, %parallel_loop3A_101 : i32
          %parallel_loop3A_103 = vector.broadcast %parallel_loop3A_102 : i32 to vector<16xi32>
          %parallel_loop3A_104 = arith.addi %parallel_loop3A_100, %parallel_loop3A_103 : vector<16xi32>
          %parallel_loop3A_105 = tpu.vector_load_idx %arg11[%add3A_94, %parallel_loop3A_104] : memref<32x256xf32, #tpu.memory_space<vmem>>[vector<16xi32>, vector<16xi32>], vector<16xf32>,
          tpu.vector_store_idx %arg12[%get3A_91, %parallel_loop3A_104], %parallel_loop3A_105 {add = true} : memref<336x256xf32, #tpu.memory_space<vmem>>[vector<16xi32>, vector<16xi32>], vector<16xf32>,
          %parallel_loop3A_106 = arith.constant 0 : i32
          %parallel_loop3A_107 = vector.broadcast %parallel_loop3A_106 : i32 to vector<16xi32>
          %parallel_loop3A_108 = arith.constant 1 : i32
          %parallel_loop3A_109 = arith.addi %parallel_loop3A_98, %parallel_loop3A_108 : i32
          %parallel_loop3A_110 = vector.broadcast %parallel_loop3A_109 : i32 to vector<16xi32>
          %parallel_loop3A_111 = arith.addi %parallel_loop3A_107, %parallel_loop3A_110 : vector<16xi32>
          %parallel_loop3A_112 = tpu.vector_load_idx %arg11[%add3A_94, %parallel_loop3A_111] : memref<32x256xf32, #tpu.memory_space<vmem>>[vector<16xi32>, vector<16xi32>], vector<16xf32>,
          tpu.vector_store_idx %arg12[%get3A_91, %parallel_loop3A_111], %parallel_loop3A_112 {add = true} : memref<336x256xf32, #tpu.memory_space<vmem>>[vector<16xi32>, vector<16xi32>], vector<16xf32>,
          %parallel_loop3A_113 = arith.constant 0 : i32
          %parallel_loop3A_114 = vector.broadcast %parallel_loop3A_113 : i32 to vector<16xi32>
          %parallel_loop3A_115 = arith.constant 2 : i32
          %parallel_loop3A_116 = arith.addi %parallel_loop3A_98, %parallel_loop3A_115 : i32
          %parallel_loop3A_117 = vector.broadcast %parallel_loop3A_116 : i32 to vector<16xi32>
          %parallel_loop3A_118 = arith.addi %parallel_loop3A_114, %parallel_loop3A_117 : vector<16xi32>
          %parallel_loop3A_119 = tpu.vector_load_idx %arg11[%add3A_94, %parallel_loop3A_118] : memref<32x256xf32, #tpu.memory_space<vmem>>[vector<16xi32>, vector<16xi32>], vector<16xf32>,
          tpu.vector_store_idx %arg12[%get3A_91, %parallel_loop3A_118], %parallel_loop3A_119 {add = true} : memref<336x256xf32, #tpu.memory_space<vmem>>[vector<16xi32>, vector<16xi32>], vector<16xf32>,
          %parallel_loop3A_120 = arith.constant 0 : i32
          %parallel_loop3A_121 = vector.broadcast %parallel_loop3A_120 : i32 to vector<16xi32>
          %parallel_loop3A_122 = arith.constant 3 : i32
          %parallel_loop3A_123 = arith.addi %parallel_loop3A_98, %parallel_loop3A_122 : i32
          %parallel_loop3A_124 = vector.broadcast %parallel_loop3A_123 : i32 to vector<16xi32>
          %parallel_loop3A_125 = arith.addi %parallel_loop3A_121, %parallel_loop3A_124 : vector<16xi32>
          %parallel_loop3A_126 = tpu.vector_load_idx %arg11[%add3A_94, %parallel_loop3A_125] : memref<32x256xf32, #tpu.memory_space<vmem>>[vector<16xi32>, vector<16xi32>], vector<16xf32>,
          tpu.vector_store_idx %arg12[%get3A_91, %parallel_loop3A_125], %parallel_loop3A_126 {add = true} : memref<336x256xf32, #tpu.memory_space<vmem>>[vector<16xi32>, vector<16xi32>], vector<16xf32>,
          %parallel_loop3A_127 = arith.constant 0 : i32
          %parallel_loop3A_128 = vector.broadcast %parallel_loop3A_127 : i32 to vector<16xi32>
          %parallel_loop3A_129 = arith.constant 4 : i32
          %parallel_loop3A_130 = arith.addi %parallel_loop3A_98, %parallel_loop3A_129 : i32
          %parallel_loop3A_131 = vector.broadcast %parallel_loop3A_130 : i32 to vector<16xi32>
          %parallel_loop3A_132 = arith.addi %parallel_loop3A_128, %parallel_loop3A_131 : vector<16xi32>
          %parallel_loop3A_133 = tpu.vector_load_idx %arg11[%add3A_94, %parallel_loop3A_132] : memref<32x256xf32, #tpu.memory_space<vmem>>[vector<16xi32>, vector<16xi32>], vector<16xf32>,
          tpu.vector_store_idx %arg12[%get3A_91, %parallel_loop3A_132], %parallel_loop3A_133 {add = true} : memref<336x256xf32, #tpu.memory_space<vmem>>[vector<16xi32>, vector<16xi32>], vector<16xf32>,
          %parallel_loop3A_134 = arith.constant 0 : i32
          %parallel_loop3A_135 = vector.broadcast %parallel_loop3A_134 : i32 to vector<16xi32>
          %parallel_loop3A_136 = arith.constant 5 : i32
          %parallel_loop3A_137 = arith.addi %parallel_loop3A_98, %parallel_loop3A_136 : i32
          %parallel_loop3A_138 = vector.broadcast %parallel_loop3A_137 : i32 to vector<16xi32>
          %parallel_loop3A_139 = arith.addi %parallel_loop3A_135, %parallel_loop3A_138 : vector<16xi32>
          %parallel_loop3A_140 = tpu.vector_load_idx %arg11[%add3A_94, %parallel_loop3A_139] : memref<32x256xf32, #tpu.memory_space<vmem>>[vector<16xi32>, vector<16xi32>], vector<16xf32>,
          tpu.vector_store_idx %arg12[%get3A_91, %parallel_loop3A_139], %parallel_loop3A_140 {add = true} : memref<336x256xf32, #tpu.memory_space<vmem>>[vector<16xi32>, vector<16xi32>], vector<16xf32>,
          %parallel_loop3A_141 = arith.constant 0 : i32
          %parallel_loop3A_142 = vector.broadcast %parallel_loop3A_141 : i32 to vector<16xi32>
          %parallel_loop3A_143 = arith.constant 6 : i32
          %parallel_loop3A_144 = arith.addi %parallel_loop3A_98, %parallel_loop3A_143 : i32
          %parallel_loop3A_145 = vector.broadcast %parallel_loop3A_144 : i32 to vector<16xi32>
          %parallel_loop3A_146 = arith.addi %parallel_loop3A_142, %parallel_loop3A_145 : vector<16xi32>
          %parallel_loop3A_147 = tpu.vector_load_idx %arg11[%add3A_94, %parallel_loop3A_146] : memref<32x256xf32, #tpu.memory_space<vmem>>[vector<16xi32>, vector<16xi32>], vector<16xf32>,
          tpu.vector_store_idx %arg12[%get3A_91, %parallel_loop3A_146], %parallel_loop3A_147 {add = true} : memref<336x256xf32, #tpu.memory_space<vmem>>[vector<16xi32>, vector<16xi32>], vector<16xf32>,
          %parallel_loop3A_148 = arith.constant 0 : i32
          %parallel_loop3A_149 = vector.broadcast %parallel_loop3A_148 : i32 to vector<16xi32>
          %parallel_loop3A_150 = arith.constant 7 : i32
          %parallel_loop3A_151 = arith.addi %parallel_loop3A_98, %parallel_loop3A_150 : i32
          %parallel_loop3A_152 = vector.broadcast %parallel_loop3A_151 : i32 to vector<16xi32>
          %parallel_loop3A_153 = arith.addi %parallel_loop3A_149, %parallel_loop3A_152 : vector<16xi32>
          %parallel_loop3A_154 = tpu.vector_load_idx %arg11[%add3A_94, %parallel_loop3A_153] : memref<32x256xf32, #tpu.memory_space<vmem>>[vector<16xi32>, vector<16xi32>], vector<16xf32>,
          tpu.vector_store_idx %arg12[%get3A_91, %parallel_loop3A_153], %parallel_loop3A_154 {add = true} : memref<336x256xf32, #tpu.memory_space<vmem>>[vector<16xi32>, vector<16xi32>], vector<16xf32>,
          %parallel_loop3A_155 = arith.constant 0 : i32
          %parallel_loop3A_156 = vector.broadcast %parallel_loop3A_155 : i32 to vector<16xi32>
          %parallel_loop3A_157 = arith.constant 8 : i32
          %parallel_loop3A_158 = arith.addi %parallel_loop3A_98, %parallel_loop3A_157 : i32
          %parallel_loop3A_159 = vector.broadcast %parallel_loop3A_158 : i32 to vector<16xi32>
          %parallel_loop3A_160 = arith.addi %parallel_loop3A_156, %parallel_loop3A_159 : vector<16xi32>
          %parallel_loop3A_161 = tpu.vector_load_idx %arg11[%add3A_94, %parallel_loop3A_160] : memref<32x256xf32, #tpu.memory_space<vmem>>[vector<16xi32>, vector<16xi32>], vector<16xf32>,
          tpu.vector_store_idx %arg12[%get3A_91, %parallel_loop3A_160], %parallel_loop3A_161 {add = true} : memref<336x256xf32, #tpu.memory_space<vmem>>[vector<16xi32>, vector<16xi32>], vector<16xf32>,
          %parallel_loop3A_162 = arith.constant 0 : i32
          %parallel_loop3A_163 = vector.broadcast %parallel_loop3A_162 : i32 to vector<16xi32>
          %parallel_loop3A_164 = arith.constant 9 : i32
          %parallel_loop3A_165 = arith.addi %parallel_loop3A_98, %parallel_loop3A_164 : i32
          %parallel_loop3A_166 = vector.broadcast %parallel_loop3A_165 : i32 to vector<16xi32>
          %parallel_loop3A_167 = arith.addi %parallel_loop3A_163, %parallel_loop3A_166 : vector<16xi32>
          %parallel_loop3A_168 = tpu.vector_load_idx %arg11[%add3A_94, %parallel_loop3A_167] : memref<32x256xf32, #tpu.memory_space<vmem>>[vector<16xi32>, vector<16xi32>], vector<16xf32>,
          tpu.vector_store_idx %arg12[%get3A_91, %parallel_loop3A_167], %parallel_loop3A_168 {add = true} : memref<336x256xf32, #tpu.memory_space<vmem>>[vector<16xi32>, vector<16xi32>], vector<16xf32>,
          %parallel_loop3A_169 = arith.constant 0 : i32
          %parallel_loop3A_170 = vector.broadcast %parallel_loop3A_169 : i32 to vector<16xi32>
          %parallel_loop3A_171 = arith.constant 10 : i32
          %parallel_loop3A_172 = arith.addi %parallel_loop3A_98, %parallel_loop3A_171 : i32
          %parallel_loop3A_173 = vector.broadcast %parallel_loop3A_172 : i32 to vector<16xi32>
          %parallel_loop3A_174 = arith.addi %parallel_loop3A_170, %parallel_loop3A_173 : vector<16xi32>
          %parallel_loop3A_175 = tpu.vector_load_idx %arg11[%add3A_94, %parallel_loop3A_174] : memref<32x256xf32, #tpu.memory_space<vmem>>[vector<16xi32>, vector<16xi32>], vector<16xf32>,
          tpu.vector_store_idx %arg12[%get3A_91, %parallel_loop3A_174], %parallel_loop3A_175 {add = true} : memref<336x256xf32, #tpu.memory_space<vmem>>[vector<16xi32>, vector<16xi32>], vector<16xf32>,
          %parallel_loop3A_176 = arith.constant 0 : i32
          %parallel_loop3A_177 = vector.broadcast %parallel_loop3A_176 : i32 to vector<16xi32>
          %parallel_loop3A_178 = arith.constant 11 : i32
          %parallel_loop3A_179 = arith.addi %parallel_loop3A_98, %parallel_loop3A_178 : i32
          %parallel_loop3A_180 = vector.broadcast %parallel_loop3A_179 : i32 to vector<16xi32>
          %parallel_loop3A_181 = arith.addi %parallel_loop3A_177, %parallel_loop3A_180 : vector<16xi32>
          %parallel_loop3A_182 = tpu.vector_load_idx %arg11[%add3A_94, %parallel_loop3A_181] : memref<32x256xf32, #tpu.memory_space<vmem>>[vector<16xi32>, vector<16xi32>], vector<16xf32>,
          tpu.vector_store_idx %arg12[%get3A_91, %parallel_loop3A_181], %parallel_loop3A_182 {add = true} : memref<336x256xf32, #tpu.memory_space<vmem>>[vector<16xi32>, vector<16xi32>], vector<16xf32>,
          %parallel_loop3A_183 = arith.constant 0 : i32
          %parallel_loop3A_184 = vector.broadcast %parallel_loop3A_183 : i32 to vector<16xi32>
          %parallel_loop3A_185 = arith.constant 12 : i32
          %parallel_loop3A_186 = arith.addi %parallel_loop3A_98, %parallel_loop3A_185 : i32
          %parallel_loop3A_187 = vector.broadcast %parallel_loop3A_186 : i32 to vector<16xi32>
          %parallel_loop3A_188 = arith.addi %parallel_loop3A_184, %parallel_loop3A_187 : vector<16xi32>
          %parallel_loop3A_189 = tpu.vector_load_idx %arg11[%add3A_94, %parallel_loop3A_188] : memref<32x256xf32, #tpu.memory_space<vmem>>[vector<16xi32>, vector<16xi32>], vector<16xf32>,
          tpu.vector_store_idx %arg12[%get3A_91, %parallel_loop3A_188], %parallel_loop3A_189 {add = true} : memref<336x256xf32, #tpu.memory_space<vmem>>[vector<16xi32>, vector<16xi32>], vector<16xf32>,
          %parallel_loop3A_190 = arith.constant 0 : i32
          %parallel_loop3A_191 = vector.broadcast %parallel_loop3A_190 : i32 to vector<16xi32>
          %parallel_loop3A_192 = arith.constant 13 : i32
          %parallel_loop3A_193 = arith.addi %parallel_loop3A_98, %parallel_loop3A_192 : i32
          %parallel_loop3A_194 = vector.broadcast %parallel_loop3A_193 : i32 to vector<16xi32>
          %parallel_loop3A_195 = arith.addi %parallel_loop3A_191, %parallel_loop3A_194 : vector<16xi32>
          %parallel_loop3A_196 = tpu.vector_load_idx %arg11[%add3A_94, %parallel_loop3A_195] : memref<32x256xf32, #tpu.memory_space<vmem>>[vector<16xi32>, vector<16xi32>], vector<16xf32>,
          tpu.vector_store_idx %arg12[%get3A_91, %parallel_loop3A_195], %parallel_loop3A_196 {add = true} : memref<336x256xf32, #tpu.memory_space<vmem>>[vector<16xi32>, vector<16xi32>], vector<16xf32>,
          %parallel_loop3A_197 = arith.constant 0 : i32
          %parallel_loop3A_198 = vector.broadcast %parallel_loop3A_197 : i32 to vector<16xi32>
          %parallel_loop3A_199 = arith.constant 14 : i32
          %parallel_loop3A_200 = arith.addi %parallel_loop3A_98, %parallel_loop3A_199 : i32
          %parallel_loop3A_201 = vector.broadcast %parallel_loop3A_200 : i32 to vector<16xi32>
          %parallel_loop3A_202 = arith.addi %parallel_loop3A_198, %parallel_loop3A_201 : vector<16xi32>
          %parallel_loop3A_203 = tpu.vector_load_idx %arg11[%add3A_94, %parallel_loop3A_202] : memref<32x256xf32, #tpu.memory_space<vmem>>[vector<16xi32>, vector<16xi32>], vector<16xf32>,
          tpu.vector_store_idx %arg12[%get3A_91, %parallel_loop3A_202], %parallel_loop3A_203 {add = true} : memref<336x256xf32, #tpu.memory_space<vmem>>[vector<16xi32>, vector<16xi32>], vector<16xf32>,
          %parallel_loop3A_204 = arith.constant 0 : i32
          %parallel_loop3A_205 = vector.broadcast %parallel_loop3A_204 : i32 to vector<16xi32>
          %parallel_loop3A_206 = arith.constant 15 : i32
          %parallel_loop3A_207 = arith.addi %parallel_loop3A_98, %parallel_loop3A_206 : i32
          %parallel_loop3A_208 = vector.broadcast %parallel_loop3A_207 : i32 to vector<16xi32>
          %parallel_loop3A_209 = arith.addi %parallel_loop3A_205, %parallel_loop3A_208 : vector<16xi32>
          %parallel_loop3A_210 = tpu.vector_load_idx %arg11[%add3A_94, %parallel_loop3A_209] : memref<32x256xf32, #tpu.memory_space<vmem>>[vector<16xi32>, vector<16xi32>], vector<16xf32>,
          tpu.vector_store_idx %arg12[%get3A_91, %parallel_loop3A_209], %parallel_loop3A_210 {add = true} : memref<336x256xf32, #tpu.memory_space<vmem>>[vector<16xi32>, vector<16xi32>], vector<16xf32>,
        } {sc.loop_unroll_factor = 2 : i64, sc.parallel_access}
        "tpu.trace_stop"() : () -> ()
      }
    }
    %scan3A_10 = arith.constant 80 : i32
    "tpu.region"() ({
      %run_scoped3A = tpu.sem_alloc : memref<!tpu.dma_semaphore, #tpu.memory_space<semaphore_mem>>
      %dma_start3A = arith.constant 0 : i32
      %dma_start3A_11 = arith.constant 0 : i32
      %dma_start3A_12 = tpu.memref_slice %arg12[%dma_start3A, %dma_start3A_11] : memref<336x256xf32, #tpu.memory_space<vmem>> -> memref<320x256xf32, #tpu.memory_space<vmem>>
      %dma_start3A_13 = arith.constant 0 : i32
      %dma_start3A_14 = tpu.memref_slice %arg6[%mul3A_2, %dma_start3A_13] : memref<10240x256xf32, #tpu.memory_space<hbm>> -> memref<320x256xf32, #tpu.memory_space<hbm>>
      %dma_start3A_15 = arith.constant 0 : i32
      %dma_start3A_16 = tpu.memref_slice %arg6[%mul3A_2, %dma_start3A_15] : memref<10240x256xf32, #tpu.memory_space<hbm>> -> memref<320x256xf32, #tpu.memory_space<hbm>>
      %dma_start3A_17 = arith.constant 0 : i32
      %dma_start3A_18 = arith.constant 0 : i32
      %dma_start3A_19 = tpu.memref_slice %arg12[%dma_start3A_17, %dma_start3A_18] : memref<336x256xf32, #tpu.memory_space<vmem>> -> memref<320x256xf32, #tpu.memory_space<vmem>>
      tpu.enqueue_dma source(%dma_start3A_19 : memref<320x256xf32, #tpu.memory_space<vmem>>) target(%dma_start3A_16 : memref<320x256xf32, #tpu.memory_space<hbm>>) target_semaphore(%run_scoped3A : memref<!tpu.dma_semaphore, #tpu.memory_space<semaphore_mem>>)
      %dma_wait3A = arith.constant 0 : i32
      %dma_wait3A_20 = arith.constant 0 : i32
      %dma_wait3A_21 = tpu.memref_slice %arg12[%dma_wait3A, %dma_wait3A_20] : memref<336x256xf32, #tpu.memory_space<vmem>> -> memref<320x256xf32, #tpu.memory_space<vmem>>
      %dma_wait3A_22 = arith.constant 0 : i32
      %dma_wait3A_23 = tpu.memref_slice %arg6[%mul3A_2, %dma_wait3A_22] : memref<10240x256xf32, #tpu.memory_space<hbm>> -> memref<320x256xf32, #tpu.memory_space<hbm>>
      %dma_wait3A_24 = arith.constant 0 : i32
      %dma_wait3A_25 = tpu.memref_slice %arg6[%mul3A_2, %dma_wait3A_24] : memref<10240x256xf32, #tpu.memory_space<hbm>> -> memref<320x256xf32, #tpu.memory_space<hbm>>
      %dma_wait3A_26 = arith.constant 0 : i32
      %dma_wait3A_27 = arith.constant 0 : i32
      %dma_wait3A_28 = tpu.memref_slice %arg12[%dma_wait3A_26, %dma_wait3A_27] : memref<336x256xf32, #tpu.memory_space<vmem>> -> memref<320x256xf32, #tpu.memory_space<vmem>>
      tpu.wait_dma2 semaphore(%run_scoped3A : memref<!tpu.dma_semaphore, #tpu.memory_space<semaphore_mem>>) src(%dma_wait3A_28 : memref<320x256xf32, #tpu.memory_space<vmem>>) dst(%dma_wait3A_25 : memref<320x256xf32, #tpu.memory_space<hbm>>)
      tpu.yield
    }) : () -> ()
    return
  }
}

module attributes {stable_mosaic.version = 14 : i64} {
  func.func @_mm_body(%arg0: i32, %arg1: memref<512x1280xf32, #tpu.memory_space<vmem>>, %arg2: memref<1280x256xf32, #tpu.memory_space<vmem>>, %arg3: memref<1x256xf32, #tpu.memory_space<vmem>>, %arg4: memref<256x256xf32, #tpu.memory_space<vmem>>, %arg5: memref<512x1xf32, #tpu.memory_space<vmem>>, %arg6: memref<512x256xf32, #tpu.memory_space<vmem>>, %arg7: memref<512x256xf32, #tpu.memory_space<vmem>>) attributes {dimension_semantics = [#tpu.dimension_semantics<arbitrary>], iteration_bounds = array<i64: 20>, scalar_prefetch = 0 : i64, scratch_operands = 0 : i64, tpu.core_type = #tpu.core_type<tc>, window_params = [{transform_indices = @transform_0, window_bounds = array<i64: 512, 1280>}, {pipeline_mode = #tpu.pipeline_mode<synchronous>, transform_indices = @transform_1, window_bounds = array<i64: 1280, 256>}, {pipeline_mode = #tpu.pipeline_mode<synchronous>, transform_indices = @transform_2, window_bounds = array<i64: 1, 256>}, {pipeline_mode = #tpu.pipeline_mode<synchronous>, transform_indices = @transform_3, window_bounds = array<i64: 256, 256>}, {transform_indices = @transform_4, window_bounds = array<i64: 512, 1>}, {transform_indices = @transform_5, window_bounds = array<i64: 512, 256>}, {transform_indices = @transform_6, window_bounds = array<i64: 512, 256>}]} {
    %get3A = arith.constant 0 : index
    %get3A_0 = arith.constant 0 : index
    %get3A_1 = vector.load %arg1[%get3A, %get3A_0] : memref<512x1280xf32, #tpu.memory_space<vmem>>, vector<512x1280xf32>
    %get3A_2 = arith.constant 0 : index
    %get3A_3 = arith.constant 0 : index
    %get3A_4 = vector.load %arg2[%get3A_2, %get3A_3] : memref<1280x256xf32, #tpu.memory_space<vmem>>, vector<1280x256xf32>
    %dot_general3A = arith.constant dense<0.000000e+00> : vector<512x256xf32>
    %dot_general3A_5 = tpu.matmul %get3A_1, %get3A_4, %dot_general3A {dimension_numbers = #tpu.dot_dimension_numbers<[1], [0], [0], [1], [0, 0, 1, 1], [], []>, transpose_lhs_hint = false} : vector<512x1280xf32>, vector<1280x256xf32>, vector<512x256xf32> -> vector<512x256xf32>
    %get3A_6 = arith.constant 0 : index
    %get3A_7 = arith.constant 0 : index
    %get3A_8 = vector.load %arg3[%get3A_6, %get3A_7] : memref<1x256xf32, #tpu.memory_space<vmem>>, vector<1x256xf32>
    %add3A = vector.broadcast %get3A_8 : vector<1x256xf32> to vector<512x256xf32>
    %add3A_9 = arith.addf %dot_general3A_5, %add3A : vector<512x256xf32>
    %max3A = arith.constant 0.000000e+00 : f32
    %max3A_10 = vector.broadcast %max3A : f32 to vector<512x256xf32>
    %max3A_11 = arith.maximumf %add3A_9, %max3A_10 : vector<512x256xf32>
    %get3A_12 = arith.constant 0 : index
    %get3A_13 = arith.constant 0 : index
    %get3A_14 = vector.load %arg4[%get3A_12, %get3A_13] : memref<256x256xf32, #tpu.memory_space<vmem>>, vector<256x256xf32>
    %dot_general3A_15 = arith.constant dense<0.000000e+00> : vector<512x256xf32>
    %dot_general3A_16 = tpu.matmul %max3A_11, %get3A_14, %dot_general3A_15 {dimension_numbers = #tpu.dot_dimension_numbers<[1], [0], [0], [1], [0, 0, 1, 1], [], []>, transpose_lhs_hint = false} : vector<512x256xf32>, vector<256x256xf32>, vector<512x256xf32> -> vector<512x256xf32>
    %swap3A = arith.constant 0 : index
    %swap3A_17 = arith.constant 0 : index
    %swap3A_18 = vector.load %arg6[%swap3A, %swap3A_17] : memref<512x256xf32, #tpu.memory_space<vmem>>, vector<512x256xf32>
    tpu.vector_store %arg6[%swap3A, %swap3A_17], %dot_general3A_16 {strides = array<i32>} : memref<512x256xf32, #tpu.memory_space<vmem>>, vector<512x256xf32>,
    %get3A_19 = arith.constant 0 : index
    %get3A_20 = arith.constant 0 : index
    %get3A_21 = vector.load %arg5[%get3A_19, %get3A_20] : memref<512x1xf32, #tpu.memory_space<vmem>>, vector<512x1xf32>
    %mul3A = vector.broadcast %get3A_21 : vector<512x1xf32> to vector<512x256xf32>
    %mul3A_22 = arith.mulf %dot_general3A_16, %mul3A : vector<512x256xf32>
    %swap3A_23 = arith.constant 0 : index
    %swap3A_24 = arith.constant 0 : index
    %swap3A_25 = vector.load %arg7[%swap3A_23, %swap3A_24] : memref<512x256xf32, #tpu.memory_space<vmem>>, vector<512x256xf32>
    tpu.vector_store %arg7[%swap3A_23, %swap3A_24], %mul3A_22 {strides = array<i32>} : memref<512x256xf32, #tpu.memory_space<vmem>>, vector<512x256xf32>,
    return
  }
  func.func @transform_0(%arg0: i32) -> (i32, i32) {
    %c0_i32 = arith.constant 0 : i32
    %c0_i32_0 = arith.constant 0 : i32
    return %arg0, %c0_i32 : i32, i32
  }
  func.func @transform_1(%arg0: i32) -> (i32, i32) {
    %c0_i32 = arith.constant 0 : i32
    %c0_i32_0 = arith.constant 0 : i32
    %c0_i32_1 = arith.constant 0 : i32
    return %c0_i32, %c0_i32_0 : i32, i32
  }
  func.func @transform_2(%arg0: i32) -> (i32, i32) {
    %c0_i32 = arith.constant 0 : i32
    %c0_i32_0 = arith.constant 0 : i32
    %c0_i32_1 = arith.constant 0 : i32
    return %c0_i32, %c0_i32_0 : i32, i32
  }
  func.func @transform_3(%arg0: i32) -> (i32, i32) {
    %c0_i32 = arith.constant 0 : i32
    %c0_i32_0 = arith.constant 0 : i32
    %c0_i32_1 = arith.constant 0 : i32
    return %c0_i32, %c0_i32_0 : i32, i32
  }
  func.func @transform_4(%arg0: i32) -> (i32, i32) {
    %c0_i32 = arith.constant 0 : i32
    %c0_i32_0 = arith.constant 0 : i32
    return %arg0, %c0_i32 : i32, i32
  }
  func.func @transform_5(%arg0: i32) -> (i32, i32) {
    %c0_i32 = arith.constant 0 : i32
    %c0_i32_0 = arith.constant 0 : i32
    return %arg0, %c0_i32 : i32, i32
  }
  func.func @transform_6(%arg0: i32) -> (i32, i32) {
    %c0_i32 = arith.constant 0 : i32
    %c0_i32_0 = arith.constant 0 : i32
    return %arg0, %c0_i32 : i32, i32
  }
}

module attributes {stable_mosaic.version = 14 : i64} {
  func.func @_final_body(%arg0: i32, %arg1: memref<1024x256xf32, #tpu.memory_space<vmem>>, %arg2: memref<1024x256xf32, #tpu.memory_space<vmem>>, %arg3: memref<1024x1xf32, #tpu.memory_space<vmem>>, %arg4: memref<1x1024xi32, #tpu.memory_space<vmem>>, %arg5: memref<128x1xi32, #tpu.memory_space<vmem>>, %arg6: memref<1x256xf32, #tpu.memory_space<vmem>>, %arg7: memref<256x256xf32, #tpu.memory_space<vmem>>, %arg8: memref<1x256xf32, #tpu.memory_space<vmem>>, %arg9: memref<256x256xf32, #tpu.memory_space<vmem>>, %arg10: memref<1x256xf32, #tpu.memory_space<vmem>>, %arg11: memref<256x256xf32, #tpu.memory_space<vmem>>, %arg12: memref<1x256xf32, #tpu.memory_space<vmem>>, %arg13: memref<256x256xf32, #tpu.memory_space<vmem>>, %arg14: memref<1x256xf32, #tpu.memory_space<vmem>>, %arg15: memref<128x512xf32, #tpu.memory_space<vmem>>, %arg16: memref<128x256xf32, #tpu.memory_space<vmem>>, %arg17: memref<128x256xf32, #tpu.memory_space<vmem>>, %arg18: memref<128x1xf32, #tpu.memory_space<vmem>>) attributes {dimension_semantics = [#tpu.dimension_semantics<arbitrary>], iteration_bounds = array<i64: 10>, scalar_prefetch = 0 : i64, scratch_operands = 3 : i64, tpu.core_type = #tpu.core_type<tc>, window_params = [{transform_indices = @transform_0, window_bounds = array<i64: 1024, 256>}, {transform_indices = @transform_1, window_bounds = array<i64: 1024, 256>}, {transform_indices = @transform_2, window_bounds = array<i64: 1024, 1>}, {transform_indices = @transform_3, window_bounds = array<i64: 1, 1024>}, {pipeline_mode = #tpu.pipeline_mode<synchronous>, transform_indices = @transform_4, window_bounds = array<i64: 128, 1>}, {pipeline_mode = #tpu.pipeline_mode<synchronous>, transform_indices = @transform_5, window_bounds = array<i64: 1, 256>}, {pipeline_mode = #tpu.pipeline_mode<synchronous>, transform_indices = @transform_6, window_bounds = array<i64: 256, 256>}, {pipeline_mode = #tpu.pipeline_mode<synchronous>, transform_indices = @transform_7, window_bounds = array<i64: 1, 256>}, {pipeline_mode = #tpu.pipeline_mode<synchronous>, transform_indices = @transform_8, window_bounds = array<i64: 256, 256>}, {pipeline_mode = #tpu.pipeline_mode<synchronous>, transform_indices = @transform_9, window_bounds = array<i64: 1, 256>}, {pipeline_mode = #tpu.pipeline_mode<synchronous>, transform_indices = @transform_10, window_bounds = array<i64: 256, 256>}, {pipeline_mode = #tpu.pipeline_mode<synchronous>, transform_indices = @transform_11, window_bounds = array<i64: 1, 256>}, {pipeline_mode = #tpu.pipeline_mode<synchronous>, transform_indices = @transform_12, window_bounds = array<i64: 256, 256>}, {pipeline_mode = #tpu.pipeline_mode<synchronous>, transform_indices = @transform_13, window_bounds = array<i64: 1, 256>}, {pipeline_mode = #tpu.pipeline_mode<synchronous>, transform_indices = @transform_14, window_bounds = array<i64: 128, 512>}]} {
    %eq3A = arith.constant 0 : i32
    %eq3A_0 = arith.cmpi eq, %arg0, %eq3A : i32
    %convert_element_type3A = arith.extui %eq3A_0 : i1 to i32
    %cond3A = arith.constant 0 : i32
    %cond3A_1 = arith.cmpi ne, %convert_element_type3A, %cond3A : i32
    scf.if %cond3A_1 {
      %broadcast_in_dim3A_69 = arith.constant 0.000000e+00 : f32
      %broadcast_in_dim3A_70 = vector.broadcast %broadcast_in_dim3A_69 : f32 to vector<128x256xf32>
      %swap3A_71 = arith.constant 0 : index
      %swap3A_72 = arith.constant 0 : index
      %swap3A_73 = vector.load %arg16[%swap3A_71, %swap3A_72] : memref<128x256xf32, #tpu.memory_space<vmem>>, vector<128x256xf32>
      tpu.vector_store %arg16[%swap3A_71, %swap3A_72], %broadcast_in_dim3A_70 {strides = array<i32>} : memref<128x256xf32, #tpu.memory_space<vmem>>, vector<128x256xf32>,
      %broadcast_in_dim3A_74 = arith.constant 0.000000e+00 : f32
      %broadcast_in_dim3A_75 = vector.broadcast %broadcast_in_dim3A_74 : f32 to vector<128x256xf32>
      %swap3A_76 = arith.constant 0 : index
      %swap3A_77 = arith.constant 0 : index
      %swap3A_78 = vector.load %arg17[%swap3A_76, %swap3A_77] : memref<128x256xf32, #tpu.memory_space<vmem>>, vector<128x256xf32>
      tpu.vector_store %arg17[%swap3A_76, %swap3A_77], %broadcast_in_dim3A_75 {strides = array<i32>} : memref<128x256xf32, #tpu.memory_space<vmem>>, vector<128x256xf32>,
      %broadcast_in_dim3A_79 = arith.constant 0.000000e+00 : f32
      %broadcast_in_dim3A_80 = vector.broadcast %broadcast_in_dim3A_79 : f32 to vector<128x1xf32>
      %swap3A_81 = arith.constant 0 : index
      %swap3A_82 = arith.constant 0 : index
      %swap3A_83 = vector.load %arg18[%swap3A_81, %swap3A_82] : memref<128x1xf32, #tpu.memory_space<vmem>>, vector<128x1xf32>
      tpu.vector_store %arg18[%swap3A_81, %swap3A_82], %broadcast_in_dim3A_80 {strides = array<i32>} : memref<128x1xf32, #tpu.memory_space<vmem>>, vector<128x1xf32>,
    } else {
    }
    %get3A = arith.constant 0 : index
    %get3A_2 = arith.constant 0 : index
    %get3A_3 = vector.load %arg3[%get3A, %get3A_2] : memref<1024x1xf32, #tpu.memory_space<vmem>>, vector<1024x1xf32>
    %get3A_4 = arith.constant 0 : index
    %get3A_5 = arith.constant 0 : index
    %get3A_6 = vector.load %arg1[%get3A_4, %get3A_5] : memref<1024x256xf32, #tpu.memory_space<vmem>>, vector<1024x256xf32>
    %mul3A = vector.broadcast %get3A_3 : vector<1024x1xf32> to vector<1024x256xf32>
    %mul3A_7 = arith.mulf %get3A_6, %mul3A : vector<1024x256xf32>
    %get3A_8 = arith.constant 0 : index
    %get3A_9 = arith.constant 0 : index
    %get3A_10 = vector.load %arg2[%get3A_8, %get3A_9] : memref<1024x256xf32, #tpu.memory_space<vmem>>, vector<1024x256xf32>
    %mul3A_11 = arith.mulf %get3A_3, %get3A_3 : vector<1024x1xf32>
    %mul3A_12 = vector.broadcast %mul3A_11 : vector<1024x1xf32> to vector<1024x256xf32>
    %mul3A_13 = arith.mulf %get3A_10, %mul3A_12 : vector<1024x256xf32>
    %add3A = arith.addf %mul3A_7, %mul3A_13 : vector<1024x256xf32>
    %get3A_14 = arith.constant 0 : index
    %get3A_15 = arith.constant 0 : index
    %get3A_16 = vector.load %arg6[%get3A_14, %get3A_15] : memref<1x256xf32, #tpu.memory_space<vmem>>, vector<1x256xf32>
    %add3A_17 = vector.broadcast %get3A_16 : vector<1x256xf32> to vector<1024x256xf32>
    %add3A_18 = arith.addf %add3A, %add3A_17 : vector<1024x256xf32>
    %max3A = arith.constant 0.000000e+00 : f32
    %max3A_19 = vector.broadcast %max3A : f32 to vector<1024x256xf32>
    %max3A_20 = arith.maximumf %add3A_18, %max3A_19 : vector<1024x256xf32>
    %get3A_21 = arith.constant 0 : index
    %get3A_22 = arith.constant 0 : index
    %get3A_23 = vector.load %arg4[%get3A_21, %get3A_22] : memref<1x1024xi32, #tpu.memory_space<vmem>>, vector<1x1024xi32>
    %iota3A = tpu.iota {dimensions = array<i32: 0>} : vector<128x1024xi32>
    %eq3A_24 = vector.broadcast %get3A_23 : vector<1x1024xi32> to vector<128x1024xi32>
    %eq3A_25 = arith.cmpi eq, %eq3A_24, %iota3A : vector<128x1024xi32>
    %convert_element_type3A_26 = arith.extui %eq3A_25 : vector<128x1024xi1> to vector<128x1024xi32>
    %convert_element_type3A_27 = arith.sitofp %convert_element_type3A_26 : vector<128x1024xi32> to vector<128x1024xf32>
    %get3A_28 = arith.constant 0 : index
    %get3A_29 = arith.constant 0 : index
    %get3A_30 = vector.load %arg16[%get3A_28, %get3A_29] : memref<128x256xf32, #tpu.memory_space<vmem>>, vector<128x256xf32>
    %dot_general3A = arith.constant dense<0.000000e+00> : vector<128x256xf32>
    %dot_general3A_31 = tpu.matmul %convert_element_type3A_27, %max3A_20, %dot_general3A {dimension_numbers = #tpu.dot_dimension_numbers<[1], [0], [0], [1], [0, 0, 1, 1], [], []>, transpose_lhs_hint = false} : vector<128x1024xf32>, vector<1024x256xf32>, vector<128x256xf32> -> vector<128x256xf32>
    %add3A_32 = arith.addf %get3A_30, %dot_general3A_31 : vector<128x256xf32>
    %swap3A = arith.constant 0 : index
    %swap3A_33 = arith.constant 0 : index
    %swap3A_34 = vector.load %arg16[%swap3A, %swap3A_33] : memref<128x256xf32, #tpu.memory_space<vmem>>, vector<128x256xf32>
    tpu.vector_store %arg16[%swap3A, %swap3A_33], %add3A_32 {strides = array<i32>} : memref<128x256xf32, #tpu.memory_space<vmem>>, vector<128x256xf32>,
    %get3A_35 = arith.constant 0 : index
    %get3A_36 = arith.constant 0 : index
    %get3A_37 = vector.load %arg18[%get3A_35, %get3A_36] : memref<128x1xf32, #tpu.memory_space<vmem>>, vector<128x1xf32>
    %reduce_sum3A = arith.constant dense<0.000000e+00> : vector<128xf32>
    %reduce_sum3A_38 = vector.multi_reduction <add>, %convert_element_type3A_27, %reduce_sum3A [1] : vector<128x1024xf32> to vector<128xf32>
    %broadcast_in_dim3A = vector.shape_cast %reduce_sum3A_38 : vector<128xf32> to vector<128x1xf32>
    %add3A_39 = arith.addf %get3A_37, %broadcast_in_dim3A : vector<128x1xf32>
    %swap3A_40 = arith.constant 0 : index
    %swap3A_41 = arith.constant 0 : index
    %swap3A_42 = vector.load %arg18[%swap3A_40, %swap3A_41] : memref<128x1xf32, #tpu.memory_space<vmem>>, vector<128x1xf32>
    tpu.vector_store %arg18[%swap3A_40, %swap3A_41], %add3A_39 {strides = array<i32>} : memref<128x1xf32, #tpu.memory_space<vmem>>, vector<128x1xf32>,
    %iota3A_43 = tpu.iota {dimensions = array<i32: 1>} : vector<128x1024xi32>
    %mul3A_44 = arith.constant 1024 : i32
    %mul3A_45 = arith.muli %arg0, %mul3A_44 : i32
    %add3A_46 = vector.broadcast %mul3A_45 : i32 to vector<128x1024xi32>
    %add3A_47 = arith.addi %iota3A_43, %add3A_46 : vector<128x1024xi32>
    %get3A_48 = arith.constant 0 : index
    %get3A_49 = arith.constant 0 : index
    %get3A_50 = vector.load %arg5[%get3A_48, %get3A_49] : memref<128x1xi32, #tpu.memory_space<vmem>>, vector<128x1xi32>
    %eq3A_51 = vector.broadcast %get3A_50 : vector<128x1xi32> to vector<128x1024xi32>
    %eq3A_52 = arith.cmpi eq, %eq3A_51, %add3A_47 : vector<128x1024xi32>
    %convert_element_type3A_53 = arith.extui %eq3A_52 : vector<128x1024xi1> to vector<128x1024xi32>
    %convert_element_type3A_54 = arith.sitofp %convert_element_type3A_53 : vector<128x1024xi32> to vector<128x1024xf32>
    %get3A_55 = arith.constant 0 : index
    %get3A_56 = arith.constant 0 : index
    %get3A_57 = vector.load %arg17[%get3A_55, %get3A_56] : memref<128x256xf32, #tpu.memory_space<vmem>>, vector<128x256xf32>
    %dot_general3A_58 = arith.constant dense<0.000000e+00> : vector<128x256xf32>
    %dot_general3A_59 = tpu.matmul %convert_element_type3A_54, %add3A_18, %dot_general3A_58 {dimension_numbers = #tpu.dot_dimension_numbers<[1], [0], [0], [1], [0, 0, 1, 1], [], []>, transpose_lhs_hint = false} : vector<128x1024xf32>, vector<1024x256xf32>, vector<128x256xf32> -> vector<128x256xf32>
    %add3A_60 = arith.addf %get3A_57, %dot_general3A_59 : vector<128x256xf32>
    %swap3A_61 = arith.constant 0 : index
    %swap3A_62 = arith.constant 0 : index
    %swap3A_63 = vector.load %arg17[%swap3A_61, %swap3A_62] : memref<128x256xf32, #tpu.memory_space<vmem>>, vector<128x256xf32>
    tpu.vector_store %arg17[%swap3A_61, %swap3A_62], %add3A_60 {strides = array<i32>} : memref<128x256xf32, #tpu.memory_space<vmem>>, vector<128x256xf32>,
    %eq3A_64 = arith.constant 9 : i32
    %eq3A_65 = arith.cmpi eq, %arg0, %eq3A_64 : i32
    %convert_element_type3A_66 = arith.extui %eq3A_65 : i1 to i32
    %cond3A_67 = arith.constant 0 : i32
    %cond3A_68 = arith.cmpi ne, %convert_element_type3A_66, %cond3A_67 : i32
    scf.if %cond3A_68 {
      %get3A_69 = arith.constant 0 : index
      %get3A_70 = arith.constant 0 : index
      %get3A_71 = vector.load %arg18[%get3A_69, %get3A_70] : memref<128x1xf32, #tpu.memory_space<vmem>>, vector<128x1xf32>
      %get3A_72 = arith.constant 0 : index
      %get3A_73 = arith.constant 0 : index
      %get3A_74 = vector.load %arg16[%get3A_72, %get3A_73] : memref<128x256xf32, #tpu.memory_space<vmem>>, vector<128x256xf32>
      %max3A_75 = arith.constant 1.000000e+00 : f32
      %max3A_76 = vector.broadcast %max3A_75 : f32 to vector<128x1xf32>
      %max3A_77 = arith.maximumf %get3A_71, %max3A_76 : vector<128x1xf32>
      %div3A = vector.broadcast %max3A_77 : vector<128x1xf32> to vector<128x256xf32>
      %div3A_78 = arith.divf %get3A_74, %div3A : vector<128x256xf32>
      %get3A_79 = arith.constant 0 : index
      %get3A_80 = arith.constant 0 : index
      %get3A_81 = vector.load %arg7[%get3A_79, %get3A_80] : memref<256x256xf32, #tpu.memory_space<vmem>>, vector<256x256xf32>
      %dot_general3A_82 = arith.constant dense<0.000000e+00> : vector<128x256xf32>
      %dot_general3A_83 = tpu.matmul %div3A_78, %get3A_81, %dot_general3A_82 {dimension_numbers = #tpu.dot_dimension_numbers<[1], [0], [0], [1], [0, 0, 1, 1], [], []>, transpose_lhs_hint = false} : vector<128x256xf32>, vector<256x256xf32>, vector<128x256xf32> -> vector<128x256xf32>
      %get3A_84 = arith.constant 0 : index
      %get3A_85 = arith.constant 0 : index
      %get3A_86 = vector.load %arg8[%get3A_84, %get3A_85] : memref<1x256xf32, #tpu.memory_space<vmem>>, vector<1x256xf32>
      %add3A_87 = vector.broadcast %get3A_86 : vector<1x256xf32> to vector<128x256xf32>
      %add3A_88 = arith.addf %dot_general3A_83, %add3A_87 : vector<128x256xf32>
      %get3A_89 = arith.constant 0 : index
      %get3A_90 = arith.constant 0 : index
      %get3A_91 = vector.load %arg9[%get3A_89, %get3A_90] : memref<256x256xf32, #tpu.memory_space<vmem>>, vector<256x256xf32>
      %dot_general3A_92 = arith.constant dense<0.000000e+00> : vector<128x256xf32>
      %dot_general3A_93 = tpu.matmul %add3A_88, %get3A_91, %dot_general3A_92 {dimension_numbers = #tpu.dot_dimension_numbers<[1], [0], [0], [1], [0, 0, 1, 1], [], []>, transpose_lhs_hint = false} : vector<128x256xf32>, vector<256x256xf32>, vector<128x256xf32> -> vector<128x256xf32>
      %get3A_94 = arith.constant 0 : index
      %get3A_95 = arith.constant 0 : index
      %get3A_96 = vector.load %arg10[%get3A_94, %get3A_95] : memref<1x256xf32, #tpu.memory_space<vmem>>, vector<1x256xf32>
      %add3A_97 = vector.broadcast %get3A_96 : vector<1x256xf32> to vector<128x256xf32>
      %add3A_98 = arith.addf %dot_general3A_93, %add3A_97 : vector<128x256xf32>
      %get3A_99 = arith.constant 0 : index
      %get3A_100 = arith.constant 0 : index
      %get3A_101 = vector.load %arg17[%get3A_99, %get3A_100] : memref<128x256xf32, #tpu.memory_space<vmem>>, vector<128x256xf32>
      %get3A_102 = arith.constant 0 : index
      %get3A_103 = arith.constant 0 : index
      %get3A_104 = vector.load %arg11[%get3A_102, %get3A_103] : memref<256x256xf32, #tpu.memory_space<vmem>>, vector<256x256xf32>
      %dot_general3A_105 = arith.constant dense<0.000000e+00> : vector<128x256xf32>
      %dot_general3A_106 = tpu.matmul %get3A_101, %get3A_104, %dot_general3A_105 {dimension_numbers = #tpu.dot_dimension_numbers<[1], [0], [0], [1], [0, 0, 1, 1], [], []>, transpose_lhs_hint = false} : vector<128x256xf32>, vector<256x256xf32>, vector<128x256xf32> -> vector<128x256xf32>
      %get3A_107 = arith.constant 0 : index
      %get3A_108 = arith.constant 0 : index
      %get3A_109 = vector.load %arg12[%get3A_107, %get3A_108] : memref<1x256xf32, #tpu.memory_space<vmem>>, vector<1x256xf32>
      %add3A_110 = vector.broadcast %get3A_109 : vector<1x256xf32> to vector<128x256xf32>
      %add3A_111 = arith.addf %dot_general3A_106, %add3A_110 : vector<128x256xf32>
      %get3A_112 = arith.constant 0 : index
      %get3A_113 = arith.constant 0 : index
      %get3A_114 = vector.load %arg13[%get3A_112, %get3A_113] : memref<256x256xf32, #tpu.memory_space<vmem>>, vector<256x256xf32>
      %dot_general3A_115 = arith.constant dense<0.000000e+00> : vector<128x256xf32>
      %dot_general3A_116 = tpu.matmul %add3A_111, %get3A_114, %dot_general3A_115 {dimension_numbers = #tpu.dot_dimension_numbers<[1], [0], [0], [1], [0, 0, 1, 1], [], []>, transpose_lhs_hint = false} : vector<128x256xf32>, vector<256x256xf32>, vector<128x256xf32> -> vector<128x256xf32>
      %get3A_117 = arith.constant 0 : index
      %get3A_118 = arith.constant 0 : index
      %get3A_119 = vector.load %arg14[%get3A_117, %get3A_118] : memref<1x256xf32, #tpu.memory_space<vmem>>, vector<1x256xf32>
      %add3A_120 = vector.broadcast %get3A_119 : vector<1x256xf32> to vector<128x256xf32>
      %add3A_121 = arith.addf %dot_general3A_116, %add3A_120 : vector<128x256xf32>
      %gt3A = arith.constant 0.000000e+00 : f32
      %gt3A_122 = vector.broadcast %gt3A : f32 to vector<128x1xf32>
      %gt3A_123 = arith.cmpf ogt, %get3A_71, %gt3A_122 : vector<128x1xf32>
      %concatenate3A = tpu.concatenate %add3A_98, %add3A_121 in 1 : vector<128x256xf32>, vector<128x256xf32> -> vector<128x512xf32>
      %jit3A = arith.constant 0.000000e+00 : f32
      %broadcast_in_dim3A_124 = vector.shape_cast %gt3A_123 : vector<128x1xi1> to vector<128x1xi1>
      %broadcast_in_dim3A_125 = vector.broadcast %broadcast_in_dim3A_124 : vector<128x1xi1> to vector<128x512xi1>
      %broadcast_in_dim3A_126 = vector.broadcast %jit3A : f32 to vector<128x512xf32>
      %select_n3A = arith.select %broadcast_in_dim3A_125, %concatenate3A, %broadcast_in_dim3A_126 : vector<128x512xi1>, vector<128x512xf32>
      %swap3A_127 = arith.constant 0 : index
      %swap3A_128 = arith.constant 0 : index
      %swap3A_129 = vector.load %arg15[%swap3A_127, %swap3A_128] : memref<128x512xf32, #tpu.memory_space<vmem>>, vector<128x512xf32>
      tpu.vector_store %arg15[%swap3A_127, %swap3A_128], %select_n3A {strides = array<i32>} : memref<128x512xf32, #tpu.memory_space<vmem>>, vector<128x512xf32>,
    } else {
    }
    return
  }
  func.func @transform_0(%arg0: i32) -> (i32, i32) {
    %c0_i32 = arith.constant 0 : i32
    %c0_i32_0 = arith.constant 0 : i32
    return %arg0, %c0_i32 : i32, i32
  }
  func.func @transform_1(%arg0: i32) -> (i32, i32) {
    %c0_i32 = arith.constant 0 : i32
    %c0_i32_0 = arith.constant 0 : i32
    return %arg0, %c0_i32 : i32, i32
  }
  func.func @transform_2(%arg0: i32) -> (i32, i32) {
    %c0_i32 = arith.constant 0 : i32
    %c0_i32_0 = arith.constant 0 : i32
    return %arg0, %c0_i32 : i32, i32
  }
  func.func @transform_3(%arg0: i32) -> (i32, i32) {
    %c0_i32 = arith.constant 0 : i32
    %c0_i32_0 = arith.constant 0 : i32
    return %c0_i32, %arg0 : i32, i32
  }
  func.func @transform_4(%arg0: i32) -> (i32, i32) {
    %c0_i32 = arith.constant 0 : i32
    %c0_i32_0 = arith.constant 0 : i32
    %c0_i32_1 = arith.constant 0 : i32
    return %c0_i32, %c0_i32_0 : i32, i32
  }
  func.func @transform_5(%arg0: i32) -> (i32, i32) {
    %c0_i32 = arith.constant 0 : i32
    %c0_i32_0 = arith.constant 0 : i32
    %c0_i32_1 = arith.constant 0 : i32
    return %c0_i32, %c0_i32_0 : i32, i32
  }
  func.func @transform_6(%arg0: i32) -> (i32, i32) {
    %c0_i32 = arith.constant 0 : i32
    %c0_i32_0 = arith.constant 0 : i32
    %c0_i32_1 = arith.constant 0 : i32
    return %c0_i32, %c0_i32_0 : i32, i32
  }
  func.func @transform_7(%arg0: i32) -> (i32, i32) {
    %c0_i32 = arith.constant 0 : i32
    %c0_i32_0 = arith.constant 0 : i32
    %c0_i32_1 = arith.constant 0 : i32
    return %c0_i32, %c0_i32_0 : i32, i32
  }
  func.func @transform_8(%arg0: i32) -> (i32, i32) {
    %c0_i32 = arith.constant 0 : i32
    %c0_i32_0 = arith.constant 0 : i32
    %c0_i32_1 = arith.constant 0 : i32
    return %c0_i32, %c0_i32_0 : i32, i32
  }
  func.func @transform_9(%arg0: i32) -> (i32, i32) {
    %c0_i32 = arith.constant 0 : i32
    %c0_i32_0 = arith.constant 0 : i32
    %c0_i32_1 = arith.constant 0 : i32
    return %c0_i32, %c0_i32_0 : i32, i32
  }
  func.func @transform_10(%arg0: i32) -> (i32, i32) {
    %c0_i32 = arith.constant 0 : i32
    %c0_i32_0 = arith.constant 0 : i32
    %c0_i32_1 = arith.constant 0 : i32
    return %c0_i32, %c0_i32_0 : i32, i32
  }
  func.func @transform_11(%arg0: i32) -> (i32, i32) {
    %c0_i32 = arith.constant 0 : i32
    %c0_i32_0 = arith.constant 0 : i32
    %c0_i32_1 = arith.constant 0 : i32
    return %c0_i32, %c0_i32_0 : i32, i32
  }
  func.func @transform_12(%arg0: i32) -> (i32, i32) {
    %c0_i32 = arith.constant 0 : i32
    %c0_i32_0 = arith.constant 0 : i32
    %c0_i32_1 = arith.constant 0 : i32
    return %c0_i32, %c0_i32_0 : i32, i32
  }
  func.func @transform_13(%arg0: i32) -> (i32, i32) {
    %c0_i32 = arith.constant 0 : i32
    %c0_i32_0 = arith.constant 0 : i32
    %c0_i32_1 = arith.constant 0 : i32
    return %c0_i32, %c0_i32_0 : i32, i32
  }
  func.func @transform_14(%arg0: i32) -> (i32, i32) {
    %c0_i32 = arith.constant 0 : i32
    %c0_i32_0 = arith.constant 0 : i32
    %c0_i32_1 = arith.constant 0 : i32
    return %c0_i32, %c0_i32_0 : i32, i32
  }
}

</mosaic_0001>

<sc_bundles>
// kernel: kernel.6.cloned.1.call-start
scs
__scs_entry_jumppad:
0x0: {  	(pc) =	sbr.rel $0x88, $3  }
0x1: {  	(tag) =	ssettag $0x0;
	lr =	simm.s32 $0x1  }
0x2: {  	[smem:$0x3F91] =	sst lr;
	_ =	strace $0xD0000000  }
0x3: {  	_ = 	snop  }
0x4: {  	_ = 	snop  }
0x5: {  	_ = 	snop  }
0x6: {  	_ = 	snop  }
0x7: {  	_ = 	snop  }
__scs_overlays_trampoline_lowered:
0x8: {  	[smem:$0x3FA0] =	sst s0  }
0x9: {  	[smem:$0x3FA1] =	sst s1  }
0xa: {  	[smem:$0x3FA2] =	sst s2  }
0xb: {  	[smem:$0x3FA3] =	sst s3  }
0xc: {  	[smem:$0x3FA4] =	sst s4  }
0xd: {  	[smem:$0x3FA5] =	sst s5  }
0xe: {  	[smem:$0x3FA6] =	sst s6  }
0xf: {  	[smem:$0x3FA7] =	sst s7  }
0x10: {  	[smem:$0x3FA8] =	sst s8  }
0x11: {  	[smem:$0x3FA9] =	sst s9;
	s0 =	simm.s32 @!p0 $0x0  }
0x12: {  	s1 =	sld [smem:$0x3F8F];
	s0 =	simm.s32 @p0 $0x1  }
0x13: {  	[smem:$0x3FAA] =	sst s0;
	s0 =	simm.s32 @!p1 $0x0  }
0x14: {  	s2 =	sld [smem:$0x3F8E];
	s0 =	simm.s32 @p1 $0x1  }
0x15: {  	[smem:$0x3FAB] =	sst s0;
	s0 =	simm.s32 @!p2 $0x0  }
0x16: {  	s3 =	sld [smem:$0x3FDB];
	s0 =	simm.s32 @p2 $0x1  }
0x17: {  	s4 =	simm.s32 $0x1BF5;
	[smem:$0x3FAD] =	sst s0  }
0x18: {  	s0 =	sld [smem:$0x3F90];
	_ =	swait.ge [sflag:s4], $0x0  }
0x19: {  	s7 =	sld [smem:$0x3F91]  }
0x1a: {  	s8 =	sadd.s32 $0xFFFFE003, lr  }
0x1b: {  	s9 =	sadd.s32 $0xFFFFFEF7, lr;
	s5 =	simm.s32 $0xFFFFFFFF;
	p2 =	slt.u32 s8, $0xFFFFF086  }
0x1c: {  	p1 =	slt.u32 s9, $0xF7A;
	s5 =	simm.s32 @!p2 $0x0  }
0x1d: {  	s5 =	simm.s32 @p1 $0x1;
	p0 =	seq.s32 s7, s2  }
0x1e: {  	s7 =	smul.u32 @!p0 $0xF7A, s2;
	p2 =	seq.s32 @!p0 s5, $0x0  }
0x1f: {  	s9 =	smul.u32 $0xF7A, s1;
	s8 =	simm.s32 @!p0 $0x1BF5;
	p2 =	por !p2, p0  }
0x20: {  	[sflag:s8] =	ssyncset.s32 @!p0 $0xFFFFF086;
	s6 =	sadd.s32 @!p0 s3, s7;
	s7 =	simm.s32 @!p0 $0x108  }
0x21: {  	s3 =	sadd.s32 s3, s9;
	s6 =	sadd.s32 @!p0 $0x88, s6;
	s7 =	simm.s32 @p2 $0x1082  }
0x22: {  	[simem:s7], [sflag:s8] =	dma.local @!p0 [hbm:s6], $0xF7A  }
0x23: {  	s9 =	sor.u32 $0xD0000000, s2;
	s6 =	simm.s32 $0x108;
	_ =	swait.ge @!p0 [sflag:s8], $0x0  }
0x24: {  	s3 =	sadd.s32 $0x88, s3;
	s6 =	simm.s32 @!p1 $0x1082;
	[sflag:s4] =	ssyncset.s32 $0xFFFFF086  }
0x25: {  	[simem:s6], [sflag:s4] =	dma.local [hbm:s3], $0xF7A  }
0x26: {  	[smem:$0x3F91] =	sst s1;
	(tag) =	ssettag s2;
	_ =	strace s9  }
0x27: {  	s1 =	sld [smem:$0x3FA1]  }
0x28: {  	s2 =	sld [smem:$0x3FA2]  }
0x29: {  	s4 =	sld [smem:$0x3FA4]  }
0x2a: {  	p0 =	seq.s32 s5, $0x0;
	s5 =	sld [smem:$0x3FA5]  }
0x2b: {  	s6 =	sld [smem:$0x3FA6]  }
0x2c: {  	s7 =	sld [smem:$0x3FA7]  }
0x2d: {  	s3 =	simm.s32 $0x108;
	s8 =	sld [smem:$0x3FA8]  }
0x2e: {  	s3 =	simm.s32 @!p0 $0x1082;
	s9 =	sld [smem:$0x3FA9]  }
0x2f: {  	lr =	sadd.s32 s0, s3;
	s0 =	sld [smem:$0x3FA0]  }
0x30: {  	s3 =	sld [smem:$0x3FA3]  }
0x31: {  	[smem:$0x3FAC] =	sst s10  }
0x32: {  	s10 =	sld [smem:$0x3FAA];
	_ =	sdelay $0x3  }
0x33: {  	p0 =	seq.s32 s10, $0x1;
	s10 =	sld [smem:$0x3FAC];
	_ =	sdelay $0x3  }
0x34: {  	[smem:$0x3FAC] =	sst s10  }
0x35: {  	s10 =	sld [smem:$0x3FAB];
	_ =	sdelay $0x3  }
0x36: {  	p1 =	seq.s32 s10, $0x1;
	s10 =	sld [smem:$0x3FAC];
	_ =	sdelay $0x3  }
0x37: {  	[smem:$0x3FAC] =	sst s10  }
0x38: {  	s10 =	sld [smem:$0x3FAD]  }
0x39: {  	_ = 	snop;
	(pc) =	sbr.ind lr, $3  }
0x3a: {  	_ = 	snop  }
0x3b: {  	_ = 	snop  }
0x3c: {  	p2 =	seq.s32 s10, $0x1;
	s10 =	sld [smem:$0x3FAC]  }
0x3d: {  	_ =	shalt  }
0x3e: {  	_ =	shalt  }
0x3f: {  	_ =	shalt  }
0x40: {  	_ =	shalt  }
0x41: {  	_ =	shalt  }
0x42: {  	_ =	shalt  }
0x43: {  	_ =	shalt  }
0x44: {  	_ =	shalt  }
0x45: {  	_ =	shalt  }
0x46: {  	_ =	shalt  }
0x47: {  	_ =	shalt  }
0x48: {  	_ =	shalt  }
0x49: {  	_ =	shalt  }
0x4a: {  	_ =	shalt  }
0x4b: {  	_ =	shalt  }
0x4c: {  	_ =	shalt  }
0x4d: {  	_ =	shalt  }
0x4e: {  	_ =	shalt  }
0x4f: {  	_ =	shalt  }
0x50: {  	_ =	shalt  }
0x51: {  	_ =	shalt  }
0x52: {  	_ =	shalt  }
0x53: {  	_ =	shalt  }
0x54: {  	_ =	shalt  }
0x55: {  	_ =	shalt  }
0x56: {  	_ =	shalt  }
0x57: {  	_ =	shalt  }
0x58: {  	_ =	shalt  }
0x59: {  	_ =	shalt  }
0x5a: {  	_ =	shalt  }
0x5b: {  	_ =	shalt  }
0x5c: {  	_ =	shalt  }
0x5d: {  	_ =	shalt  }
0x5e: {  	_ =	shalt  }
0x5f: {  	_ =	shalt  }
0x60: {  	_ =	shalt  }
0x61: {  	_ =	shalt  }
0x62: {  	_ =	shalt  }
0x63: {  	_ =	shalt  }
0x64: {  	_ =	shalt  }
0x65: {  	_ =	shalt  }
0x66: {  	_ =	shalt  }
0x67: {  	_ =	shalt  }
0x68: {  	_ =	shalt  }
0x69: {  	_ =	shalt  }
0x6a: {  	_ =	shalt  }
0x6b: {  	_ =	shalt  }
0x6c: {  	_ =	shalt  }
0x6d: {  	_ =	shalt  }
0x6e: {  	_ =	shalt  }
0x6f: {  	_ =	shalt  }
0x70: {  	_ =	shalt  }
0x71: {  	_ =	shalt  }
0x72: {  	_ =	shalt  }
0x73: {  	_ =	shalt  }
0x74: {  	_ =	shalt  }
0x75: {  	_ =	shalt  }
0x76: {  	_ =	shalt  }
0x77: {  	_ =	shalt  }
0x78: {  	_ =	shalt  }
0x79: {  	_ =	shalt  }
0x7a: {  	_ =	shalt  }
0x7b: {  	_ =	shalt  }
0x7c: {  	_ =	shalt  }
0x7d: {  	_ =	shalt  }
0x7e: {  	_ =	shalt  }
0x7f: {  	_ =	shalt  }
0x80: {  	_ =	shalt  }
0x81: {  	_ =	shalt  }
0x82: {  	_ =	shalt  }
0x83: {  	_ =	shalt  }
0x84: {  	_ =	shalt  }
0x85: {  	_ =	shalt  }
0x86: {  	_ =	shalt  }
0x87: {  	_ =	shalt  }
.Lfunc_end0:
.L_simem_size_0:
called_computation_lowered:
.L_overlay_start_0:
0x88: {  	s2 =	sld [smem:$0x3FD9]  }
0x89: {  	s3 =	sld [smem:$0x3FFE];
	_ =	sdelay $0x1  }
0x8a: {  	s1 =	srdreg.scid  }
0x8b: {  	s0 =	sand.u32 $0x1, s1  }
0x8c: {  	s17 =	sshll.u32 s0, $0xA;
	s2 =	sadd.s32 s3, s2  }
0x8d: {  	s2 =	sadd.s32 s2, s17  }
0x8e: {  	[smem:$0x3FB8] =	sst s2  }
0x8f: {  	_ = 	snop  }
0x90: {  	s2 =	sld [smem:$0x3FD0];
	(tm) =	ssettm $0x1  }
0x91: {  	s18 =	sld [smem:$0x3FFB];
	_ =	sdelay $0x3  }
0x92: {  	_ =	strace s18  }
0x93: {  	s3 =	sld [smem:$0x3FFC];
	_ =	sdelay $0x3  }
0x94: {  	_ =	strace s3  }
0x95: {  	s3 =	sld [smem:$0x3FFD];
	_ =	sdelay $0x3  }
0x96: {  	_ =	strace s3  }
0x97: {  	_ =	strace $0x8FFFFFFF  }
0x98: {  	s19 =	sld [smem:$0x3FDB];
	_ =	sdelay $0x1  }
0x99: {  	s4 =	simm.s32 $_scs_section_size  }
0x9a: {  	s5 =	simm.s32 $_size__tile_overlayer_lowered;
	s6 =	simm.s32 $_tile_overlayer_lowered  }
0x9b: {  	s22 =	simm.s32 $0x1BFF;
	s21 =	sshll.u32 s6, $0x1;
	s3 =	sadd.s32 s4, s19  }
0x9c: {  	s7 =	simm.s32 $0x0;
	s20 =	sshll.u32 s5, $0x1;
	s5 =	sadd.s32 s21, s3  }
0x9d: {  	[timem:s7], [sflag:s22] =	dma.local [hbm:s5], s20  }
0x9e: {  	_ =	swait.ge [sflag:s22], s20  }
0x9f: {  	s4 =	ssub.s32 $0x0, s20;
	[sflag:s22] =	ssyncset.done $0x0  }
0xa0: {  	[sflag:s22] =	ssyncadd.s32 s4;
	_ =	sdelay $0x1  }
0xa1: {  	s23 =	simm.s32 $0x1B8B  }
0xa2: {  	_ =	swait.ge [sflag:s23], $0x1  }
0xa3: {  	[sflag:s23] =	ssyncset.done $0x0  }
0xa4: {  	s25 =	simm.s32 $0x1B8E;
	s24 =	sld [smem:$0x3FFE];
	[sflag:s23] =	ssyncadd.s32 $0xFFFFFFFF  }
0xa5: {  	s26 =	simm.s32 $execute0_lowered;
	[smem:$0x3FD2] =	sst s25  }
0xa6: {  	s5 =	sshll.u32 s26, $0x1;
	_ =	strace $0x80000046;
	[dreg:$0x1] =	wrdreg $0xFFFFFFFF  }
0xa7: {  	s28 =	simm.s32 $_size_execute0_lowered;
	s3 =	sadd.s32 s3, s5;
	[dreg:$0x0] =	wrdreg $0x0  }
0xa8: {  	s5 =	sshll.u32 s28, $0x1;
	[dreg:$0x2] =	wrdreg s3  }
0xa9: {  	[dreg:$0x3] =	wrdreg s5  }
0xaa: {  	[dreg:$0x4] =	wrdreg $0xC0  }
0xab: {  	_ =	task [dreg:s7], $0x5FFFF  }
0xac: {  	[dreg:$0x1] =	wrdreg $0xFFFFFFFF  }
0xad: {  	[dreg:$0x0] =	wrdreg $0x60  }
0xae: {  	[dreg:$0x2] =	wrdreg s24  }
0xaf: {  	[dreg:$0x3] =	wrdreg s2  }
0xb0: {  	[dreg:$0x4] =	wrdreg $0x9  }
0xb1: {  	_ =	task.clear_ibuf [dreg:s7], $0x5FFFF;
	_ =	strace $0x90000046  }
0xb2: {  	s29 =	simm.s32 $0x9;
	_ =	strace $0x80000048  }
0xb3: {  	_ =	swait.ge [sflag:s29], $0x1  }
0xb4: {  	[sflag:s29] =	ssyncadd.s32 $0xFFFFFFFF  }
0xb5: {  	_ =	strace $0x90000048  }
0xb6: {  	_ =	sfence  }
0xb7: {  	s30 =	sld [smem:$0x0];
	_ =	sdelay $0x2  }
0xb8: {  	s31 =	sshll.u32 s1, $0xD;
	s1 =	sshrl.u32 s1, $0x2  }
0xb9: {  	s3 =	sand.u32 $0x4000, s31;
	s1 =	sadd.s32 s1, s30  }
0xba: {  	s0 =	sor.u32 s3, s0;
	s1 =	sshll.u32 s1, $0x11  }
0xbb: {  	s0 =	sor.u32 s1, s0  }
0xbc: {  	s0 =	sadd.s32 $0x8F2B, s0  }
0xbd: {  	[sflag:s0] =	ssyncadd.remote.s32 $0x1  }
0xbe: {  	_ =	sfence.sel $0xFFFF  }
0xbf: {  	[dreg:$0x0] =	wrdreg $0xFFFFFFFF;
	(pc) =	sbr.abs _section_cstart, $3  }
0xc0: {  	[dreg:$0x1] =	wrdreg $0xFFFFFFFF  }
0xc1: {  	_ =	task.clear_ibuf [dreg:s7], $0x2FFFF;
	_ =	strace $0x9FFFFFFF  }
0xc2: {  	(tm) =	ssettm $0x7FFFFFFF  }
0xc3: {  	_ =	shalt  }
tec
execute0_lowered:
.L_overlay_start_1:
0x0: {  	(tag) =	ssettag $0x1  }
0x1: {  	s12 =	rddreg [dreg:$0x0]  }
0x2: {  	s13 =	rddreg [dreg:$0x1]  }
0x3: {  	s0 =	rddreg [dreg:$0x2];
	s1 =	simm.s32 $0x0;
	s2 =	srdreg.scid  }
0x4: {  	[smem:$0x7FF] =	sst s1;
	s3 =	sand.u32 $0x1, s2;
	s2 =	stileid.u32  }
0x5: {  	s7 =	sadd.s32 $0x9140, s12;
	s8 =	sadd.s32 $0x9910, s12;
	s9 =	sadd.s32 $0xA0E0, s12  }
0x6: {  	s10 =	sadd.s32 $0xA8B0, s12;
	s11 =	sadd.s32 $0xB080, s12;
	s4 =	ssub.s32 $0x2, s3  }
0x7: {  	_ =	strace $0x80000047;
	s5 =	sshll.u32 s3, $0x4;
	s6 =	sshrl.u32 s4, $0x1  }
0x8: {  	s3 =	sadd.s32 $0x7200, s12;
	s5 =	sor.u32 s2, s5;
	s14 =	ssub.s32 s4, s6  }
0x9: {  	s19 =	smul.u32 $0x140, s5;
	s4 =	sadd.s32 $0x79D0, s12;
	s5 =	sadd.s32 $0x81A0, s12  }
0xa: {  	s6 =	sadd.s32 $0x8970, s12;
	s12 =	sadd.s32 $0xB850, s12;
	s14 =	smax.u32 s14, $0x1  }
0xb: {  	s15 =	sadd.s32 $0x50, s19;
	s25 =	sadd.s32 $0x60, s19;
	s16 =	sadd.s32 $0x70, s19  }
0xc: {  	s26 =	sadd.s32 $0x80, s19;
	s28 =	sadd.s32 $0x90, s19;
	p0 =	slt.u32 s15, $0x2710  }
0xd: {  	s29 =	sadd.s32 $0xA0, s19;
	s30 =	sadd.s32 $0xB0, s19;
	s15 =	simm.s32 @!p0 $0x0  }
0xe: {  	s17 =	sadd.s32 $0xC0, s19;
	s15 =	simm.s32 @p0 $0x1;
	p0 =	slt.u32 s25, $0x2710  }
0xf: {  	s18 =	sadd.s32 $0xD0, s19;
	[smem:$0x7F5] =	sst s15;
	s15 =	simm.s32 @!p0 $0x0  }
0x10: {  	s20 =	sadd.s32 $0xE0, s19;
	s15 =	simm.s32 @p0 $0x1;
	p0 =	slt.u32 s16, $0x2710  }
0x11: {  	s21 =	sadd.s32 $0xF0, s19;
	[smem:$0x7F6] =	sst s15;
	s15 =	simm.s32 @!p0 $0x0  }
0x12: {  	s22 =	sadd.s32 $0x100, s19;
	s15 =	simm.s32 @p0 $0x1;
	p0 =	slt.u32 s26, $0x2710  }
0x13: {  	s23 =	sadd.s32 $0x110, s19;
	[smem:$0x7F7] =	sst s15;
	s15 =	simm.s32 @!p0 $0x0  }
0x14: {  	s24 =	sadd.s32 $0x120, s19;
	s15 =	simm.s32 @p0 $0x1;
	p0 =	slt.u32 s28, $0x2710  }
0x15: {  	s31 =	sshrl.u32 s19, $0x3;
	[smem:$0x7F8] =	sst s15;
	s15 =	simm.s32 @!p0 $0x0  }
0x16: {  	s13 =	sadd.s32 s13, s31;
	s15 =	simm.s32 @p0 $0x1;
	p0 =	slt.u32 s29, $0x2710  }
0x17: {  	p2 =	slt.u32 s20, $0x2710;
	[smem:$0x7F9] =	sst s15;
	s15 =	simm.s32 @!p0 $0x0  }
0x18: {  	p3 =	slt.u32 s21, $0x2710;
	s15 =	simm.s32 @p0 $0x1;
	p0 =	slt.u32 s30, $0x2710  }
0x19: {  	p4 =	slt.u32 s22, $0x2710;
	[smem:$0x7FA] =	sst s15;
	s15 =	simm.s32 @!p0 $0x0  }
0x1a: {  	p5 =	slt.u32 s23, $0x2710;
	s15 =	simm.s32 @p0 $0x1;
	p0 =	slt.u32 s17, $0x2710  }
0x1b: {  	p6 =	slt.u32 s24, $0x2710;
	s25 =	sadd.s32 $0x130, s19;
	s17 =	simm.s32 @!p0 $0x0  }
0x1c: {  	s16 =	simm.s32 $0x3E80;
	s17 =	simm.s32 @p0 $0x1;
	p0 =	slt.u32 s18, $0x2710  }
0x1d: {  	[smem:$0x7FB] =	sst s15;
	s15 =	simm.s32 $0x1;
	s18 =	simm.s32 @!p0 $0x0  }
0x1e: {  	[smem:$0x7FC] =	sst s17;
	s17 =	simm.s32 $0x4000;
	s18 =	simm.s32 @p0 $0x1  }
0x1f: {  	v1 =	vimm.f32 $0.0e+00;
	v2 =	vimm.f32 $1.000000000e+00;
	v0 =	vmov s19;
	p0 =	slt.u32 s25, $0x2710;
	[smem:$0x7FD] =	sst s18;
	s18 =	simm.s32 $0x0  }
.LBB2_1:
0x20: {  	[tilespmem:$0x3E80] =	vst v1  }
0x21: {  	[tilespmem:$0x3E90] =	vst v1  }
0x22: {  	[tilespmem:$0x3EA0] =	vst v1  }
0x23: {  	[tilespmem:$0x3EB0] =	vst v1  }
0x24: {  	[tilespmem:$0x3EC0] =	vst v1  }
0x25: {  	[tilespmem:$0x3ED0] =	vst v1  }
0x26: {  	[tilespmem:$0x3EE0] =	vst v1  }
0x27: {  	[tilespmem:$0x3EF0] =	vst v1  }
0x28: {  	[tilespmem:$0x3F00] =	vst v1  }
0x29: {  	[tilespmem:$0x3F10] =	vst v1  }
0x2a: {  	[tilespmem:$0x3F20] =	vst v1  }
0x2b: {  	[tilespmem:$0x3F30] =	vst v1  }
0x2c: {  	[tilespmem:$0x3F40] =	vst v1  }
0x2d: {  	[tilespmem:$0x3F50] =	vst v1  }
0x2e: {  	[tilespmem:$0x3F60] =	vst v1  }
0x2f: {  	[tilespmem:$0x3F70] =	vst v1  }
0x30: {  	[tilespmem:$0x3F80] =	vst v1  }
0x31: {  	[tilespmem:$0x3F90] =	vst v1  }
0x32: {  	[tilespmem:$0x3FA0] =	vst v1  }
0x33: {  	[tilespmem:$0x3FB0] =	vst v1  }
0x34: {  	[tilespmem:s1], [sflag:$0x1] =	stream.linear.gather [hbm4b:s3+s1], $0x3E80, $0x38;
	[tilespmem:$0x4180] =	vst v63  }
0x35: {  	_ =	swait.ge [sflag:s15], $0x3E80  }
0x36: {  	[sflag:s15] =	ssyncset.done $0x0  }
0x37: {  	s20 =	simm.s32 $0x0;
	s19 =	simm.s32 $0x40;
	[sflag:s15] =	ssyncadd.s32 $0xFFFFC180  }
.LBB2_2:
0x38: {  	p1 =	sne.s32 s19, $0xF9C0;
	v3 =	vld [tilespmem:s20+$0x0];
	_ =	sdelay $0x4  }
0x39: {  	v3 =	vsub.s32 v3, v0  }
0x3a: {  	vm0 =	vlt.u32 v3, $0x140  }
0x3b: {  	v3 =	vnsel vm0, $0x0, v3  }
.Ltmp0:
0x3c: {  	(pc) =	sbr.rel @p1 .LBB2_2-.Ltmp0, $2  }
0x3d: {  	_ =	sdelay $0x2  }
0x3e: {  	s20 =	sshra.s32 s19, $0x2;
	s19 =	sadd.s32 $0x40, s19;
	[tilespmem:v3+s16+$0x0] =	vst.idx.add.f32.msk vm0, v2  }
0x3f: {  	v3 =	vld [tilespmem:s20+$0x0];
	_ =	sdelay $0x4  }
0x40: {  	v3 =	vsub.s32 v3, v0  }
0x41: {  	vm0 =	vlt.u32 v3, $0x140  }
0x42: {  	v3 =	vnsel vm0, $0x0, v3;
	_ =	sdelay $0x4  }
0x43: {  	s19 =	simm.s32 $0x0;
	[tilespmem:v3+s16+$0x0] =	vst.idx.add.f32.msk vm0, v2  }
0x44: {  	[tilespmem:s19], [sflag:$0x1] =	stream.linear.gather [hbm4b:s4+s19], $0x3E80, $0x38;
	[tilespmem:$0x4180] =	vst v63  }
0x45: {  	_ =	swait.ge [sflag:s15], $0x3E80  }
0x46: {  	[sflag:s15] =	ssyncset.done $0x0  }
0x47: {  	s20 =	simm.s32 $0x0;
	s19 =	simm.s32 $0x40;
	[sflag:s15] =	ssyncadd.s32 $0xFFFFC180  }
.LBB2_4:
0x48: {  	p1 =	sne.s32 s19, $0xF9C0;
	v3 =	vld [tilespmem:s20+$0x0];
	_ =	sdelay $0x4  }
0x49: {  	v3 =	vsub.s32 v3, v0  }
0x4a: {  	vm0 =	vlt.u32 v3, $0x140  }
0x4b: {  	v3 =	vnsel vm0, $0x0, v3  }
.Ltmp1:
0x4c: {  	(pc) =	sbr.rel @p1 .LBB2_4-.Ltmp1, $2  }
0x4d: {  	_ =	sdelay $0x2  }
0x4e: {  	s20 =	sshra.s32 s19, $0x2;
	s19 =	sadd.s32 $0x40, s19;
	[tilespmem:v3+s16+$0x0] =	vst.idx.add.f32.msk vm0, v2  }
0x4f: {  	v3 =	vld [tilespmem:s20+$0x0];
	_ =	sdelay $0x4  }
0x50: {  	v3 =	vsub.s32 v3, v0  }
0x51: {  	vm0 =	vlt.u32 v3, $0x140  }
0x52: {  	v3 =	vnsel vm0, $0x0, v3;
	_ =	sdelay $0x4  }
0x53: {  	s19 =	simm.s32 $0x0;
	[tilespmem:v3+s16+$0x0] =	vst.idx.add.f32.msk vm0, v2  }
0x54: {  	[tilespmem:s19], [sflag:$0x1] =	stream.linear.gather [hbm4b:s5+s19], $0x3E80, $0x38;
	[tilespmem:$0x4180] =	vst v63  }
0x55: {  	_ =	swait.ge [sflag:s15], $0x3E80  }
0x56: {  	[sflag:s15] =	ssyncset.done $0x0  }
0x57: {  	s20 =	simm.s32 $0x0;
	s19 =	simm.s32 $0x40;
	[sflag:s15] =	ssyncadd.s32 $0xFFFFC180  }
.LBB2_6:
0x58: {  	p1 =	sne.s32 s19, $0xF9C0;
	v3 =	vld [tilespmem:s20+$0x0];
	_ =	sdelay $0x4  }
0x59: {  	v3 =	vsub.s32 v3, v0  }
0x5a: {  	vm0 =	vlt.u32 v3, $0x140  }
0x5b: {  	v3 =	vnsel vm0, $0x0, v3  }
.Ltmp2:
0x5c: {  	(pc) =	sbr.rel @p1 .LBB2_6-.Ltmp2, $2  }
0x5d: {  	_ =	sdelay $0x2  }
0x5e: {  	s20 =	sshra.s32 s19, $0x2;
	s19 =	sadd.s32 $0x40, s19;
	[tilespmem:v3+s16+$0x0] =	vst.idx.add.f32.msk vm0, v2  }
0x5f: {  	v3 =	vld [tilespmem:s20+$0x0];
	_ =	sdelay $0x4  }
0x60: {  	v3 =	vsub.s32 v3, v0  }
0x61: {  	vm0 =	vlt.u32 v3, $0x140  }
0x62: {  	v3 =	vnsel vm0, $0x0, v3;
	_ =	sdelay $0x4  }
0x63: {  	s19 =	simm.s32 $0x0;
	[tilespmem:v3+s16+$0x0] =	vst.idx.add.f32.msk vm0, v2  }
0x64: {  	[tilespmem:s19], [sflag:$0x1] =	stream.linear.gather [hbm4b:s6+s19], $0x3E80, $0x38;
	[tilespmem:$0x4180] =	vst v63  }
0x65: {  	_ =	swait.ge [sflag:s15], $0x3E80  }
0x66: {  	[sflag:s15] =	ssyncset.done $0x0  }
0x67: {  	s20 =	simm.s32 $0x0;
	s19 =	simm.s32 $0x40;
	[sflag:s15] =	ssyncadd.s32 $0xFFFFC180  }
.LBB2_8:
0x68: {  	p1 =	sne.s32 s19, $0xF9C0;
	v3 =	vld [tilespmem:s20+$0x0];
	_ =	sdelay $0x4  }
0x69: {  	v3 =	vsub.s32 v3, v0  }
0x6a: {  	vm0 =	vlt.u32 v3, $0x140  }
0x6b: {  	v3 =	vnsel vm0, $0x0, v3  }
.Ltmp3:
0x6c: {  	(pc) =	sbr.rel @p1 .LBB2_8-.Ltmp3, $2  }
0x6d: {  	_ =	sdelay $0x2  }
0x6e: {  	s20 =	sshra.s32 s19, $0x2;
	s19 =	sadd.s32 $0x40, s19;
	[tilespmem:v3+s16+$0x0] =	vst.idx.add.f32.msk vm0, v2  }
0x6f: {  	v3 =	vld [tilespmem:s20+$0x0];
	_ =	sdelay $0x4  }
0x70: {  	v3 =	vsub.s32 v3, v0  }
0x71: {  	vm0 =	vlt.u32 v3, $0x140  }
0x72: {  	v3 =	vnsel vm0, $0x0, v3;
	_ =	sdelay $0x4  }
0x73: {  	s19 =	simm.s32 $0x0;
	[tilespmem:v3+s16+$0x0] =	vst.idx.add.f32.msk vm0, v2  }
0x74: {  	[tilespmem:s19], [sflag:$0x1] =	stream.linear.gather [hbm4b:s7+s19], $0x3E80, $0x38;
	[tilespmem:$0x4180] =	vst v63  }
0x75: {  	_ =	swait.ge [sflag:s15], $0x3E80  }
0x76: {  	[sflag:s15] =	ssyncset.done $0x0  }
0x77: {  	s20 =	simm.s32 $0x0;
	s19 =	simm.s32 $0x40;
	[sflag:s15] =	ssyncadd.s32 $0xFFFFC180  }
.LBB2_10:
0x78: {  	p1 =	sne.s32 s19, $0xF9C0;
	v3 =	vld [tilespmem:s20+$0x0];
	_ =	sdelay $0x4  }
0x79: {  	v3 =	vsub.s32 v3, v0  }
0x7a: {  	vm0 =	vlt.u32 v3, $0x140  }
0x7b: {  	v3 =	vnsel vm0, $0x0, v3  }
.Ltmp4:
0x7c: {  	(pc) =	sbr.rel @p1 .LBB2_10-.Ltmp4, $2  }
0x7d: {  	_ =	sdelay $0x2  }
0x7e: {  	s20 =	sshra.s32 s19, $0x2;
	s19 =	sadd.s32 $0x40, s19;
	[tilespmem:v3+s16+$0x0] =	vst.idx.add.f32.msk vm0, v2  }
0x7f: {  	v3 =	vld [tilespmem:s20+$0x0];
	_ =	sdelay $0x4  }
0x80: {  	v3 =	vsub.s32 v3, v0  }
0x81: {  	vm0 =	vlt.u32 v3, $0x140  }
0x82: {  	v3 =	vnsel vm0, $0x0, v3;
	_ =	sdelay $0x4  }
0x83: {  	s19 =	simm.s32 $0x0;
	[tilespmem:v3+s16+$0x0] =	vst.idx.add.f32.msk vm0, v2  }
0x84: {  	[tilespmem:s19], [sflag:$0x1] =	stream.linear.gather [hbm4b:s8+s19], $0x3E80, $0x38;
	[tilespmem:$0x4180] =	vst v63  }
0x85: {  	_ =	swait.ge [sflag:s15], $0x3E80  }
0x86: {  	[sflag:s15] =	ssyncset.done $0x0  }
0x87: {  	s20 =	simm.s32 $0x0;
	s19 =	simm.s32 $0x40;
	[sflag:s15] =	ssyncadd.s32 $0xFFFFC180  }
.LBB2_12:
0x88: {  	p1 =	sne.s32 s19, $0xF9C0;
	v3 =	vld [tilespmem:s20+$0x0];
	_ =	sdelay $0x4  }
0x89: {  	v3 =	vsub.s32 v3, v0  }
0x8a: {  	vm0 =	vlt.u32 v3, $0x140  }
0x8b: {  	v3 =	vnsel vm0, $0x0, v3  }
.Ltmp5:
0x8c: {  	(pc) =	sbr.rel @p1 .LBB2_12-.Ltmp5, $2  }
0x8d: {  	_ =	sdelay $0x2  }
0x8e: {  	s20 =	sshra.s32 s19, $0x2;
	s19 =	sadd.s32 $0x40, s19;
	[tilespmem:v3+s16+$0x0] =	vst.idx.add.f32.msk vm0, v2  }
0x8f: {  	v3 =	vld [tilespmem:s20+$0x0];
	_ =	sdelay $0x4  }
0x90: {  	v3 =	vsub.s32 v3, v0  }
0x91: {  	vm0 =	vlt.u32 v3, $0x140  }
0x92: {  	v3 =	vnsel vm0, $0x0, v3;
	_ =	sdelay $0x4  }
0x93: {  	s19 =	simm.s32 $0x0;
	[tilespmem:v3+s16+$0x0] =	vst.idx.add.f32.msk vm0, v2  }
0x94: {  	[tilespmem:s19], [sflag:$0x1] =	stream.linear.gather [hbm4b:s9+s19], $0x3E80, $0x38;
	[tilespmem:$0x4180] =	vst v63  }
0x95: {  	_ =	swait.ge [sflag:s15], $0x3E80  }
0x96: {  	[sflag:s15] =	ssyncset.done $0x0  }
0x97: {  	s20 =	simm.s32 $0x0;
	s19 =	simm.s32 $0x40;
	[sflag:s15] =	ssyncadd.s32 $0xFFFFC180  }
.LBB2_14:
0x98: {  	p1 =	sne.s32 s19, $0xF9C0;
	v3 =	vld [tilespmem:s20+$0x0];
	_ =	sdelay $0x4  }
0x99: {  	v3 =	vsub.s32 v3, v0  }
0x9a: {  	vm0 =	vlt.u32 v3, $0x140  }
0x9b: {  	v3 =	vnsel vm0, $0x0, v3  }
.Ltmp6:
0x9c: {  	(pc) =	sbr.rel @p1 .LBB2_14-.Ltmp6, $2  }
0x9d: {  	_ =	sdelay $0x2  }
0x9e: {  	s20 =	sshra.s32 s19, $0x2;
	s19 =	sadd.s32 $0x40, s19;
	[tilespmem:v3+s16+$0x0] =	vst.idx.add.f32.msk vm0, v2  }
0x9f: {  	v3 =	vld [tilespmem:s20+$0x0];
	_ =	sdelay $0x4  }
0xa0: {  	v3 =	vsub.s32 v3, v0  }
0xa1: {  	vm0 =	vlt.u32 v3, $0x140  }
0xa2: {  	v3 =	vnsel vm0, $0x0, v3;
	_ =	sdelay $0x4  }
0xa3: {  	s19 =	simm.s32 $0x0;
	[tilespmem:v3+s16+$0x0] =	vst.idx.add.f32.msk vm0, v2  }
0xa4: {  	[tilespmem:s19], [sflag:$0x1] =	stream.linear.gather [hbm4b:s10+s19], $0x3E80, $0x38;
	[tilespmem:$0x4180] =	vst v63  }
0xa5: {  	_ =	swait.ge [sflag:s15], $0x3E80  }
0xa6: {  	[sflag:s15] =	ssyncset.done $0x0  }
0xa7: {  	s20 =	simm.s32 $0x0;
	s19 =	simm.s32 $0x40;
	[sflag:s15] =	ssyncadd.s32 $0xFFFFC180  }
.LBB2_16:
0xa8: {  	p1 =	sne.s32 s19, $0xF9C0;
	v3 =	vld [tilespmem:s20+$0x0];
	_ =	sdelay $0x4  }
0xa9: {  	v3 =	vsub.s32 v3, v0  }
0xaa: {  	vm0 =	vlt.u32 v3, $0x140  }
0xab: {  	v3 =	vnsel vm0, $0x0, v3  }
.Ltmp7:
0xac: {  	(pc) =	sbr.rel @p1 .LBB2_16-.Ltmp7, $2  }
0xad: {  	_ =	sdelay $0x2  }
0xae: {  	s20 =	sshra.s32 s19, $0x2;
	s19 =	sadd.s32 $0x40, s19;
	[tilespmem:v3+s16+$0x0] =	vst.idx.add.f32.msk vm0, v2  }
0xaf: {  	v3 =	vld [tilespmem:s20+$0x0];
	_ =	sdelay $0x4  }
0xb0: {  	v3 =	vsub.s32 v3, v0  }
0xb1: {  	vm0 =	vlt.u32 v3, $0x140  }
0xb2: {  	v3 =	vnsel vm0, $0x0, v3;
	_ =	sdelay $0x4  }
0xb3: {  	s19 =	simm.s32 $0x0;
	[tilespmem:v3+s16+$0x0] =	vst.idx.add.f32.msk vm0, v2  }
0xb4: {  	[tilespmem:s19], [sflag:$0x1] =	stream.linear.gather [hbm4b:s11+s19], $0x3E80, $0x38;
	[tilespmem:$0x4180] =	vst v63  }
0xb5: {  	_ =	swait.ge [sflag:s15], $0x3E80  }
0xb6: {  	[sflag:s15] =	ssyncset.done $0x0  }
0xb7: {  	s20 =	simm.s32 $0x0;
	s19 =	simm.s32 $0x40;
	[sflag:s15] =	ssyncadd.s32 $0xFFFFC180  }
.LBB2_18:
0xb8: {  	p1 =	sne.s32 s19, $0xF9C0;
	v3 =	vld [tilespmem:s20+$0x0];
	_ =	sdelay $0x4  }
0xb9: {  	v3 =	vsub.s32 v3, v0  }
0xba: {  	vm0 =	vlt.u32 v3, $0x140  }
0xbb: {  	v3 =	vnsel vm0, $0x0, v3  }
.Ltmp8:
0xbc: {  	(pc) =	sbr.rel @p1 .LBB2_18-.Ltmp8, $2  }
0xbd: {  	_ =	sdelay $0x2  }
0xbe: {  	s20 =	sshra.s32 s19, $0x2;
	s19 =	sadd.s32 $0x40, s19;
	[tilespmem:v3+s16+$0x0] =	vst.idx.add.f32.msk vm0, v2  }
0xbf: {  	v3 =	vld [tilespmem:s20+$0x0];
	_ =	sdelay $0x4  }
0xc0: {  	v3 =	vsub.s32 v3, v0  }
0xc1: {  	vm0 =	vlt.u32 v3, $0x140  }
0xc2: {  	v3 =	vnsel vm0, $0x0, v3;
	_ =	sdelay $0x4  }
0xc3: {  	s19 =	simm.s32 $0x0;
	[tilespmem:v3+s16+$0x0] =	vst.idx.add.f32.msk vm0, v2  }
0xc4: {  	[tilespmem:s19], [sflag:$0x1] =	stream.linear.gather [hbm4b:s12+s19], $0x3E80, $0x38;
	[tilespmem:$0x4180] =	vst v63  }
0xc5: {  	_ =	swait.ge [sflag:s15], $0x3E80  }
0xc6: {  	[sflag:s15] =	ssyncset.done $0x0  }
0xc7: {  	s20 =	simm.s32 $0x0;
	s19 =	simm.s32 $0x40;
	[sflag:s15] =	ssyncadd.s32 $0xFFFFC180  }
.LBB2_20:
0xc8: {  	p1 =	sne.s32 s19, $0xF9C0;
	v3 =	vld [tilespmem:s20+$0x0];
	_ =	sdelay $0x4  }
0xc9: {  	v3 =	vsub.s32 v3, v0  }
0xca: {  	vm0 =	vlt.u32 v3, $0x140  }
0xcb: {  	v3 =	vnsel vm0, $0x0, v3  }
.Ltmp9:
0xcc: {  	(pc) =	sbr.rel @p1 .LBB2_20-.Ltmp9, $2  }
0xcd: {  	_ =	sdelay $0x2  }
0xce: {  	s20 =	sshra.s32 s19, $0x2;
	s19 =	sadd.s32 $0x40, s19;
	[tilespmem:v3+s16+$0x0] =	vst.idx.add.f32.msk vm0, v2  }
0xcf: {  	v3 =	vld [tilespmem:s20+$0x0];
	_ =	sdelay $0x4  }
0xd0: {  	v3 =	vsub.s32 v3, v0  }
0xd1: {  	vm0 =	vlt.u32 v3, $0x140  }
0xd2: {  	v3 =	vnsel vm0, $0x0, v3;
	_ =	sdelay $0x4  }
0xd3: {  	[tilespmem:v3+s16+$0x0] =	vst.idx.add.f32.msk vm0, v2  }
0xd4: {  	v3 =	vld [tilespmem:$0x3E80];
	_ =	sdelay $0x4  }
0xd5: {  	v3 =	vadd.f32 $1.000000000e+00, v3;
	_ =	sdelay $0x1  }
0xd6: {  	v6 =	vld [tilespmem:$0x3E90];
	v4 =	vshra.s32 v3, $0x1;
	v3 =	vmul.f32 $5.000000000e-01, v3  }
0xd7: {  	v4 =	vsub.s32 $0x5F3759DF, v4  }
0xd8: {  	v7 =	vld [tilespmem:$0x3EA0];
	v5 =	vmul.f32 v4, v3;
	_ =	sdelay $0x1  }
0xd9: {  	v5 =	vmul.f32 v4, v5  }
0xda: {  	v6 =	vadd.f32 $1.000000000e+00, v6  }
0xdb: {  	v5 =	vsub.f32 $1.500000000e+00, v5  }
0xdc: {  	v7 =	vadd.f32 $1.000000000e+00, v7;
	v14 =	vshra.s32 v6, $0x1;
	v6 =	vmul.f32 $5.000000000e-01, v6  }
0xdd: {  	v4 =	vmul.f32 v4, v5;
	v5 =	vsub.s32 $0x5F3759DF, v14  }
0xde: {  	v10 =	vld [tilespmem:$0x3EB0];
	v11 =	vshra.s32 v7, $0x1;
	v7 =	vmul.f32 $5.000000000e-01, v7;
	v9 =	vmul.f32 v5, v6  }
0xdf: {  	v13 =	vld [tilespmem:$0x3EC0];
	v11 =	vsub.s32 $0x5F3759DF, v11;
	v8 =	vmul.f32 v4, v3  }
0xe0: {  	v12 =	vmul.f32 v11, v7;
	v9 =	vmul.f32 v5, v9  }
0xe1: {  	v8 =	vmul.f32 v8, v4  }
0xe2: {  	v22 =	vld [tilespmem:$0x3ED0];
	v16 =	vmul.f32 v11, v12;
	v9 =	vsub.f32 $1.500000000e+00, v9  }
0xe3: {  	v15 =	vadd.f32 $1.000000000e+00, v10;
	v8 =	vsub.f32 $1.500000000e+00, v8  }
0xe4: {  	v21 =	vadd.f32 $1.000000000e+00, v13;
	v5 =	vmul.f32 v5, v9;
	v9 =	vsub.f32 $1.500000000e+00, v16;
	v16 =	vld [tilespmem:$0x3EE0]  }
0xe5: {  	v10 =	vshra.s32 v15, $0x1;
	v4 =	vmul.f32 v8, v4;
	v8 =	vmul.f32 $5.000000000e-01, v15  }
0xe6: {  	v10 =	vsub.s32 $0x5F3759DF, v10;
	v17 =	vmul.f32 v5, v6;
	v9 =	vmul.f32 v11, v9  }
0xe7: {  	v26 =	vadd.f32 $1.000000000e+00, v22;
	v3 =	vmul.f32 v4, v3;
	v14 =	vmul.f32 v10, v8  }
0xe8: {  	v24 =	vshra.s32 v21, $0x1;
	v12 =	vmul.f32 v17, v5;
	v19 =	vmul.f32 v9, v7  }
0xe9: {  	v3 =	vmul.f32 v3, v4;
	v18 =	vmul.f32 v10, v14;
	v16 =	vadd.f32 $1.000000000e+00, v16  }
0xea: {  	v11 =	vmul.f32 $5.000000000e-01, v21;
	v12 =	vsub.f32 $1.500000000e+00, v12;
	v23 =	vmul.f32 v19, v9  }
0xeb: {  	v3 =	vsub.f32 $1.500000000e+00, v3;
	v20 =	vsub.f32 $1.500000000e+00, v18;
	v31 =	vshra.s32 v16, $0x1  }
0xec: {  	v16 =	vmul.f32 $5.000000000e-01, v16;
	v5 =	vmul.f32 v12, v5;
	v12 =	vsub.f32 $1.500000000e+00, v23  }
0xed: {  	v3 =	vmul.f32 v3, v4;
	v4 =	vmul.f32 v10, v20;
	v10 =	vsub.s32 $0x5F3759DF, v24  }
0xee: {  	v6 =	vmul.f32 v5, v6;
	v15 =	vmul.f32 v10, v11  }
0xef: {  	v9 =	vmul.f32 v12, v9;
	v12 =	vmul.f32 $5.000000000e-01, v26  }
0xf0: {  	v39 =	vld [tilespmem:$0x3F00];
	v29 =	vshra.s32 v26, $0x1;
	v25 =	vmul.f32 v4, v8;
	v6 =	vmul.f32 v6, v5  }
0xf1: {  	v28 =	vmul.f32 v10, v15;
	v7 =	vmul.f32 v9, v7;
	v15 =	vsub.s32 $0x5F3759DF, v29  }
0xf2: {  	v19 =	vsub.s32 $0x5F3759DF, v31;
	v27 =	vmul.f32 v25, v4;
	v17 =	vmul.f32 v15, v12  }
0xf3: {  	v32 =	vld [tilespmem:$0x3EF0];
	v34 =	vmul.f32 v19, v16;
	v14 =	vsub.f32 $1.500000000e+00, v28;
	v7 =	vmul.f32 v7, v9  }
0xf4: {  	v41 =	vld [tilespmem:$0x3F10];
	v6 =	vsub.f32 $1.500000000e+00, v6;
	v13 =	vsub.f32 $1.500000000e+00, v27;
	v30 =	vmul.f32 v15, v17  }
0xf5: {  	v17 =	vadd.f32 $1.000000000e+00, v39;
	v10 =	vmul.f32 v10, v14;
	v7 =	vsub.f32 $1.500000000e+00, v7  }
0xf6: {  	v13 =	vmul.f32 v13, v4;
	v4 =	vmul.f32 v6, v5;
	v33 =	vsub.f32 $1.500000000e+00, v30  }
0xf7: {  	v6 =	vmul.f32 v19, v34;
	v46 =	vshra.s32 v17, $0x1;
	v17 =	vmul.f32 $5.000000000e-01, v17  }
0xf8: {  	v37 =	vadd.f32 $1.000000000e+00, v32;
	v18 =	vmul.f32 v10, v11;
	v5 =	vmul.f32 v7, v9  }
0xf9: {  	v45 =	vadd.f32 $1.000000000e+00, v41;
	v8 =	vmul.f32 v13, v8;
	v15 =	vmul.f32 v15, v33  }
0xfa: {  	v9 =	vmul.f32 $5.000000000e-01, v37;
	v6 =	vsub.f32 $1.500000000e+00, v6;
	v35 =	vmul.f32 v18, v10  }
0xfb: {  	v40 =	vshra.s32 v37, $0x1;
	v8 =	vmul.f32 v8, v13;
	v38 =	vmul.f32 v15, v12  }
0xfc: {  	v22 =	vld [tilespmem:$0x3F20];
	v18 =	vsub.s32 $0x5F3759DF, v46;
	v19 =	vmul.f32 v19, v6;
	v36 =	vsub.f32 $1.500000000e+00, v35  }
0xfd: {  	v21 =	vmul.f32 v18, v17;
	v8 =	vsub.f32 $1.500000000e+00, v8;
	v14 =	vmul.f32 v38, v15  }
0xfe: {  	v43 =	vmul.f32 v19, v16;
	v7 =	vmul.f32 v36, v10;
	v10 =	vsub.s32 $0x5F3759DF, v40  }
0xff: {  	v47 =	vshra.s32 v45, $0x1;
	v49 =	vmul.f32 v18, v21;
	v20 =	vmul.f32 v10, v9  }
0x100: {  	v6 =	vmul.f32 v8, v13;
	v42 =	vsub.f32 $1.500000000e+00, v14;
	v13 =	vmul.f32 v43, v19  }
0x101: {  	v54 =	vadd.f32 $1.000000000e+00, v22;
	v11 =	vmul.f32 v7, v11;
	v44 =	vmul.f32 v10, v20  }
0x102: {  	v8 =	vmul.f32 v42, v15;
	v15 =	vmul.f32 $5.000000000e-01, v45;
	v13 =	vsub.f32 $1.500000000e+00, v13  }
0x103: {  	v52 =	vsub.f32 $1.500000000e+00, v49;
	v20 =	vsub.s32 $0x5F3759DF, v47;
	v11 =	vmul.f32 v11, v7  }
0x104: {  	v14 =	vsub.f32 $1.500000000e+00, v44;
	v48 =	vmul.f32 v20, v15;
	v13 =	vmul.f32 v13, v19  }
0x105: {  	v56 =	vshra.s32 v54, $0x1;
	v51 =	vmul.f32 v8, v12;
	v12 =	vmul.f32 v18, v52  }
0x106: {  	v21 =	vsub.s32 $0x5F3759DF, v56;
	v10 =	vmul.f32 v10, v14;
	v14 =	vmul.f32 v20, v48  }
0x107: {  	v18 =	vmul.f32 $5.000000000e-01, v54;
	v11 =	vsub.f32 $1.500000000e+00, v11;
	v16 =	vmul.f32 v13, v16  }
0x108: {  	v55 =	vmul.f32 v12, v17;
	v50 =	vmul.f32 v10, v9;
	v14 =	vsub.f32 $1.500000000e+00, v14  }
0x109: {  	v58 =	vmul.f32 v21, v18;
	v7 =	vmul.f32 v11, v7  }
0x10a: {  	v23 =	vld [tilespmem:$0x3F30];
	v53 =	vmul.f32 v50, v10;
	v14 =	vmul.f32 v20, v14  }
0x10b: {  	v22 =	vmul.f32 v21, v58;
	v20 =	vmul.f32 v55, v12  }
0x10c: {  	v11 =	vmul.f32 v51, v8;
	v19 =	vsub.f32 $1.500000000e+00, v53;
	v57 =	vmul.f32 v14, v15  }
0x10d: {  	v16 =	vmul.f32 v16, v13;
	v60 =	vsub.f32 $1.500000000e+00, v22;
	v20 =	vsub.f32 $1.500000000e+00, v20  }
0x10e: {  	v63 =	vld [tilespmem:$0x3F40];
	v10 =	vmul.f32 v19, v10;
	v19 =	vmul.f32 v57, v14  }
0x10f: {  	v25 =	vadd.f32 $1.000000000e+00, v23;
	v59 =	vmul.f32 v20, v12;
	v12 =	vmul.f32 v21, v60  }
0x110: {  	v26 =	vld [tilespmem:$0x3F50];
	v11 =	vsub.f32 $1.500000000e+00, v11;
	v16 =	vsub.f32 $1.500000000e+00, v16;
	v9 =	vmul.f32 v10, v9  }
0x111: {  	v19 =	vsub.f32 $1.500000000e+00, v19;
	v62 =	vmul.f32 v59, v17;
	v27 =	vmul.f32 v12, v18  }
0x112: {  	v28 =	vshra.s32 v25, $0x1;
	v24 =	vmul.f32 v9, v10;
	v9 =	vmul.f32 v11, v8  }
0x113: {  	v17 =	vadd.f32 $1.000000000e+00, v63;
	v8 =	vmul.f32 v16, v13;
	v14 =	vmul.f32 v19, v14  }
0x114: {  	v21 =	vsub.s32 $0x5F3759DF, v28;
	v16 =	vmul.f32 v62, v59;
	v20 =	vmul.f32 v27, v12  }
0x115: {  	v31 =	vld [tilespmem:$0x3F60];
	v19 =	vadd.f32 $1.000000000e+00, v26;
	v32 =	vshra.s32 v17, $0x1;
	v17 =	vmul.f32 $5.000000000e-01, v17  }
0x116: {  	v23 =	vsub.s32 $0x5F3759DF, v32;
	v61 =	vsub.f32 $1.500000000e+00, v24;
	v24 =	vmul.f32 v14, v15  }
0x117: {  	v37 =	vld [tilespmem:$0x3F70];
	v15 =	vmul.f32 $5.000000000e-01, v25;
	v16 =	vsub.f32 $1.500000000e+00, v16;
	v30 =	vsub.f32 $1.500000000e+00, v20  }
0x118: {  	v33 =	vshra.s32 v19, $0x1;
	v19 =	vmul.f32 $5.000000000e-01, v19;
	v25 =	vmul.f32 v23, v17  }
0x119: {  	v13 =	vmul.f32 v24, v14;
	v29 =	vmul.f32 v21, v15  }
0x11a: {  	v20 =	vadd.f32 $1.000000000e+00, v31;
	v11 =	vmul.f32 v16, v59;
	v16 =	vmul.f32 v30, v12  }
0x11b: {  	v24 =	vsub.s32 $0x5F3759DF, v33;
	v36 =	vmul.f32 v23, v25;
	v13 =	vsub.f32 $1.500000000e+00, v13  }
0x11c: {  	v41 =	vadd.f32 $1.000000000e+00, v37;
	v35 =	vmul.f32 v24, v19;
	v22 =	vmul.f32 v21, v29  }
0x11d: {  	v39 =	vshra.s32 v20, $0x1;
	v20 =	vmul.f32 $5.000000000e-01, v20;
	v12 =	vmul.f32 v13, v14  }
0x11e: {  	v34 =	vsub.f32 $1.500000000e+00, v22;
	v14 =	vmul.f32 v24, v35;
	v22 =	vsub.s32 $0x5F3759DF, v39  }
0x11f: {  	v10 =	vmul.f32 v61, v10;
	v38 =	vsub.f32 $1.500000000e+00, v36;
	v40 =	vmul.f32 v22, v20  }
0x120: {  	v47 =	vld [tilespmem:$0x3F80];
	v18 =	vmul.f32 v16, v18;
	v13 =	vmul.f32 v21, v34;
	v14 =	vsub.f32 $1.500000000e+00, v14  }
0x121: {  	v21 =	vmul.f32 v23, v38;
	v23 =	vmul.f32 v22, v40  }
0x122: {  	v28 =	vshra.s32 v41, $0x1;
	v26 =	vmul.f32 v13, v15;
	v14 =	vmul.f32 v24, v14  }
0x123: {  	v49 =	vld [tilespmem:$0x3F90];
	v28 =	vsub.s32 $0x5F3759DF, v28;
	v42 =	vmul.f32 v21, v17;
	v24 =	vmul.f32 $5.000000000e-01, v41  }
0x124: {  	v23 =	vsub.f32 $1.500000000e+00, v23;
	v26 =	vmul.f32 v26, v13;
	v27 =	vmul.f32 v14, v19  }
0x125: {  	v54 =	vadd.f32 $1.000000000e+00, v47;
	v55 =	vld [tilespmem:$0x3FB0];
	v25 =	vmul.f32 v42, v21;
	v29 =	vmul.f32 v28, v24  }
0x126: {  	v18 =	vmul.f32 v18, v16;
	v22 =	vmul.f32 v22, v23;
	v26 =	vsub.f32 $1.500000000e+00, v26  }
0x127: {  	v27 =	vmul.f32 v27, v14;
	v25 =	vsub.f32 $1.500000000e+00, v25;
	v44 =	vmul.f32 v28, v29  }
0x128: {  	v58 =	vadd.f32 $1.000000000e+00, v49;
	v45 =	vmul.f32 v22, v20;
	v13 =	vmul.f32 v26, v13  }
0x129: {  	v43 =	vsub.f32 $1.500000000e+00, v27;
	v21 =	vmul.f32 v25, v21;
	v46 =	vsub.f32 $1.500000000e+00, v44  }
0x12a: {  	v26 =	vadd.f32 $1.000000000e+00, v55;
	v25 =	vmul.f32 v45, v22;
	v15 =	vmul.f32 v13, v15  }
0x12b: {  	v52 =	vld [tilespmem:$0x3FA0];
	v57 =	vshra.s32 v54, $0x1;
	v14 =	vmul.f32 v43, v14;
	v17 =	vmul.f32 v21, v17  }
0x12c: {  	v23 =	vmul.f32 v28, v46;
	v30 =	vshra.s32 v26, $0x1;
	v26 =	vmul.f32 $5.000000000e-01, v26  }
0x12d: {  	v25 =	vsub.f32 $1.500000000e+00, v25;
	v19 =	vmul.f32 v14, v19;
	v15 =	vmul.f32 v15, v13  }
0x12e: {  	v30 =	vsub.s32 $0x5F3759DF, v30;
	v17 =	vmul.f32 v17, v21;
	v48 =	vmul.f32 v23, v24  }
0x12f: {  	v59 =	vshra.s32 v58, $0x1;
	v32 =	vmul.f32 v30, v26;
	v50 =	vmul.f32 v25, v22  }
0x130: {  	v22 =	vmul.f32 $5.000000000e-01, v58;
	v25 =	vadd.f32 $1.000000000e+00, v52;
	v19 =	vmul.f32 v19, v14  }
0x131: {  	v17 =	vsub.f32 $1.500000000e+00, v17;
	v51 =	vmul.f32 v48, v23;
	v32 =	vmul.f32 v30, v32  }
0x132: {  	v53 =	vmul.f32 v50, v20;
	v20 =	vmul.f32 $5.000000000e-01, v54;
	v62 =	vshra.s32 v25, $0x1  }
0x133: {  	v25 =	vmul.f32 $5.000000000e-01, v25;
	v19 =	vsub.f32 $1.500000000e+00, v19;
	v17 =	vmul.f32 v17, v21  }
0x134: {  	v56 =	vsub.f32 $1.500000000e+00, v51;
	v21 =	vsub.s32 $0x5F3759DF, v57;
	v29 =	vsub.s32 $0x5F3759DF, v62  }
0x135: {  	v18 =	vsub.f32 $1.500000000e+00, v18;
	v60 =	vmul.f32 v21, v20;
	v31 =	vmul.f32 v29, v25  }
0x136: {  	v14 =	vmul.f32 v19, v14;
	v19 =	vmul.f32 v56, v23;
	v23 =	vsub.s32 $0x5F3759DF, v59  }
0x137: {  	v15 =	vsub.f32 $1.500000000e+00, v15;
	v61 =	vmul.f32 v23, v22;
	v27 =	vmul.f32 v21, v60  }
0x138: {  	s19 =	sld [smem:$0x7F5];
	v16 =	vmul.f32 v18, v16;
	v34 =	vsub.f32 $1.500000000e+00, v32;
	v31 =	vmul.f32 v29, v31  }
0x139: {  	s23 =	sld [smem:$0x7F6];
	v13 =	vmul.f32 v15, v13;
	v28 =	vmul.f32 v23, v61;
	v27 =	vsub.f32 $1.500000000e+00, v27  }
0x13a: {  	[tilespmem:$0x4000] =	vst v3;
	v15 =	vmul.f32 v53, v50;
	v3 =	vmul.f32 v30, v34;
	v33 =	vsub.f32 $1.500000000e+00, v31  }
0x13b: {  	s24 =	sld [smem:$0x7F7];
	p1 =	seq.s32 s19, $0x1;
	v24 =	vmul.f32 v19, v24;
	v28 =	vsub.f32 $1.500000000e+00, v28;
	v63 =	vmul.f32 v21, v27  }
0x13c: {  	v44 =	vpsel !p1, $0x0, v9;
	p1 =	seq.s32 s23, $0x1;
	v41 =	vmul.f32 v3, v26;
	v21 =	vmul.f32 v29, v33  }
0x13d: {  	s25 =	sld [smem:$0x7F8];
	v46 =	vpsel !p1, $0x0, v8;
	v23 =	vmul.f32 v23, v28;
	v35 =	vmul.f32 v63, v20  }
0x13e: {  	[tilespmem:$0x4010] =	vst v4;
	p1 =	seq.s32 s24, $0x1;
	v15 =	vsub.f32 $1.500000000e+00, v15;
	v45 =	vmul.f32 v41, v3;
	v39 =	vmul.f32 v21, v25  }
0x13f: {  	s26 =	sld [smem:$0x7F9];
	[tilespmem:$0x4020] =	vst v5;
	v48 =	vpsel !p1, $0x0, v10;
	v36 =	vmul.f32 v23, v22;
	v38 =	vmul.f32 v35, v63  }
0x140: {  	s28 =	sld [smem:$0x7FA];
	[tilespmem:$0x4030] =	vst v6;
	p1 =	seq.s32 s25, $0x1;
	v15 =	vmul.f32 v15, v50;
	v9 =	vsub.f32 $1.500000000e+00, v45;
	v43 =	vmul.f32 v39, v21  }
0x141: {  	[tilespmem:$0x4040] =	vst v7;
	v50 =	vpsel !p1, $0x0, v11;
	v40 =	vmul.f32 v36, v23;
	v42 =	vsub.f32 $1.500000000e+00, v38  }
0x142: {  	[tilespmem:$0x4050] =	vst v44;
	p1 =	seq.s32 s26, $0x1;
	v24 =	vmul.f32 v24, v19;
	v3 =	vmul.f32 v9, v3;
	v47 =	vsub.f32 $1.500000000e+00, v43  }
0x143: {  	s29 =	sld [smem:$0x7FB];
	[tilespmem:$0x4060] =	vst v46;
	v52 =	vpsel !p1, $0x0, v12;
	p1 =	seq.s32 s28, $0x1;
	v5 =	vsub.f32 $1.500000000e+00, v40;
	v6 =	vmul.f32 v42, v63  }
0x144: {  	s30 =	sld [smem:$0x7FC];
	[tilespmem:$0x4070] =	vst v48;
	v54 =	vpsel !p1, $0x0, v16;
	v57 =	vmul.f32 v3, v26;
	v49 =	vmul.f32 v47, v21  }
0x145: {  	[tilespmem:$0x4080] =	vst v50;
	v60 =	vpsel !p2, $0x0, v15;
	v5 =	vmul.f32 v5, v23;
	v51 =	vmul.f32 v6, v20  }
0x146: {  	s31 =	sld [smem:$0x7FD];
	[tilespmem:$0x4090] =	vst v52;
	p1 =	seq.s32 s29, $0x1;
	v37 =	vsub.f32 $1.500000000e+00, v24;
	v12 =	vmul.f32 v57, v3;
	v55 =	vmul.f32 v49, v25  }
0x147: {  	[tilespmem:$0x40A0] =	vst v54;
	v56 =	vpsel !p1, $0x0, v13;
	p1 =	seq.s32 s30, $0x1;
	v53 =	vmul.f32 v5, v22;
	v10 =	vmul.f32 v51, v6  }
0x148: {  	[tilespmem:$0x40E0] =	vst v60;
	v58 =	vpsel !p1, $0x0, v17;
	v62 =	vsub.f32 $1.500000000e+00, v12;
	v11 =	vmul.f32 v55, v49  }
0x149: {  	[tilespmem:$0x40B0] =	vst v56;
	p1 =	seq.s32 s31, $0x1;
	v4 =	vmul.f32 v37, v19;
	v9 =	vmul.f32 v53, v5;
	v10 =	vsub.f32 $1.500000000e+00, v10  }
0x14a: {  	[tilespmem:$0x40C0] =	vst v58;
	v59 =	vpsel !p1, $0x0, v14;
	v3 =	vmul.f32 v62, v3;
	v61 =	vsub.f32 $1.500000000e+00, v11  }
0x14b: {  	[tilespmem:$0x40D0] =	vst v59;
	v4 =	vpsel !p3, $0x0, v4;
	v9 =	vsub.f32 $1.500000000e+00, v9;
	v6 =	vmul.f32 v10, v6  }
0x14c: {  	[tilespmem:$0x40F0] =	vst v4;
	v3 =	vpsel !p0, $0x0, v3;
	v63 =	vmul.f32 v61, v49  }
0x14d: {  	[tilespmem:$0x4130] =	vst v3;
	v5 =	vmul.f32 v9, v5;
	v6 =	vpsel !p4, $0x0, v6  }
0x14e: {  	s18 =	sadd.s32 $0x1, s18;
	v4 =	vpsel !p6, $0x0, v63;
	[tilespmem:$0x4100] =	vst v6  }
0x14f: {  	p1 =	sne.s32 s18, s14;
	[tilespmem:$0x4120] =	vst v4;
	v5 =	vpsel !p5, $0x0, v5  }
.Ltmp10:
0x150: {  	[tilespmem:$0x4110] =	vst v5;
	(pc) =	sbr.rel @p1 .LBB2_1-.Ltmp10, $4  }
0x151: {  	[hbm4b:s13+s1] =	stream.linear.scatter [tilespmem:s17], [sflag:$0x1], $0x140, $0x38;
	[tilespmem:$0x4180] =	vst v63  }
0x152: {  	_ =	swait.ge [sflag:s15], $0x140  }
0x153: {  	[sflag:s15] =	ssyncset.done $0x0  }
0x154: {  	[sflag:s15] =	ssyncadd.s32 $0xFFFFFEC0  }
0x155: {  	_ =	sfence.sel $0x180000  }
0x156: {  	[bflag:$0x0] =	sbarrier.arrive $0xFFFF  }
0x157: {  	p0 =	sne.s32 s2, $0x0;
	_ =	strace $0x90000047  }
0x158: {  	s0 =	sadd.s32 @!p0 $0x100000, s0;
	[bflag:$0x2] =	sbarrier.arrive $0xFFFF  }
0x159: {  	[sflag:s0] =	ssyncadd.tile.s32 @!p0 $0x1;
	_ =	shalt  }
.Lfunc_end2:
_tile_overlayer_lowered:
.L_overlay_start_2:
0x15a: {  	(tag) =	ssettag $0x2  }
0x15b: {  	s0 =	rddreg [dreg:$0x0];
	s2 =	stileid.u32  }
0x15c: {  	s1 =	rddreg [dreg:$0x1];
	p0 =	sne.s32 s2, $0x0  }
0x15d: {  	s3 =	rddreg [dreg:$0x2];
	[bflag:$0x3] =	sbarrier.arrive $0xFFFF;
	s2 =	simm.s32 @!p0 $0x1C01  }
0x15e: {  	[timem:s3], [sflag:s2] =	dma.local @!p0 [hbm:s0], s1  }
0x15f: {  	s0 =	simm.s32 @!p0 $0x1  }
0x160: {  	_ =	swait.ge @!p0 [sflag:s0], s1  }
0x161: {  	s1 =	ssub.s32 @!p0 $0x0, s1;
	[sflag:s0] =	ssyncset.done @!p0 $0x0  }
0x162: {  	[sflag:s0] =	ssyncadd.s32 @!p0 s1  }
0x163: {  	[bflag:$0x3] =	sbarrier.arrive $0xFFFF  }
0x164: {  	_ =	shalt  }

// kernel: kernel.9.cloned.1.call-start
scs
__scs_entry_jumppad:
0x0: {  	(pc) =	sbr.rel $0x88, $3  }
0x1: {  	(tag) =	ssettag $0x0;
	lr =	simm.s32 $0x1  }
0x2: {  	[smem:$0x3F91] =	sst lr;
	_ =	strace $0xD0000000  }
0x3: {  	_ = 	snop  }
0x4: {  	_ = 	snop  }
0x5: {  	_ = 	snop  }
0x6: {  	_ = 	snop  }
0x7: {  	_ = 	snop  }
__scs_overlays_trampoline_lowered:
0x8: {  	[smem:$0x3FA0] =	sst s0  }
0x9: {  	[smem:$0x3FA1] =	sst s1  }
0xa: {  	[smem:$0x3FA2] =	sst s2  }
0xb: {  	[smem:$0x3FA3] =	sst s3  }
0xc: {  	[smem:$0x3FA4] =	sst s4  }
0xd: {  	[smem:$0x3FA5] =	sst s5  }
0xe: {  	[smem:$0x3FA6] =	sst s6  }
0xf: {  	[smem:$0x3FA7] =	sst s7  }
0x10: {  	[smem:$0x3FA8] =	sst s8  }
0x11: {  	[smem:$0x3FA9] =	sst s9;
	s0 =	simm.s32 @!p0 $0x0  }
0x12: {  	s1 =	sld [smem:$0x3F8F];
	s0 =	simm.s32 @p0 $0x1  }
0x13: {  	[smem:$0x3FAA] =	sst s0;
	s0 =	simm.s32 @!p1 $0x0  }
0x14: {  	s2 =	sld [smem:$0x3F8E];
	s0 =	simm.s32 @p1 $0x1  }
0x15: {  	[smem:$0x3FAB] =	sst s0;
	s0 =	simm.s32 @!p2 $0x0  }
0x16: {  	s3 =	sld [smem:$0x3FDB];
	s0 =	simm.s32 @p2 $0x1  }
0x17: {  	s4 =	simm.s32 $0x1BF5;
	[smem:$0x3FAD] =	sst s0  }
0x18: {  	s0 =	sld [smem:$0x3F90];
	_ =	swait.ge [sflag:s4], $0x0  }
0x19: {  	s7 =	sld [smem:$0x3F91]  }
0x1a: {  	s8 =	sadd.s32 $0xFFFFE003, lr  }
0x1b: {  	s9 =	sadd.s32 $0xFFFFFEF7, lr;
	s5 =	simm.s32 $0xFFFFFFFF;
	p2 =	slt.u32 s8, $0xFFFFF086  }
0x1c: {  	p1 =	slt.u32 s9, $0xF7A;
	s5 =	simm.s32 @!p2 $0x0  }
0x1d: {  	s5 =	simm.s32 @p1 $0x1;
	p0 =	seq.s32 s7, s2  }
0x1e: {  	s7 =	smul.u32 @!p0 $0xF7A, s2;
	p2 =	seq.s32 @!p0 s5, $0x0  }
0x1f: {  	s9 =	smul.u32 $0xF7A, s1;
	s8 =	simm.s32 @!p0 $0x1BF5;
	p2 =	por !p2, p0  }
0x20: {  	[sflag:s8] =	ssyncset.s32 @!p0 $0xFFFFF086;
	s6 =	sadd.s32 @!p0 s3, s7;
	s7 =	simm.s32 @!p0 $0x108  }
0x21: {  	s3 =	sadd.s32 s3, s9;
	s6 =	sadd.s32 @!p0 $0x88, s6;
	s7 =	simm.s32 @p2 $0x1082  }
0x22: {  	[simem:s7], [sflag:s8] =	dma.local @!p0 [hbm:s6], $0xF7A  }
0x23: {  	s9 =	sor.u32 $0xD0000000, s2;
	s6 =	simm.s32 $0x108;
	_ =	swait.ge @!p0 [sflag:s8], $0x0  }
0x24: {  	s3 =	sadd.s32 $0x88, s3;
	s6 =	simm.s32 @!p1 $0x1082;
	[sflag:s4] =	ssyncset.s32 $0xFFFFF086  }
0x25: {  	[simem:s6], [sflag:s4] =	dma.local [hbm:s3], $0xF7A  }
0x26: {  	[smem:$0x3F91] =	sst s1;
	(tag) =	ssettag s2;
	_ =	strace s9  }
0x27: {  	s1 =	sld [smem:$0x3FA1]  }
0x28: {  	s2 =	sld [smem:$0x3FA2]  }
0x29: {  	s4 =	sld [smem:$0x3FA4]  }
0x2a: {  	p0 =	seq.s32 s5, $0x0;
	s5 =	sld [smem:$0x3FA5]  }
0x2b: {  	s6 =	sld [smem:$0x3FA6]  }
0x2c: {  	s7 =	sld [smem:$0x3FA7]  }
0x2d: {  	s3 =	simm.s32 $0x108;
	s8 =	sld [smem:$0x3FA8]  }
0x2e: {  	s3 =	simm.s32 @!p0 $0x1082;
	s9 =	sld [smem:$0x3FA9]  }
0x2f: {  	lr =	sadd.s32 s0, s3;
	s0 =	sld [smem:$0x3FA0]  }
0x30: {  	s3 =	sld [smem:$0x3FA3]  }
0x31: {  	[smem:$0x3FAC] =	sst s10  }
0x32: {  	s10 =	sld [smem:$0x3FAA];
	_ =	sdelay $0x3  }
0x33: {  	p0 =	seq.s32 s10, $0x1;
	s10 =	sld [smem:$0x3FAC];
	_ =	sdelay $0x3  }
0x34: {  	[smem:$0x3FAC] =	sst s10  }
0x35: {  	s10 =	sld [smem:$0x3FAB];
	_ =	sdelay $0x3  }
0x36: {  	p1 =	seq.s32 s10, $0x1;
	s10 =	sld [smem:$0x3FAC];
	_ =	sdelay $0x3  }
0x37: {  	[smem:$0x3FAC] =	sst s10  }
0x38: {  	s10 =	sld [smem:$0x3FAD]  }
0x39: {  	_ = 	snop;
	(pc) =	sbr.ind lr, $3  }
0x3a: {  	_ = 	snop  }
0x3b: {  	_ = 	snop  }
0x3c: {  	p2 =	seq.s32 s10, $0x1;
	s10 =	sld [smem:$0x3FAC]  }
0x3d: {  	_ =	shalt  }
0x3e: {  	_ =	shalt  }
0x3f: {  	_ =	shalt  }
0x40: {  	_ =	shalt  }
0x41: {  	_ =	shalt  }
0x42: {  	_ =	shalt  }
0x43: {  	_ =	shalt  }
0x44: {  	_ =	shalt  }
0x45: {  	_ =	shalt  }
0x46: {  	_ =	shalt  }
0x47: {  	_ =	shalt  }
0x48: {  	_ =	shalt  }
0x49: {  	_ =	shalt  }
0x4a: {  	_ =	shalt  }
0x4b: {  	_ =	shalt  }
0x4c: {  	_ =	shalt  }
0x4d: {  	_ =	shalt  }
0x4e: {  	_ =	shalt  }
0x4f: {  	_ =	shalt  }
0x50: {  	_ =	shalt  }
0x51: {  	_ =	shalt  }
0x52: {  	_ =	shalt  }
0x53: {  	_ =	shalt  }
0x54: {  	_ =	shalt  }
0x55: {  	_ =	shalt  }
0x56: {  	_ =	shalt  }
0x57: {  	_ =	shalt  }
0x58: {  	_ =	shalt  }
0x59: {  	_ =	shalt  }
0x5a: {  	_ =	shalt  }
0x5b: {  	_ =	shalt  }
0x5c: {  	_ =	shalt  }
0x5d: {  	_ =	shalt  }
0x5e: {  	_ =	shalt  }
0x5f: {  	_ =	shalt  }
0x60: {  	_ =	shalt  }
0x61: {  	_ =	shalt  }
0x62: {  	_ =	shalt  }
0x63: {  	_ =	shalt  }
0x64: {  	_ =	shalt  }
0x65: {  	_ =	shalt  }
0x66: {  	_ =	shalt  }
0x67: {  	_ =	shalt  }
0x68: {  	_ =	shalt  }
0x69: {  	_ =	shalt  }
0x6a: {  	_ =	shalt  }
0x6b: {  	_ =	shalt  }
0x6c: {  	_ =	shalt  }
0x6d: {  	_ =	shalt  }
0x6e: {  	_ =	shalt  }
0x6f: {  	_ =	shalt  }
0x70: {  	_ =	shalt  }
0x71: {  	_ =	shalt  }
0x72: {  	_ =	shalt  }
0x73: {  	_ =	shalt  }
0x74: {  	_ =	shalt  }
0x75: {  	_ =	shalt  }
0x76: {  	_ =	shalt  }
0x77: {  	_ =	shalt  }
0x78: {  	_ =	shalt  }
0x79: {  	_ =	shalt  }
0x7a: {  	_ =	shalt  }
0x7b: {  	_ =	shalt  }
0x7c: {  	_ =	shalt  }
0x7d: {  	_ =	shalt  }
0x7e: {  	_ =	shalt  }
0x7f: {  	_ =	shalt  }
0x80: {  	_ =	shalt  }
0x81: {  	_ =	shalt  }
0x82: {  	_ =	shalt  }
0x83: {  	_ =	shalt  }
0x84: {  	_ =	shalt  }
0x85: {  	_ =	shalt  }
0x86: {  	_ =	shalt  }
0x87: {  	_ =	shalt  }
.Lfunc_end0:
.L_simem_size_0:
called_computation.1_lowered:
.L_overlay_start_0:
0x88: {  	s2 =	sld [smem:$0x3FD9]  }
0x89: {  	s3 =	sld [smem:$0x3FFE];
	_ =	sdelay $0x1  }
0x8a: {  	s1 =	srdreg.scid  }
0x8b: {  	s0 =	sand.u32 $0x1, s1  }
0x8c: {  	s16 =	sshll.u32 s0, $0xA;
	s2 =	sadd.s32 s3, s2  }
0x8d: {  	s2 =	sadd.s32 s2, s16  }
0x8e: {  	[smem:$0x3FB8] =	sst s2  }
0x8f: {  	_ = 	snop  }
0x90: {  	(tm) =	ssettm $0x1  }
0x91: {  	s17 =	sld [smem:$0x3FFB];
	_ =	sdelay $0x3  }
0x92: {  	_ =	strace s17  }
0x93: {  	s2 =	sld [smem:$0x3FFC];
	_ =	sdelay $0x3  }
0x94: {  	_ =	strace s2  }
0x95: {  	s2 =	sld [smem:$0x3FFD];
	_ =	sdelay $0x3  }
0x96: {  	_ =	strace s2  }
0x97: {  	_ =	strace $0x8FFFFFFF  }
0x98: {  	s18 =	sld [smem:$0x3FDB];
	_ =	sdelay $0x1  }
0x99: {  	s19 =	simm.s32 $_scs_section_size  }
0x9a: {  	s4 =	simm.s32 $_size__tile_overlayer_lowered;
	s5 =	simm.s32 $_tile_overlayer_lowered  }
0x9b: {  	s22 =	simm.s32 $0x1BFF;
	s21 =	sshll.u32 s5, $0x1;
	s2 =	sadd.s32 s19, s18  }
0x9c: {  	s6 =	simm.s32 $0x0;
	s20 =	sshll.u32 s4, $0x1;
	s4 =	sadd.s32 s21, s2  }
0x9d: {  	[timem:s6], [sflag:s22] =	dma.local [hbm:s4], s20  }
0x9e: {  	_ =	swait.ge [sflag:s22], s20  }
0x9f: {  	s3 =	ssub.s32 $0x0, s20;
	[sflag:s22] =	ssyncset.done $0x0  }
0xa0: {  	[sflag:s22] =	ssyncadd.s32 s3;
	_ =	sdelay $0x1  }
0xa1: {  	s23 =	simm.s32 $0x1B8B  }
0xa2: {  	_ =	swait.ge [sflag:s23], $0x1  }
0xa3: {  	[sflag:s23] =	ssyncset.done $0x0  }
0xa4: {  	s25 =	simm.s32 $0x1B8E;
	s24 =	sld [smem:$0x3FFE];
	[sflag:s23] =	ssyncadd.s32 $0xFFFFFFFF  }
0xa5: {  	s26 =	simm.s32 $execute0_lowered;
	[smem:$0x3FD2] =	sst s25  }
0xa6: {  	s4 =	sshll.u32 s26, $0x1;
	_ =	strace $0x80000049;
	[dreg:$0x1] =	wrdreg $0xFFFFFFFF  }
0xa7: {  	s28 =	simm.s32 $_size_execute0_lowered;
	s2 =	sadd.s32 s2, s4;
	[dreg:$0x0] =	wrdreg $0x0  }
0xa8: {  	s4 =	sshll.u32 s28, $0x1;
	[dreg:$0x2] =	wrdreg s2  }
0xa9: {  	[dreg:$0x3] =	wrdreg s4  }
0xaa: {  	[dreg:$0x4] =	wrdreg $0xC0  }
0xab: {  	_ =	task [dreg:s6], $0x5FFFF  }
0xac: {  	[dreg:$0x1] =	wrdreg $0xFFFFFFFF  }
0xad: {  	[dreg:$0x0] =	wrdreg $0x60  }
0xae: {  	[dreg:$0x2] =	wrdreg s24  }
0xaf: {  	[dreg:$0x3] =	wrdreg $0x9  }
0xb0: {  	_ =	task.clear_ibuf [dreg:s6], $0x4FFFF;
	_ =	strace $0x90000049  }
0xb1: {  	s29 =	simm.s32 $0x9;
	_ =	strace $0x8000004F  }
0xb2: {  	_ =	swait.ge [sflag:s29], $0x1  }
0xb3: {  	[sflag:s29] =	ssyncadd.s32 $0xFFFFFFFF  }
0xb4: {  	_ =	strace $0x9000004F  }
0xb5: {  	_ =	sfence  }
0xb6: {  	s30 =	sld [smem:$0x0];
	_ =	sdelay $0x2  }
0xb7: {  	s31 =	sshll.u32 s1, $0xD;
	s1 =	sshrl.u32 s1, $0x2  }
0xb8: {  	s3 =	sand.u32 $0x4000, s31;
	s1 =	sadd.s32 s1, s30  }
0xb9: {  	s0 =	sor.u32 s3, s0;
	s1 =	sshll.u32 s1, $0x11  }
0xba: {  	s0 =	sor.u32 s1, s0  }
0xbb: {  	s0 =	sadd.s32 $0x8F2B, s0  }
0xbc: {  	[sflag:s0] =	ssyncadd.remote.s32 $0x1  }
0xbd: {  	_ =	sfence.sel $0xFFFF  }
0xbe: {  	[dreg:$0x0] =	wrdreg $0xFFFFFFFF;
	(pc) =	sbr.abs _section_cstart, $3  }
0xbf: {  	[dreg:$0x1] =	wrdreg $0xFFFFFFFF  }
0xc0: {  	_ =	task.clear_ibuf [dreg:s6], $0x2FFFF;
	_ =	strace $0x9FFFFFFF  }
0xc1: {  	(tm) =	ssettm $0x7FFFFFFF  }
tec
execute0_lowered:
.L_overlay_start_1:
0x0: {  	(tag) =	ssettag $0x1  }
0x1: {  	v5 =	vlaneseq.u32;
	v1 =	vimm.s32 $0x0  }
0x2: {  	v2 =	vimm.s32 $0x140;
	vm0 =	vmmov $0xffff;
	v6 =	vimm.s32 $0xB80  }
0x3: {  	vm1 =	vcmask $0x300;
	v7 =	vimm.s32 $0x1B80;
	vm2 =	vcmask $0x704  }
0x4: {  	s0 =	srdreg.scid;
	v4 =	vshrl.u32 v5, $0x3;
	v3 =	vand.u32 $0x7, v5;
	v6 =	vsel vm1, $0x0, v6  }
0x5: {  	s3 =	sand.u32 $0x1, s0;
	v7 =	vsel vm1, $0x1000, v7;
	vm1 =	vcmask $0xB08;
	v5 =	vor.u32 $0x8, v5  }
0x6: {  	s0 =	stileid.u32;
	s1 =	sshll.u32 s3, $0x4;
	v6 =	vsel vm2, $0x80, v6;
	v7 =	vsel vm2, $0x1080, v7;
	vm2 =	vcmask $0xF0C  }
0x7: {  	s4 =	sor.u32 s0, s1;
	v6 =	vsel vm1, $0x100, v6;
	v7 =	vsel vm1, $0x1100, v7;
	vm1 =	vcmask $0x1310  }
0x8: {  	s1 =	smul.u32 $0xFFFFFEC0, s4;
	v6 =	vsel vm2, $0x180, v6;
	v7 =	vsel vm2, $0x1180, v7;
	vm2 =	vcmask $0x1714  }
0x9: {  	v6 =	vsel vm1, $0x200, v6;
	v7 =	vsel vm1, $0x1200, v7;
	vm1 =	vcmask $0x1B18  }
0xa: {  	v0 =	vmov s1;
	v6 =	vsel vm2, $0x280, v6;
	v7 =	vsel vm2, $0x1280, v7  }
0xb: {  	s6 =	rddreg [dreg:$0x0];
	s2 =	simm.s32 $0x0;
	vm2 =	vcmask $0x1F1C;
	v6 =	vsel vm1, $0x300, v6;
	v7 =	vsel vm1, $0x1300, v7  }
0xc: {  	s10 =	simm.s32 $0x2;
	s11 =	simm.s32 $0x800;
	s12 =	simm.s32 $0x1;
	vm1 =	vcmask $0x2320;
	v6 =	vsel vm2, $0x380, v6;
	v7 =	vsel vm2, $0x1380, v7  }
0xd: {  	s13 =	simm.s32 $0x2000;
	s14 =	simm.s32 $0x2800;
	s15 =	simm.s32 $0x3000;
	vm2 =	vcmask $0x2724;
	v6 =	vsel vm1, $0x800, v6;
	v7 =	vsel vm1, $0x1800, v7  }
0xe: {  	s16 =	simm.s32 $0x3800;
	s17 =	simm.s32 $0x0;
	[smem:$0x7FF] =	sst s2;
	vm1 =	vcmask $0x2B28;
	v6 =	vsel vm2, $0x880, v6;
	v7 =	vsel vm2, $0x1880, v7  }
.Ltmp0:
0xf: {  	s5 =	sadd.s32 $0x7200, s6;
	s8 =	ssub.s32 $0x2, s3;
	vm2 =	vcmask $0x2F2C;
	v6 =	vsel vm1, $0x900, v6;
	v7 =	vsel vm1, $0x1900, v7;
	(pc) =	sbr.rel .LBB2_1-.Ltmp0, $4  }
0x10: {  	s3 =	sadd.s32 $0x19C200, s6;
	s9 =	sshrl.u32 s8, $0x1;
	s7 =	smul.u32 $0x2800, s4;
	vm1 =	vcmask $0x3330;
	v6 =	vsel vm2, $0x980, v6;
	v7 =	vsel vm2, $0x1980, v7  }
0x11: {  	s4 =	sadd.s32 $0x2200, s6;
	s8 =	ssub.s32 s8, s9;
	s9 =	simm.s32 $0x4000;
	vm2 =	vcmask $0x3734;
	v6 =	vsel vm1, $0xA00, v6;
	v7 =	vsel vm1, $0x1A00, v7  }
0x12: {  	s8 =	smax.u32 s8, $0x1;
	s1 =	rddreg [dreg:$0x1];
	s7 =	sadd.s32 s7, s6;
	vm1 =	vcmask $0x3B38;
	v6 =	vsel vm2, $0xA80, v6;
	v7 =	vsel vm2, $0x1A80, v7  }
0x13: {  	v4 =	vmul.u32 $0x8, v4;
	_ =	strace $0x8000004A;
	s6 =	sadd.s32 $0x5C200, s6;
	s7 =	sadd.s32 $0x5EC00, s7;
	v6 =	vsel vm1, $0xB00, v6;
	v7 =	vsel vm1, $0x1B00, v7  }
.LBB2_11:
0x14: {  	s17 =	sadd.s32 $0x1, s17  }
0x15: {  	p0 =	sne.s32 s17, s8  }
.Ltmp1:
0x16: {  	_ = 	snop;
	(pc) =	sbr.rel @!p0 .LBB2_12-.Ltmp1, $4  }
0x17: {  	[hbm4b:s7+s2] =	stream.linear.scatter [tilespmem:s9], [sflag:$0x2], $0x14000, $0x38;
	[tilespmem:$0x19000] =	vst v63  }
0x18: {  	_ =	swait.ge [sflag:s10], $0x14000  }
0x19: {  	[sflag:s10] =	ssyncset.done $0x0  }
0x1a: {  	[sflag:s10] =	ssyncadd.s32 $0xFFFEC000  }
.LBB2_1:
.Ltmp2:
0x1b: {  	(pc) =	sbr.rel .LBB2_2-.Ltmp2, $4  }
0x1c: {  	[tilespmem:s9], [sflag:$0x2] =	stream.linear.gather [hbm4b:s6+s2], $0x15000, $0x38;
	[tilespmem:$0x19000] =	vst v63  }
0x1d: {  	_ =	swait.ge [sflag:s10], $0x15000  }
0x1e: {  	[sflag:s10] =	ssyncset.done $0x0  }
0x1f: {  	s18 =	simm.s32 $0x0;
	[sflag:s10] =	ssyncadd.s32 $0xFFFEB000  }
.LBB2_10:
0x20: {  	s18 =	sadd.s32 $0x1, s18  }
0x21: {  	p0 =	sne.s32 s18, $0x50  }
.Ltmp3:
0x22: {  	_ = 	snop;
	(pc) =	sbr.rel @!p0 .LBB2_11-.Ltmp3, $1  }
0x23: {  	_ =	sdelay $0x3  }
.LBB2_2:
0x24: {  	s20 =	smul.u32 $0xFA, s18;
	_ =	sdelay $0x1  }
0x25: {  	_ =	strace $0x8000004B;
	s19 =	simm.s32 $0x0;
	s21 =	sadd.s32 s4, s20  }
0x26: {  	[tilespmem:s19], [sflag:$0x2] =	stream.linear.gather [hbm4b:s21+s19], $0x7D0, $0x200038;
	[tilespmem:$0x19000] =	vst v63  }
0x27: {  	_ =	swait.ge [sflag:s10], $0x7D0  }
0x28: {  	[sflag:s10] =	ssyncset.done $0x0  }
0x29: {  	s20 =	sadd.s32 s5, s20;
	[sflag:s10] =	ssyncadd.s32 $0xFFFFF830  }
0x2a: {  	[tilespmem:s11], [sflag:$0x2] =	stream.linear.gather [hbm4b:s20+s19], $0x7D0, $0x200038;
	[tilespmem:$0x19000] =	vst v63  }
0x2b: {  	_ =	swait.ge [sflag:s10], $0x7D0  }
0x2c: {  	[sflag:s10] =	ssyncset.done $0x0  }
0x2d: {  	[sflag:s10] =	ssyncadd.s32 $0xFFFFF830  }
0x2e: {  	_ =	strace $0x9000004B  }
0x2f: {  	s31 =	simm.s32 $0x0;
	_ =	strace $0x8000004C  }
0x30: {  	v8 =	vld [tilespmem:s31+$0x800];
	_ =	sdelay $0x4  }
0x31: {  	v8 =	vadd.s32 v0, v8  }
0x32: {  	vm1 =	vlt.u32 v8, $0x140  }
0x33: {  	v10 =	vmpcnt.ones.xlane vm1;
	_ =	sdelay $0x1  }
0x34: {  	v9 =	vld [tilespmem:s31+$0x0];
	(v2sf) =	vpush v10, $0x0;
	_ =	sdelay $0x4  }
0x35: {  	v8 =	vnsel vm1, $0x0, v8;
	[tilespmem:s19+$0x1000] =	vst.msk vm1, v9  }
0x36: {  	s21 =	simm.s32 $0x10;
	s20 =	simm.s32 $0x80;
	[tilespmem:s19+$0x1800] =	vst.msk vm1, v8  }
.LBB2_3:
0x37: {  	p0 =	sne.s32 s20, $0x1F00;
	v8 =	vld [tilespmem:s21+$0x800];
	_ =	sdelay $0x4  }
0x38: {  	v9 =	vld [tilespmem:s21+$0x0];
	v8 =	vadd.s32 v0, v8  }
0x39: {  	vm1 =	vlt.u32 v8, $0x140  }
0x3a: {  	v8 =	vnsel vm1, $0x0, v8;
	v10 =	vmpcnt.ones.xlane vm1  }
0x3b: {  	s21 =	spop (v2sf)  }
0x3c: {  	(v2sf) =	vpush v10, $0x0;
	s19 =	sadd.s32 s19, s21  }
0x3d: {  	[tilespmem:s19+$0x1000] =	vst.msk vm1, v9  }
.Ltmp4:
0x3e: {  	[tilespmem:s19+$0x1800] =	vst.msk vm1, v8;
	(pc) =	sbr.rel @p0 .LBB2_3-.Ltmp4, $2  }
0x3f: {  	_ =	sdelay $0x2  }
0x40: {  	s21 =	sshra.s32 s20, $0x2;
	s20 =	sadd.s32 $0x40, s20  }
0x41: {  	v8 =	vld [tilespmem:s21+$0x800];
	_ =	sdelay $0x4  }
0x42: {  	v8 =	vadd.s32 v0, v8  }
0x43: {  	vm1 =	vlt.u32 v8, $0x140  }
0x44: {  	v9 =	vmpcnt.ones.xlane vm1;
	_ =	sdelay $0x1  }
0x45: {  	(v2sf) =	vpush v9, $0x0;
	_ =	sdelay $0xd  }
0x46: {  	s20 =	spop (v2sf)  }
0x47: {  	v63 =	vld [tilespmem:s21+$0x0];
	s19 =	sadd.s32 s19, s20;
	s28 =	spop (v2sf)  }
0x48: {  	s20 =	sadd.s32 s19, s28  }
0x49: {  	s29 =	sadd.s32 $0x1F, s20  }
0x4a: {  	s22 =	sand.u32 $0x1F, s29  }
0x4b: {  	s30 =	sshra.s32 s29, $0x1F;
	p1 =	slt.s32 s29, $0x1;
	p0 =	sne.s32 s22, $0x0  }
0x4c: {  	v8 =	vnsel vm1, $0x0, v8;
	[tilespmem:s19+$0x1000] =	vst.msk vm1, v63;
	s31 =	sshrl.u32 s30, $0x1B;
	p0 =	por !p1, !p0  }
0x4d: {  	s21 =	simm.s32 $0x1;
	[tilespmem:s19+$0x1800] =	vst.msk vm1, v8;
	s19 =	sadd.s32 s31, s29;
	p0 =	por !p0, !p0  }
0x4e: {  	s19 =	sshra.s32 s19, $0x5;
	s21 =	simm.s32 @!p0 $0x0  }
0x4f: {  	s19 =	ssub.s32 s19, s21  }
0x50: {  	p0 =	slt.s32 s19, $0x1  }
.Ltmp5:
0x51: {  	[tilespmem:s20+$0x1000] =	vst v1;
	(pc) =	sbr.rel @p0 .LBB2_10-.Ltmp5, $4  }
0x52: {  	[tilespmem:s20+$0x1800] =	vst v2  }
0x53: {  	[tilespmem:s20+$0x1010] =	vst v1  }
0x54: {  	[tilespmem:s20+$0x1810] =	vst v2  }
0x55: {  	s20 =	simm.s32 $0x0;
	_ =	strace $0x9000004C;
	s21 =	simm.s32 $0x0  }
.LBB2_5:
0x56: {  	_ =	strace $0x8000004D;
	s22 =	sshll.u32 s21, $0x5  }
0x57: {  	v8 =	vld [tilespmem:s22+$0x1000];
	_ =	sdelay $0x4  }
0x58: {  	v9 =	vshll.u32 v8, $0x1  }
0x59: {  	v8 =	vand.u32 $0x7, v8;
	v9 =	vand.u32 $0xFFFFFFF0, v9  }
0x5a: {  	v8 =	vor.u32 v8, v9  }
0x5b: {  	v9 =	vperm.xlane v8, v3;
	_ =	sdelay $0x1  }
0x5c: {  	v8 =	vperm.xlane v8, v5;
	v9 =	vadd.s32 v4, v9;
	_ =	sdelay $0x1  }
0x5d: {  	v8 =	vadd.s32 v4, v8;
	_ =	sdelay $0x2  }
0x5e: {  	[tilespmem:s13], [sflag:$0x1] =	stream.indirect_vreg.gather [hbm4b:s3+s20], $0x80, v9, vm0, $0x2000b8;
	[tilespmem:$0x19000] =	vst v63  }
0x5f: {  	_ = 	snop  }
0x60: {  	[tilespmem:s14], [sflag:$0x1] =	stream.indirect_vreg.gather [hbm4b:s3+s20], $0x80, v8, vm0, $0x2000b8;
	[tilespmem:$0x19000] =	vst v63  }
0x61: {  	v8 =	vld [tilespmem:s22+$0x1010];
	_ =	sdelay $0x4  }
0x62: {  	v9 =	vshll.u32 v8, $0x1  }
0x63: {  	v8 =	vand.u32 $0x7, v8;
	v9 =	vand.u32 $0xFFFFFFF0, v9  }
0x64: {  	v8 =	vor.u32 v8, v9  }
0x65: {  	v9 =	vperm.xlane v8, v3;
	_ =	sdelay $0x1  }
0x66: {  	v8 =	vperm.xlane v8, v5;
	v9 =	vadd.s32 v4, v9;
	_ =	sdelay $0x1  }
0x67: {  	v8 =	vadd.s32 v4, v8;
	_ =	sdelay $0x2  }
0x68: {  	[tilespmem:s15], [sflag:$0x1] =	stream.indirect_vreg.gather [hbm4b:s3+s20], $0x80, v9, vm0, $0x2000b8;
	[tilespmem:$0x19000] =	vst v63  }
0x69: {  	_ = 	snop  }
0x6a: {  	[tilespmem:s16], [sflag:$0x1] =	stream.indirect_vreg.gather [hbm4b:s3+s20], $0x80, v8, vm0, $0x2000b8;
	[tilespmem:$0x19000] =	vst v63  }
0x6b: {  	_ =	swait.ge [sflag:s12], $0x2000  }
0x6c: {  	[sflag:s12] =	ssyncset.done $0x0  }
0x6d: {  	[sflag:s12] =	ssyncadd.s32 $0xFFFFE000  }
0x6e: {  	_ =	strace $0x9000004D  }
0x6f: {  	_ =	strace $0x8000004E  }
0x70: {  	v8 =	vld [tilespmem:s22+$0x1800];
	_ =	sdelay $0x1  }
0x71: {  	s23 =	simm.s32 $0x3;
	s24 =	simm.s32 $0x1;
	s25 =	simm.s32 $0x2  }
0x72: {  	s28 =	simm.s32 $0x10;
	s29 =	simm.s32 $0x11;
	s30 =	simm.s32 $0x12;
	v10 =	vmov s23;
	v11 =	vmov s24;
	v12 =	vmov s25  }
0x73: {  	v18 =	vmov s28;
	v21 =	vmov s29;
	v23 =	vmov s30  }
0x74: {  	v14 =	vand.u32 $0x62, v12;
	v9 =	vshll.u32 v8, $0x8;
	v8 =	vshll.u32 v8, $0x7  }
0x75: {  	v16 =	vand.u32 $0x61, v11;
	v9 =	vand.u32 $0xFFFFF800, v9;
	v8 =	vand.u32 $0x380, v8  }
0x76: {  	v11 =	vshll.u32 v11, $0x3;
	v8 =	vor.u32 v9, v8;
	v9 =	vmov s20  }
0x77: {  	v20 =	vshll.u32 v18, $0x3;
	v13 =	vand.u32 $0x60, v9;
	v9 =	vshll.u32 v9, $0x3  }
0x78: {  	v18 =	vand.u32 $0x70, v18;
	v11 =	vand.u32 $0x400, v11;
	v9 =	vand.u32 $0x400, v9  }
0x79: {  	v20 =	vand.u32 $0x400, v20;
	v15 =	vor.u32 v13, v8;
	v13 =	vor.u32 v13, v9  }
0x7a: {  	v19 =	vor.u32 v16, v8;
	v16 =	vor.u32 v16, v11;
	v13 =	vor.u32 v6, v13  }
0x7b: {  	v9 =	vor.u32 v9, v15;
	v15 =	vor.u32 v6, v16;
	v16 =	vor.u32 v18, v20  }
0x7c: {  	s25 =	simm.s32 $0x14;
	s29 =	simm.s32 $0xD;
	v12 =	vshll.u32 v12, $0x3;
	v22 =	vshll.u32 v21, $0x3;
	v16 =	vor.u32 v6, v16  }
0x7d: {  	s30 =	simm.s32 $0xC;
	v21 =	vand.u32 $0x71, v21;
	v26 =	vmov s25;
	v27 =	vmov s29  }
0x7e: {  	v29 =	vmov s30;
	s29 =	simm.s32 $0x8;
	s30 =	simm.s32 $0x9;
	v12 =	vand.u32 $0x400, v12;
	v22 =	vand.u32 $0x400, v22  }
0x7f: {  	v32 =	vmov s29;
	v33 =	vmov s30;
	s29 =	simm.s32 $0x21;
	v39 =	vand.u32 $0x6C, v29;
	v13 =	vld.idx.msk [tilespmem:v13+s13+$0x0], $0xffff  }
0x80: {  	s30 =	simm.s32 $0x22;
	v29 =	vshll.u32 v29, $0x3;
	v51 =	vmov s29;
	v18 =	vor.u32 v18, v8  }
0x81: {  	v35 =	vmov s30;
	v18 =	vor.u32 v20, v18;
	v20 =	vor.u32 v21, v22;
	v16 =	vld.idx.msk [tilespmem:v16+s13+$0x0], $0xffff  }
0x82: {  	v43 =	vand.u32 $0x400, v29;
	v59 =	vand.u32 $0x61, v51;
	v20 =	vor.u32 v6, v20  }
0x83: {  	v17 =	vor.u32 v14, v8;
	v14 =	vor.u32 v14, v12;
	v62 =	vor.u32 v39, v8  }
0x84: {  	v11 =	vor.u32 v11, v19;
	v19 =	vand.u32 $0x63, v10;
	v14 =	vor.u32 v6, v14;
	[tilespmem:v9+s9+$0x0] =	vst.idx.add.f32.msk $0xffff, v13  }
0x85: {  	v10 =	vshll.u32 v10, $0x3;
	v12 =	vor.u32 v12, v17;
	v17 =	vshll.u32 v23, $0x3;
	v15 =	vld.idx.msk [tilespmem:v15+s13+$0x0], $0xffff  }
0x86: {  	v23 =	vand.u32 $0x72, v23;
	v17 =	vand.u32 $0x400, v17;
	v21 =	vor.u32 v21, v8;
	[tilespmem:v18+s9+$0x0] =	vst.idx.add.f32.msk $0xffff, v16  }
0x87: {  	v10 =	vand.u32 $0x400, v10;
	v21 =	vor.u32 v22, v21;
	v22 =	vor.u32 v23, v17;
	v20 =	vld.idx.msk [tilespmem:v20+s13+$0x0], $0xffff  }
0x88: {  	s31 =	simm.s32 $0x13;
	v29 =	vor.u32 v59, v8;
	v9 =	vor.u32 v19, v10;
	v13 =	vor.u32 v6, v22  }
0x89: {  	v22 =	vmov s31;
	v16 =	vor.u32 v23, v8;
	v19 =	vor.u32 v19, v8  }
0x8a: {  	s24 =	simm.s32 $0x4;
	v9 =	vor.u32 v6, v9;
	v24 =	vand.u32 $0x73, v22;
	v22 =	vshll.u32 v22, $0x3;
	[tilespmem:v11+s9+$0x0] =	vst.idx.add.f32.msk $0xffff, v15  }
0x8b: {  	v16 =	vor.u32 v17, v16;
	v18 =	vand.u32 $0x400, v22;
	v22 =	vmov s24;
	v14 =	vld.idx.msk [tilespmem:v14+s13+$0x0], $0xffff  }
0x8c: {  	v10 =	vor.u32 v10, v19;
	v19 =	vor.u32 v24, v8;
	v23 =	vshll.u32 v22, $0x3;
	[tilespmem:v21+s9+$0x0] =	vst.idx.add.f32.msk $0xffff, v20  }
0x8d: {  	v17 =	vor.u32 v24, v18;
	v22 =	vand.u32 $0x64, v22;
	v23 =	vand.u32 $0x400, v23;
	v13 =	vld.idx.msk [tilespmem:v13+s13+$0x0], $0xffff  }
0x8e: {  	v24 =	vand.u32 $0x74, v26;
	v17 =	vor.u32 v6, v17;
	v25 =	vor.u32 v22, v23  }
0x8f: {  	s26 =	simm.s32 $0x5;
	s23 =	simm.s32 $0x20;
	s28 =	simm.s32 $0xF;
	v18 =	vor.u32 v18, v19;
	v11 =	vor.u32 v6, v25;
	v15 =	vshll.u32 v26, $0x3  }
0x90: {  	v20 =	vmov s23;
	v21 =	vmov s26;
	s26 =	simm.s32 $0xE;
	v25 =	vmov s28;
	[tilespmem:v12+s9+$0x0] =	vst.idx.add.f32.msk $0xffff, v14  }
0x91: {  	s28 =	simm.s32 $0xA;
	v15 =	vand.u32 $0x400, v15;
	v26 =	vshll.u32 v21, $0x3;
	v28 =	vmov s26;
	v9 =	vld.idx.msk [tilespmem:v9+s13+$0x0], $0xffff  }
0x92: {  	v21 =	vand.u32 $0x65, v21;
	v30 =	vmov s28;
	v37 =	vshll.u32 v20, $0x3;
	[tilespmem:v16+s9+$0x0] =	vst.idx.add.f32.msk $0xffff, v13  }
0x93: {  	v19 =	vor.u32 v24, v15;
	v26 =	vand.u32 $0x400, v26;
	v37 =	vand.u32 $0x400, v37;
	v17 =	vld.idx.msk [tilespmem:v17+s13+$0x0], $0xffff  }
0x94: {  	s31 =	simm.s32 $0x15;
	s26 =	simm.s32 $0x6;
	v19 =	vor.u32 v6, v19;
	v12 =	vor.u32 v22, v8;
	v14 =	vor.u32 v21, v26  }
0x95: {  	v22 =	vmov s31;
	v13 =	vor.u32 v24, v8;
	v24 =	vmov s26  }
0x96: {  	s26 =	simm.s32 $0x16;
	v12 =	vor.u32 v23, v12;
	v14 =	vor.u32 v6, v14;
	v23 =	vshll.u32 v22, $0x3;
	[tilespmem:v10+s9+$0x0] =	vst.idx.add.f32.msk $0xffff, v9  }
0x97: {  	s25 =	simm.s32 $0xB;
	v16 =	vand.u32 $0x75, v22;
	v15 =	vor.u32 v15, v13;
	v34 =	vmov s26;
	s26 =	simm.s32 $0x19;
	v11 =	vld.idx.msk [tilespmem:v11+s13+$0x0], $0xffff  }
0x98: {  	v22 =	vand.u32 $0x400, v23;
	v23 =	vmov s25;
	s25 =	simm.s32 $0x18;
	v40 =	vmov s26;
	[tilespmem:v18+s9+$0x0] =	vst.idx.add.f32.msk $0xffff, v17  }
0x99: {  	v13 =	vor.u32 v16, v22;
	v16 =	vor.u32 v16, v8;
	v52 =	vmov s25;
	v19 =	vld.idx.msk [tilespmem:v19+s13+$0x0], $0xffff  }
0x9a: {  	v55 =	vshll.u32 v40, $0x3;
	v31 =	vor.u32 v6, v13;
	v13 =	vshll.u32 v24, $0x3  }
0x9b: {  	v10 =	vand.u32 $0x66, v24;
	v24 =	vand.u32 $0x400, v13;
	v13 =	vor.u32 v21, v8  }
0x9c: {  	v21 =	vor.u32 v10, v24;
	v17 =	vor.u32 v26, v13;
	v13 =	vshll.u32 v34, $0x3;
	[tilespmem:v12+s9+$0x0] =	vst.idx.add.f32.msk $0xffff, v11  }
0x9d: {  	s31 =	simm.s32 $0x7;
	v18 =	vor.u32 v6, v21;
	v21 =	vand.u32 $0x76, v34;
	v26 =	vand.u32 $0x400, v13;
	v14 =	vld.idx.msk [tilespmem:v14+s13+$0x0], $0xffff  }
0x9e: {  	v22 =	vor.u32 v22, v16;
	v9 =	vmov s31;
	v16 =	vor.u32 v21, v26;
	[tilespmem:v15+s9+$0x0] =	vst.idx.add.f32.msk $0xffff, v19  }
0x9f: {  	v56 =	vand.u32 $0x79, v40;
	v36 =	vor.u32 v6, v16;
	v12 =	vshll.u32 v9, $0x3;
	v19 =	vld.idx.msk [tilespmem:v31+s13+$0x0], $0xffff  }
0xa0: {  	s31 =	simm.s32 $0x17;
	v11 =	vand.u32 $0x60, v20;
	v20 =	vand.u32 $0x67, v9;
	v38 =	vand.u32 $0x400, v12  }
0xa1: {  	v10 =	vor.u32 v10, v8;
	v15 =	vmov s31;
	v12 =	vor.u32 v20, v38  }
0xa2: {  	v10 =	vor.u32 v24, v10;
	v24 =	vor.u32 v6, v12;
	v12 =	vshll.u32 v15, $0x3;
	[tilespmem:v17+s9+$0x0] =	vst.idx.add.f32.msk $0xffff, v14  }
0xa3: {  	v16 =	vor.u32 v21, v8;
	v15 =	vand.u32 $0x77, v15;
	v21 =	vand.u32 $0x400, v12;
	v18 =	vld.idx.msk [tilespmem:v18+s13+$0x0], $0xffff  }
0xa4: {  	v12 =	vand.u32 $0x6E, v28;
	v14 =	vshll.u32 v28, $0x3;
	v28 =	vshll.u32 v32, $0x3;
	[tilespmem:v22+s9+$0x0] =	vst.idx.add.f32.msk $0xffff, v19  }
0xa5: {  	s28 =	simm.s32 $0x23;
	v26 =	vor.u32 v26, v16;
	v16 =	vor.u32 v15, v21;
	v22 =	vand.u32 $0x400, v28;
	v28 =	vld.idx.msk [tilespmem:v36+s13+$0x0], $0xffff  }
0xa6: {  	v13 =	vmov s28;
	v34 =	vshll.u32 v51, $0x3;
	s28 =	simm.s32 $0x1A;
	v17 =	vor.u32 v6, v16  }
0xa7: {  	v42 =	vmov s28;
	v9 =	vand.u32 $0x6F, v25;
	v20 =	vor.u32 v20, v8  }
0xa8: {  	v53 =	vor.u32 v38, v20;
	v20 =	vshll.u32 v52, $0x3;
	v19 =	vand.u32 $0x68, v32;
	[tilespmem:v10+s9+$0x0] =	vst.idx.add.f32.msk $0xffff, v18  }
0xa9: {  	v58 =	vor.u32 v11, v8;
	v54 =	vand.u32 $0x400, v20;
	v31 =	vor.u32 v19, v22;
	v18 =	vld.idx.msk [tilespmem:v24+s13+$0x0], $0xffff  }
0xaa: {  	v15 =	vor.u32 v15, v8;
	v32 =	vand.u32 $0x78, v52;
	v31 =	vor.u32 v6, v31;
	[tilespmem:v26+s9+$0x0] =	vst.idx.add.f32.msk $0xffff, v28  }
0xab: {  	v11 =	vor.u32 v11, v37;
	v10 =	vor.u32 v21, v15;
	v15 =	vor.u32 v32, v54;
	v17 =	vld.idx.msk [tilespmem:v17+s13+$0x0], $0xffff  }
0xac: {  	v25 =	vshll.u32 v25, $0x3;
	v11 =	vor.u32 v6, v11;
	v15 =	vor.u32 v6, v15  }
0xad: {  	v19 =	vor.u32 v19, v8;
	v26 =	vand.u32 $0x6A, v30;
	v24 =	vshll.u32 v33, $0x3  }
0xae: {  	v28 =	vshll.u32 v30, $0x3;
	v30 =	vand.u32 $0x69, v33;
	v24 =	vand.u32 $0x400, v24;
	[tilespmem:v53+s9+$0x0] =	vst.idx.add.f32.msk $0xffff, v18  }
0xaf: {  	v20 =	vand.u32 $0x62, v35;
	v19 =	vor.u32 v22, v19;
	v33 =	vor.u32 v30, v24;
	v31 =	vld.idx.msk [tilespmem:v31+s13+$0x0], $0xffff  }
0xb0: {  	v22 =	vor.u32 v6, v33;
	v33 =	vand.u32 $0x400, v55;
	v18 =	vor.u32 v32, v8;
	[tilespmem:v10+s9+$0x0] =	vst.idx.add.f32.msk $0xffff, v17  }
0xb1: {  	v35 =	vshll.u32 v35, $0x3;
	v57 =	vor.u32 v56, v33;
	v18 =	vor.u32 v54, v18;
	v15 =	vld.idx.msk [tilespmem:v15+s13+$0x0], $0xffff  }
0xb2: {  	v21 =	vand.u32 $0x6B, v23;
	v23 =	vshll.u32 v23, $0x3;
	v36 =	vor.u32 v6, v57  }
0xb3: {  	v41 =	vor.u32 v12, v8;
	v28 =	vand.u32 $0x400, v28;
	v23 =	vand.u32 $0x400, v23  }
0xb4: {  	v10 =	vand.u32 $0x400, v25;
	v25 =	vor.u32 v30, v8;
	v30 =	vor.u32 v26, v28;
	[tilespmem:v19+s9+$0x0] =	vst.idx.add.f32.msk $0xffff, v31  }
0xb5: {  	v24 =	vor.u32 v24, v25;
	v30 =	vor.u32 v6, v30;
	v19 =	vshll.u32 v42, $0x3;
	v22 =	vld.idx.msk [tilespmem:v22+s13+$0x0], $0xffff  }
0xb6: {  	v25 =	vor.u32 v56, v8;
	v31 =	vand.u32 $0x7A, v42;
	[tilespmem:v18+s9+$0x0] =	vst.idx.add.f32.msk $0xffff, v15;
	v60 =	vand.u32 $0x400, v19  }
0xb7: {  	v18 =	vand.u32 $0x400, v14;
	v14 =	vor.u32 v33, v25;
	v61 =	vld.idx.msk [tilespmem:v36+s13+$0x0], $0xffff;
	v15 =	vor.u32 v31, v60  }
0xb8: {  	v63 =	vor.u32 v21, v8;
	v21 =	vor.u32 v21, v23;
	v15 =	vor.u32 v6, v15  }
0xb9: {  	s29 =	simm.s32 $0x1B;
	v16 =	vand.u32 $0x6D, v27;
	v27 =	vshll.u32 v27, $0x3;
	v21 =	vor.u32 v6, v21  }
0xba: {  	v17 =	vor.u32 v16, v8;
	v26 =	vor.u32 v26, v8;
	[tilespmem:v24+s9+$0x0] =	vst.idx.add.f32.msk $0xffff, v22;
	v22 =	vmov s29  }
0xbb: {  	v45 =	vor.u32 v28, v26;
	v19 =	vand.u32 $0x400, v27;
	v44 =	vld.idx.msk [tilespmem:v30+s13+$0x0], $0xffff;
	v24 =	vshll.u32 v22, $0x3  }
0xbc: {  	[tilespmem:v14+s9+$0x0] =	vst.idx.add.f32.msk $0xffff, v61;
	v14 =	vor.u32 v31, v8;
	v27 =	vand.u32 $0x7B, v22;
	v26 =	vand.u32 $0x400, v24  }
0xbd: {  	v28 =	vand.u32 $0x400, v35;
	v47 =	vor.u32 v60, v14;
	v46 =	vld.idx.msk [tilespmem:v15+s13+$0x0], $0xffff;
	v14 =	vor.u32 v27, v26  }
0xbe: {  	v25 =	vor.u32 v20, v8;
	v30 =	vand.u32 $0x400, v34;
	v24 =	vor.u32 v6, v14  }
0xbf: {  	s31 =	simm.s32 $0x30;
	v32 =	vld.idx.msk [tilespmem:v11+s13+$0x0], $0xffff;
	v31 =	vor.u32 v37, v58;
	v22 =	vor.u32 v23, v63;
	v15 =	vor.u32 v59, v30  }
0xc0: {  	s30 =	simm.s32 $0x1C;
	v35 =	vmov s31;
	v23 =	vor.u32 v39, v43;
	v33 =	vor.u32 v6, v15;
	[tilespmem:v45+s9+$0x0] =	vst.idx.add.f32.msk $0xffff, v44  }
0xc1: {  	v11 =	vor.u32 v18, v41;
	v34 =	vmov s30;
	v23 =	vor.u32 v6, v23;
	v21 =	vld.idx.msk [tilespmem:v21+s13+$0x0], $0xffff  }
0xc2: {  	s24 =	simm.s32 $0x0;
	s25 =	simm.s32 $0x40;
	v36 =	vshll.u32 v34, $0x3;
	v15 =	vor.u32 v43, v62;
	v14 =	vor.u32 v9, v10;
	[tilespmem:v47+s9+$0x0] =	vst.idx.add.f32.msk $0xffff, v46  }
.LBB2_6:
0xc3: {  	p0 =	slt.u32 s25, $0xE0;
	v24 =	vld.idx.msk [tilespmem:v24+s13+$0x0], $0xffff;
	v27 =	vor.u32 v27, v8;
	v34 =	vand.u32 $0x7C, v34;
	v36 =	vand.u32 $0x400, v36  }
0xc4: {  	[tilespmem:v31+s9+$0x0] =	vst.idx.add.f32.msk $0xffff, v32;
	v31 =	vshll.u32 v35, $0x3;
	v26 =	vor.u32 v26, v27;
	v27 =	vor.u32 v34, v36  }
0xc5: {  	v32 =	vld.idx.msk [tilespmem:v33+s13+$0x0], $0xffff;
	v33 =	vand.u32 $0x70, v35;
	v31 =	vand.u32 $0x400, v31;
	v27 =	vor.u32 v6, v27  }
0xc6: {  	v29 =	vor.u32 v30, v29;
	v16 =	vor.u32 v16, v19;
	v30 =	vor.u32 v33, v31  }
0xc7: {  	v20 =	vor.u32 v20, v28;
	s26 =	sadd.s32 $0x1D, s24;
	v35 =	vand.u32 $0x63, v13;
	v30 =	vor.u32 v6, v30;
	[tilespmem:v22+s9+$0x0] =	vst.idx.add.f32.msk $0xffff, v21  }
0xc8: {  	s28 =	sadd.s32 $0x11, s23;
	v20 =	vor.u32 v6, v20;
	v16 =	vor.u32 v6, v16;
	v22 =	vmov s26;
	v21 =	vld.idx.msk [tilespmem:v23+s13+$0x0], $0xffff  }
0xc9: {  	v23 =	vmov s28;
	[tilespmem:v26+s9+$0x0] =	vst.idx.add.f32.msk $0xffff, v24;
	v24 =	vand.u32 $0x7D, v22;
	v22 =	vshll.u32 v22, $0x3  }
0xca: {  	v34 =	vor.u32 v34, v8;
	v26 =	vand.u32 $0x71, v23;
	v27 =	vld.idx.msk [tilespmem:v27+s13+$0x0], $0xffff;
	v22 =	vand.u32 $0x400, v22  }
0xcb: {  	v23 =	vshll.u32 v23, $0x3;
	[tilespmem:v29+s9+$0x0] =	vst.idx.add.f32.msk $0xffff, v32;
	v29 =	vor.u32 v36, v34;
	v32 =	vor.u32 v24, v22  }
0xcc: {  	v33 =	vor.u32 v33, v8;
	v23 =	vand.u32 $0x400, v23;
	v30 =	vld.idx.msk [tilespmem:v30+s13+$0x0], $0xffff;
	v32 =	vor.u32 v6, v32  }
0xcd: {  	v17 =	vor.u32 v19, v17;
	v31 =	vor.u32 v31, v33;
	v33 =	vor.u32 v26, v23;
	v20 =	vld.idx.msk [tilespmem:v20+s13+$0x0], $0xffff  }
0xce: {  	v12 =	vor.u32 v12, v18;
	v13 =	vshll.u32 v13, $0x3;
	s26 =	sadd.s32 $0x1E, s24;
	v19 =	vor.u32 v6, v33;
	[tilespmem:v15+s9+$0x0] =	vst.idx.add.f32.msk $0xffff, v21  }
0xcf: {  	v12 =	vor.u32 v6, v12;
	s28 =	sadd.s32 $0x12, s23;
	v18 =	vmov s26;
	v15 =	vor.u32 v28, v25;
	v16 =	vld.idx.msk [tilespmem:v16+s13+$0x0], $0xffff  }
0xd0: {  	v21 =	vmov s28;
	v25 =	vand.u32 $0x7E, v18;
	v18 =	vshll.u32 v18, $0x3;
	[tilespmem:v29+s9+$0x0] =	vst.idx.add.f32.msk $0xffff, v27  }
0xd1: {  	v24 =	vor.u32 v24, v8;
	v18 =	vand.u32 $0x400, v18;
	v27 =	vand.u32 $0x72, v21;
	v28 =	vld.idx.msk [tilespmem:v32+s13+$0x0], $0xffff  }
0xd2: {  	v22 =	vor.u32 v22, v24;
	v21 =	vshll.u32 v21, $0x3;
	v24 =	vor.u32 v25, v18;
	[tilespmem:v31+s9+$0x0] =	vst.idx.add.f32.msk $0xffff, v30  }
0xd3: {  	v26 =	vor.u32 v26, v8;
	v21 =	vand.u32 $0x400, v21;
	v24 =	vor.u32 v6, v24;
	v19 =	vld.idx.msk [tilespmem:v19+s13+$0x0], $0xffff  }
0xd4: {  	v13 =	vand.u32 $0x400, v13;
	[tilespmem:v15+s9+$0x0] =	vst.idx.add.f32.msk $0xffff, v20;
	v15 =	vor.u32 v23, v26;
	v20 =	vor.u32 v27, v21  }
0xd5: {  	s26 =	sadd.s32 $0x1F, s24;
	s24 =	smov.u32 s23;
	s23 =	smov.u32 s25;
	v23 =	vor.u32 v35, v13;
	v20 =	vor.u32 v6, v20;
	[tilespmem:v17+s9+$0x0] =	vst.idx.add.f32.msk $0xffff, v16  }
0xd6: {  	v14 =	vor.u32 v6, v14;
	s28 =	sadd.s32 $0x13, s24;
	v16 =	vor.u32 v6, v23;
	v17 =	vmov s26;
	v12 =	vld.idx.msk [tilespmem:v12+s13+$0x0], $0xffff  }
0xd7: {  	v23 =	vmov s28;
	[tilespmem:v22+s9+$0x0] =	vst.idx.add.f32.msk $0xffff, v28;
	v22 =	vand.u32 $0x7F, v17;
	v17 =	vshll.u32 v17, $0x3  }
0xd8: {  	v25 =	vor.u32 v25, v8;
	v26 =	vand.u32 $0x73, v23;
	v24 =	vld.idx.msk [tilespmem:v24+s13+$0x0], $0xffff;
	v17 =	vand.u32 $0x400, v17  }
0xd9: {  	v18 =	vor.u32 v18, v25;
	[tilespmem:v15+s9+$0x0] =	vst.idx.add.f32.msk $0xffff, v19;
	v15 =	vshll.u32 v23, $0x3;
	v19 =	vor.u32 v22, v17  }
0xda: {  	s26 =	sadd.s32 $0x4, s24;
	v23 =	vor.u32 v27, v8;
	v20 =	vld.idx.msk [tilespmem:v20+s13+$0x0], $0xffff;
	v15 =	vand.u32 $0x400, v15;
	v19 =	vor.u32 v6, v19  }
0xdb: {  	v25 =	vmov s26;
	v21 =	vor.u32 v21, v23;
	v16 =	vld.idx.msk [tilespmem:v16+s13+$0x0], $0xffff;
	v23 =	vor.u32 v26, v15  }
0xdc: {  	v27 =	vand.u32 $0x64, v25;
	v23 =	vor.u32 v6, v23;
	[tilespmem:v11+s9+$0x0] =	vst.idx.add.f32.msk $0xffff, v12  }
0xdd: {  	v9 =	vor.u32 v9, v8;
	v11 =	vor.u32 v35, v8;
	v12 =	vshll.u32 v25, $0x3;
	v14 =	vld.idx.msk [tilespmem:v14+s13+$0x0], $0xffff  }
0xde: {  	v9 =	vor.u32 v10, v9;
	s26 =	sadd.s32 $0x14, s24;
	v11 =	vor.u32 v13, v11;
	v12 =	vand.u32 $0x400, v12;
	[tilespmem:v18+s9+$0x0] =	vst.idx.add.f32.msk $0xffff, v24  }
0xdf: {  	v13 =	vmov s26;
	v10 =	vor.u32 v27, v12;
	v18 =	vld.idx.msk [tilespmem:v19+s13+$0x0], $0xffff;
	v19 =	vor.u32 v22, v8  }
0xe0: {  	v10 =	vor.u32 v6, v10;
	[tilespmem:v21+s9+$0x0] =	vst.idx.add.f32.msk $0xffff, v20;
	v20 =	vshll.u32 v13, $0x3;
	v17 =	vor.u32 v17, v19  }
0xe1: {  	v21 =	vor.u32 v26, v8;
	v13 =	vand.u32 $0x74, v13;
	v19 =	vld.idx.msk [tilespmem:v23+s13+$0x0], $0xffff;
	v20 =	vand.u32 $0x400, v20  }
0xe2: {  	s28 =	sadd.s32 $0xF, s24;
	s26 =	sadd.s32 $0x5, s24;
	v22 =	vmov s25;
	v15 =	vor.u32 v15, v21;
	v21 =	vor.u32 v13, v20  }
0xe3: {  	s29 =	sadd.s32 $0xE, s24;
	[tilespmem:v11+s9+$0x0] =	vst.idx.add.f32.msk $0xffff, v16;
	v11 =	vmov s26;
	s26 =	sadd.s32 $0xD, s24;
	v16 =	vmov s28;
	v21 =	vor.u32 v6, v21  }
0xe4: {  	v25 =	vmov s29;
	s28 =	sadd.s32 $0xC, s24;
	v23 =	vshll.u32 v11, $0x3;
	v24 =	vmov s26;
	[tilespmem:v9+s9+$0x0] =	vst.idx.add.f32.msk $0xffff, v14  }
0xe5: {  	v9 =	vand.u32 $0x65, v11;
	v14 =	vmov s28;
	s26 =	sadd.s32 $0x15, s24;
	v11 =	vand.u32 $0x400, v23;
	[tilespmem:v17+s9+$0x0] =	vst.idx.add.f32.msk $0xffff, v18  }
0xe6: {  	v17 =	vor.u32 v27, v8;
	v23 =	vmov s26;
	v10 =	vld.idx.msk [tilespmem:v10+s13+$0x0], $0xffff;
	v18 =	vor.u32 v9, v11  }
0xe7: {  	v12 =	vor.u32 v12, v17;
	v17 =	vor.u32 v6, v18;
	[tilespmem:v15+s9+$0x0] =	vst.idx.add.f32.msk $0xffff, v19;
	v15 =	vshll.u32 v23, $0x3  }
0xe8: {  	v13 =	vor.u32 v13, v8;
	s26 =	sadd.s32 $0xB, s24;
	v19 =	vand.u32 $0x75, v23;
	v18 =	vld.idx.msk [tilespmem:v21+s13+$0x0], $0xffff;
	v15 =	vand.u32 $0x400, v15  }
0xe9: {  	s29 =	sadd.s32 $0xA, s24;
	v13 =	vor.u32 v20, v13;
	s28 =	sadd.s32 $0x6, s24;
	v21 =	vmov s26;
	v20 =	vor.u32 v19, v15  }
0xea: {  	v26 =	vmov s29;
	v23 =	vmov s28;
	s28 =	sadd.s32 $0x9, s24;
	s26 =	sadd.s32 $0x8, s24;
	v20 =	vor.u32 v6, v20  }
0xeb: {  	s29 =	sadd.s32 $0x7, s24;
	v27 =	vshll.u32 v23, $0x3;
	v29 =	vmov s28;
	v28 =	vmov s26  }
0xec: {  	s26 =	sadd.s32 $0x16, s24;
	[tilespmem:v12+s9+$0x0] =	vst.idx.add.f32.msk $0xffff, v10;
	v10 =	vand.u32 $0x66, v23;
	v12 =	vand.u32 $0x400, v27;
	v23 =	vmov s29  }
0xed: {  	v9 =	vor.u32 v9, v8;
	v30 =	vmov s26;
	v17 =	vld.idx.msk [tilespmem:v17+s13+$0x0], $0xffff;
	v27 =	vor.u32 v10, v12  }
0xee: {  	v9 =	vor.u32 v11, v9;
	v11 =	vshll.u32 v30, $0x3;
	v27 =	vor.u32 v6, v27;
	[tilespmem:v13+s9+$0x0] =	vst.idx.add.f32.msk $0xffff, v18  }
0xef: {  	v19 =	vor.u32 v19, v8;
	s26 =	sadd.s32 $0x3, s25;
	v18 =	vld.idx.msk [tilespmem:v20+s13+$0x0], $0xffff;
	v20 =	vand.u32 $0x76, v30;
	v30 =	vand.u32 $0x400, v11  }
0xf0: {  	s28 =	sadd.s32 $0x1, s25;
	v15 =	vor.u32 v15, v19;
	s29 =	sadd.s32 $0x2, s25;
	v13 =	vmov s26;
	v11 =	vor.u32 v20, v30  }
0xf1: {  	v19 =	vmov s28;
	v31 =	vmov s29;
	v32 =	vor.u32 v6, v11  }
0xf2: {  	v33 =	vshll.u32 v23, $0x3;
	v11 =	vand.u32 $0x60, v22;
	v22 =	vshll.u32 v22, $0x3  }
0xf3: {  	v33 =	vand.u32 $0x400, v33;
	s26 =	sadd.s32 $0x17, s24;
	[tilespmem:v9+s9+$0x0] =	vst.idx.add.f32.msk $0xffff, v17;
	v17 =	vand.u32 $0x67, v23;
	v9 =	vand.u32 $0x6F, v16  }
0xf4: {  	v10 =	vor.u32 v10, v8;
	v34 =	vmov s26;
	v23 =	vld.idx.msk [tilespmem:v27+s13+$0x0], $0xffff;
	v27 =	vor.u32 v17, v33  }
0xf5: {  	v10 =	vor.u32 v12, v10;
	v12 =	vshll.u32 v34, $0x3;
	v27 =	vor.u32 v6, v27;
	[tilespmem:v15+s9+$0x0] =	vst.idx.add.f32.msk $0xffff, v18  }
0xf6: {  	v18 =	vor.u32 v20, v8;
	v20 =	vand.u32 $0x77, v34;
	v15 =	vld.idx.msk [tilespmem:v32+s13+$0x0], $0xffff;
	v32 =	vand.u32 $0x400, v12  }
0xf7: {  	v34 =	vshll.u32 v16, $0x3;
	v18 =	vor.u32 v30, v18;
	v16 =	vor.u32 v20, v32  }
0xf8: {  	v12 =	vand.u32 $0x6E, v25;
	v25 =	vshll.u32 v25, $0x3;
	v30 =	vor.u32 v6, v16  }
0xf9: {  	v35 =	vshll.u32 v28, $0x3;
	v16 =	vand.u32 $0x6D, v24;
	v24 =	vshll.u32 v24, $0x3  }
0xfa: {  	s26 =	sadd.s32 $0x18, s24;
	[tilespmem:v10+s9+$0x0] =	vst.idx.add.f32.msk $0xffff, v23;
	v10 =	vand.u32 $0x68, v28;
	v28 =	vand.u32 $0x400, v35;
	v23 =	vand.u32 $0x6C, v14  }
0xfb: {  	v36 =	vmov s26;
	v17 =	vor.u32 v17, v8;
	v27 =	vld.idx.msk [tilespmem:v27+s13+$0x0], $0xffff;
	v35 =	vor.u32 v10, v28  }
0xfc: {  	v17 =	vor.u32 v33, v17;
	v33 =	vor.u32 v6, v35;
	[tilespmem:v18+s9+$0x0] =	vst.idx.add.f32.msk $0xffff, v15;
	v15 =	vshll.u32 v36, $0x3  }
0xfd: {  	v20 =	vor.u32 v20, v8;
	v18 =	vld.idx.msk [tilespmem:v30+s13+$0x0], $0xffff;
	v30 =	vand.u32 $0x78, v36;
	v15 =	vand.u32 $0x400, v15  }
0xfe: {  	v32 =	vor.u32 v32, v20;
	v14 =	vshll.u32 v14, $0x3;
	v20 =	vor.u32 v30, v15  }
0xff: {  	v35 =	vand.u32 $0x6B, v21;
	v21 =	vshll.u32 v21, $0x3;
	v36 =	vor.u32 v6, v20  }
0x100: {  	v38 =	vand.u32 $0x6A, v26;
	v26 =	vshll.u32 v26, $0x3;
	v37 =	vshll.u32 v29, $0x3  }
0x101: {  	s26 =	sadd.s32 $0x19, s24;
	v20 =	vand.u32 $0x62, v31;
	[tilespmem:v17+s9+$0x0] =	vst.idx.add.f32.msk $0xffff, v27;
	v27 =	vand.u32 $0x69, v29;
	v29 =	vand.u32 $0x400, v37  }
0x102: {  	v10 =	vor.u32 v10, v8;
	v37 =	vmov s26;
	v17 =	vld.idx.msk [tilespmem:v33+s13+$0x0], $0xffff;
	v33 =	vor.u32 v27, v29  }
0x103: {  	v10 =	vor.u32 v28, v10;
	v28 =	vor.u32 v6, v33;
	[tilespmem:v32+s9+$0x0] =	vst.idx.add.f32.msk $0xffff, v18;
	v18 =	vshll.u32 v37, $0x3  }
0x104: {  	v30 =	vor.u32 v30, v8;
	v33 =	vand.u32 $0x79, v37;
	v32 =	vld.idx.msk [tilespmem:v36+s13+$0x0], $0xffff;
	v36 =	vand.u32 $0x400, v18  }
0x105: {  	v15 =	vor.u32 v15, v30;
	v37 =	vshll.u32 v31, $0x3;
	v18 =	vor.u32 v33, v36  }
0x106: {  	v39 =	vand.u32 $0x61, v19;
	v30 =	vor.u32 v11, v8;
	v18 =	vor.u32 v6, v18  }
0x107: {  	v40 =	vshll.u32 v19, $0x3;
	v22 =	vand.u32 $0x400, v22;
	v41 =	vor.u32 v12, v8  }
0x108: {  	v26 =	vand.u32 $0x400, v26;
	s26 =	sadd.s32 $0x1A, s24;
	[tilespmem:v10+s9+$0x0] =	vst.idx.add.f32.msk $0xffff, v17;
	v17 =	vor.u32 v16, v8;
	v10 =	vand.u32 $0x400, v34  }
0x109: {  	v19 =	vor.u32 v27, v8;
	v27 =	vor.u32 v38, v26;
	v31 =	vmov s26;
	v28 =	vld.idx.msk [tilespmem:v28+s13+$0x0], $0xffff  }
0x10a: {  	v29 =	vor.u32 v29, v19;
	v27 =	vor.u32 v6, v27;
	[tilespmem:v15+s9+$0x0] =	vst.idx.add.f32.msk $0xffff, v32;
	v15 =	vshll.u32 v31, $0x3  }
0x10b: {  	v19 =	vor.u32 v33, v8;
	v31 =	vand.u32 $0x7A, v31;
	v32 =	vld.idx.msk [tilespmem:v18+s13+$0x0], $0xffff;
	v15 =	vand.u32 $0x400, v15  }
0x10c: {  	v33 =	vor.u32 v36, v19;
	v18 =	vand.u32 $0x400, v25;
	v25 =	vor.u32 v31, v15  }
0x10d: {  	v19 =	vand.u32 $0x400, v24;
	v34 =	vor.u32 v23, v8;
	v24 =	vor.u32 v6, v25  }
0x10e: {  	v42 =	vand.u32 $0x400, v14;
	v11 =	vor.u32 v11, v22;
	v36 =	vor.u32 v35, v8  }
0x10f: {  	v14 =	vor.u32 v38, v8;
	v11 =	vor.u32 v6, v11;
	v38 =	vand.u32 $0x400, v21;
	s26 =	sadd.s32 $0x1B, s24;
	[tilespmem:v29+s9+$0x0] =	vst.idx.add.f32.msk $0xffff, v28  }
0x110: {  	v25 =	vor.u32 v20, v8;
	v28 =	vmov s26;
	v21 =	vld.idx.msk [tilespmem:v27+s13+$0x0], $0xffff;
	v27 =	vor.u32 v35, v38  }
0x111: {  	v35 =	vor.u32 v26, v14;
	v14 =	vshll.u32 v28, $0x3;
	v43 =	vor.u32 v6, v27;
	[tilespmem:v33+s9+$0x0] =	vst.idx.add.f32.msk $0xffff, v32  }
0x112: {  	v27 =	vand.u32 $0x7B, v28;
	v26 =	vand.u32 $0x400, v14;
	v44 =	vld.idx.msk [tilespmem:v24+s13+$0x0], $0xffff;
	v24 =	vor.u32 v31, v8  }
0x113: {  	v29 =	vor.u32 v39, v8;
	v14 =	vor.u32 v27, v26;
	v45 =	vor.u32 v15, v24  }
.Ltmp6:
0x114: {  	v31 =	vor.u32 v22, v30;
	v30 =	vand.u32 $0x400, v40;
	v24 =	vor.u32 v6, v14;
	v32 =	vld.idx.msk [tilespmem:v11+s13+$0x0], $0xffff;
	(pc) =	sbr.rel @p0 .LBB2_6-.Ltmp6, $4  }
0x115: {  	v15 =	vor.u32 v39, v30;
	v14 =	vor.u32 v9, v10;
	v11 =	vor.u32 v18, v41  }
0x116: {  	s26 =	sadd.s32 $0x1C, s24;
	v28 =	vand.u32 $0x400, v37;
	v33 =	vor.u32 v6, v15;
	v15 =	vor.u32 v42, v34;
	[tilespmem:v35+s9+$0x0] =	vst.idx.add.f32.msk $0xffff, v21  }
0x117: {  	s28 =	sadd.s32 $0x10, s25;
	v23 =	vor.u32 v23, v42;
	v22 =	vor.u32 v38, v36;
	v34 =	vmov s26;
	v21 =	vld.idx.msk [tilespmem:v43+s13+$0x0], $0xffff  }
0x118: {  	s25 =	sadd.s32 $0x20, s25;
	v23 =	vor.u32 v6, v23;
	v36 =	vshll.u32 v34, $0x3;
	v35 =	vmov s28;
	[tilespmem:v45+s9+$0x0] =	vst.idx.add.f32.msk $0xffff, v44  }
0x119: {  	v37 =	vshll.u32 v35, $0x3  }
0x11a: {  	v62 =	vand.u32 $0x70, v35;
	v37 =	vand.u32 $0x400, v37  }
0x11b: {  	v38 =	vor.u32 v62, v37  }
0x11c: {  	v38 =	vor.u32 v6, v38  }
0x11d: {  	s25 =	sadd.s32 $0x11, s23  }
0x11e: {  	v39 =	vmov s25  }
0x11f: {  	v34 =	vand.u32 $0x7C, v34;
	v40 =	vshll.u32 v39, $0x3  }
0x120: {  	v35 =	vor.u32 v62, v8;
	v39 =	vand.u32 $0x71, v39;
	v40 =	vand.u32 $0x400, v40  }
0x121: {  	v36 =	vand.u32 $0x400, v36;
	v35 =	vor.u32 v37, v35;
	v63 =	vor.u32 v39, v40;
	v38 =	vld.idx.msk [tilespmem:v38+s13+$0x0], $0xffff  }
0x122: {  	v27 =	vor.u32 v27, v8;
	v30 =	vor.u32 v30, v29;
	v37 =	vor.u32 v6, v63  }
0x123: {  	s29 =	sadd.s32 $0x12, s23;
	v16 =	vor.u32 v16, v19;
	v20 =	vor.u32 v20, v28;
	v44 =	vand.u32 $0x63, v13  }
0x124: {  	[tilespmem:v31+s9+$0x0] =	vst.idx.add.f32.msk $0xffff, v32;
	v13 =	vshll.u32 v13, $0x3;
	v28 =	vor.u32 v28, v25;
	v29 =	vmov s29  }
0x125: {  	v17 =	vor.u32 v19, v17;
	v31 =	vld.idx.msk [tilespmem:v33+s13+$0x0], $0xffff;
	v20 =	vor.u32 v6, v20;
	v45 =	vshll.u32 v29, $0x3  }
0x126: {  	v46 =	vand.u32 $0x72, v29;
	v29 =	vor.u32 v39, v8;
	v33 =	vand.u32 $0x400, v45;
	[tilespmem:v35+s9+$0x0] =	vst.idx.add.f32.msk $0xffff, v38  }
0x127: {  	v12 =	vor.u32 v12, v18;
	v47 =	vor.u32 v40, v29;
	v29 =	vor.u32 v46, v33;
	v35 =	vld.idx.msk [tilespmem:v37+s13+$0x0], $0xffff  }
0x128: {  	s30 =	sadd.s32 $0x1D, s24;
	v14 =	vor.u32 v6, v14;
	v41 =	vor.u32 v34, v36;
	v49 =	vor.u32 v6, v29  }
0x129: {  	s31 =	sadd.s32 $0x13, s23;
	v27 =	vor.u32 v26, v27;
	v16 =	vor.u32 v6, v16;
	v48 =	vmov s30  }
0x12a: {  	v50 =	vand.u32 $0x400, v13;
	v13 =	vor.u32 v34, v8;
	[tilespmem:v30+s9+$0x0] =	vst.idx.add.f32.msk $0xffff, v31;
	v31 =	vmov s31  }
0x12b: {  	v51 =	vor.u32 v46, v8;
	v30 =	vor.u32 v44, v50;
	v20 =	vld.idx.msk [tilespmem:v20+s13+$0x0], $0xffff;
	v25 =	vshll.u32 v31, $0x3  }
0x12c: {  	s26 =	sadd.s32 $0x4, s23;
	v30 =	vor.u32 v6, v30;
	v31 =	vand.u32 $0x73, v31;
	v52 =	vand.u32 $0x400, v25;
	[tilespmem:v47+s9+$0x0] =	vst.idx.add.f32.msk $0xffff, v35  }
0x12d: {  	s28 =	sadd.s32 $0x14, s23;
	v53 =	vmov s26;
	v33 =	vor.u32 v33, v51;
	v54 =	vor.u32 v31, v52;
	v37 =	vld.idx.msk [tilespmem:v49+s13+$0x0], $0xffff  }
0x12e: {  	v57 =	vmov s28;
	v55 =	vshll.u32 v53, $0x3;
	v34 =	vor.u32 v6, v54  }
0x12f: {  	v56 =	vand.u32 $0x64, v53;
	v32 =	vand.u32 $0x74, v57;
	v38 =	vshll.u32 v48, $0x3  }
0x130: {  	[tilespmem:v28+s9+$0x0] =	vst.idx.add.f32.msk $0xffff, v20;
	v20 =	vor.u32 v44, v8;
	v25 =	vand.u32 $0x400, v38;
	v38 =	vand.u32 $0x400, v55  }
0x131: {  	v30 =	vld.idx.msk [tilespmem:v30+s13+$0x0], $0xffff;
	v58 =	vor.u32 v50, v20;
	v20 =	vshll.u32 v57, $0x3;
	v28 =	vor.u32 v56, v38  }
0x132: {  	s29 =	sadd.s32 $0x5, s23;
	v31 =	vor.u32 v31, v8;
	v59 =	vand.u32 $0x400, v20;
	v28 =	vor.u32 v6, v28;
	[tilespmem:v33+s9+$0x0] =	vst.idx.add.f32.msk $0xffff, v37  }
0x133: {  	v60 =	vmov s29;
	v31 =	vor.u32 v52, v31;
	v20 =	vor.u32 v32, v59;
	v34 =	vld.idx.msk [tilespmem:v34+s13+$0x0], $0xffff  }
0x134: {  	s30 =	sadd.s32 $0x15, s23;
	v13 =	vor.u32 v36, v13;
	v63 =	vshll.u32 v60, $0x3;
	v62 =	vor.u32 v6, v20  }
0x135: {  	v46 =	vmov s30;
	v29 =	vand.u32 $0x7D, v48;
	v44 =	vand.u32 $0x400, v63  }
0x136: {  	v48 =	vand.u32 $0x75, v46;
	[tilespmem:v58+s9+$0x0] =	vst.idx.add.f32.msk $0xffff, v30;
	v30 =	vor.u32 v56, v8;
	v35 =	vand.u32 $0x65, v60  }
0x137: {  	v30 =	vor.u32 v38, v30;
	v47 =	vshll.u32 v46, $0x3;
	v45 =	vor.u32 v35, v44;
	v28 =	vld.idx.msk [tilespmem:v28+s13+$0x0], $0xffff  }
0x138: {  	v49 =	vand.u32 $0x400, v47;
	v36 =	vor.u32 v6, v45;
	[tilespmem:v31+s9+$0x0] =	vst.idx.add.f32.msk $0xffff, v34;
	v31 =	vor.u32 v32, v8  }
0x139: {  	v26 =	vor.u32 v6, v41;
	s31 =	sadd.s32 $0x6, s23;
	v51 =	vor.u32 v48, v49;
	v50 =	vld.idx.msk [tilespmem:v62+s13+$0x0], $0xffff;
	v31 =	vor.u32 v59, v31  }
0x13a: {  	s26 =	sadd.s32 $0x16, s23;
	[tilespmem:v22+s9+$0x0] =	vst.idx.add.f32.msk $0xffff, v21;
	v21 =	vor.u32 v29, v8;
	v52 =	vmov s31;
	v19 =	vor.u32 v6, v51  }
0x13b: {  	v54 =	vmov s26;
	v53 =	vshll.u32 v52, $0x3;
	v18 =	vand.u32 $0x66, v52  }
0x13c: {  	v55 =	vshll.u32 v54, $0x3;
	v33 =	vand.u32 $0x400, v53;
	[tilespmem:v30+s9+$0x0] =	vst.idx.add.f32.msk $0xffff, v28;
	v28 =	vor.u32 v35, v8  }
0x13d: {  	v57 =	vand.u32 $0x400, v55;
	v30 =	vor.u32 v18, v33;
	v36 =	vld.idx.msk [tilespmem:v36+s13+$0x0], $0xffff;
	v28 =	vor.u32 v44, v28  }
0x13e: {  	s28 =	sadd.s32 $0x7, s23;
	v56 =	vand.u32 $0x76, v54;
	v30 =	vor.u32 v6, v30;
	[tilespmem:v31+s9+$0x0] =	vst.idx.add.f32.msk $0xffff, v50;
	v31 =	vor.u32 v48, v8  }
0x13f: {  	v58 =	vmov s28;
	v59 =	vor.u32 v56, v57;
	v19 =	vld.idx.msk [tilespmem:v19+s13+$0x0], $0xffff;
	v31 =	vor.u32 v49, v31  }
0x140: {  	v61 =	vor.u32 v29, v25;
	v60 =	vshll.u32 v58, $0x3;
	v34 =	vor.u32 v6, v59  }
0x141: {  	s30 =	sadd.s32 $0x17, s23;
	v21 =	vor.u32 v25, v21;
	v38 =	vand.u32 $0x400, v60;
	v37 =	vand.u32 $0x67, v58  }
0x142: {  	v18 =	vor.u32 v18, v8;
	[tilespmem:v28+s9+$0x0] =	vst.idx.add.f32.msk $0xffff, v36;
	v28 =	vor.u32 v37, v38;
	v62 =	vmov s30  }
0x143: {  	v33 =	vor.u32 v33, v18;
	v30 =	vld.idx.msk [tilespmem:v30+s13+$0x0], $0xffff;
	v28 =	vor.u32 v6, v28;
	v18 =	vshll.u32 v62, $0x3  }
0x144: {  	s31 =	sadd.s32 $0x8, s23;
	v63 =	vand.u32 $0x400, v18;
	[tilespmem:v31+s9+$0x0] =	vst.idx.add.f32.msk $0xffff, v19;
	v19 =	vor.u32 v56, v8;
	v31 =	vand.u32 $0x77, v62  }
0x145: {  	v44 =	vmov s31;
	v34 =	vld.idx.msk [tilespmem:v34+s13+$0x0], $0xffff;
	v19 =	vor.u32 v57, v19;
	v45 =	vor.u32 v31, v63  }
0x146: {  	s29 =	sadd.s32 $0x1E, s24;
	v20 =	vor.u32 v6, v61;
	v46 =	vshll.u32 v44, $0x3;
	v35 =	vor.u32 v6, v45  }
0x147: {  	s26 =	sadd.s32 $0x18, s23;
	v61 =	vmov s29;
	v40 =	vand.u32 $0x400, v46;
	v36 =	vand.u32 $0x68, v44  }
0x148: {  	v47 =	vor.u32 v36, v40;
	v48 =	vmov s26;
	[tilespmem:v33+s9+$0x0] =	vst.idx.add.f32.msk $0xffff, v30;
	v30 =	vor.u32 v37, v8  }
0x149: {  	v33 =	vor.u32 v6, v47;
	v49 =	vshll.u32 v48, $0x3;
	v28 =	vld.idx.msk [tilespmem:v28+s13+$0x0], $0xffff;
	v30 =	vor.u32 v38, v30  }
0x14a: {  	s28 =	sadd.s32 $0x9, s23;
	v50 =	vand.u32 $0x400, v49;
	[tilespmem:v19+s9+$0x0] =	vst.idx.add.f32.msk $0xffff, v34;
	v19 =	vor.u32 v31, v8;
	v31 =	vand.u32 $0x78, v48  }
0x14b: {  	s29 =	sadd.s32 $0x19, s23;
	v51 =	vmov s28;
	v35 =	vld.idx.msk [tilespmem:v35+s13+$0x0], $0xffff;
	v32 =	vor.u32 v63, v19;
	v19 =	vor.u32 v31, v50  }
0x14c: {  	v24 =	vld.idx.msk [tilespmem:v24+s13+$0x0], $0xffff;
	v52 =	vmov s29;
	v29 =	vshll.u32 v51, $0x3;
	v22 =	vor.u32 v6, v19  }
0x14d: {  	v23 =	vld.idx.msk [tilespmem:v23+s13+$0x0], $0xffff;
	v39 =	vshll.u32 v61, $0x3;
	v54 =	vand.u32 $0x79, v52;
	v29 =	vand.u32 $0x400, v29  }
0x14e: {  	v53 =	vshll.u32 v52, $0x3;
	v37 =	vand.u32 $0x69, v51;
	[tilespmem:v30+s9+$0x0] =	vst.idx.add.f32.msk $0xffff, v28;
	v28 =	vor.u32 v36, v8  }
0x14f: {  	v55 =	vand.u32 $0x400, v53;
	s31 =	sadd.s32 $0x1A, s23;
	v30 =	vor.u32 v37, v29;
	v33 =	vld.idx.msk [tilespmem:v33+s13+$0x0], $0xffff;
	v28 =	vor.u32 v40, v28  }
0x150: {  	v60 =	vmov s31;
	s30 =	sadd.s32 $0xA, s23;
	v30 =	vor.u32 v6, v30;
	v31 =	vor.u32 v31, v8;
	[tilespmem:v32+s9+$0x0] =	vst.idx.add.f32.msk $0xffff, v35  }
0x151: {  	v56 =	vmov s30;
	v57 =	vor.u32 v54, v55;
	v31 =	vor.u32 v50, v31;
	v22 =	vld.idx.msk [tilespmem:v22+s13+$0x0], $0xffff  }
0x152: {  	[tilespmem:v27+s9+$0x0] =	vst.idx.add.f32.msk $0xffff, v24;
	v18 =	vand.u32 $0x7E, v61;
	v24 =	vshll.u32 v56, $0x3;
	v25 =	vor.u32 v6, v57  }
0x153: {  	v26 =	vld.idx.msk [tilespmem:v26+s13+$0x0], $0xffff;
	v61 =	vshll.u32 v60, $0x3;
	v58 =	vand.u32 $0x6A, v56;
	v24 =	vand.u32 $0x400, v24  }
0x154: {  	s26 =	sadd.s32 $0xB, s23;
	v62 =	vand.u32 $0x400, v61;
	v59 =	vor.u32 v58, v24;
	[tilespmem:v28+s9+$0x0] =	vst.idx.add.f32.msk $0xffff, v33;
	v28 =	vor.u32 v37, v8  }
0x155: {  	v63 =	vmov s26;
	v19 =	vand.u32 $0x400, v39;
	v30 =	vld.idx.msk [tilespmem:v30+s13+$0x0], $0xffff;
	v28 =	vor.u32 v29, v28  }
0x156: {  	v29 =	vor.u32 v6, v59;
	[tilespmem:v31+s9+$0x0] =	vst.idx.add.f32.msk $0xffff, v22;
	v22 =	vor.u32 v54, v8;
	v31 =	vand.u32 $0x7A, v60  }
0x157: {  	v27 =	vor.u32 v18, v19;
	v25 =	vld.idx.msk [tilespmem:v25+s13+$0x0], $0xffff;
	v22 =	vor.u32 v55, v22;
	v36 =	vor.u32 v31, v62  }
0x158: {  	[tilespmem:v15+s9+$0x0] =	vst.idx.add.f32.msk $0xffff, v23;
	v23 =	vshll.u32 v63, $0x3;
	v15 =	vor.u32 v6, v27;
	v27 =	vor.u32 v6, v36  }
0x159: {  	v12 =	vor.u32 v6, v12;
	v16 =	vld.idx.msk [tilespmem:v16+s13+$0x0], $0xffff;
	s28 =	sadd.s32 $0x1B, s23;
	v33 =	vand.u32 $0x6B, v63;
	v23 =	vand.u32 $0x400, v23  }
0x15a: {  	v37 =	vmov s28;
	[tilespmem:v28+s9+$0x0] =	vst.idx.add.f32.msk $0xffff, v30;
	v28 =	vor.u32 v58, v8;
	v30 =	vor.u32 v33, v23  }
0x15b: {  	v29 =	vld.idx.msk [tilespmem:v29+s13+$0x0], $0xffff;
	v24 =	vor.u32 v24, v28;
	v28 =	vor.u32 v6, v30;
	v30 =	vshll.u32 v37, $0x3  }
0x15c: {  	s29 =	sadd.s32 $0xC, s23;
	v30 =	vand.u32 $0x400, v30;
	[tilespmem:v22+s9+$0x0] =	vst.idx.add.f32.msk $0xffff, v25;
	v22 =	vor.u32 v31, v8;
	v25 =	vand.u32 $0x7B, v37  }
0x15d: {  	s30 =	sadd.s32 $0x1F, s24;
	v31 =	vmov s29;
	v27 =	vld.idx.msk [tilespmem:v27+s13+$0x0], $0xffff;
	v22 =	vor.u32 v62, v22;
	v38 =	vor.u32 v25, v30  }
0x15e: {  	[tilespmem:v13+s9+$0x0] =	vst.idx.add.f32.msk $0xffff, v26;
	v13 =	vmov s30;
	v26 =	vshll.u32 v31, $0x3;
	v32 =	vor.u32 v6, v38  }
0x15f: {  	[tilespmem:v17+s9+$0x0] =	vst.idx.add.f32.msk $0xffff, v16;
	s31 =	sadd.s32 $0x1C, s23;
	v39 =	vand.u32 $0x7F, v13;
	v31 =	vand.u32 $0x6C, v31;
	v26 =	vand.u32 $0x400, v26  }
0x160: {  	v33 =	vor.u32 v33, v8;
	[tilespmem:v24+s9+$0x0] =	vst.idx.add.f32.msk $0xffff, v29;
	v29 =	vmov s31;
	v24 =	vor.u32 v31, v26  }
0x161: {  	v23 =	vor.u32 v23, v33;
	v28 =	vld.idx.msk [tilespmem:v28+s13+$0x0], $0xffff;
	v40 =	vshll.u32 v29, $0x3;
	v24 =	vor.u32 v6, v24  }
0x162: {  	s25 =	sadd.s32 $0xD, s23;
	[tilespmem:v22+s9+$0x0] =	vst.idx.add.f32.msk $0xffff, v27;
	v22 =	vor.u32 v25, v8;
	v25 =	vand.u32 $0x7C, v29;
	v27 =	vand.u32 $0x400, v40  }
0x163: {  	v29 =	vmov s25;
	v32 =	vld.idx.msk [tilespmem:v32+s13+$0x0], $0xffff;
	v22 =	vor.u32 v30, v22;
	v30 =	vor.u32 v25, v27  }
0x164: {  	v12 =	vld.idx.msk [tilespmem:v12+s13+$0x0], $0xffff;
	v13 =	vshll.u32 v13, $0x3;
	v16 =	vshll.u32 v29, $0x3;
	v17 =	vor.u32 v6, v30  }
0x165: {  	v20 =	vld.idx.msk [tilespmem:v20+s13+$0x0], $0xffff;
	s26 =	sadd.s32 $0x1D, s23;
	v18 =	vor.u32 v18, v8;
	v29 =	vand.u32 $0x6D, v29;
	v16 =	vand.u32 $0x400, v16  }
0x166: {  	[tilespmem:v23+s9+$0x0] =	vst.idx.add.f32.msk $0xffff, v28;
	v23 =	vmov s26;
	v30 =	vor.u32 v31, v8;
	v31 =	vor.u32 v29, v16  }
0x167: {  	v26 =	vor.u32 v26, v30;
	v24 =	vld.idx.msk [tilespmem:v24+s13+$0x0], $0xffff;
	v30 =	vshll.u32 v23, $0x3;
	v28 =	vor.u32 v6, v31  }
0x168: {  	[tilespmem:v22+s9+$0x0] =	vst.idx.add.f32.msk $0xffff, v32;
	v22 =	vand.u32 $0x7D, v23;
	v23 =	vor.u32 v25, v8;
	v25 =	vand.u32 $0x400, v30  }
0x169: {  	s28 =	sadd.s32 $0xE, s23;
	v13 =	vand.u32 $0x400, v13;
	v17 =	vld.idx.msk [tilespmem:v17+s13+$0x0], $0xffff;
	v23 =	vor.u32 v27, v23;
	v27 =	vor.u32 v22, v25  }
0x16a: {  	[tilespmem:v21+s9+$0x0] =	vst.idx.add.f32.msk $0xffff, v20;
	v18 =	vor.u32 v19, v18;
	v30 =	vmov s28;
	v21 =	vor.u32 v6, v27  }
0x16b: {  	[tilespmem:v11+s9+$0x0] =	vst.idx.add.f32.msk $0xffff, v12;
	s29 =	sadd.s32 $0x1E, s23;
	v20 =	vshll.u32 v30, $0x3;
	v19 =	vand.u32 $0x6E, v30;
	v22 =	vor.u32 v22, v8  }
0x16c: {  	v20 =	vand.u32 $0x400, v20;
	v27 =	vor.u32 v29, v8;
	[tilespmem:v26+s9+$0x0] =	vst.idx.add.f32.msk $0xffff, v24;
	v26 =	vmov s29  }
0x16d: {  	v24 =	vor.u32 v19, v20;
	v16 =	vor.u32 v16, v27;
	v27 =	vld.idx.msk [tilespmem:v28+s13+$0x0], $0xffff;
	v28 =	vshll.u32 v26, $0x3  }
0x16e: {  	v24 =	vor.u32 v6, v24;
	[tilespmem:v23+s9+$0x0] =	vst.idx.add.f32.msk $0xffff, v17;
	v17 =	vand.u32 $0x7E, v26;
	v23 =	vand.u32 $0x400, v28  }
0x16f: {  	s30 =	sadd.s32 $0xF, s23;
	v22 =	vor.u32 v25, v22;
	v19 =	vor.u32 v19, v8;
	v21 =	vld.idx.msk [tilespmem:v21+s13+$0x0], $0xffff;
	v25 =	vor.u32 v17, v23  }
0x170: {  	v14 =	vld.idx.msk [tilespmem:v14+s13+$0x0], $0xffff;
	v19 =	vor.u32 v20, v19;
	v26 =	vmov s30;
	v12 =	vor.u32 v6, v25  }
0x171: {  	v15 =	vld.idx.msk [tilespmem:v15+s13+$0x0], $0xffff;
	s31 =	sadd.s32 $0x1F, s23;
	v28 =	vor.u32 v39, v13;
	v11 =	vshll.u32 v26, $0x3;
	v26 =	vand.u32 $0x6F, v26  }
0x172: {  	v25 =	vor.u32 v6, v28;
	v11 =	vand.u32 $0x400, v11;
	[tilespmem:v16+s9+$0x0] =	vst.idx.add.f32.msk $0xffff, v27;
	v16 =	vmov s31  }
0x173: {  	v17 =	vor.u32 v17, v8;
	v28 =	vor.u32 v26, v11;
	v20 =	vld.idx.msk [tilespmem:v24+s13+$0x0], $0xffff;
	v27 =	vshll.u32 v16, $0x3  }
0x174: {  	v16 =	vand.u32 $0x7F, v16;
	v24 =	vor.u32 v6, v28;
	[tilespmem:v22+s9+$0x0] =	vst.idx.add.f32.msk $0xffff, v21;
	v21 =	vand.u32 $0x400, v27  }
0x175: {  	v17 =	vor.u32 v23, v17;
	v12 =	vld.idx.msk [tilespmem:v12+s13+$0x0], $0xffff;
	v22 =	vor.u32 v16, v21  }
0x176: {  	[tilespmem:v18+s9+$0x0] =	vst.idx.add.f32.msk $0xffff, v15;
	v15 =	vor.u32 v6, v22  }
0x177: {  	v9 =	vor.u32 v9, v8;
	v18 =	vld.idx.msk [tilespmem:v25+s13+$0x0], $0xffff  }
0x178: {  	v9 =	vor.u32 v10, v9;
	v10 =	vor.u32 v39, v8;
	[tilespmem:v19+s9+$0x0] =	vst.idx.add.f32.msk $0xffff, v20  }
0x179: {  	v10 =	vor.u32 v13, v10;
	v19 =	vor.u32 v26, v8;
	v13 =	vld.idx.msk [tilespmem:v24+s13+$0x0], $0xffff  }
0x17a: {  	v8 =	vor.u32 v16, v8;
	v11 =	vor.u32 v11, v19;
	[tilespmem:v17+s9+$0x0] =	vst.idx.add.f32.msk $0xffff, v12  }
0x17b: {  	v8 =	vor.u32 v21, v8;
	v12 =	vld.idx.msk [tilespmem:v15+s13+$0x0], $0xffff;
	_ =	sdelay $0x1  }
0x17c: {  	[tilespmem:v9+s9+$0x0] =	vst.idx.add.f32.msk $0xffff, v14  }
0x17d: {  	[tilespmem:v10+s9+$0x0] =	vst.idx.add.f32.msk $0xffff, v18  }
0x17e: {  	[tilespmem:v11+s9+$0x0] =	vst.idx.add.f32.msk $0xffff, v13  }
0x17f: {  	[tilespmem:v8+s9+$0x0] =	vst.idx.add.f32.msk $0xffff, v12  }
0x180: {  	s30 =	simm.s32 $0x12;
	v8 =	vld [tilespmem:s22+$0x1810]  }
0x181: {  	v23 =	vmov s30;
	s30 =	simm.s32 $0xC  }
0x182: {  	v29 =	vmov s30;
	s30 =	simm.s32 $0x9  }
0x183: {  	s28 =	simm.s32 $0x10;
	v42 =	vmov s30  }
0x184: {  	v49 =	vand.u32 $0x6C, v29;
	v29 =	vshll.u32 v29, $0x3;
	v18 =	vmov s28  }
0x185: {  	v20 =	vshll.u32 v18, $0x3;
	v9 =	vshll.u32 v8, $0x8;
	v8 =	vshll.u32 v8, $0x7  }
0x186: {  	s23 =	simm.s32 $0x0;
	s25 =	simm.s32 $0x1;
	v18 =	vand.u32 $0x70, v18;
	v9 =	vand.u32 $0xFFFFF800, v9;
	v8 =	vand.u32 $0x380, v8  }
0x187: {  	v11 =	vmov s25;
	v8 =	vor.u32 v9, v8;
	v9 =	vmov s23  }
0x188: {  	v20 =	vand.u32 $0x400, v20;
	v13 =	vand.u32 $0x60, v9;
	v9 =	vshll.u32 v9, $0x3  }
0x189: {  	v16 =	vand.u32 $0x61, v11;
	v11 =	vshll.u32 v11, $0x3;
	v9 =	vand.u32 $0x400, v9  }
0x18a: {  	v11 =	vand.u32 $0x400, v11;
	v15 =	vor.u32 v13, v8;
	v13 =	vor.u32 v13, v9  }
0x18b: {  	v19 =	vor.u32 v16, v8;
	v16 =	vor.u32 v16, v11;
	v13 =	vor.u32 v7, v13  }
0x18c: {  	s29 =	simm.s32 $0x11;
	s30 =	simm.s32 $0x22;
	v9 =	vor.u32 v9, v15;
	v15 =	vor.u32 v7, v16;
	v16 =	vor.u32 v18, v20  }
0x18d: {  	v45 =	vmov s30;
	v21 =	vmov s29;
	s29 =	simm.s32 $0xD;
	v16 =	vor.u32 v7, v16  }
0x18e: {  	v35 =	vshll.u32 v45, $0x3;
	v22 =	vshll.u32 v21, $0x3;
	v27 =	vmov s29;
	s29 =	simm.s32 $0x8  }
0x18f: {  	s24 =	simm.s32 $0x3;
	s26 =	simm.s32 $0x2;
	v21 =	vand.u32 $0x71, v21;
	v22 =	vand.u32 $0x400, v22;
	v41 =	vmov s29;
	s29 =	simm.s32 $0x21  }
0x190: {  	v10 =	vmov s24;
	v44 =	vmov s29;
	v12 =	vmov s26;
	v13 =	vld.idx.msk [tilespmem:v13+s13+$0x0], $0xffff  }
0x191: {  	v58 =	vand.u32 $0x61, v44;
	v14 =	vand.u32 $0x62, v12;
	v18 =	vor.u32 v18, v8  }
0x192: {  	v12 =	vshll.u32 v12, $0x3;
	v18 =	vor.u32 v20, v18;
	v20 =	vor.u32 v21, v22;
	v16 =	vld.idx.msk [tilespmem:v16+s13+$0x0], $0xffff  }
0x193: {  	v34 =	vshll.u32 v44, $0x3;
	s25 =	simm.s32 $0x14;
	v12 =	vand.u32 $0x400, v12;
	v20 =	vor.u32 v7, v20  }
0x194: {  	v26 =	vmov s25;
	v17 =	vor.u32 v14, v8;
	v14 =	vor.u32 v14, v12  }
0x195: {  	v11 =	vor.u32 v11, v19;
	v19 =	vand.u32 $0x63, v10;
	v14 =	vor.u32 v7, v14;
	[tilespmem:v9+s9+$0x0] =	vst.idx.add.f32.msk $0xffff, v13  }
0x196: {  	v10 =	vshll.u32 v10, $0x3;
	v12 =	vor.u32 v12, v17;
	v17 =	vshll.u32 v23, $0x3;
	v15 =	vld.idx.msk [tilespmem:v15+s13+$0x0], $0xffff  }
0x197: {  	v23 =	vand.u32 $0x72, v23;
	v17 =	vand.u32 $0x400, v17;
	v21 =	vor.u32 v21, v8;
	[tilespmem:v18+s9+$0x0] =	vst.idx.add.f32.msk $0xffff, v16  }
0x198: {  	v10 =	vand.u32 $0x400, v10;
	v21 =	vor.u32 v22, v21;
	v22 =	vor.u32 v23, v17;
	v20 =	vld.idx.msk [tilespmem:v20+s13+$0x0], $0xffff  }
0x199: {  	s31 =	simm.s32 $0x13;
	v62 =	vor.u32 v49, v8;
	v9 =	vor.u32 v19, v10;
	v13 =	vor.u32 v7, v22  }
0x19a: {  	v22 =	vmov s31;
	v16 =	vor.u32 v23, v8;
	v19 =	vor.u32 v19, v8  }
0x19b: {  	s24 =	simm.s32 $0x4;
	v9 =	vor.u32 v7, v9;
	v24 =	vand.u32 $0x73, v22;
	v22 =	vshll.u32 v22, $0x3;
	[tilespmem:v11+s9+$0x0] =	vst.idx.add.f32.msk $0xffff, v15  }
0x19c: {  	v16 =	vor.u32 v17, v16;
	v18 =	vand.u32 $0x400, v22;
	v22 =	vmov s24;
	v14 =	vld.idx.msk [tilespmem:v14+s13+$0x0], $0xffff  }
0x19d: {  	v10 =	vor.u32 v10, v19;
	v19 =	vor.u32 v24, v8;
	v23 =	vshll.u32 v22, $0x3;
	[tilespmem:v21+s9+$0x0] =	vst.idx.add.f32.msk $0xffff, v20  }
0x19e: {  	v17 =	vor.u32 v24, v18;
	v22 =	vand.u32 $0x64, v22;
	v23 =	vand.u32 $0x400, v23;
	v13 =	vld.idx.msk [tilespmem:v13+s13+$0x0], $0xffff  }
0x19f: {  	v24 =	vand.u32 $0x74, v26;
	v17 =	vor.u32 v7, v17;
	v25 =	vor.u32 v22, v23  }
0x1a0: {  	s28 =	simm.s32 $0xF;
	s26 =	simm.s32 $0x5;
	s22 =	simm.s32 $0x20;
	v18 =	vor.u32 v18, v19;
	v11 =	vor.u32 v7, v25;
	v15 =	vshll.u32 v26, $0x3  }
0x1a1: {  	v20 =	vmov s22;
	v21 =	vmov s26;
	s26 =	simm.s32 $0xE;
	v25 =	vmov s28;
	[tilespmem:v12+s9+$0x0] =	vst.idx.add.f32.msk $0xffff, v14  }
0x1a2: {  	s28 =	simm.s32 $0xA;
	v15 =	vand.u32 $0x400, v15;
	v26 =	vshll.u32 v21, $0x3;
	v28 =	vmov s26;
	v9 =	vld.idx.msk [tilespmem:v9+s13+$0x0], $0xffff  }
0x1a3: {  	v21 =	vand.u32 $0x65, v21;
	v30 =	vmov s28;
	v47 =	vshll.u32 v20, $0x3;
	[tilespmem:v16+s9+$0x0] =	vst.idx.add.f32.msk $0xffff, v13  }
0x1a4: {  	v19 =	vor.u32 v24, v15;
	v26 =	vand.u32 $0x400, v26;
	v37 =	vand.u32 $0x400, v47;
	v17 =	vld.idx.msk [tilespmem:v17+s13+$0x0], $0xffff  }
0x1a5: {  	s31 =	simm.s32 $0x15;
	s26 =	simm.s32 $0x6;
	v19 =	vor.u32 v7, v19;
	v12 =	vor.u32 v22, v8;
	v14 =	vor.u32 v21, v26  }
0x1a6: {  	v22 =	vmov s31;
	v13 =	vor.u32 v24, v8;
	v24 =	vmov s26  }
0x1a7: {  	s26 =	simm.s32 $0x16;
	v12 =	vor.u32 v23, v12;
	v14 =	vor.u32 v7, v14;
	v23 =	vshll.u32 v22, $0x3;
	[tilespmem:v10+s9+$0x0] =	vst.idx.add.f32.msk $0xffff, v9  }
0x1a8: {  	s25 =	simm.s32 $0xB;
	v16 =	vand.u32 $0x75, v22;
	v15 =	vor.u32 v15, v13;
	v43 =	vmov s26;
	s26 =	simm.s32 $0x19;
	v11 =	vld.idx.msk [tilespmem:v11+s13+$0x0], $0xffff  }
0x1a9: {  	v22 =	vand.u32 $0x400, v23;
	v23 =	vmov s25;
	s25 =	simm.s32 $0x18;
	v53 =	vmov s26;
	[tilespmem:v18+s9+$0x0] =	vst.idx.add.f32.msk $0xffff, v17  }
0x1aa: {  	v13 =	vor.u32 v16, v22;
	v16 =	vor.u32 v16, v8;
	v50 =	vmov s25;
	v19 =	vld.idx.msk [tilespmem:v19+s13+$0x0], $0xffff  }
0x1ab: {  	v54 =	vshll.u32 v53, $0x3;
	v31 =	vor.u32 v7, v13;
	v13 =	vshll.u32 v24, $0x3  }
0x1ac: {  	v10 =	vand.u32 $0x66, v24;
	v24 =	vand.u32 $0x400, v13;
	v13 =	vor.u32 v21, v8  }
0x1ad: {  	v21 =	vor.u32 v10, v24;
	v17 =	vor.u32 v26, v13;
	v13 =	vshll.u32 v43, $0x3;
	[tilespmem:v12+s9+$0x0] =	vst.idx.add.f32.msk $0xffff, v11  }
0x1ae: {  	s31 =	simm.s32 $0x7;
	v18 =	vor.u32 v7, v21;
	v21 =	vand.u32 $0x76, v43;
	v26 =	vand.u32 $0x400, v13;
	v14 =	vld.idx.msk [tilespmem:v14+s13+$0x0], $0xffff  }
0x1af: {  	v22 =	vor.u32 v22, v16;
	v9 =	vmov s31;
	v16 =	vor.u32 v21, v26;
	[tilespmem:v15+s9+$0x0] =	vst.idx.add.f32.msk $0xffff, v19  }
0x1b0: {  	v55 =	vand.u32 $0x79, v53;
	v46 =	vor.u32 v7, v16;
	v12 =	vshll.u32 v9, $0x3;
	v19 =	vld.idx.msk [tilespmem:v31+s13+$0x0], $0xffff  }
0x1b1: {  	s31 =	simm.s32 $0x17;
	v11 =	vand.u32 $0x60, v20;
	v20 =	vand.u32 $0x67, v9;
	v48 =	vand.u32 $0x400, v12  }
0x1b2: {  	v10 =	vor.u32 v10, v8;
	v15 =	vmov s31;
	v12 =	vor.u32 v20, v48  }
0x1b3: {  	v10 =	vor.u32 v24, v10;
	v24 =	vor.u32 v7, v12;
	v12 =	vshll.u32 v15, $0x3;
	[tilespmem:v17+s9+$0x0] =	vst.idx.add.f32.msk $0xffff, v14  }
0x1b4: {  	v16 =	vor.u32 v21, v8;
	v15 =	vand.u32 $0x77, v15;
	v21 =	vand.u32 $0x400, v12;
	v18 =	vld.idx.msk [tilespmem:v18+s13+$0x0], $0xffff  }
0x1b5: {  	v12 =	vand.u32 $0x6E, v28;
	v14 =	vshll.u32 v28, $0x3;
	v28 =	vshll.u32 v41, $0x3;
	[tilespmem:v22+s9+$0x0] =	vst.idx.add.f32.msk $0xffff, v19  }
0x1b6: {  	s28 =	simm.s32 $0x23;
	v26 =	vor.u32 v26, v16;
	v16 =	vor.u32 v15, v21;
	v22 =	vand.u32 $0x400, v28;
	v28 =	vld.idx.msk [tilespmem:v46+s13+$0x0], $0xffff  }
0x1b7: {  	v32 =	vand.u32 $0x78, v50;
	v13 =	vmov s28;
	v17 =	vor.u32 v7, v16  }
0x1b8: {  	v43 =	vand.u32 $0x400, v29;
	v29 =	vor.u32 v58, v8;
	v9 =	vand.u32 $0x6F, v25  }
0x1b9: {  	v57 =	vor.u32 v11, v8;
	v20 =	vor.u32 v20, v8;
	v19 =	vand.u32 $0x68, v41;
	[tilespmem:v10+s9+$0x0] =	vst.idx.add.f32.msk $0xffff, v18  }
0x1ba: {  	v51 =	vor.u32 v48, v20;
	v20 =	vshll.u32 v50, $0x3;
	v31 =	vor.u32 v19, v22;
	v18 =	vld.idx.msk [tilespmem:v24+s13+$0x0], $0xffff  }
0x1bb: {  	v52 =	vand.u32 $0x400, v20;
	v15 =	vor.u32 v15, v8;
	v31 =	vor.u32 v7, v31;
	[tilespmem:v26+s9+$0x0] =	vst.idx.add.f32.msk $0xffff, v28  }
0x1bc: {  	v11 =	vor.u32 v11, v37;
	v10 =	vor.u32 v21, v15;
	v15 =	vor.u32 v32, v52;
	v17 =	vld.idx.msk [tilespmem:v17+s13+$0x0], $0xffff  }
0x1bd: {  	v25 =	vshll.u32 v25, $0x3;
	v11 =	vor.u32 v7, v11;
	v15 =	vor.u32 v7, v15  }
0x1be: {  	v19 =	vor.u32 v19, v8;
	v26 =	vand.u32 $0x6A, v30;
	v24 =	vshll.u32 v42, $0x3  }
0x1bf: {  	v28 =	vshll.u32 v30, $0x3;
	v30 =	vand.u32 $0x69, v42;
	v24 =	vand.u32 $0x400, v24;
	[tilespmem:v51+s9+$0x0] =	vst.idx.add.f32.msk $0xffff, v18  }
0x1c0: {  	v20 =	vand.u32 $0x62, v45;
	v19 =	vor.u32 v22, v19;
	v33 =	vor.u32 v30, v24;
	v31 =	vld.idx.msk [tilespmem:v31+s13+$0x0], $0xffff  }
0x1c1: {  	v22 =	vor.u32 v7, v33;
	v33 =	vand.u32 $0x400, v54;
	v18 =	vor.u32 v32, v8;
	[tilespmem:v10+s9+$0x0] =	vst.idx.add.f32.msk $0xffff, v17  }
0x1c2: {  	v59 =	vor.u32 v12, v8;
	v56 =	vor.u32 v55, v33;
	v18 =	vor.u32 v52, v18;
	v15 =	vld.idx.msk [tilespmem:v15+s13+$0x0], $0xffff  }
0x1c3: {  	s28 =	simm.s32 $0x1A;
	v16 =	vand.u32 $0x6D, v27;
	v21 =	vand.u32 $0x6B, v23;
	v36 =	vor.u32 v7, v56  }
0x1c4: {  	v23 =	vshll.u32 v23, $0x3;
	v28 =	vand.u32 $0x400, v28;
	v42 =	vmov s28  }
0x1c5: {  	v10 =	vand.u32 $0x400, v25;
	v25 =	vor.u32 v30, v8;
	v30 =	vor.u32 v26, v28;
	[tilespmem:v19+s9+$0x0] =	vst.idx.add.f32.msk $0xffff, v31  }
0x1c6: {  	v24 =	vor.u32 v24, v25;
	v30 =	vor.u32 v7, v30;
	v19 =	vshll.u32 v42, $0x3;
	v22 =	vld.idx.msk [tilespmem:v22+s13+$0x0], $0xffff  }
0x1c7: {  	v25 =	vor.u32 v55, v8;
	v31 =	vand.u32 $0x7A, v42;
	[tilespmem:v18+s9+$0x0] =	vst.idx.add.f32.msk $0xffff, v15;
	v60 =	vand.u32 $0x400, v19  }
0x1c8: {  	v18 =	vand.u32 $0x400, v14;
	v14 =	vor.u32 v33, v25;
	v61 =	vld.idx.msk [tilespmem:v36+s13+$0x0], $0xffff;
	v15 =	vor.u32 v31, v60  }
0x1c9: {  	v63 =	vor.u32 v21, v8;
	v23 =	vand.u32 $0x400, v23;
	v15 =	vor.u32 v7, v15  }
0x1ca: {  	s29 =	simm.s32 $0x1B;
	v27 =	vshll.u32 v27, $0x3;
	v21 =	vor.u32 v21, v23;
	v23 =	vor.u32 v23, v63  }
0x1cb: {  	v21 =	vor.u32 v7, v21;
	v26 =	vor.u32 v26, v8;
	[tilespmem:v24+s9+$0x0] =	vst.idx.add.f32.msk $0xffff, v22;
	v22 =	vmov s29  }
0x1cc: {  	v45 =	vor.u32 v28, v26;
	v19 =	vand.u32 $0x400, v27;
	v44 =	vld.idx.msk [tilespmem:v30+s13+$0x0], $0xffff;
	v24 =	vshll.u32 v22, $0x3  }
0x1cd: {  	[tilespmem:v14+s9+$0x0] =	vst.idx.add.f32.msk $0xffff, v61;
	v14 =	vor.u32 v31, v8;
	v27 =	vand.u32 $0x7B, v22;
	v26 =	vand.u32 $0x400, v24  }
0x1ce: {  	v17 =	vor.u32 v16, v8;
	v47 =	vor.u32 v60, v14;
	v46 =	vld.idx.msk [tilespmem:v15+s13+$0x0], $0xffff;
	v14 =	vor.u32 v27, v26  }
0x1cf: {  	v28 =	vand.u32 $0x400, v35;
	v30 =	vand.u32 $0x400, v34;
	v24 =	vor.u32 v7, v14  }
0x1d0: {  	s31 =	simm.s32 $0x30;
	v32 =	vld.idx.msk [tilespmem:v11+s13+$0x0], $0xffff;
	v25 =	vor.u32 v20, v8;
	v31 =	vor.u32 v37, v57;
	v15 =	vor.u32 v58, v30  }
0x1d1: {  	s30 =	simm.s32 $0x1C;
	v35 =	vmov s31;
	v11 =	vor.u32 v18, v59;
	v33 =	vor.u32 v7, v15;
	[tilespmem:v45+s9+$0x0] =	vst.idx.add.f32.msk $0xffff, v44  }
0x1d2: {  	v34 =	vmov s30;
	v15 =	vor.u32 v43, v62;
	v22 =	vld.idx.msk [tilespmem:v21+s13+$0x0], $0xffff;
	v21 =	vor.u32 v49, v43  }
0x1d3: {  	s24 =	simm.s32 $0x40;
	v36 =	vshll.u32 v34, $0x3;
	v14 =	vor.u32 v9, v10;
	[tilespmem:v47+s9+$0x0] =	vst.idx.add.f32.msk $0xffff, v46;
	v21 =	vor.u32 v7, v21  }
.LBB2_8:
0x1d4: {  	p0 =	slt.u32 s24, $0xE0;
	v24 =	vld.idx.msk [tilespmem:v24+s13+$0x0], $0xffff;
	v27 =	vor.u32 v27, v8;
	v34 =	vand.u32 $0x7C, v34;
	v36 =	vand.u32 $0x400, v36  }
0x1d5: {  	[tilespmem:v31+s9+$0x0] =	vst.idx.add.f32.msk $0xffff, v32;
	v31 =	vshll.u32 v35, $0x3;
	v26 =	vor.u32 v26, v27;
	v27 =	vor.u32 v34, v36  }
0x1d6: {  	v32 =	vld.idx.msk [tilespmem:v33+s13+$0x0], $0xffff;
	v33 =	vand.u32 $0x70, v35;
	v31 =	vand.u32 $0x400, v31;
	v27 =	vor.u32 v7, v27  }
0x1d7: {  	v29 =	vor.u32 v30, v29;
	v16 =	vor.u32 v16, v19;
	v30 =	vor.u32 v33, v31  }
0x1d8: {  	v20 =	vor.u32 v20, v28;
	s25 =	sadd.s32 $0x1D, s23;
	v35 =	vand.u32 $0x63, v13;
	v30 =	vor.u32 v7, v30;
	[tilespmem:v23+s9+$0x0] =	vst.idx.add.f32.msk $0xffff, v22  }
0x1d9: {  	s26 =	sadd.s32 $0x11, s22;
	v20 =	vor.u32 v7, v20;
	v16 =	vor.u32 v7, v16;
	v22 =	vmov s25;
	v21 =	vld.idx.msk [tilespmem:v21+s13+$0x0], $0xffff  }
0x1da: {  	v23 =	vmov s26;
	[tilespmem:v26+s9+$0x0] =	vst.idx.add.f32.msk $0xffff, v24;
	v24 =	vand.u32 $0x7D, v22;
	v22 =	vshll.u32 v22, $0x3  }
0x1db: {  	v34 =	vor.u32 v34, v8;
	v26 =	vand.u32 $0x71, v23;
	v27 =	vld.idx.msk [tilespmem:v27+s13+$0x0], $0xffff;
	v22 =	vand.u32 $0x400, v22  }
0x1dc: {  	v23 =	vshll.u32 v23, $0x3;
	[tilespmem:v29+s9+$0x0] =	vst.idx.add.f32.msk $0xffff, v32;
	v29 =	vor.u32 v36, v34;
	v32 =	vor.u32 v24, v22  }
0x1dd: {  	v33 =	vor.u32 v33, v8;
	v23 =	vand.u32 $0x400, v23;
	v30 =	vld.idx.msk [tilespmem:v30+s13+$0x0], $0xffff;
	v32 =	vor.u32 v7, v32  }
0x1de: {  	v17 =	vor.u32 v19, v17;
	v31 =	vor.u32 v31, v33;
	v33 =	vor.u32 v26, v23;
	v20 =	vld.idx.msk [tilespmem:v20+s13+$0x0], $0xffff  }
0x1df: {  	v12 =	vor.u32 v12, v18;
	v13 =	vshll.u32 v13, $0x3;
	s25 =	sadd.s32 $0x1E, s23;
	v19 =	vor.u32 v7, v33;
	[tilespmem:v15+s9+$0x0] =	vst.idx.add.f32.msk $0xffff, v21  }
0x1e0: {  	v12 =	vor.u32 v7, v12;
	s26 =	sadd.s32 $0x12, s22;
	v18 =	vmov s25;
	v15 =	vor.u32 v28, v25;
	v16 =	vld.idx.msk [tilespmem:v16+s13+$0x0], $0xffff  }
0x1e1: {  	v21 =	vmov s26;
	v25 =	vand.u32 $0x7E, v18;
	v18 =	vshll.u32 v18, $0x3;
	[tilespmem:v29+s9+$0x0] =	vst.idx.add.f32.msk $0xffff, v27  }
0x1e2: {  	v24 =	vor.u32 v24, v8;
	v18 =	vand.u32 $0x400, v18;
	v27 =	vand.u32 $0x72, v21;
	v28 =	vld.idx.msk [tilespmem:v32+s13+$0x0], $0xffff  }
0x1e3: {  	v22 =	vor.u32 v22, v24;
	v21 =	vshll.u32 v21, $0x3;
	v24 =	vor.u32 v25, v18;
	[tilespmem:v31+s9+$0x0] =	vst.idx.add.f32.msk $0xffff, v30  }
0x1e4: {  	v26 =	vor.u32 v26, v8;
	v21 =	vand.u32 $0x400, v21;
	v24 =	vor.u32 v7, v24;
	v19 =	vld.idx.msk [tilespmem:v19+s13+$0x0], $0xffff  }
0x1e5: {  	v13 =	vand.u32 $0x400, v13;
	[tilespmem:v15+s9+$0x0] =	vst.idx.add.f32.msk $0xffff, v20;
	v15 =	vor.u32 v23, v26;
	v20 =	vor.u32 v27, v21  }
0x1e6: {  	s25 =	sadd.s32 $0x1F, s23;
	s23 =	smov.u32 s22;
	s22 =	smov.u32 s24;
	v23 =	vor.u32 v35, v13;
	v20 =	vor.u32 v7, v20;
	[tilespmem:v17+s9+$0x0] =	vst.idx.add.f32.msk $0xffff, v16  }
0x1e7: {  	v14 =	vor.u32 v7, v14;
	s26 =	sadd.s32 $0x13, s23;
	v16 =	vor.u32 v7, v23;
	v17 =	vmov s25;
	v12 =	vld.idx.msk [tilespmem:v12+s13+$0x0], $0xffff  }
0x1e8: {  	v23 =	vmov s26;
	[tilespmem:v22+s9+$0x0] =	vst.idx.add.f32.msk $0xffff, v28;
	v22 =	vand.u32 $0x7F, v17;
	v17 =	vshll.u32 v17, $0x3  }
0x1e9: {  	v25 =	vor.u32 v25, v8;
	v26 =	vand.u32 $0x73, v23;
	v24 =	vld.idx.msk [tilespmem:v24+s13+$0x0], $0xffff;
	v17 =	vand.u32 $0x400, v17  }
0x1ea: {  	v18 =	vor.u32 v18, v25;
	[tilespmem:v15+s9+$0x0] =	vst.idx.add.f32.msk $0xffff, v19;
	v15 =	vshll.u32 v23, $0x3;
	v19 =	vor.u32 v22, v17  }
0x1eb: {  	s25 =	sadd.s32 $0x4, s23;
	v23 =	vor.u32 v27, v8;
	v20 =	vld.idx.msk [tilespmem:v20+s13+$0x0], $0xffff;
	v15 =	vand.u32 $0x400, v15;
	v19 =	vor.u32 v7, v19  }
0x1ec: {  	v25 =	vmov s25;
	v21 =	vor.u32 v21, v23;
	v16 =	vld.idx.msk [tilespmem:v16+s13+$0x0], $0xffff;
	v23 =	vor.u32 v26, v15  }
0x1ed: {  	v27 =	vand.u32 $0x64, v25;
	v23 =	vor.u32 v7, v23;
	[tilespmem:v11+s9+$0x0] =	vst.idx.add.f32.msk $0xffff, v12  }
0x1ee: {  	v9 =	vor.u32 v9, v8;
	v11 =	vor.u32 v35, v8;
	v12 =	vshll.u32 v25, $0x3;
	v14 =	vld.idx.msk [tilespmem:v14+s13+$0x0], $0xffff  }
0x1ef: {  	v9 =	vor.u32 v10, v9;
	s25 =	sadd.s32 $0x14, s23;
	v11 =	vor.u32 v13, v11;
	v12 =	vand.u32 $0x400, v12;
	[tilespmem:v18+s9+$0x0] =	vst.idx.add.f32.msk $0xffff, v24  }
0x1f0: {  	v13 =	vmov s25;
	v10 =	vor.u32 v27, v12;
	v18 =	vld.idx.msk [tilespmem:v19+s13+$0x0], $0xffff;
	v19 =	vor.u32 v22, v8  }
0x1f1: {  	v10 =	vor.u32 v7, v10;
	[tilespmem:v21+s9+$0x0] =	vst.idx.add.f32.msk $0xffff, v20;
	v20 =	vshll.u32 v13, $0x3;
	v17 =	vor.u32 v17, v19  }
0x1f2: {  	v21 =	vor.u32 v26, v8;
	v13 =	vand.u32 $0x74, v13;
	v19 =	vld.idx.msk [tilespmem:v23+s13+$0x0], $0xffff;
	v20 =	vand.u32 $0x400, v20  }
0x1f3: {  	s26 =	sadd.s32 $0xF, s23;
	s25 =	sadd.s32 $0x5, s23;
	v22 =	vmov s24;
	v15 =	vor.u32 v15, v21;
	v21 =	vor.u32 v13, v20  }
0x1f4: {  	s28 =	sadd.s32 $0xE, s23;
	[tilespmem:v11+s9+$0x0] =	vst.idx.add.f32.msk $0xffff, v16;
	v11 =	vmov s25;
	s25 =	sadd.s32 $0xD, s23;
	v16 =	vmov s26;
	v21 =	vor.u32 v7, v21  }
0x1f5: {  	v25 =	vmov s28;
	s26 =	sadd.s32 $0xC, s23;
	v23 =	vshll.u32 v11, $0x3;
	v24 =	vmov s25;
	[tilespmem:v9+s9+$0x0] =	vst.idx.add.f32.msk $0xffff, v14  }
0x1f6: {  	v9 =	vand.u32 $0x65, v11;
	v14 =	vmov s26;
	s25 =	sadd.s32 $0x15, s23;
	v11 =	vand.u32 $0x400, v23;
	[tilespmem:v17+s9+$0x0] =	vst.idx.add.f32.msk $0xffff, v18  }
0x1f7: {  	v17 =	vor.u32 v27, v8;
	v23 =	vmov s25;
	v10 =	vld.idx.msk [tilespmem:v10+s13+$0x0], $0xffff;
	v18 =	vor.u32 v9, v11  }
0x1f8: {  	v12 =	vor.u32 v12, v17;
	v17 =	vor.u32 v7, v18;
	[tilespmem:v15+s9+$0x0] =	vst.idx.add.f32.msk $0xffff, v19;
	v15 =	vshll.u32 v23, $0x3  }
0x1f9: {  	v13 =	vor.u32 v13, v8;
	s25 =	sadd.s32 $0xB, s23;
	v19 =	vand.u32 $0x75, v23;
	v18 =	vld.idx.msk [tilespmem:v21+s13+$0x0], $0xffff;
	v15 =	vand.u32 $0x400, v15  }
0x1fa: {  	s28 =	sadd.s32 $0xA, s23;
	v13 =	vor.u32 v20, v13;
	s26 =	sadd.s32 $0x6, s23;
	v23 =	vmov s25;
	v20 =	vor.u32 v19, v15  }
0x1fb: {  	v26 =	vmov s28;
	s25 =	sadd.s32 $0x8, s23;
	v21 =	vmov s26;
	s26 =	sadd.s32 $0x9, s23;
	v20 =	vor.u32 v7, v20  }
0x1fc: {  	s28 =	sadd.s32 $0x7, s23;
	v28 =	vmov s25;
	v27 =	vshll.u32 v21, $0x3;
	v29 =	vmov s26  }
0x1fd: {  	s25 =	sadd.s32 $0x16, s23;
	[tilespmem:v12+s9+$0x0] =	vst.idx.add.f32.msk $0xffff, v10;
	v10 =	vand.u32 $0x66, v21;
	v12 =	vand.u32 $0x400, v27;
	v21 =	vmov s28  }
0x1fe: {  	v9 =	vor.u32 v9, v8;
	v30 =	vmov s25;
	v17 =	vld.idx.msk [tilespmem:v17+s13+$0x0], $0xffff;
	v27 =	vor.u32 v10, v12  }
0x1ff: {  	v9 =	vor.u32 v11, v9;
	v11 =	vshll.u32 v30, $0x3;
	v27 =	vor.u32 v7, v27;
	[tilespmem:v13+s9+$0x0] =	vst.idx.add.f32.msk $0xffff, v18  }
0x200: {  	s25 =	sadd.s32 $0x3, s24;
	v19 =	vor.u32 v19, v8;
	v18 =	vld.idx.msk [tilespmem:v20+s13+$0x0], $0xffff;
	v20 =	vand.u32 $0x76, v30;
	v30 =	vand.u32 $0x400, v11  }
0x201: {  	s26 =	sadd.s32 $0x1, s24;
	v15 =	vor.u32 v15, v19;
	s28 =	sadd.s32 $0x2, s24;
	v13 =	vmov s25;
	v11 =	vor.u32 v20, v30  }
0x202: {  	v19 =	vmov s26;
	v31 =	vmov s28;
	v32 =	vor.u32 v7, v11  }
0x203: {  	v33 =	vshll.u32 v21, $0x3;
	v11 =	vand.u32 $0x60, v22;
	v22 =	vshll.u32 v22, $0x3  }
0x204: {  	v33 =	vand.u32 $0x400, v33;
	s25 =	sadd.s32 $0x17, s23;
	[tilespmem:v9+s9+$0x0] =	vst.idx.add.f32.msk $0xffff, v17;
	v17 =	vand.u32 $0x67, v21;
	v9 =	vand.u32 $0x6F, v16  }
0x205: {  	v10 =	vor.u32 v10, v8;
	v34 =	vmov s25;
	v21 =	vld.idx.msk [tilespmem:v27+s13+$0x0], $0xffff;
	v27 =	vor.u32 v17, v33  }
0x206: {  	v10 =	vor.u32 v12, v10;
	v12 =	vshll.u32 v34, $0x3;
	v27 =	vor.u32 v7, v27;
	[tilespmem:v15+s9+$0x0] =	vst.idx.add.f32.msk $0xffff, v18  }
0x207: {  	v18 =	vor.u32 v20, v8;
	v20 =	vand.u32 $0x77, v34;
	v15 =	vld.idx.msk [tilespmem:v32+s13+$0x0], $0xffff;
	v32 =	vand.u32 $0x400, v12  }
0x208: {  	v34 =	vshll.u32 v16, $0x3;
	v18 =	vor.u32 v30, v18;
	v16 =	vor.u32 v20, v32  }
0x209: {  	v12 =	vand.u32 $0x6E, v25;
	v25 =	vshll.u32 v25, $0x3;
	v30 =	vor.u32 v7, v16  }
0x20a: {  	v35 =	vshll.u32 v28, $0x3;
	v16 =	vand.u32 $0x6D, v24;
	v24 =	vshll.u32 v24, $0x3  }
0x20b: {  	s25 =	sadd.s32 $0x18, s23;
	[tilespmem:v10+s9+$0x0] =	vst.idx.add.f32.msk $0xffff, v21;
	v10 =	vand.u32 $0x68, v28;
	v28 =	vand.u32 $0x400, v35;
	v21 =	vand.u32 $0x6C, v14  }
0x20c: {  	v36 =	vmov s25;
	v17 =	vor.u32 v17, v8;
	v27 =	vld.idx.msk [tilespmem:v27+s13+$0x0], $0xffff;
	v35 =	vor.u32 v10, v28  }
0x20d: {  	v17 =	vor.u32 v33, v17;
	v33 =	vor.u32 v7, v35;
	[tilespmem:v18+s9+$0x0] =	vst.idx.add.f32.msk $0xffff, v15;
	v15 =	vshll.u32 v36, $0x3  }
0x20e: {  	v20 =	vor.u32 v20, v8;
	v18 =	vld.idx.msk [tilespmem:v30+s13+$0x0], $0xffff;
	v30 =	vand.u32 $0x78, v36;
	v15 =	vand.u32 $0x400, v15  }
0x20f: {  	v32 =	vor.u32 v32, v20;
	v14 =	vshll.u32 v14, $0x3;
	v20 =	vor.u32 v30, v15  }
0x210: {  	v35 =	vand.u32 $0x6B, v23;
	v23 =	vshll.u32 v23, $0x3;
	v36 =	vor.u32 v7, v20  }
0x211: {  	v38 =	vand.u32 $0x6A, v26;
	v26 =	vshll.u32 v26, $0x3;
	v37 =	vshll.u32 v29, $0x3  }
0x212: {  	s25 =	sadd.s32 $0x19, s23;
	v20 =	vand.u32 $0x62, v31;
	[tilespmem:v17+s9+$0x0] =	vst.idx.add.f32.msk $0xffff, v27;
	v27 =	vand.u32 $0x69, v29;
	v29 =	vand.u32 $0x400, v37  }
0x213: {  	v10 =	vor.u32 v10, v8;
	v37 =	vmov s25;
	v17 =	vld.idx.msk [tilespmem:v33+s13+$0x0], $0xffff;
	v33 =	vor.u32 v27, v29  }
0x214: {  	v10 =	vor.u32 v28, v10;
	v28 =	vor.u32 v7, v33;
	[tilespmem:v32+s9+$0x0] =	vst.idx.add.f32.msk $0xffff, v18;
	v18 =	vshll.u32 v37, $0x3  }
0x215: {  	v30 =	vor.u32 v30, v8;
	v33 =	vand.u32 $0x79, v37;
	v32 =	vld.idx.msk [tilespmem:v36+s13+$0x0], $0xffff;
	v36 =	vand.u32 $0x400, v18  }
0x216: {  	v15 =	vor.u32 v15, v30;
	v37 =	vshll.u32 v31, $0x3;
	v18 =	vor.u32 v33, v36  }
0x217: {  	v39 =	vand.u32 $0x61, v19;
	v30 =	vor.u32 v11, v8;
	v18 =	vor.u32 v7, v18  }
0x218: {  	v40 =	vshll.u32 v19, $0x3;
	v22 =	vand.u32 $0x400, v22;
	v41 =	vor.u32 v12, v8  }
0x219: {  	v26 =	vand.u32 $0x400, v26;
	s25 =	sadd.s32 $0x1A, s23;
	[tilespmem:v10+s9+$0x0] =	vst.idx.add.f32.msk $0xffff, v17;
	v17 =	vor.u32 v16, v8;
	v10 =	vand.u32 $0x400, v34  }
0x21a: {  	v19 =	vor.u32 v27, v8;
	v27 =	vor.u32 v38, v26;
	v31 =	vmov s25;
	v28 =	vld.idx.msk [tilespmem:v28+s13+$0x0], $0xffff  }
0x21b: {  	v29 =	vor.u32 v29, v19;
	v27 =	vor.u32 v7, v27;
	[tilespmem:v15+s9+$0x0] =	vst.idx.add.f32.msk $0xffff, v32;
	v15 =	vshll.u32 v31, $0x3  }
0x21c: {  	v19 =	vor.u32 v33, v8;
	v31 =	vand.u32 $0x7A, v31;
	v32 =	vld.idx.msk [tilespmem:v18+s13+$0x0], $0xffff;
	v15 =	vand.u32 $0x400, v15  }
0x21d: {  	v33 =	vor.u32 v36, v19;
	v18 =	vand.u32 $0x400, v25;
	v25 =	vor.u32 v31, v15  }
0x21e: {  	v19 =	vand.u32 $0x400, v24;
	v34 =	vor.u32 v21, v8;
	v24 =	vor.u32 v7, v25  }
0x21f: {  	v42 =	vand.u32 $0x400, v14;
	v11 =	vor.u32 v11, v22;
	v36 =	vor.u32 v35, v8  }
0x220: {  	v14 =	vor.u32 v38, v8;
	v23 =	vand.u32 $0x400, v23;
	v11 =	vor.u32 v7, v11;
	s25 =	sadd.s32 $0x1B, s23;
	[tilespmem:v29+s9+$0x0] =	vst.idx.add.f32.msk $0xffff, v28  }
0x221: {  	v25 =	vor.u32 v20, v8;
	v28 =	vmov s25;
	v38 =	vld.idx.msk [tilespmem:v27+s13+$0x0], $0xffff;
	v27 =	vor.u32 v35, v23  }
0x222: {  	v35 =	vor.u32 v26, v14;
	v14 =	vshll.u32 v28, $0x3;
	v43 =	vor.u32 v7, v27;
	[tilespmem:v33+s9+$0x0] =	vst.idx.add.f32.msk $0xffff, v32  }
0x223: {  	v27 =	vand.u32 $0x7B, v28;
	v26 =	vand.u32 $0x400, v14;
	v44 =	vld.idx.msk [tilespmem:v24+s13+$0x0], $0xffff;
	v24 =	vor.u32 v31, v8  }
0x224: {  	v29 =	vor.u32 v39, v8;
	v14 =	vor.u32 v27, v26;
	v45 =	vor.u32 v15, v24  }
.Ltmp7:
0x225: {  	v31 =	vor.u32 v22, v30;
	v30 =	vand.u32 $0x400, v40;
	v24 =	vor.u32 v7, v14;
	v32 =	vld.idx.msk [tilespmem:v11+s13+$0x0], $0xffff;
	(pc) =	sbr.rel @p0 .LBB2_8-.Ltmp7, $4  }
0x226: {  	v15 =	vor.u32 v39, v30;
	v14 =	vor.u32 v9, v10;
	v11 =	vor.u32 v18, v41  }
0x227: {  	s25 =	sadd.s32 $0x1C, s23;
	v28 =	vand.u32 $0x400, v37;
	v33 =	vor.u32 v7, v15;
	v15 =	vor.u32 v42, v34;
	[tilespmem:v35+s9+$0x0] =	vst.idx.add.f32.msk $0xffff, v38  }
0x228: {  	s26 =	sadd.s32 $0x10, s24;
	v21 =	vor.u32 v21, v42;
	v23 =	vor.u32 v23, v36;
	v34 =	vmov s25;
	v22 =	vld.idx.msk [tilespmem:v43+s13+$0x0], $0xffff  }
0x229: {  	s24 =	sadd.s32 $0x20, s24;
	v21 =	vor.u32 v7, v21;
	v36 =	vshll.u32 v34, $0x3;
	v35 =	vmov s26;
	[tilespmem:v45+s9+$0x0] =	vst.idx.add.f32.msk $0xffff, v44  }
0x22a: {  	v37 =	vshll.u32 v35, $0x3  }
0x22b: {  	v51 =	vand.u32 $0x70, v35;
	v37 =	vand.u32 $0x400, v37  }
0x22c: {  	v38 =	vor.u32 v51, v37  }
0x22d: {  	v38 =	vor.u32 v7, v38  }
0x22e: {  	s24 =	sadd.s32 $0x11, s22  }
0x22f: {  	v39 =	vmov s24  }
0x230: {  	v34 =	vand.u32 $0x7C, v34;
	v40 =	vshll.u32 v39, $0x3  }
0x231: {  	v35 =	vor.u32 v51, v8;
	v39 =	vand.u32 $0x71, v39;
	v40 =	vand.u32 $0x400, v40  }
0x232: {  	v36 =	vand.u32 $0x400, v36;
	v35 =	vor.u32 v37, v35;
	v52 =	vor.u32 v39, v40;
	v38 =	vld.idx.msk [tilespmem:v38+s13+$0x0], $0xffff  }
0x233: {  	v27 =	vor.u32 v27, v8;
	v30 =	vor.u32 v30, v29;
	v37 =	vor.u32 v7, v52  }
0x234: {  	s28 =	sadd.s32 $0x12, s22;
	v16 =	vor.u32 v16, v19;
	v20 =	vor.u32 v20, v28;
	v54 =	vand.u32 $0x63, v13  }
0x235: {  	[tilespmem:v31+s9+$0x0] =	vst.idx.add.f32.msk $0xffff, v32;
	v61 =	vshll.u32 v13, $0x3;
	v46 =	vor.u32 v28, v25;
	v53 =	vmov s28  }
0x236: {  	v17 =	vor.u32 v19, v17;
	v31 =	vld.idx.msk [tilespmem:v33+s13+$0x0], $0xffff;
	v20 =	vor.u32 v7, v20;
	v55 =	vshll.u32 v53, $0x3  }
0x237: {  	v56 =	vand.u32 $0x72, v53;
	v57 =	vor.u32 v39, v8;
	v33 =	vand.u32 $0x400, v55;
	[tilespmem:v35+s9+$0x0] =	vst.idx.add.f32.msk $0xffff, v38  }
0x238: {  	v12 =	vor.u32 v12, v18;
	v58 =	vor.u32 v40, v57;
	v59 =	vor.u32 v56, v33;
	v35 =	vld.idx.msk [tilespmem:v37+s13+$0x0], $0xffff  }
0x239: {  	s29 =	sadd.s32 $0x1D, s23;
	v14 =	vor.u32 v7, v14;
	v41 =	vor.u32 v34, v36;
	v62 =	vor.u32 v7, v59  }
0x23a: {  	s30 =	sadd.s32 $0x13, s22;
	v27 =	vor.u32 v26, v27;
	v16 =	vor.u32 v7, v16;
	v60 =	vmov s29  }
0x23b: {  	v63 =	vand.u32 $0x400, v61;
	v43 =	vor.u32 v34, v8;
	v45 =	vmov s30;
	[tilespmem:v30+s9+$0x0] =	vst.idx.add.f32.msk $0xffff, v31  }
0x23c: {  	v44 =	vor.u32 v54, v63;
	v47 =	vshll.u32 v45, $0x3;
	v48 =	vor.u32 v56, v8;
	v20 =	vld.idx.msk [tilespmem:v20+s13+$0x0], $0xffff  }
0x23d: {  	s31 =	sadd.s32 $0x4, s22;
	v49 =	vand.u32 $0x400, v47;
	v30 =	vor.u32 v7, v44;
	v31 =	vand.u32 $0x73, v45;
	[tilespmem:v58+s9+$0x0] =	vst.idx.add.f32.msk $0xffff, v35  }
0x23e: {  	v50 =	vmov s31;
	v33 =	vor.u32 v33, v48;
	v51 =	vor.u32 v31, v49;
	v37 =	vld.idx.msk [tilespmem:v62+s13+$0x0], $0xffff  }
0x23f: {  	s25 =	sadd.s32 $0x14, s22;
	v53 =	vand.u32 $0x64, v50;
	v54 =	vor.u32 v54, v8;
	v34 =	vor.u32 v7, v51  }
0x240: {  	v56 =	vmov s25;
	v52 =	vshll.u32 v50, $0x3;
	v38 =	vshll.u32 v60, $0x3  }
0x241: {  	v57 =	vor.u32 v63, v54;
	[tilespmem:v46+s9+$0x0] =	vst.idx.add.f32.msk $0xffff, v20;
	v25 =	vand.u32 $0x400, v38;
	v38 =	vand.u32 $0x400, v52  }
0x242: {  	v32 =	vand.u32 $0x74, v56;
	v30 =	vld.idx.msk [tilespmem:v30+s13+$0x0], $0xffff;
	v55 =	vor.u32 v53, v38;
	v58 =	vshll.u32 v56, $0x3  }
0x243: {  	v31 =	vor.u32 v31, v8;
	v28 =	vor.u32 v7, v55;
	v59 =	vand.u32 $0x400, v58;
	[tilespmem:v33+s9+$0x0] =	vst.idx.add.f32.msk $0xffff, v37  }
0x244: {  	s26 =	sadd.s32 $0x5, s22;
	s28 =	sadd.s32 $0x15, s22;
	v29 =	vand.u32 $0x7D, v60;
	v31 =	vor.u32 v49, v31;
	v20 =	vor.u32 v32, v59;
	v34 =	vld.idx.msk [tilespmem:v34+s13+$0x0], $0xffff  }
0x245: {  	v47 =	vmov s28;
	v60 =	vmov s26;
	v62 =	vor.u32 v7, v20  }
0x246: {  	v13 =	vor.u32 v36, v43;
	v48 =	vshll.u32 v47, $0x3;
	v63 =	vshll.u32 v60, $0x3  }
0x247: {  	v45 =	vor.u32 v53, v8;
	v44 =	vand.u32 $0x400, v63;
	[tilespmem:v57+s9+$0x0] =	vst.idx.add.f32.msk $0xffff, v30;
	v35 =	vand.u32 $0x65, v60  }
0x248: {  	v50 =	vand.u32 $0x75, v47;
	v30 =	vor.u32 v38, v45;
	v46 =	vor.u32 v35, v44;
	v28 =	vld.idx.msk [tilespmem:v28+s13+$0x0], $0xffff  }
0x249: {  	s29 =	sadd.s32 $0x6, s22;
	v49 =	vor.u32 v32, v8;
	v51 =	vand.u32 $0x400, v48;
	v36 =	vor.u32 v7, v46;
	[tilespmem:v31+s9+$0x0] =	vst.idx.add.f32.msk $0xffff, v34  }
0x24a: {  	v54 =	vmov s29;
	v53 =	vor.u32 v50, v51;
	v31 =	vor.u32 v59, v49;
	v52 =	vld.idx.msk [tilespmem:v62+s13+$0x0], $0xffff  }
0x24b: {  	s30 =	sadd.s32 $0x16, s22;
	v61 =	vor.u32 v29, v25;
	v55 =	vor.u32 v7, v53;
	v57 =	vand.u32 $0x66, v54  }
0x24c: {  	v56 =	vshll.u32 v54, $0x3;
	v60 =	vmov s30;
	v58 =	vor.u32 v35, v8  }
0x24d: {  	v63 =	vand.u32 $0x76, v60;
	v20 =	vor.u32 v7, v61;
	v33 =	vand.u32 $0x400, v56;
	[tilespmem:v30+s9+$0x0] =	vst.idx.add.f32.msk $0xffff, v28  }
0x24e: {  	v61 =	vshll.u32 v60, $0x3;
	v28 =	vor.u32 v44, v58;
	v36 =	vld.idx.msk [tilespmem:v36+s13+$0x0], $0xffff;
	v59 =	vor.u32 v57, v33  }
0x24f: {  	s31 =	sadd.s32 $0x7, s22;
	v42 =	vand.u32 $0x400, v61;
	v30 =	vor.u32 v7, v59;
	v62 =	vor.u32 v50, v8;
	[tilespmem:v31+s9+$0x0] =	vst.idx.add.f32.msk $0xffff, v52  }
0x250: {  	v43 =	vmov s31;
	v44 =	vor.u32 v63, v42;
	v31 =	vor.u32 v51, v62;
	v19 =	vld.idx.msk [tilespmem:v55+s13+$0x0], $0xffff  }
0x251: {  	v12 =	vor.u32 v7, v12;
	v45 =	vshll.u32 v43, $0x3;
	v34 =	vor.u32 v7, v44  }
0x252: {  	v26 =	vor.u32 v7, v41;
	s26 =	sadd.s32 $0x17, s22;
	v38 =	vand.u32 $0x400, v45;
	v37 =	vand.u32 $0x67, v43  }
0x253: {  	v48 =	vmov s26;
	v18 =	vor.u32 v57, v8;
	v47 =	vor.u32 v37, v38;
	[tilespmem:v28+s9+$0x0] =	vst.idx.add.f32.msk $0xffff, v36  }
0x254: {  	v33 =	vor.u32 v33, v18;
	v49 =	vshll.u32 v48, $0x3;
	v28 =	vor.u32 v7, v47;
	v30 =	vld.idx.msk [tilespmem:v30+s13+$0x0], $0xffff  }
0x255: {  	s25 =	sadd.s32 $0x1E, s23;
	v50 =	vor.u32 v63, v8;
	v51 =	vand.u32 $0x77, v48;
	v52 =	vand.u32 $0x400, v49;
	[tilespmem:v31+s9+$0x0] =	vst.idx.add.f32.msk $0xffff, v19  }
0x256: {  	s28 =	sadd.s32 $0x8, s22;
	v46 =	vmov s25;
	v54 =	vor.u32 v51, v52;
	v19 =	vor.u32 v42, v50;
	v34 =	vld.idx.msk [tilespmem:v34+s13+$0x0], $0xffff  }
0x257: {  	s29 =	sadd.s32 $0x18, s22;
	v53 =	vmov s28;
	v39 =	vshll.u32 v46, $0x3;
	v35 =	vor.u32 v7, v54  }
0x258: {  	v24 =	vld.idx.msk [tilespmem:v24+s13+$0x0], $0xffff;
	v56 =	vor.u32 v37, v8;
	v58 =	vmov s29;
	v55 =	vshll.u32 v53, $0x3  }
0x259: {  	v61 =	vand.u32 $0x78, v58;
	v36 =	vand.u32 $0x68, v53;
	v40 =	vand.u32 $0x400, v55;
	[tilespmem:v33+s9+$0x0] =	vst.idx.add.f32.msk $0xffff, v30  }
0x25a: {  	v59 =	vshll.u32 v58, $0x3;
	v57 =	vor.u32 v36, v40;
	v30 =	vor.u32 v38, v56;
	v28 =	vld.idx.msk [tilespmem:v28+s13+$0x0], $0xffff  }
0x25b: {  	s30 =	sadd.s32 $0x9, s22;
	v62 =	vand.u32 $0x400, v59;
	v60 =	vor.u32 v51, v8;
	v33 =	vor.u32 v7, v57;
	[tilespmem:v19+s9+$0x0] =	vst.idx.add.f32.msk $0xffff, v34  }
0x25c: {  	v63 =	vmov s30;
	v41 =	vor.u32 v61, v62;
	v32 =	vor.u32 v52, v60;
	v35 =	vld.idx.msk [tilespmem:v35+s13+$0x0], $0xffff  }
0x25d: {  	s31 =	sadd.s32 $0x19, s22;
	[tilespmem:v23+s9+$0x0] =	vst.idx.add.f32.msk $0xffff, v22;
	v18 =	vand.u32 $0x7E, v46;
	v44 =	vshll.u32 v63, $0x3;
	v43 =	vor.u32 v7, v41  }
0x25e: {  	[tilespmem:v27+s9+$0x0] =	vst.idx.add.f32.msk $0xffff, v24;
	v45 =	vand.u32 $0x69, v63;
	v47 =	vor.u32 v36, v8;
	v48 =	vmov s31  }
0x25f: {  	v46 =	vand.u32 $0x400, v44;
	v49 =	vshll.u32 v48, $0x3;
	v42 =	vor.u32 v29, v8;
	[tilespmem:v30+s9+$0x0] =	vst.idx.add.f32.msk $0xffff, v28  }
0x260: {  	v29 =	vor.u32 v45, v46;
	v31 =	vor.u32 v61, v8;
	v28 =	vor.u32 v40, v47;
	v33 =	vld.idx.msk [tilespmem:v33+s13+$0x0], $0xffff  }
0x261: {  	v50 =	vand.u32 $0x400, v49;
	v29 =	vor.u32 v7, v29;
	v30 =	vand.u32 $0x79, v48;
	[tilespmem:v32+s9+$0x0] =	vst.idx.add.f32.msk $0xffff, v35  }
0x262: {  	s25 =	sadd.s32 $0xA, s22;
	s30 =	sadd.s32 $0xC, s22;
	v24 =	vor.u32 v45, v8;
	v31 =	vor.u32 v62, v31;
	v52 =	vor.u32 v30, v50;
	v23 =	vld.idx.msk [tilespmem:v43+s13+$0x0], $0xffff  }
0x263: {  	v21 =	vld.idx.msk [tilespmem:v21+s13+$0x0], $0xffff;
	s26 =	sadd.s32 $0x1A, s22;
	v44 =	vmov s30;
	v51 =	vmov s25;
	v34 =	vor.u32 v7, v52  }
0x264: {  	v26 =	vld.idx.msk [tilespmem:v26+s13+$0x0], $0xffff;
	v24 =	vor.u32 v46, v24;
	v53 =	vshll.u32 v51, $0x3;
	v56 =	vmov s26  }
0x265: {  	v22 =	vor.u32 v25, v42;
	v25 =	vand.u32 $0x400, v53;
	[tilespmem:v28+s9+$0x0] =	vst.idx.add.f32.msk $0xffff, v33;
	v35 =	vand.u32 $0x6A, v51  }
0x266: {  	v58 =	vshll.u32 v56, $0x3;
	v60 =	vand.u32 $0x7A, v56;
	v29 =	vld.idx.msk [tilespmem:v29+s13+$0x0], $0xffff;
	v55 =	vor.u32 v35, v25  }
0x267: {  	s28 =	sadd.s32 $0xB, s22;
	v59 =	vor.u32 v30, v8;
	v28 =	vand.u32 $0x400, v58;
	v57 =	vor.u32 v7, v55;
	[tilespmem:v31+s9+$0x0] =	vst.idx.add.f32.msk $0xffff, v23  }
0x268: {  	s31 =	sadd.s32 $0x1F, s23;
	v61 =	vmov s28;
	v63 =	vor.u32 v60, v28;
	v23 =	vor.u32 v50, v59;
	v62 =	vld.idx.msk [tilespmem:v34+s13+$0x0], $0xffff  }
0x269: {  	[tilespmem:v15+s9+$0x0] =	vst.idx.add.f32.msk $0xffff, v21;
	v46 =	vmov s31;
	v36 =	vshll.u32 v61, $0x3;
	v32 =	vor.u32 v7, v63  }
0x26a: {  	v16 =	vld.idx.msk [tilespmem:v16+s13+$0x0], $0xffff;
	s29 =	sadd.s32 $0x1B, s22;
	v42 =	vor.u32 v60, v8;
	v21 =	vand.u32 $0x400, v36;
	v19 =	vand.u32 $0x400, v39  }
0x26b: {  	v39 =	vmov s29;
	v37 =	vor.u32 v35, v8;
	[tilespmem:v24+s9+$0x0] =	vst.idx.add.f32.msk $0xffff, v29;
	v31 =	vand.u32 $0x6B, v61  }
0x26c: {  	v41 =	vshll.u32 v39, $0x3;
	v24 =	vor.u32 v25, v37;
	v38 =	vor.u32 v31, v21;
	v27 =	vld.idx.msk [tilespmem:v57+s13+$0x0], $0xffff  }
0x26d: {  	s24 =	sadd.s32 $0x1C, s22;
	v43 =	vand.u32 $0x7B, v39;
	v29 =	vand.u32 $0x400, v41;
	v40 =	vor.u32 v7, v38;
	[tilespmem:v23+s9+$0x0] =	vst.idx.add.f32.msk $0xffff, v62  }
0x26e: {  	s25 =	sadd.s32 $0xD, s22;
	v49 =	vmov s24;
	v45 =	vor.u32 v43, v29;
	v23 =	vor.u32 v28, v42;
	v32 =	vld.idx.msk [tilespmem:v32+s13+$0x0], $0xffff  }
0x26f: {  	[tilespmem:v13+s9+$0x0] =	vst.idx.add.f32.msk $0xffff, v26;
	v53 =	vmov s25;
	v47 =	vshll.u32 v44, $0x3;
	v28 =	vor.u32 v7, v45  }
0x270: {  	[tilespmem:v17+s9+$0x0] =	vst.idx.add.f32.msk $0xffff, v16;
	v26 =	vand.u32 $0x400, v47;
	v54 =	vor.u32 v18, v19;
	v33 =	vand.u32 $0x6C, v44  }
0x271: {  	v13 =	vshll.u32 v46, $0x3;
	v48 =	vor.u32 v33, v26;
	v31 =	vor.u32 v31, v8;
	[tilespmem:v24+s9+$0x0] =	vst.idx.add.f32.msk $0xffff, v27  }
0x272: {  	v51 =	vor.u32 v43, v8;
	v50 =	vshll.u32 v49, $0x3;
	v21 =	vor.u32 v21, v31;
	v25 =	vld.idx.msk [tilespmem:v40+s13+$0x0], $0xffff  }
0x273: {  	v52 =	vand.u32 $0x400, v50;
	v24 =	vor.u32 v7, v48;
	v27 =	vand.u32 $0x7C, v49;
	[tilespmem:v23+s9+$0x0] =	vst.idx.add.f32.msk $0xffff, v32  }
0x274: {  	s28 =	sadd.s32 $0xE, s22;
	v15 =	vor.u32 v7, v54;
	v54 =	vor.u32 v27, v52;
	v23 =	vor.u32 v29, v51;
	v28 =	vld.idx.msk [tilespmem:v28+s13+$0x0], $0xffff  }
0x275: {  	v12 =	vld.idx.msk [tilespmem:v12+s13+$0x0], $0xffff;
	s26 =	sadd.s32 $0x1D, s22;
	v36 =	vmov s28;
	v13 =	vand.u32 $0x400, v13;
	v56 =	vor.u32 v7, v54  }
0x276: {  	v20 =	vld.idx.msk [tilespmem:v20+s13+$0x0], $0xffff;
	v58 =	vor.u32 v33, v8;
	v60 =	vmov s26;
	v55 =	vshll.u32 v53, $0x3  }
0x277: {  	v63 =	vshll.u32 v60, $0x3;
	v16 =	vand.u32 $0x400, v55;
	v57 =	vand.u32 $0x6D, v53;
	[tilespmem:v21+s9+$0x0] =	vst.idx.add.f32.msk $0xffff, v25  }
0x278: {  	v35 =	vand.u32 $0x400, v63;
	v61 =	vor.u32 v26, v58;
	v59 =	vor.u32 v57, v16;
	v24 =	vld.idx.msk [tilespmem:v24+s13+$0x0], $0xffff  }
0x279: {  	s30 =	sadd.s32 $0xF, s22;
	v62 =	vor.u32 v7, v59;
	v33 =	vor.u32 v27, v8;
	v21 =	vand.u32 $0x7D, v60;
	[tilespmem:v23+s9+$0x0] =	vst.idx.add.f32.msk $0xffff, v28  }
0x27a: {  	s29 =	sadd.s32 $0x1E, s22;
	v47 =	vmov s30;
	v37 =	vor.u32 v21, v35;
	v23 =	vor.u32 v52, v33;
	v17 =	vld.idx.msk [tilespmem:v56+s13+$0x0], $0xffff  }
0x27b: {  	[tilespmem:v11+s9+$0x0] =	vst.idx.add.f32.msk $0xffff, v12;
	v18 =	vor.u32 v18, v8;
	v43 =	vmov s29;
	v39 =	vor.u32 v7, v37  }
0x27c: {  	[tilespmem:v22+s9+$0x0] =	vst.idx.add.f32.msk $0xffff, v20;
	v34 =	vand.u32 $0x7F, v46;
	v44 =	vshll.u32 v43, $0x3;
	v38 =	vshll.u32 v36, $0x3  }
0x27d: {  	v41 =	vor.u32 v57, v8;
	v20 =	vand.u32 $0x400, v38;
	v40 =	vand.u32 $0x6E, v36;
	[tilespmem:v61+s9+$0x0] =	vst.idx.add.f32.msk $0xffff, v24  }
0x27e: {  	v46 =	vand.u32 $0x400, v44;
	v16 =	vor.u32 v16, v41;
	v42 =	vor.u32 v40, v20;
	v26 =	vld.idx.msk [tilespmem:v62+s13+$0x0], $0xffff  }
0x27f: {  	v45 =	vand.u32 $0x7E, v43;
	v21 =	vor.u32 v21, v8;
	v24 =	vor.u32 v7, v42;
	[tilespmem:v23+s9+$0x0] =	vst.idx.add.f32.msk $0xffff, v17  }
0x280: {  	v50 =	vshll.u32 v47, $0x3;
	v48 =	vor.u32 v45, v46;
	v21 =	vor.u32 v35, v21;
	v22 =	vld.idx.msk [tilespmem:v39+s13+$0x0], $0xffff  }
0x281: {  	v14 =	vld.idx.msk [tilespmem:v14+s13+$0x0], $0xffff;
	s31 =	sadd.s32 $0x1F, s22;
	v18 =	vor.u32 v19, v18;
	v11 =	vand.u32 $0x400, v50;
	v51 =	vor.u32 v7, v48  }
0x282: {  	v15 =	vld.idx.msk [tilespmem:v15+s13+$0x0], $0xffff;
	v49 =	vor.u32 v34, v13;
	v19 =	vor.u32 v40, v8;
	v54 =	vmov s31  }
0x283: {  	v57 =	vshll.u32 v54, $0x3;
	v25 =	vand.u32 $0x6F, v47;
	v52 =	vor.u32 v7, v49;
	[tilespmem:v16+s9+$0x0] =	vst.idx.add.f32.msk $0xffff, v26  }
0x284: {  	v19 =	vor.u32 v20, v19;
	v58 =	vand.u32 $0x400, v57;
	v53 =	vor.u32 v25, v11;
	v55 =	vld.idx.msk [tilespmem:v24+s13+$0x0], $0xffff  }
0x285: {  	v56 =	vor.u32 v7, v53;
	v16 =	vand.u32 $0x7F, v54;
	v17 =	vor.u32 v45, v8;
	[tilespmem:v21+s9+$0x0] =	vst.idx.add.f32.msk $0xffff, v22  }
0x286: {  	v17 =	vor.u32 v46, v17;
	v59 =	vor.u32 v16, v58;
	v12 =	vld.idx.msk [tilespmem:v51+s13+$0x0], $0xffff  }
0x287: {  	[tilespmem:v18+s9+$0x0] =	vst.idx.add.f32.msk $0xffff, v15;
	v60 =	vor.u32 v7, v59  }
0x288: {  	v9 =	vor.u32 v9, v8;
	v18 =	vld.idx.msk [tilespmem:v52+s13+$0x0], $0xffff  }
0x289: {  	v9 =	vor.u32 v10, v9;
	v61 =	vor.u32 v34, v8;
	[tilespmem:v19+s9+$0x0] =	vst.idx.add.f32.msk $0xffff, v55  }
0x28a: {  	v63 =	vor.u32 v25, v8;
	v10 =	vor.u32 v13, v61;
	v62 =	vld.idx.msk [tilespmem:v56+s13+$0x0], $0xffff  }
0x28b: {  	v11 =	vor.u32 v11, v63;
	v8 =	vor.u32 v16, v8;
	[tilespmem:v17+s9+$0x0] =	vst.idx.add.f32.msk $0xffff, v12  }
0x28c: {  	s21 =	sadd.s32 $0x1, s21;
	v8 =	vor.u32 v58, v8;
	v12 =	vld.idx.msk [tilespmem:v60+s13+$0x0], $0xffff  }
0x28d: {  	p0 =	sne.s32 s21, s19  }
.Ltmp8:
0x28e: {  	[tilespmem:v9+s9+$0x0] =	vst.idx.add.f32.msk $0xffff, v14;
	(pc) =	sbr.rel @p0 .LBB2_5-.Ltmp8, $4  }
.Ltmp9:
0x28f: {  	[tilespmem:v10+s9+$0x0] =	vst.idx.add.f32.msk $0xffff, v18;
	(pc) =	sbr.rel @!p0 .LBB2_10-.Ltmp9, $4  }
0x290: {  	[tilespmem:v11+s9+$0x0] =	vst.idx.add.f32.msk $0xffff, v62  }
0x291: {  	[tilespmem:v8+s9+$0x0] =	vst.idx.add.f32.msk $0xffff, v12  }
0x292: {  	_ =	strace $0x9000004E  }
0x293: {  	_ = 	snop  }
.LBB2_12:
0x294: {  	_ =	sfence.sel $0x180000  }
0x295: {  	[bflag:$0x0] =	sbarrier.arrive $0xFFFF  }
0x296: {  	p0 =	sne.s32 s0, $0x0;
	_ =	strace $0x9000004A  }
0x297: {  	s0 =	sadd.s32 @!p0 $0x100000, s1;
	[bflag:$0x2] =	sbarrier.arrive $0xFFFF  }
0x298: {  	[sflag:s0] =	ssyncadd.tile.s32 @!p0 $0x1;
	_ =	shalt  }
.Lfunc_end2:
_tile_overlayer_lowered:
.L_overlay_start_2:
0x299: {  	(tag) =	ssettag $0x2  }
0x29a: {  	s0 =	rddreg [dreg:$0x0];
	s2 =	stileid.u32  }
0x29b: {  	s1 =	rddreg [dreg:$0x1];
	p0 =	sne.s32 s2, $0x0  }
0x29c: {  	s3 =	rddreg [dreg:$0x2];
	[bflag:$0x3] =	sbarrier.arrive $0xFFFF;
	s2 =	simm.s32 @!p0 $0x1C02  }
0x29d: {  	[timem:s3], [sflag:s2] =	dma.local @!p0 [hbm:s0], s1  }
0x29e: {  	s0 =	simm.s32 @!p0 $0x2  }
0x29f: {  	_ =	swait.ge @!p0 [sflag:s0], s1  }
0x2a0: {  	s1 =	ssub.s32 @!p0 $0x0, s1;
	[sflag:s0] =	ssyncset.done @!p0 $0x0  }
0x2a1: {  	[sflag:s0] =	ssyncadd.s32 @!p0 s1  }
0x2a2: {  	[bflag:$0x3] =	sbarrier.arrive $0xFFFF  }
0x2a3: {  	_ =	shalt  }

</sc_bundles>
